<compile_context>
chip_gen: v7x
topology: tpu7x:2x2x1
jax: 0.10.2.dev20260603
libtpu: 0.0.44.dev20260713+nightly
codegen_flags: <defaults>
</compile_context>

<pallas_src>
import functools

import jax
import jax.numpy as jnp
from jax import lax
from jax.experimental import pallas as pl
from jax.experimental.pallas import tpu as pltpu
from jax.experimental.pallas import tpu_sc as plsc

_N = 10000
_E = 320000
_D = 128
_NR1 = 128
_B = 8
_NP = _N // _B
_YROWS = 10048
_CHUNK = 64
_NCHUNK = _E // _CHUNK
_NW = 32
_CPT = 160
_NSTG = 4
_SLAB = _CPT // _NSTG
_RING = 4
_WAVES = _SLAB // _RING
_ROWS_PT = 624


def _ytab_body(x_ref, w_ref, y_ref):
    xb = x_ref[...]
    y_ref[0] = jnp.dot(xb, w_ref[0], preferred_element_type=jnp.float32)
    y_ref[1] = jnp.dot(xb, w_ref[1], preferred_element_type=jnp.float32)


_ytab_call = pl.pallas_call(
    _ytab_body,
    grid=(8,),
    in_specs=[
        pl.BlockSpec((_YROWS // 8, _D), lambda i: (i, 0)),
        pl.BlockSpec((2, _D, _D), lambda i: (0, 0, 0)),
    ],
    out_specs=pl.BlockSpec((2, _YROWS // 8, _D), lambda i: (0, i, 0)),
    out_shape=jax.ShapeDtypeStruct((2, _YROWS, _D), jnp.float32),
)


def _gidx_body(et_ref, src_ref, g_ref):
    g_ref[...] = et_ref[...] * _YROWS + src_ref[...]


_gidx_call = pl.pallas_call(
    _gidx_body,
    out_shape=jax.ShapeDtypeStruct((_NCHUNK, _CHUNK), jnp.int32),
)


def _sc_body(y_hbm, gidx_hbm, dst_hbm, out_hbm,
             idx_v, dst_v, rows_v, acc, gsem, ssem):
    c = lax.axis_index("c")
    s = lax.axis_index("s")
    wid = s * 2 + c

    zeros16 = jnp.zeros((16,), jnp.float32)

    def zrow(r, carry):
        for q in range(8):
            rows_v[0, r, pl.ds(q * 16, 16)] = zeros16
        return carry

    lax.fori_loop(0, 48, zrow, None)
    row0 = s * _ROWS_PT
    for k in range(13):
        pltpu.async_copy(rows_v.at[0, pl.ds(0, 48)],
                         acc.at[pl.ds(row0 + k * 48, 48)], ssem.at[0])

    @pl.when(s == 15)
    def _zero_tail():
        pltpu.sync_copy(rows_v.at[0, pl.ds(0, 16)], acc.at[pl.ds(_N - 16, 16)])

    for k in range(13):
        pltpu.make_async_copy(rows_v.at[0, pl.ds(0, 48)],
                              acc.at[pl.ds(row0 + k * 48, 48)],
                              ssem.at[0]).wait()

    plsc.subcore_barrier()

    for h in range(_NSTG):
        start = wid * _CPT + h * _SLAB
        pltpu.sync_copy(gidx_hbm.at[pl.ds(start, _SLAB)], idx_v)
        pltpu.sync_copy(dst_hbm.at[pl.ds(start, _SLAB)], dst_v)

        for b in range(_RING):
            pltpu.async_copy(y_hbm.at[idx_v.at[b]], rows_v.at[b], gsem.at[b])

        def wave(w, carry):
            base = w * _RING
            for b in range(_RING):
                t = base + b
                pltpu.make_async_copy(y_hbm.at[idx_v.at[t]], rows_v.at[b],
                                      gsem.at[b]).wait()
                pltpu.async_copy(rows_v.at[b], acc.at[dst_v.at[t]],
                                 ssem.at[b], add=True)
            for b in range(_RING):
                t = base + b
                pltpu.make_async_copy(rows_v.at[b], acc.at[dst_v.at[t]],
                                      ssem.at[b]).wait()

                @pl.when(w < _WAVES - 1)
                def _next_gather():
                    pltpu.async_copy(y_hbm.at[idx_v.at[t + _RING]],
                                     rows_v.at[b], gsem.at[b])

            return carry

        lax.fori_loop(0, _WAVES, wave, None)

    plsc.subcore_barrier()

    pltpu.sync_copy(acc.at[pl.ds(row0, _ROWS_PT)],
                    out_hbm.at[c, pl.ds(row0, _ROWS_PT)])

    @pl.when(s == 15)
    def _write_tail():
        pltpu.sync_copy(acc.at[pl.ds(_N - 16, 16)],
                        out_hbm.at[c, pl.ds(_N - 16, 16)])


@functools.cache
def _sc_scatter():
    return pl.kernel(
        _sc_body,
        out_type=jax.ShapeDtypeStruct((2, _N, _D), jnp.float32),
        mesh=plsc.VectorSubcoreMesh(core_axis_name="c", subcore_axis_name="s",
                                    num_cores=2, num_subcores=16),
        scratch_types=[
            pltpu.VMEM((_SLAB, _CHUNK), jnp.int32),
            pltpu.VMEM((_SLAB, _CHUNK), jnp.int32),
            pltpu.VMEM((_RING, _CHUNK, _D), jnp.float32),
            pltpu.VMEM_SHARED((_N, _D), jnp.float32),
            pltpu.SemaphoreType.DMA((_RING,)),
            pltpu.SemaphoreType.DMA((_RING,)),
        ],
    )


def _stage3_body(tgt_ref, h2_ref, idx2_ref, idx1_ref, bre_ref,
                 out1_ref, out2_ref, out3_ref):
    f32 = jnp.float32
    nf = h2_ref[0, 0] + h2_ref[1, 0]
    rows = idx2_ref[0] + 1
    col = lax.broadcasted_iota(jnp.int32, (_NP, _NR1), 1)
    jio = lax.broadcasted_iota(jnp.int32, (_NP, _NR1), 0)
    onehot = rows == col
    winner = jnp.max(jnp.where(onehot, jio, -1), axis=0, keepdims=True)
    sel = jnp.logical_and(onehot, jio == winner).astype(f32)
    feats = lax.dot_general(sel, nf, (((0,), (0,)), ((), ())),
                            preferred_element_type=f32)
    nre = bre_ref[0] + feats
    out1_ref[0] = nre
    tgt = tgt_ref[pl.program_id(0)] + 1
    toh = (lax.broadcasted_iota(jnp.int32, (1, _NR1), 1) == tgt).astype(f32)
    target = lax.dot_general(toh, nre, (((1,), (0,)), ((), ())),
                             preferred_element_type=f32)
    out2_ref[0] = target
    alpha = lax.dot_general(nf, target, (((1,), (1,)), ((), ())),
                            preferred_element_type=f32)
    pmf = (idx1_ref[0] != 0).astype(f32)
    count = jnp.sum(pmf)
    pesum = lax.dot_general(alpha * pmf, nf, (((0,), (0,)), ((), ())),
                            preferred_element_type=f32)
    path = jnp.where(count > 0.0, pesum / jnp.maximum(count, 1.0),
                     jnp.zeros_like(pesum))
    out3_ref[0] = path


_stage3_call = pl.pallas_call(
    _stage3_body,
    grid=(_B,),
    in_specs=[
        pl.BlockSpec((_B,), lambda i: (0,), memory_space=pltpu.SMEM),
        pl.BlockSpec((2, 1, _NP, _D), lambda i: (0, i, 0, 0)),
        pl.BlockSpec((1, _NP, 1), lambda i: (i, 0, 0)),
        pl.BlockSpec((1, _NP, 1), lambda i: (i, 0, 0)),
        pl.BlockSpec((1, _NR1, _NR1), lambda i: (i, 0, 0)),
    ],
    out_specs=[
        pl.BlockSpec((1, _NR1, _NR1), lambda i: (i, 0, 0)),
        pl.BlockSpec((1, 1, _D), lambda i: (i, 0, 0)),
        pl.BlockSpec((1, 1, _D), lambda i: (i, 0, 0)),
    ],
    out_shape=[
        jax.ShapeDtypeStruct((_B, _NR1, _NR1), jnp.float32),
        jax.ShapeDtypeStruct((_B, 1, _D), jnp.float32),
        jax.ShapeDtypeStruct((_B, 1, _D), jnp.float32),
    ],
)


def kernel(x, edge_index, edge_type, index1, index2, rel_label,
           batch_rel_emds, W, self_loop_weight):
    del self_loop_weight
    xp = jnp.pad(x.astype(jnp.float32), ((0, _YROWS - _N), (0, 0)))
    y = _ytab_call(xp, W.astype(jnp.float32))
    src2d = edge_index[0].reshape(_NCHUNK, _CHUNK)
    dst2d = edge_index[1].reshape(_NCHUNK, _CHUNK)
    et2d = edge_type.reshape(_NCHUNK, _CHUNK)
    gidx = _gidx_call(et2d, src2d)
    npad = _NW * _CPT - _NCHUNK
    gidxp = jnp.pad(gidx, ((0, npad), (0, 0)), constant_values=_N)
    dstpad = jnp.broadcast_to(jnp.arange(_CHUNK, dtype=jnp.int32),
                              (npad, _CHUNK))
    dstp = jnp.concatenate([dst2d, dstpad], axis=0)
    r = jnp.arange(_NW * _CPT)
    perm = (r % _CPT) * _NW + r // _CPT
    gidxp = gidxp[perm]
    dstp = dstp[perm]
    yflat = y.reshape(2 * _YROWS, _D)
    h2 = _sc_scatter()(yflat, gidxp, dstp)
    h2r = h2.reshape(2, _B, _NP, _D)
    idx2r = index2.reshape(_B, _NP, 1)
    idx1r = index1.reshape(_B, _NP, 1)
    tgts = rel_label.reshape(_B, _NP)[:, 0]
    out1, out2, out3 = _stage3_call(tgts, h2r, idx2r, idx1r,
                                    batch_rel_emds.astype(jnp.float32))
    return out1, out2.reshape(_B, _D), out3.reshape(_B, _D)

# --- scband reference (transcript-rebuilt; emitter-appended) ---
"""Pipeline reference for scband-cggcn-5446018531350 (READ-ONLY COPY).

The authoritative reference and input builder live on the scoring server;
editing this copy changes nothing except your own understanding.
"""

import jax, jax.numpy as jnp
import numpy as np

N = 10000
E = 320000
D = 128
NUM_RELS = 127
B = 8


def setup_inputs(seed: int = 0) -> dict:
    key = jax.random.key(seed)
    ks = jax.random.split(key, 9)
    x = jax.random.normal(ks[0], (N, D), dtype=jnp.float32)
    edge_index = jax.random.randint(ks[1], (2, E), 0, N, dtype=jnp.int32)
    edge_type = jax.random.randint(ks[2], (E,), 0, 2, dtype=jnp.int32)
    index1 = jax.random.randint(ks[3], (N,), 0, 2, dtype=jnp.int32)
    index2 = jax.random.randint(ks[4], (N,), 0, NUM_RELS, dtype=jnp.int32)
    rel_label = jax.random.randint(ks[5], (N,), 0, NUM_RELS, dtype=jnp.int32)
    batch_rel_emds = jax.random.normal(ks[6], (B, NUM_RELS + 1, NUM_RELS + 1), dtype=jnp.float32)
    W = jax.random.normal(ks[7], (2, D, D), dtype=jnp.float32) * 0.05
    self_loop_weight = jax.random.normal(ks[8], (D, D), dtype=jnp.float32) * 0.05
    return {"x": x, "edge_index": edge_index, "edge_type": edge_type,
            "index1": index1, "index2": index2, "rel_label": rel_label,
            "batch_rel_emds": batch_rel_emds, "W": W,
            "self_loop_weight": self_loop_weight}


def reference(x, edge_index, edge_type, index1, index2, rel_label,
              batch_rel_emds, W, self_loop_weight):
    num_rels = NUM_RELS
    out_dim = D
    n_nodes = x.shape[0]
    src = edge_index[0]
    dst = edge_index[1]
    # msg_func: per-edge relation-typed transform of src features (gather + bmm)
    w = jnp.take(W, edge_type, axis=0)                  # (E, D, D)
    msg = jnp.einsum('ed,edo->eo', x[src], w)           # (E, D)
    # curr_emb computed per edge as in original msg_func (unused by sum aggregator)
    curr_emb = x[dst] @ self_loop_weight
    # update_all with sum aggregator: scatter-add messages into dst -> h
    h = jax.ops.segment_sum(msg, dst, num_segments=n_nodes)
    nodes_per = n_nodes // B
    new_emds = []
    targets = []
    paths = []
    for i in range(B):
        s = i * nodes_per
        e = s + nodes_per
        node_features = h[s:e]
        temp_rels = index2[s:e] + 1  # index_offset = 1
        mask = temp_rels != 0
        rows = jnp.where(mask, temp_rels, num_rels + 1)
        new_rel_feats = jnp.zeros((num_rels + 1, num_rels + 1), x.dtype)
        new_rel_feats = new_rel_feats.at[rows].set(node_features, mode='drop')
        new_rel_emds = batch_rel_emds[i] + new_rel_feats
        tgt = rel_label[s] + 1
        target_relation = new_rel_emds[tgt][None, :]      # (1, out_dim)
        path_mask = index1[s:e]
        pm = (path_mask != 0)
        count = pm.sum()
        alpha = node_features @ target_relation.T         # (nodes_per, 1)
        pe = node_features * alpha
        pe = pe * pm[:, None].astype(x.dtype)
        denom = jnp.maximum(count, 1).astype(x.dtype)
        path_emd = jnp.where((path_mask == 1).sum() == 0,
                             jnp.zeros((out_dim,), x.dtype),
                             pe.sum(axis=0) / denom)[None, :]
        new_emds.append(new_rel_emds)
        targets.append(target_relation)
        paths.append(path_emd)
    batch_rel_emds_out = jnp.stack(new_emds, axis=0)
    target_rel_emd = jnp.concatenate(targets, axis=0)
    path_agg_emd = jnp.concatenate(paths, axis=0)
    # bias=None, activation=None, dropout=0 -> node_repr = h (side-effect ndata writes omitted)
    return (batch_rel_emds_out, target_rel_emd, path_agg_emd)

if __name__ == "__main__":
    import jax
    _d = setup_inputs()
    print(jax.jit(kernel)(*tuple(_d.values())))

</pallas_src>

<mosaic_0001>
#map = affine_map<(d0, d1) -> (0, 0)>
#map1 = affine_map<(d0, d1) -> (0, 0, 0)>
module attributes {stable_mosaic.version = 14 : i64} {
  func.func @_sc_body(%arg0: i32, %arg1: i32, %arg2: memref<20096x128xf32, #tpu.memory_space<hbm>>, %arg3: memref<5120x64xi32, #tpu.memory_space<hbm>>, %arg4: memref<5120x64xi32, #tpu.memory_space<hbm>>, %arg5: memref<2x10000x128xf32, #tpu.memory_space<hbm>>, %arg6: memref<40x64xi32, #tpu.memory_space<vmem>>, %arg7: memref<40x64xi32, #tpu.memory_space<vmem>>, %arg8: memref<4x64x128xf32, #tpu.memory_space<vmem>>, %arg9: memref<10000x128xf32, #tpu.memory_space<vmem_shared>>, %arg10: memref<4x!tpu.dma_semaphore, #tpu.memory_space<semaphore_mem>>, %arg11: memref<4x!tpu.dma_semaphore, #tpu.memory_space<semaphore_mem>>) attributes {dimension_semantics = [#tpu.dimension_semantics<core_parallel>, #tpu.dimension_semantics<subcore_parallel>], iteration_bounds = array<i64: 2, 16>, scalar_prefetch = 0 : i64, scratch_operands = 6 : i64, tpu.core_type = #tpu.core_type<sc_vector_subcore>, window_params = [{transform_indices = #map}, {transform_indices = #map}, {transform_indices = #map}, {transform_indices = #map1}]} {
    %mul3A = arith.constant 2 : i32
    %mul3A_0 = arith.muli %arg1, %mul3A : i32
    %add3A = arith.addi %mul3A_0, %arg0 : i32
    %broadcast_in_dim3A = arith.constant 0.000000e+00 : f32
    %broadcast_in_dim3A_1 = vector.broadcast %broadcast_in_dim3A : f32 to vector<16xf32>
    %scan3A = arith.constant 0 : i32
    %scan3A_2 = arith.constant 48 : i32
    %scan3A_3 = arith.addi %scan3A, %scan3A_2 : i32
    %scan3A_4 = arith.constant 1 : i32
    scf.for %scan3A_758 = %scan3A to %scan3A_3 step %scan3A_4  : i32 {
      %swap3A = arith.constant 0 : i32
      %swap3A_759 = arith.index_cast %swap3A : i32 to index
      %swap3A_760 = arith.index_cast %scan3A_758 : i32 to index
      %swap3A_761 = arith.constant 0 : index
      %swap3A_762 = tpu.vector_load %arg8[%swap3A_759, %swap3A_760, %swap3A_761] {strides = array<i32>} : memref<4x64x128xf32, #tpu.memory_space<vmem>>, vector<1x1x16xf32>,
      %swap3A_763 = vector.shape_cast %swap3A_762 : vector<1x1x16xf32> to vector<16xf32>
      %swap3A_764 = vector.shape_cast %broadcast_in_dim3A_1 : vector<16xf32> to vector<1x1x16xf32>
      tpu.vector_store %arg8[%swap3A_759, %swap3A_760, %swap3A_761], %swap3A_764 {strides = array<i32>} : memref<4x64x128xf32, #tpu.memory_space<vmem>>, vector<1x1x16xf32>,
      %swap3A_765 = arith.constant 0 : i32
      %swap3A_766 = arith.index_cast %swap3A_765 : i32 to index
      %swap3A_767 = arith.index_cast %scan3A_758 : i32 to index
      %swap3A_768 = arith.constant 16 : index
      %swap3A_769 = tpu.vector_load %arg8[%swap3A_766, %swap3A_767, %swap3A_768] {strides = array<i32>} : memref<4x64x128xf32, #tpu.memory_space<vmem>>, vector<1x1x16xf32>,
      %swap3A_770 = vector.shape_cast %swap3A_769 : vector<1x1x16xf32> to vector<16xf32>
      %swap3A_771 = vector.shape_cast %broadcast_in_dim3A_1 : vector<16xf32> to vector<1x1x16xf32>
      tpu.vector_store %arg8[%swap3A_766, %swap3A_767, %swap3A_768], %swap3A_771 {strides = array<i32>} : memref<4x64x128xf32, #tpu.memory_space<vmem>>, vector<1x1x16xf32>,
      %swap3A_772 = arith.constant 0 : i32
      %swap3A_773 = arith.index_cast %swap3A_772 : i32 to index
      %swap3A_774 = arith.index_cast %scan3A_758 : i32 to index
      %swap3A_775 = arith.constant 32 : index
      %swap3A_776 = tpu.vector_load %arg8[%swap3A_773, %swap3A_774, %swap3A_775] {strides = array<i32>} : memref<4x64x128xf32, #tpu.memory_space<vmem>>, vector<1x1x16xf32>,
      %swap3A_777 = vector.shape_cast %swap3A_776 : vector<1x1x16xf32> to vector<16xf32>
      %swap3A_778 = vector.shape_cast %broadcast_in_dim3A_1 : vector<16xf32> to vector<1x1x16xf32>
      tpu.vector_store %arg8[%swap3A_773, %swap3A_774, %swap3A_775], %swap3A_778 {strides = array<i32>} : memref<4x64x128xf32, #tpu.memory_space<vmem>>, vector<1x1x16xf32>,
      %swap3A_779 = arith.constant 0 : i32
      %swap3A_780 = arith.index_cast %swap3A_779 : i32 to index
      %swap3A_781 = arith.index_cast %scan3A_758 : i32 to index
      %swap3A_782 = arith.constant 48 : index
      %swap3A_783 = tpu.vector_load %arg8[%swap3A_780, %swap3A_781, %swap3A_782] {strides = array<i32>} : memref<4x64x128xf32, #tpu.memory_space<vmem>>, vector<1x1x16xf32>,
      %swap3A_784 = vector.shape_cast %swap3A_783 : vector<1x1x16xf32> to vector<16xf32>
      %swap3A_785 = vector.shape_cast %broadcast_in_dim3A_1 : vector<16xf32> to vector<1x1x16xf32>
      tpu.vector_store %arg8[%swap3A_780, %swap3A_781, %swap3A_782], %swap3A_785 {strides = array<i32>} : memref<4x64x128xf32, #tpu.memory_space<vmem>>, vector<1x1x16xf32>,
      %swap3A_786 = arith.constant 0 : i32
      %swap3A_787 = arith.index_cast %swap3A_786 : i32 to index
      %swap3A_788 = arith.index_cast %scan3A_758 : i32 to index
      %swap3A_789 = arith.constant 64 : index
      %swap3A_790 = tpu.vector_load %arg8[%swap3A_787, %swap3A_788, %swap3A_789] {strides = array<i32>} : memref<4x64x128xf32, #tpu.memory_space<vmem>>, vector<1x1x16xf32>,
      %swap3A_791 = vector.shape_cast %swap3A_790 : vector<1x1x16xf32> to vector<16xf32>
      %swap3A_792 = vector.shape_cast %broadcast_in_dim3A_1 : vector<16xf32> to vector<1x1x16xf32>
      tpu.vector_store %arg8[%swap3A_787, %swap3A_788, %swap3A_789], %swap3A_792 {strides = array<i32>} : memref<4x64x128xf32, #tpu.memory_space<vmem>>, vector<1x1x16xf32>,
      %swap3A_793 = arith.constant 0 : i32
      %swap3A_794 = arith.index_cast %swap3A_793 : i32 to index
      %swap3A_795 = arith.index_cast %scan3A_758 : i32 to index
      %swap3A_796 = arith.constant 80 : index
      %swap3A_797 = tpu.vector_load %arg8[%swap3A_794, %swap3A_795, %swap3A_796] {strides = array<i32>} : memref<4x64x128xf32, #tpu.memory_space<vmem>>, vector<1x1x16xf32>,
      %swap3A_798 = vector.shape_cast %swap3A_797 : vector<1x1x16xf32> to vector<16xf32>
      %swap3A_799 = vector.shape_cast %broadcast_in_dim3A_1 : vector<16xf32> to vector<1x1x16xf32>
      tpu.vector_store %arg8[%swap3A_794, %swap3A_795, %swap3A_796], %swap3A_799 {strides = array<i32>} : memref<4x64x128xf32, #tpu.memory_space<vmem>>, vector<1x1x16xf32>,
      %swap3A_800 = arith.constant 0 : i32
      %swap3A_801 = arith.index_cast %swap3A_800 : i32 to index
      %swap3A_802 = arith.index_cast %scan3A_758 : i32 to index
      %swap3A_803 = arith.constant 96 : index
      %swap3A_804 = tpu.vector_load %arg8[%swap3A_801, %swap3A_802, %swap3A_803] {strides = array<i32>} : memref<4x64x128xf32, #tpu.memory_space<vmem>>, vector<1x1x16xf32>,
      %swap3A_805 = vector.shape_cast %swap3A_804 : vector<1x1x16xf32> to vector<16xf32>
      %swap3A_806 = vector.shape_cast %broadcast_in_dim3A_1 : vector<16xf32> to vector<1x1x16xf32>
      tpu.vector_store %arg8[%swap3A_801, %swap3A_802, %swap3A_803], %swap3A_806 {strides = array<i32>} : memref<4x64x128xf32, #tpu.memory_space<vmem>>, vector<1x1x16xf32>,
      %swap3A_807 = arith.constant 0 : i32
      %swap3A_808 = arith.index_cast %swap3A_807 : i32 to index
      %swap3A_809 = arith.index_cast %scan3A_758 : i32 to index
      %swap3A_810 = arith.constant 112 : index
      %swap3A_811 = tpu.vector_load %arg8[%swap3A_808, %swap3A_809, %swap3A_810] {strides = array<i32>} : memref<4x64x128xf32, #tpu.memory_space<vmem>>, vector<1x1x16xf32>,
      %swap3A_812 = vector.shape_cast %swap3A_811 : vector<1x1x16xf32> to vector<16xf32>
      %swap3A_813 = vector.shape_cast %broadcast_in_dim3A_1 : vector<16xf32> to vector<1x1x16xf32>
      tpu.vector_store %arg8[%swap3A_808, %swap3A_809, %swap3A_810], %swap3A_813 {strides = array<i32>} : memref<4x64x128xf32, #tpu.memory_space<vmem>>, vector<1x1x16xf32>,
    }
    %scan3A_5 = arith.constant 48 : i32
    %mul3A_6 = arith.constant 624 : i32
    %mul3A_7 = arith.muli %arg1, %mul3A_6 : i32
    %add3A_8 = arith.constant 0 : i32
    %add3A_9 = arith.addi %mul3A_7, %add3A_8 : i32
    %dma_start3A = arith.constant 0 : i32
    %dma_start3A_10 = arith.constant 0 : i32
    %dma_start3A_11 = arith.constant 0 : i32
    %dma_start3A_12 = arith.constant 0 : i32
    %dma_start3A_13 = tpu.memref_slice %arg8[%dma_start3A, %dma_start3A_11, %dma_start3A_12] : memref<4x64x128xf32, #tpu.memory_space<vmem>> -> memref<1x48x128xf32, #tpu.memory_space<vmem>>
    %dma_start3A_14 = tpu.memref_squeeze %dma_start3A_13 : memref<1x48x128xf32, #tpu.memory_space<vmem>> -> memref<48x128xf32, #tpu.memory_space<vmem>>
    %dma_start3A_15 = arith.constant 0 : i32
    %dma_start3A_16 = tpu.memref_slice %arg9[%add3A_9, %dma_start3A_15] : memref<10000x128xf32, #tpu.memory_space<vmem_shared>> -> memref<48x128xf32, #tpu.memory_space<vmem_shared>>
    %dma_start3A_17 = tpu.memref_slice %arg11[%dma_start3A_10] : memref<4x!tpu.dma_semaphore, #tpu.memory_space<semaphore_mem>> -> memref<1x!tpu.dma_semaphore, #tpu.memory_space<semaphore_mem>>
    %dma_start3A_18 = tpu.memref_squeeze %dma_start3A_17 : memref<1x!tpu.dma_semaphore, #tpu.memory_space<semaphore_mem>> -> memref<!tpu.dma_semaphore, #tpu.memory_space<semaphore_mem>>
    %dma_start3A_19 = arith.constant 0 : i32
    %dma_start3A_20 = tpu.memref_slice %arg9[%add3A_9, %dma_start3A_19] : memref<10000x128xf32, #tpu.memory_space<vmem_shared>> -> memref<48x128xf32, #tpu.memory_space<vmem_shared>>
    %dma_start3A_21 = arith.constant 0 : i32
    %dma_start3A_22 = arith.constant 0 : i32
    %dma_start3A_23 = tpu.memref_slice %arg8[%dma_start3A, %dma_start3A_21, %dma_start3A_22] : memref<4x64x128xf32, #tpu.memory_space<vmem>> -> memref<1x48x128xf32, #tpu.memory_space<vmem>>
    %dma_start3A_24 = tpu.memref_squeeze %dma_start3A_23 : memref<1x48x128xf32, #tpu.memory_space<vmem>> -> memref<48x128xf32, #tpu.memory_space<vmem>>
    tpu.enqueue_dma source(%dma_start3A_24 : memref<48x128xf32, #tpu.memory_space<vmem>>) target(%dma_start3A_20 : memref<48x128xf32, #tpu.memory_space<vmem_shared>>) target_semaphore(%dma_start3A_18 : memref<!tpu.dma_semaphore, #tpu.memory_space<semaphore_mem>>)
    %add3A_25 = arith.constant 48 : i32
    %add3A_26 = arith.addi %mul3A_7, %add3A_25 : i32
    %dma_start3A_27 = arith.constant 0 : i32
    %dma_start3A_28 = arith.constant 0 : i32
    %dma_start3A_29 = arith.constant 0 : i32
    %dma_start3A_30 = arith.constant 0 : i32
    %dma_start3A_31 = tpu.memref_slice %arg8[%dma_start3A_27, %dma_start3A_29, %dma_start3A_30] : memref<4x64x128xf32, #tpu.memory_space<vmem>> -> memref<1x48x128xf32, #tpu.memory_space<vmem>>
    %dma_start3A_32 = tpu.memref_squeeze %dma_start3A_31 : memref<1x48x128xf32, #tpu.memory_space<vmem>> -> memref<48x128xf32, #tpu.memory_space<vmem>>
    %dma_start3A_33 = arith.constant 0 : i32
    %dma_start3A_34 = tpu.memref_slice %arg9[%add3A_26, %dma_start3A_33] : memref<10000x128xf32, #tpu.memory_space<vmem_shared>> -> memref<48x128xf32, #tpu.memory_space<vmem_shared>>
    %dma_start3A_35 = tpu.memref_slice %arg11[%dma_start3A_28] : memref<4x!tpu.dma_semaphore, #tpu.memory_space<semaphore_mem>> -> memref<1x!tpu.dma_semaphore, #tpu.memory_space<semaphore_mem>>
    %dma_start3A_36 = tpu.memref_squeeze %dma_start3A_35 : memref<1x!tpu.dma_semaphore, #tpu.memory_space<semaphore_mem>> -> memref<!tpu.dma_semaphore, #tpu.memory_space<semaphore_mem>>
    %dma_start3A_37 = arith.constant 0 : i32
    %dma_start3A_38 = tpu.memref_slice %arg9[%add3A_26, %dma_start3A_37] : memref<10000x128xf32, #tpu.memory_space<vmem_shared>> -> memref<48x128xf32, #tpu.memory_space<vmem_shared>>
    %dma_start3A_39 = arith.constant 0 : i32
    %dma_start3A_40 = arith.constant 0 : i32
    %dma_start3A_41 = tpu.memref_slice %arg8[%dma_start3A_27, %dma_start3A_39, %dma_start3A_40] : memref<4x64x128xf32, #tpu.memory_space<vmem>> -> memref<1x48x128xf32, #tpu.memory_space<vmem>>
    %dma_start3A_42 = tpu.memref_squeeze %dma_start3A_41 : memref<1x48x128xf32, #tpu.memory_space<vmem>> -> memref<48x128xf32, #tpu.memory_space<vmem>>
    tpu.enqueue_dma source(%dma_start3A_42 : memref<48x128xf32, #tpu.memory_space<vmem>>) target(%dma_start3A_38 : memref<48x128xf32, #tpu.memory_space<vmem_shared>>) target_semaphore(%dma_start3A_36 : memref<!tpu.dma_semaphore, #tpu.memory_space<semaphore_mem>>)
    %add3A_43 = arith.constant 96 : i32
    %add3A_44 = arith.addi %mul3A_7, %add3A_43 : i32
    %dma_start3A_45 = arith.constant 0 : i32
    %dma_start3A_46 = arith.constant 0 : i32
    %dma_start3A_47 = arith.constant 0 : i32
    %dma_start3A_48 = arith.constant 0 : i32
    %dma_start3A_49 = tpu.memref_slice %arg8[%dma_start3A_45, %dma_start3A_47, %dma_start3A_48] : memref<4x64x128xf32, #tpu.memory_space<vmem>> -> memref<1x48x128xf32, #tpu.memory_space<vmem>>
    %dma_start3A_50 = tpu.memref_squeeze %dma_start3A_49 : memref<1x48x128xf32, #tpu.memory_space<vmem>> -> memref<48x128xf32, #tpu.memory_space<vmem>>
    %dma_start3A_51 = arith.constant 0 : i32
    %dma_start3A_52 = tpu.memref_slice %arg9[%add3A_44, %dma_start3A_51] : memref<10000x128xf32, #tpu.memory_space<vmem_shared>> -> memref<48x128xf32, #tpu.memory_space<vmem_shared>>
    %dma_start3A_53 = tpu.memref_slice %arg11[%dma_start3A_46] : memref<4x!tpu.dma_semaphore, #tpu.memory_space<semaphore_mem>> -> memref<1x!tpu.dma_semaphore, #tpu.memory_space<semaphore_mem>>
    %dma_start3A_54 = tpu.memref_squeeze %dma_start3A_53 : memref<1x!tpu.dma_semaphore, #tpu.memory_space<semaphore_mem>> -> memref<!tpu.dma_semaphore, #tpu.memory_space<semaphore_mem>>
    %dma_start3A_55 = arith.constant 0 : i32
    %dma_start3A_56 = tpu.memref_slice %arg9[%add3A_44, %dma_start3A_55] : memref<10000x128xf32, #tpu.memory_space<vmem_shared>> -> memref<48x128xf32, #tpu.memory_space<vmem_shared>>
    %dma_start3A_57 = arith.constant 0 : i32
    %dma_start3A_58 = arith.constant 0 : i32
    %dma_start3A_59 = tpu.memref_slice %arg8[%dma_start3A_45, %dma_start3A_57, %dma_start3A_58] : memref<4x64x128xf32, #tpu.memory_space<vmem>> -> memref<1x48x128xf32, #tpu.memory_space<vmem>>
    %dma_start3A_60 = tpu.memref_squeeze %dma_start3A_59 : memref<1x48x128xf32, #tpu.memory_space<vmem>> -> memref<48x128xf32, #tpu.memory_space<vmem>>
    tpu.enqueue_dma source(%dma_start3A_60 : memref<48x128xf32, #tpu.memory_space<vmem>>) target(%dma_start3A_56 : memref<48x128xf32, #tpu.memory_space<vmem_shared>>) target_semaphore(%dma_start3A_54 : memref<!tpu.dma_semaphore, #tpu.memory_space<semaphore_mem>>)
    %add3A_61 = arith.constant 144 : i32
    %add3A_62 = arith.addi %mul3A_7, %add3A_61 : i32
    %dma_start3A_63 = arith.constant 0 : i32
    %dma_start3A_64 = arith.constant 0 : i32
    %dma_start3A_65 = arith.constant 0 : i32
    %dma_start3A_66 = arith.constant 0 : i32
    %dma_start3A_67 = tpu.memref_slice %arg8[%dma_start3A_63, %dma_start3A_65, %dma_start3A_66] : memref<4x64x128xf32, #tpu.memory_space<vmem>> -> memref<1x48x128xf32, #tpu.memory_space<vmem>>
    %dma_start3A_68 = tpu.memref_squeeze %dma_start3A_67 : memref<1x48x128xf32, #tpu.memory_space<vmem>> -> memref<48x128xf32, #tpu.memory_space<vmem>>
    %dma_start3A_69 = arith.constant 0 : i32
    %dma_start3A_70 = tpu.memref_slice %arg9[%add3A_62, %dma_start3A_69] : memref<10000x128xf32, #tpu.memory_space<vmem_shared>> -> memref<48x128xf32, #tpu.memory_space<vmem_shared>>
    %dma_start3A_71 = tpu.memref_slice %arg11[%dma_start3A_64] : memref<4x!tpu.dma_semaphore, #tpu.memory_space<semaphore_mem>> -> memref<1x!tpu.dma_semaphore, #tpu.memory_space<semaphore_mem>>
    %dma_start3A_72 = tpu.memref_squeeze %dma_start3A_71 : memref<1x!tpu.dma_semaphore, #tpu.memory_space<semaphore_mem>> -> memref<!tpu.dma_semaphore, #tpu.memory_space<semaphore_mem>>
    %dma_start3A_73 = arith.constant 0 : i32
    %dma_start3A_74 = tpu.memref_slice %arg9[%add3A_62, %dma_start3A_73] : memref<10000x128xf32, #tpu.memory_space<vmem_shared>> -> memref<48x128xf32, #tpu.memory_space<vmem_shared>>
    %dma_start3A_75 = arith.constant 0 : i32
    %dma_start3A_76 = arith.constant 0 : i32
    %dma_start3A_77 = tpu.memref_slice %arg8[%dma_start3A_63, %dma_start3A_75, %dma_start3A_76] : memref<4x64x128xf32, #tpu.memory_space<vmem>> -> memref<1x48x128xf32, #tpu.memory_space<vmem>>
    %dma_start3A_78 = tpu.memref_squeeze %dma_start3A_77 : memref<1x48x128xf32, #tpu.memory_space<vmem>> -> memref<48x128xf32, #tpu.memory_space<vmem>>
    tpu.enqueue_dma source(%dma_start3A_78 : memref<48x128xf32, #tpu.memory_space<vmem>>) target(%dma_start3A_74 : memref<48x128xf32, #tpu.memory_space<vmem_shared>>) target_semaphore(%dma_start3A_72 : memref<!tpu.dma_semaphore, #tpu.memory_space<semaphore_mem>>)
    %add3A_79 = arith.constant 192 : i32
    %add3A_80 = arith.addi %mul3A_7, %add3A_79 : i32
    %dma_start3A_81 = arith.constant 0 : i32
    %dma_start3A_82 = arith.constant 0 : i32
    %dma_start3A_83 = arith.constant 0 : i32
    %dma_start3A_84 = arith.constant 0 : i32
    %dma_start3A_85 = tpu.memref_slice %arg8[%dma_start3A_81, %dma_start3A_83, %dma_start3A_84] : memref<4x64x128xf32, #tpu.memory_space<vmem>> -> memref<1x48x128xf32, #tpu.memory_space<vmem>>
    %dma_start3A_86 = tpu.memref_squeeze %dma_start3A_85 : memref<1x48x128xf32, #tpu.memory_space<vmem>> -> memref<48x128xf32, #tpu.memory_space<vmem>>
    %dma_start3A_87 = arith.constant 0 : i32
    %dma_start3A_88 = tpu.memref_slice %arg9[%add3A_80, %dma_start3A_87] : memref<10000x128xf32, #tpu.memory_space<vmem_shared>> -> memref<48x128xf32, #tpu.memory_space<vmem_shared>>
    %dma_start3A_89 = tpu.memref_slice %arg11[%dma_start3A_82] : memref<4x!tpu.dma_semaphore, #tpu.memory_space<semaphore_mem>> -> memref<1x!tpu.dma_semaphore, #tpu.memory_space<semaphore_mem>>
    %dma_start3A_90 = tpu.memref_squeeze %dma_start3A_89 : memref<1x!tpu.dma_semaphore, #tpu.memory_space<semaphore_mem>> -> memref<!tpu.dma_semaphore, #tpu.memory_space<semaphore_mem>>
    %dma_start3A_91 = arith.constant 0 : i32
    %dma_start3A_92 = tpu.memref_slice %arg9[%add3A_80, %dma_start3A_91] : memref<10000x128xf32, #tpu.memory_space<vmem_shared>> -> memref<48x128xf32, #tpu.memory_space<vmem_shared>>
    %dma_start3A_93 = arith.constant 0 : i32
    %dma_start3A_94 = arith.constant 0 : i32
    %dma_start3A_95 = tpu.memref_slice %arg8[%dma_start3A_81, %dma_start3A_93, %dma_start3A_94] : memref<4x64x128xf32, #tpu.memory_space<vmem>> -> memref<1x48x128xf32, #tpu.memory_space<vmem>>
    %dma_start3A_96 = tpu.memref_squeeze %dma_start3A_95 : memref<1x48x128xf32, #tpu.memory_space<vmem>> -> memref<48x128xf32, #tpu.memory_space<vmem>>
    tpu.enqueue_dma source(%dma_start3A_96 : memref<48x128xf32, #tpu.memory_space<vmem>>) target(%dma_start3A_92 : memref<48x128xf32, #tpu.memory_space<vmem_shared>>) target_semaphore(%dma_start3A_90 : memref<!tpu.dma_semaphore, #tpu.memory_space<semaphore_mem>>)
    %add3A_97 = arith.constant 240 : i32
    %add3A_98 = arith.addi %mul3A_7, %add3A_97 : i32
    %dma_start3A_99 = arith.constant 0 : i32
    %dma_start3A_100 = arith.constant 0 : i32
    %dma_start3A_101 = arith.constant 0 : i32
    %dma_start3A_102 = arith.constant 0 : i32
    %dma_start3A_103 = tpu.memref_slice %arg8[%dma_start3A_99, %dma_start3A_101, %dma_start3A_102] : memref<4x64x128xf32, #tpu.memory_space<vmem>> -> memref<1x48x128xf32, #tpu.memory_space<vmem>>
    %dma_start3A_104 = tpu.memref_squeeze %dma_start3A_103 : memref<1x48x128xf32, #tpu.memory_space<vmem>> -> memref<48x128xf32, #tpu.memory_space<vmem>>
    %dma_start3A_105 = arith.constant 0 : i32
    %dma_start3A_106 = tpu.memref_slice %arg9[%add3A_98, %dma_start3A_105] : memref<10000x128xf32, #tpu.memory_space<vmem_shared>> -> memref<48x128xf32, #tpu.memory_space<vmem_shared>>
    %dma_start3A_107 = tpu.memref_slice %arg11[%dma_start3A_100] : memref<4x!tpu.dma_semaphore, #tpu.memory_space<semaphore_mem>> -> memref<1x!tpu.dma_semaphore, #tpu.memory_space<semaphore_mem>>
    %dma_start3A_108 = tpu.memref_squeeze %dma_start3A_107 : memref<1x!tpu.dma_semaphore, #tpu.memory_space<semaphore_mem>> -> memref<!tpu.dma_semaphore, #tpu.memory_space<semaphore_mem>>
    %dma_start3A_109 = arith.constant 0 : i32
    %dma_start3A_110 = tpu.memref_slice %arg9[%add3A_98, %dma_start3A_109] : memref<10000x128xf32, #tpu.memory_space<vmem_shared>> -> memref<48x128xf32, #tpu.memory_space<vmem_shared>>
    %dma_start3A_111 = arith.constant 0 : i32
    %dma_start3A_112 = arith.constant 0 : i32
    %dma_start3A_113 = tpu.memref_slice %arg8[%dma_start3A_99, %dma_start3A_111, %dma_start3A_112] : memref<4x64x128xf32, #tpu.memory_space<vmem>> -> memref<1x48x128xf32, #tpu.memory_space<vmem>>
    %dma_start3A_114 = tpu.memref_squeeze %dma_start3A_113 : memref<1x48x128xf32, #tpu.memory_space<vmem>> -> memref<48x128xf32, #tpu.memory_space<vmem>>
    tpu.enqueue_dma source(%dma_start3A_114 : memref<48x128xf32, #tpu.memory_space<vmem>>) target(%dma_start3A_110 : memref<48x128xf32, #tpu.memory_space<vmem_shared>>) target_semaphore(%dma_start3A_108 : memref<!tpu.dma_semaphore, #tpu.memory_space<semaphore_mem>>)
    %add3A_115 = arith.constant 288 : i32
    %add3A_116 = arith.addi %mul3A_7, %add3A_115 : i32
    %dma_start3A_117 = arith.constant 0 : i32
    %dma_start3A_118 = arith.constant 0 : i32
    %dma_start3A_119 = arith.constant 0 : i32
    %dma_start3A_120 = arith.constant 0 : i32
    %dma_start3A_121 = tpu.memref_slice %arg8[%dma_start3A_117, %dma_start3A_119, %dma_start3A_120] : memref<4x64x128xf32, #tpu.memory_space<vmem>> -> memref<1x48x128xf32, #tpu.memory_space<vmem>>
    %dma_start3A_122 = tpu.memref_squeeze %dma_start3A_121 : memref<1x48x128xf32, #tpu.memory_space<vmem>> -> memref<48x128xf32, #tpu.memory_space<vmem>>
    %dma_start3A_123 = arith.constant 0 : i32
    %dma_start3A_124 = tpu.memref_slice %arg9[%add3A_116, %dma_start3A_123] : memref<10000x128xf32, #tpu.memory_space<vmem_shared>> -> memref<48x128xf32, #tpu.memory_space<vmem_shared>>
    %dma_start3A_125 = tpu.memref_slice %arg11[%dma_start3A_118] : memref<4x!tpu.dma_semaphore, #tpu.memory_space<semaphore_mem>> -> memref<1x!tpu.dma_semaphore, #tpu.memory_space<semaphore_mem>>
    %dma_start3A_126 = tpu.memref_squeeze %dma_start3A_125 : memref<1x!tpu.dma_semaphore, #tpu.memory_space<semaphore_mem>> -> memref<!tpu.dma_semaphore, #tpu.memory_space<semaphore_mem>>
    %dma_start3A_127 = arith.constant 0 : i32
    %dma_start3A_128 = tpu.memref_slice %arg9[%add3A_116, %dma_start3A_127] : memref<10000x128xf32, #tpu.memory_space<vmem_shared>> -> memref<48x128xf32, #tpu.memory_space<vmem_shared>>
    %dma_start3A_129 = arith.constant 0 : i32
    %dma_start3A_130 = arith.constant 0 : i32
    %dma_start3A_131 = tpu.memref_slice %arg8[%dma_start3A_117, %dma_start3A_129, %dma_start3A_130] : memref<4x64x128xf32, #tpu.memory_space<vmem>> -> memref<1x48x128xf32, #tpu.memory_space<vmem>>
    %dma_start3A_132 = tpu.memref_squeeze %dma_start3A_131 : memref<1x48x128xf32, #tpu.memory_space<vmem>> -> memref<48x128xf32, #tpu.memory_space<vmem>>
    tpu.enqueue_dma source(%dma_start3A_132 : memref<48x128xf32, #tpu.memory_space<vmem>>) target(%dma_start3A_128 : memref<48x128xf32, #tpu.memory_space<vmem_shared>>) target_semaphore(%dma_start3A_126 : memref<!tpu.dma_semaphore, #tpu.memory_space<semaphore_mem>>)
    %add3A_133 = arith.constant 336 : i32
    %add3A_134 = arith.addi %mul3A_7, %add3A_133 : i32
    %dma_start3A_135 = arith.constant 0 : i32
    %dma_start3A_136 = arith.constant 0 : i32
    %dma_start3A_137 = arith.constant 0 : i32
    %dma_start3A_138 = arith.constant 0 : i32
    %dma_start3A_139 = tpu.memref_slice %arg8[%dma_start3A_135, %dma_start3A_137, %dma_start3A_138] : memref<4x64x128xf32, #tpu.memory_space<vmem>> -> memref<1x48x128xf32, #tpu.memory_space<vmem>>
    %dma_start3A_140 = tpu.memref_squeeze %dma_start3A_139 : memref<1x48x128xf32, #tpu.memory_space<vmem>> -> memref<48x128xf32, #tpu.memory_space<vmem>>
    %dma_start3A_141 = arith.constant 0 : i32
    %dma_start3A_142 = tpu.memref_slice %arg9[%add3A_134, %dma_start3A_141] : memref<10000x128xf32, #tpu.memory_space<vmem_shared>> -> memref<48x128xf32, #tpu.memory_space<vmem_shared>>
    %dma_start3A_143 = tpu.memref_slice %arg11[%dma_start3A_136] : memref<4x!tpu.dma_semaphore, #tpu.memory_space<semaphore_mem>> -> memref<1x!tpu.dma_semaphore, #tpu.memory_space<semaphore_mem>>
    %dma_start3A_144 = tpu.memref_squeeze %dma_start3A_143 : memref<1x!tpu.dma_semaphore, #tpu.memory_space<semaphore_mem>> -> memref<!tpu.dma_semaphore, #tpu.memory_space<semaphore_mem>>
    %dma_start3A_145 = arith.constant 0 : i32
    %dma_start3A_146 = tpu.memref_slice %arg9[%add3A_134, %dma_start3A_145] : memref<10000x128xf32, #tpu.memory_space<vmem_shared>> -> memref<48x128xf32, #tpu.memory_space<vmem_shared>>
    %dma_start3A_147 = arith.constant 0 : i32
    %dma_start3A_148 = arith.constant 0 : i32
    %dma_start3A_149 = tpu.memref_slice %arg8[%dma_start3A_135, %dma_start3A_147, %dma_start3A_148] : memref<4x64x128xf32, #tpu.memory_space<vmem>> -> memref<1x48x128xf32, #tpu.memory_space<vmem>>
    %dma_start3A_150 = tpu.memref_squeeze %dma_start3A_149 : memref<1x48x128xf32, #tpu.memory_space<vmem>> -> memref<48x128xf32, #tpu.memory_space<vmem>>
    tpu.enqueue_dma source(%dma_start3A_150 : memref<48x128xf32, #tpu.memory_space<vmem>>) target(%dma_start3A_146 : memref<48x128xf32, #tpu.memory_space<vmem_shared>>) target_semaphore(%dma_start3A_144 : memref<!tpu.dma_semaphore, #tpu.memory_space<semaphore_mem>>)
    %add3A_151 = arith.constant 384 : i32
    %add3A_152 = arith.addi %mul3A_7, %add3A_151 : i32
    %dma_start3A_153 = arith.constant 0 : i32
    %dma_start3A_154 = arith.constant 0 : i32
    %dma_start3A_155 = arith.constant 0 : i32
    %dma_start3A_156 = arith.constant 0 : i32
    %dma_start3A_157 = tpu.memref_slice %arg8[%dma_start3A_153, %dma_start3A_155, %dma_start3A_156] : memref<4x64x128xf32, #tpu.memory_space<vmem>> -> memref<1x48x128xf32, #tpu.memory_space<vmem>>
    %dma_start3A_158 = tpu.memref_squeeze %dma_start3A_157 : memref<1x48x128xf32, #tpu.memory_space<vmem>> -> memref<48x128xf32, #tpu.memory_space<vmem>>
    %dma_start3A_159 = arith.constant 0 : i32
    %dma_start3A_160 = tpu.memref_slice %arg9[%add3A_152, %dma_start3A_159] : memref<10000x128xf32, #tpu.memory_space<vmem_shared>> -> memref<48x128xf32, #tpu.memory_space<vmem_shared>>
    %dma_start3A_161 = tpu.memref_slice %arg11[%dma_start3A_154] : memref<4x!tpu.dma_semaphore, #tpu.memory_space<semaphore_mem>> -> memref<1x!tpu.dma_semaphore, #tpu.memory_space<semaphore_mem>>
    %dma_start3A_162 = tpu.memref_squeeze %dma_start3A_161 : memref<1x!tpu.dma_semaphore, #tpu.memory_space<semaphore_mem>> -> memref<!tpu.dma_semaphore, #tpu.memory_space<semaphore_mem>>
    %dma_start3A_163 = arith.constant 0 : i32
    %dma_start3A_164 = tpu.memref_slice %arg9[%add3A_152, %dma_start3A_163] : memref<10000x128xf32, #tpu.memory_space<vmem_shared>> -> memref<48x128xf32, #tpu.memory_space<vmem_shared>>
    %dma_start3A_165 = arith.constant 0 : i32
    %dma_start3A_166 = arith.constant 0 : i32
    %dma_start3A_167 = tpu.memref_slice %arg8[%dma_start3A_153, %dma_start3A_165, %dma_start3A_166] : memref<4x64x128xf32, #tpu.memory_space<vmem>> -> memref<1x48x128xf32, #tpu.memory_space<vmem>>
    %dma_start3A_168 = tpu.memref_squeeze %dma_start3A_167 : memref<1x48x128xf32, #tpu.memory_space<vmem>> -> memref<48x128xf32, #tpu.memory_space<vmem>>
    tpu.enqueue_dma source(%dma_start3A_168 : memref<48x128xf32, #tpu.memory_space<vmem>>) target(%dma_start3A_164 : memref<48x128xf32, #tpu.memory_space<vmem_shared>>) target_semaphore(%dma_start3A_162 : memref<!tpu.dma_semaphore, #tpu.memory_space<semaphore_mem>>)
    %add3A_169 = arith.constant 432 : i32
    %add3A_170 = arith.addi %mul3A_7, %add3A_169 : i32
    %dma_start3A_171 = arith.constant 0 : i32
    %dma_start3A_172 = arith.constant 0 : i32
    %dma_start3A_173 = arith.constant 0 : i32
    %dma_start3A_174 = arith.constant 0 : i32
    %dma_start3A_175 = tpu.memref_slice %arg8[%dma_start3A_171, %dma_start3A_173, %dma_start3A_174] : memref<4x64x128xf32, #tpu.memory_space<vmem>> -> memref<1x48x128xf32, #tpu.memory_space<vmem>>
    %dma_start3A_176 = tpu.memref_squeeze %dma_start3A_175 : memref<1x48x128xf32, #tpu.memory_space<vmem>> -> memref<48x128xf32, #tpu.memory_space<vmem>>
    %dma_start3A_177 = arith.constant 0 : i32
    %dma_start3A_178 = tpu.memref_slice %arg9[%add3A_170, %dma_start3A_177] : memref<10000x128xf32, #tpu.memory_space<vmem_shared>> -> memref<48x128xf32, #tpu.memory_space<vmem_shared>>
    %dma_start3A_179 = tpu.memref_slice %arg11[%dma_start3A_172] : memref<4x!tpu.dma_semaphore, #tpu.memory_space<semaphore_mem>> -> memref<1x!tpu.dma_semaphore, #tpu.memory_space<semaphore_mem>>
    %dma_start3A_180 = tpu.memref_squeeze %dma_start3A_179 : memref<1x!tpu.dma_semaphore, #tpu.memory_space<semaphore_mem>> -> memref<!tpu.dma_semaphore, #tpu.memory_space<semaphore_mem>>
    %dma_start3A_181 = arith.constant 0 : i32
    %dma_start3A_182 = tpu.memref_slice %arg9[%add3A_170, %dma_start3A_181] : memref<10000x128xf32, #tpu.memory_space<vmem_shared>> -> memref<48x128xf32, #tpu.memory_space<vmem_shared>>
    %dma_start3A_183 = arith.constant 0 : i32
    %dma_start3A_184 = arith.constant 0 : i32
    %dma_start3A_185 = tpu.memref_slice %arg8[%dma_start3A_171, %dma_start3A_183, %dma_start3A_184] : memref<4x64x128xf32, #tpu.memory_space<vmem>> -> memref<1x48x128xf32, #tpu.memory_space<vmem>>
    %dma_start3A_186 = tpu.memref_squeeze %dma_start3A_185 : memref<1x48x128xf32, #tpu.memory_space<vmem>> -> memref<48x128xf32, #tpu.memory_space<vmem>>
    tpu.enqueue_dma source(%dma_start3A_186 : memref<48x128xf32, #tpu.memory_space<vmem>>) target(%dma_start3A_182 : memref<48x128xf32, #tpu.memory_space<vmem_shared>>) target_semaphore(%dma_start3A_180 : memref<!tpu.dma_semaphore, #tpu.memory_space<semaphore_mem>>)
    %add3A_187 = arith.constant 480 : i32
    %add3A_188 = arith.addi %mul3A_7, %add3A_187 : i32
    %dma_start3A_189 = arith.constant 0 : i32
    %dma_start3A_190 = arith.constant 0 : i32
    %dma_start3A_191 = arith.constant 0 : i32
    %dma_start3A_192 = arith.constant 0 : i32
    %dma_start3A_193 = tpu.memref_slice %arg8[%dma_start3A_189, %dma_start3A_191, %dma_start3A_192] : memref<4x64x128xf32, #tpu.memory_space<vmem>> -> memref<1x48x128xf32, #tpu.memory_space<vmem>>
    %dma_start3A_194 = tpu.memref_squeeze %dma_start3A_193 : memref<1x48x128xf32, #tpu.memory_space<vmem>> -> memref<48x128xf32, #tpu.memory_space<vmem>>
    %dma_start3A_195 = arith.constant 0 : i32
    %dma_start3A_196 = tpu.memref_slice %arg9[%add3A_188, %dma_start3A_195] : memref<10000x128xf32, #tpu.memory_space<vmem_shared>> -> memref<48x128xf32, #tpu.memory_space<vmem_shared>>
    %dma_start3A_197 = tpu.memref_slice %arg11[%dma_start3A_190] : memref<4x!tpu.dma_semaphore, #tpu.memory_space<semaphore_mem>> -> memref<1x!tpu.dma_semaphore, #tpu.memory_space<semaphore_mem>>
    %dma_start3A_198 = tpu.memref_squeeze %dma_start3A_197 : memref<1x!tpu.dma_semaphore, #tpu.memory_space<semaphore_mem>> -> memref<!tpu.dma_semaphore, #tpu.memory_space<semaphore_mem>>
    %dma_start3A_199 = arith.constant 0 : i32
    %dma_start3A_200 = tpu.memref_slice %arg9[%add3A_188, %dma_start3A_199] : memref<10000x128xf32, #tpu.memory_space<vmem_shared>> -> memref<48x128xf32, #tpu.memory_space<vmem_shared>>
    %dma_start3A_201 = arith.constant 0 : i32
    %dma_start3A_202 = arith.constant 0 : i32
    %dma_start3A_203 = tpu.memref_slice %arg8[%dma_start3A_189, %dma_start3A_201, %dma_start3A_202] : memref<4x64x128xf32, #tpu.memory_space<vmem>> -> memref<1x48x128xf32, #tpu.memory_space<vmem>>
    %dma_start3A_204 = tpu.memref_squeeze %dma_start3A_203 : memref<1x48x128xf32, #tpu.memory_space<vmem>> -> memref<48x128xf32, #tpu.memory_space<vmem>>
    tpu.enqueue_dma source(%dma_start3A_204 : memref<48x128xf32, #tpu.memory_space<vmem>>) target(%dma_start3A_200 : memref<48x128xf32, #tpu.memory_space<vmem_shared>>) target_semaphore(%dma_start3A_198 : memref<!tpu.dma_semaphore, #tpu.memory_space<semaphore_mem>>)
    %add3A_205 = arith.constant 528 : i32
    %add3A_206 = arith.addi %mul3A_7, %add3A_205 : i32
    %dma_start3A_207 = arith.constant 0 : i32
    %dma_start3A_208 = arith.constant 0 : i32
    %dma_start3A_209 = arith.constant 0 : i32
    %dma_start3A_210 = arith.constant 0 : i32
    %dma_start3A_211 = tpu.memref_slice %arg8[%dma_start3A_207, %dma_start3A_209, %dma_start3A_210] : memref<4x64x128xf32, #tpu.memory_space<vmem>> -> memref<1x48x128xf32, #tpu.memory_space<vmem>>
    %dma_start3A_212 = tpu.memref_squeeze %dma_start3A_211 : memref<1x48x128xf32, #tpu.memory_space<vmem>> -> memref<48x128xf32, #tpu.memory_space<vmem>>
    %dma_start3A_213 = arith.constant 0 : i32
    %dma_start3A_214 = tpu.memref_slice %arg9[%add3A_206, %dma_start3A_213] : memref<10000x128xf32, #tpu.memory_space<vmem_shared>> -> memref<48x128xf32, #tpu.memory_space<vmem_shared>>
    %dma_start3A_215 = tpu.memref_slice %arg11[%dma_start3A_208] : memref<4x!tpu.dma_semaphore, #tpu.memory_space<semaphore_mem>> -> memref<1x!tpu.dma_semaphore, #tpu.memory_space<semaphore_mem>>
    %dma_start3A_216 = tpu.memref_squeeze %dma_start3A_215 : memref<1x!tpu.dma_semaphore, #tpu.memory_space<semaphore_mem>> -> memref<!tpu.dma_semaphore, #tpu.memory_space<semaphore_mem>>
    %dma_start3A_217 = arith.constant 0 : i32
    %dma_start3A_218 = tpu.memref_slice %arg9[%add3A_206, %dma_start3A_217] : memref<10000x128xf32, #tpu.memory_space<vmem_shared>> -> memref<48x128xf32, #tpu.memory_space<vmem_shared>>
    %dma_start3A_219 = arith.constant 0 : i32
    %dma_start3A_220 = arith.constant 0 : i32
    %dma_start3A_221 = tpu.memref_slice %arg8[%dma_start3A_207, %dma_start3A_219, %dma_start3A_220] : memref<4x64x128xf32, #tpu.memory_space<vmem>> -> memref<1x48x128xf32, #tpu.memory_space<vmem>>
    %dma_start3A_222 = tpu.memref_squeeze %dma_start3A_221 : memref<1x48x128xf32, #tpu.memory_space<vmem>> -> memref<48x128xf32, #tpu.memory_space<vmem>>
    tpu.enqueue_dma source(%dma_start3A_222 : memref<48x128xf32, #tpu.memory_space<vmem>>) target(%dma_start3A_218 : memref<48x128xf32, #tpu.memory_space<vmem_shared>>) target_semaphore(%dma_start3A_216 : memref<!tpu.dma_semaphore, #tpu.memory_space<semaphore_mem>>)
    %add3A_223 = arith.constant 576 : i32
    %add3A_224 = arith.addi %mul3A_7, %add3A_223 : i32
    %dma_start3A_225 = arith.constant 0 : i32
    %dma_start3A_226 = arith.constant 0 : i32
    %dma_start3A_227 = arith.constant 0 : i32
    %dma_start3A_228 = arith.constant 0 : i32
    %dma_start3A_229 = tpu.memref_slice %arg8[%dma_start3A_225, %dma_start3A_227, %dma_start3A_228] : memref<4x64x128xf32, #tpu.memory_space<vmem>> -> memref<1x48x128xf32, #tpu.memory_space<vmem>>
    %dma_start3A_230 = tpu.memref_squeeze %dma_start3A_229 : memref<1x48x128xf32, #tpu.memory_space<vmem>> -> memref<48x128xf32, #tpu.memory_space<vmem>>
    %dma_start3A_231 = arith.constant 0 : i32
    %dma_start3A_232 = tpu.memref_slice %arg9[%add3A_224, %dma_start3A_231] : memref<10000x128xf32, #tpu.memory_space<vmem_shared>> -> memref<48x128xf32, #tpu.memory_space<vmem_shared>>
    %dma_start3A_233 = tpu.memref_slice %arg11[%dma_start3A_226] : memref<4x!tpu.dma_semaphore, #tpu.memory_space<semaphore_mem>> -> memref<1x!tpu.dma_semaphore, #tpu.memory_space<semaphore_mem>>
    %dma_start3A_234 = tpu.memref_squeeze %dma_start3A_233 : memref<1x!tpu.dma_semaphore, #tpu.memory_space<semaphore_mem>> -> memref<!tpu.dma_semaphore, #tpu.memory_space<semaphore_mem>>
    %dma_start3A_235 = arith.constant 0 : i32
    %dma_start3A_236 = tpu.memref_slice %arg9[%add3A_224, %dma_start3A_235] : memref<10000x128xf32, #tpu.memory_space<vmem_shared>> -> memref<48x128xf32, #tpu.memory_space<vmem_shared>>
    %dma_start3A_237 = arith.constant 0 : i32
    %dma_start3A_238 = arith.constant 0 : i32
    %dma_start3A_239 = tpu.memref_slice %arg8[%dma_start3A_225, %dma_start3A_237, %dma_start3A_238] : memref<4x64x128xf32, #tpu.memory_space<vmem>> -> memref<1x48x128xf32, #tpu.memory_space<vmem>>
    %dma_start3A_240 = tpu.memref_squeeze %dma_start3A_239 : memref<1x48x128xf32, #tpu.memory_space<vmem>> -> memref<48x128xf32, #tpu.memory_space<vmem>>
    tpu.enqueue_dma source(%dma_start3A_240 : memref<48x128xf32, #tpu.memory_space<vmem>>) target(%dma_start3A_236 : memref<48x128xf32, #tpu.memory_space<vmem_shared>>) target_semaphore(%dma_start3A_234 : memref<!tpu.dma_semaphore, #tpu.memory_space<semaphore_mem>>)
    %eq3A = arith.constant 15 : i32
    %eq3A_241 = arith.cmpi eq, %arg1, %eq3A : i32
    %convert_element_type3A = arith.extui %eq3A_241 : i1 to i32
    %cond3A = arith.constant 0 : i32
    %cond3A_242 = arith.cmpi ne, %convert_element_type3A, %cond3A : i32
    scf.if %cond3A_242 {
      %run_scoped3A = arith.constant 0 : i32
      "tpu.region"() ({
        %run_scoped3A_758 = tpu.sem_alloc : memref<!tpu.dma_semaphore, #tpu.memory_space<semaphore_mem>>
        %dma_start3A_759 = arith.constant 0 : i32
        %dma_start3A_760 = arith.constant 0 : i32
        %dma_start3A_761 = tpu.memref_slice %arg8[%run_scoped3A, %dma_start3A_759, %dma_start3A_760] : memref<4x64x128xf32, #tpu.memory_space<vmem>> -> memref<1x16x128xf32, #tpu.memory_space<vmem>>
        %dma_start3A_762 = tpu.memref_squeeze %dma_start3A_761 : memref<1x16x128xf32, #tpu.memory_space<vmem>> -> memref<16x128xf32, #tpu.memory_space<vmem>>
        %dma_start3A_763 = arith.constant 9984 : i32
        %dma_start3A_764 = arith.constant 0 : i32
        %dma_start3A_765 = tpu.memref_slice %arg9[%dma_start3A_763, %dma_start3A_764] : memref<10000x128xf32, #tpu.memory_space<vmem_shared>> -> memref<16x128xf32, #tpu.memory_space<vmem_shared>>
        %dma_start3A_766 = arith.constant 9984 : i32
        %dma_start3A_767 = arith.constant 0 : i32
        %dma_start3A_768 = tpu.memref_slice %arg9[%dma_start3A_766, %dma_start3A_767] : memref<10000x128xf32, #tpu.memory_space<vmem_shared>> -> memref<16x128xf32, #tpu.memory_space<vmem_shared>>
        %dma_start3A_769 = arith.constant 0 : i32
        %dma_start3A_770 = arith.constant 0 : i32
        %dma_start3A_771 = tpu.memref_slice %arg8[%run_scoped3A, %dma_start3A_769, %dma_start3A_770] : memref<4x64x128xf32, #tpu.memory_space<vmem>> -> memref<1x16x128xf32, #tpu.memory_space<vmem>>
        %dma_start3A_772 = tpu.memref_squeeze %dma_start3A_771 : memref<1x16x128xf32, #tpu.memory_space<vmem>> -> memref<16x128xf32, #tpu.memory_space<vmem>>
        tpu.enqueue_dma source(%dma_start3A_772 : memref<16x128xf32, #tpu.memory_space<vmem>>) target(%dma_start3A_768 : memref<16x128xf32, #tpu.memory_space<vmem_shared>>) target_semaphore(%run_scoped3A_758 : memref<!tpu.dma_semaphore, #tpu.memory_space<semaphore_mem>>)
        %dma_wait3A_773 = arith.constant 0 : i32
        %dma_wait3A_774 = arith.constant 0 : i32
        %dma_wait3A_775 = tpu.memref_slice %arg8[%run_scoped3A, %dma_wait3A_773, %dma_wait3A_774] : memref<4x64x128xf32, #tpu.memory_space<vmem>> -> memref<1x16x128xf32, #tpu.memory_space<vmem>>
        %dma_wait3A_776 = tpu.memref_squeeze %dma_wait3A_775 : memref<1x16x128xf32, #tpu.memory_space<vmem>> -> memref<16x128xf32, #tpu.memory_space<vmem>>
        %dma_wait3A_777 = arith.constant 9984 : i32
        %dma_wait3A_778 = arith.constant 0 : i32
        %dma_wait3A_779 = tpu.memref_slice %arg9[%dma_wait3A_777, %dma_wait3A_778] : memref<10000x128xf32, #tpu.memory_space<vmem_shared>> -> memref<16x128xf32, #tpu.memory_space<vmem_shared>>
        %dma_wait3A_780 = arith.constant 9984 : i32
        %dma_wait3A_781 = arith.constant 0 : i32
        %dma_wait3A_782 = tpu.memref_slice %arg9[%dma_wait3A_780, %dma_wait3A_781] : memref<10000x128xf32, #tpu.memory_space<vmem_shared>> -> memref<16x128xf32, #tpu.memory_space<vmem_shared>>
        %dma_wait3A_783 = arith.constant 0 : i32
        %dma_wait3A_784 = arith.constant 0 : i32
        %dma_wait3A_785 = tpu.memref_slice %arg8[%run_scoped3A, %dma_wait3A_783, %dma_wait3A_784] : memref<4x64x128xf32, #tpu.memory_space<vmem>> -> memref<1x16x128xf32, #tpu.memory_space<vmem>>
        %dma_wait3A_786 = tpu.memref_squeeze %dma_wait3A_785 : memref<1x16x128xf32, #tpu.memory_space<vmem>> -> memref<16x128xf32, #tpu.memory_space<vmem>>
        tpu.wait_dma2 semaphore(%run_scoped3A_758 : memref<!tpu.dma_semaphore, #tpu.memory_space<semaphore_mem>>) src(%dma_wait3A_786 : memref<16x128xf32, #tpu.memory_space<vmem>>) dst(%dma_wait3A_782 : memref<16x128xf32, #tpu.memory_space<vmem_shared>>)
        tpu.yield
      }) : () -> ()
    } else {
    }
    %add3A_243 = arith.constant 0 : i32
    %add3A_244 = arith.addi %mul3A_7, %add3A_243 : i32
    %dma_wait3A = arith.constant 0 : i32
    %dma_wait3A_245 = arith.constant 0 : i32
    %dma_wait3A_246 = arith.constant 0 : i32
    %dma_wait3A_247 = arith.constant 0 : i32
    %dma_wait3A_248 = tpu.memref_slice %arg8[%dma_wait3A, %dma_wait3A_246, %dma_wait3A_247] : memref<4x64x128xf32, #tpu.memory_space<vmem>> -> memref<1x48x128xf32, #tpu.memory_space<vmem>>
    %dma_wait3A_249 = tpu.memref_squeeze %dma_wait3A_248 : memref<1x48x128xf32, #tpu.memory_space<vmem>> -> memref<48x128xf32, #tpu.memory_space<vmem>>
    %dma_wait3A_250 = arith.constant 0 : i32
    %dma_wait3A_251 = tpu.memref_slice %arg9[%add3A_244, %dma_wait3A_250] : memref<10000x128xf32, #tpu.memory_space<vmem_shared>> -> memref<48x128xf32, #tpu.memory_space<vmem_shared>>
    %dma_wait3A_252 = tpu.memref_slice %arg11[%dma_wait3A_245] : memref<4x!tpu.dma_semaphore, #tpu.memory_space<semaphore_mem>> -> memref<1x!tpu.dma_semaphore, #tpu.memory_space<semaphore_mem>>
    %dma_wait3A_253 = tpu.memref_squeeze %dma_wait3A_252 : memref<1x!tpu.dma_semaphore, #tpu.memory_space<semaphore_mem>> -> memref<!tpu.dma_semaphore, #tpu.memory_space<semaphore_mem>>
    %dma_wait3A_254 = arith.constant 0 : i32
    %dma_wait3A_255 = tpu.memref_slice %arg9[%add3A_244, %dma_wait3A_254] : memref<10000x128xf32, #tpu.memory_space<vmem_shared>> -> memref<48x128xf32, #tpu.memory_space<vmem_shared>>
    %dma_wait3A_256 = arith.constant 0 : i32
    %dma_wait3A_257 = arith.constant 0 : i32
    %dma_wait3A_258 = tpu.memref_slice %arg8[%dma_wait3A, %dma_wait3A_256, %dma_wait3A_257] : memref<4x64x128xf32, #tpu.memory_space<vmem>> -> memref<1x48x128xf32, #tpu.memory_space<vmem>>
    %dma_wait3A_259 = tpu.memref_squeeze %dma_wait3A_258 : memref<1x48x128xf32, #tpu.memory_space<vmem>> -> memref<48x128xf32, #tpu.memory_space<vmem>>
    tpu.wait_dma2 semaphore(%dma_wait3A_253 : memref<!tpu.dma_semaphore, #tpu.memory_space<semaphore_mem>>) src(%dma_wait3A_259 : memref<48x128xf32, #tpu.memory_space<vmem>>) dst(%dma_wait3A_255 : memref<48x128xf32, #tpu.memory_space<vmem_shared>>)
    %add3A_260 = arith.constant 48 : i32
    %add3A_261 = arith.addi %mul3A_7, %add3A_260 : i32
    %dma_wait3A_262 = arith.constant 0 : i32
    %dma_wait3A_263 = arith.constant 0 : i32
    %dma_wait3A_264 = arith.constant 0 : i32
    %dma_wait3A_265 = arith.constant 0 : i32
    %dma_wait3A_266 = tpu.memref_slice %arg8[%dma_wait3A_262, %dma_wait3A_264, %dma_wait3A_265] : memref<4x64x128xf32, #tpu.memory_space<vmem>> -> memref<1x48x128xf32, #tpu.memory_space<vmem>>
    %dma_wait3A_267 = tpu.memref_squeeze %dma_wait3A_266 : memref<1x48x128xf32, #tpu.memory_space<vmem>> -> memref<48x128xf32, #tpu.memory_space<vmem>>
    %dma_wait3A_268 = arith.constant 0 : i32
    %dma_wait3A_269 = tpu.memref_slice %arg9[%add3A_261, %dma_wait3A_268] : memref<10000x128xf32, #tpu.memory_space<vmem_shared>> -> memref<48x128xf32, #tpu.memory_space<vmem_shared>>
    %dma_wait3A_270 = tpu.memref_slice %arg11[%dma_wait3A_263] : memref<4x!tpu.dma_semaphore, #tpu.memory_space<semaphore_mem>> -> memref<1x!tpu.dma_semaphore, #tpu.memory_space<semaphore_mem>>
    %dma_wait3A_271 = tpu.memref_squeeze %dma_wait3A_270 : memref<1x!tpu.dma_semaphore, #tpu.memory_space<semaphore_mem>> -> memref<!tpu.dma_semaphore, #tpu.memory_space<semaphore_mem>>
    %dma_wait3A_272 = arith.constant 0 : i32
    %dma_wait3A_273 = tpu.memref_slice %arg9[%add3A_261, %dma_wait3A_272] : memref<10000x128xf32, #tpu.memory_space<vmem_shared>> -> memref<48x128xf32, #tpu.memory_space<vmem_shared>>
    %dma_wait3A_274 = arith.constant 0 : i32
    %dma_wait3A_275 = arith.constant 0 : i32
    %dma_wait3A_276 = tpu.memref_slice %arg8[%dma_wait3A_262, %dma_wait3A_274, %dma_wait3A_275] : memref<4x64x128xf32, #tpu.memory_space<vmem>> -> memref<1x48x128xf32, #tpu.memory_space<vmem>>
    %dma_wait3A_277 = tpu.memref_squeeze %dma_wait3A_276 : memref<1x48x128xf32, #tpu.memory_space<vmem>> -> memref<48x128xf32, #tpu.memory_space<vmem>>
    tpu.wait_dma2 semaphore(%dma_wait3A_271 : memref<!tpu.dma_semaphore, #tpu.memory_space<semaphore_mem>>) src(%dma_wait3A_277 : memref<48x128xf32, #tpu.memory_space<vmem>>) dst(%dma_wait3A_273 : memref<48x128xf32, #tpu.memory_space<vmem_shared>>)
    %add3A_278 = arith.constant 96 : i32
    %add3A_279 = arith.addi %mul3A_7, %add3A_278 : i32
    %dma_wait3A_280 = arith.constant 0 : i32
    %dma_wait3A_281 = arith.constant 0 : i32
    %dma_wait3A_282 = arith.constant 0 : i32
    %dma_wait3A_283 = arith.constant 0 : i32
    %dma_wait3A_284 = tpu.memref_slice %arg8[%dma_wait3A_280, %dma_wait3A_282, %dma_wait3A_283] : memref<4x64x128xf32, #tpu.memory_space<vmem>> -> memref<1x48x128xf32, #tpu.memory_space<vmem>>
    %dma_wait3A_285 = tpu.memref_squeeze %dma_wait3A_284 : memref<1x48x128xf32, #tpu.memory_space<vmem>> -> memref<48x128xf32, #tpu.memory_space<vmem>>
    %dma_wait3A_286 = arith.constant 0 : i32
    %dma_wait3A_287 = tpu.memref_slice %arg9[%add3A_279, %dma_wait3A_286] : memref<10000x128xf32, #tpu.memory_space<vmem_shared>> -> memref<48x128xf32, #tpu.memory_space<vmem_shared>>
    %dma_wait3A_288 = tpu.memref_slice %arg11[%dma_wait3A_281] : memref<4x!tpu.dma_semaphore, #tpu.memory_space<semaphore_mem>> -> memref<1x!tpu.dma_semaphore, #tpu.memory_space<semaphore_mem>>
    %dma_wait3A_289 = tpu.memref_squeeze %dma_wait3A_288 : memref<1x!tpu.dma_semaphore, #tpu.memory_space<semaphore_mem>> -> memref<!tpu.dma_semaphore, #tpu.memory_space<semaphore_mem>>
    %dma_wait3A_290 = arith.constant 0 : i32
    %dma_wait3A_291 = tpu.memref_slice %arg9[%add3A_279, %dma_wait3A_290] : memref<10000x128xf32, #tpu.memory_space<vmem_shared>> -> memref<48x128xf32, #tpu.memory_space<vmem_shared>>
    %dma_wait3A_292 = arith.constant 0 : i32
    %dma_wait3A_293 = arith.constant 0 : i32
    %dma_wait3A_294 = tpu.memref_slice %arg8[%dma_wait3A_280, %dma_wait3A_292, %dma_wait3A_293] : memref<4x64x128xf32, #tpu.memory_space<vmem>> -> memref<1x48x128xf32, #tpu.memory_space<vmem>>
    %dma_wait3A_295 = tpu.memref_squeeze %dma_wait3A_294 : memref<1x48x128xf32, #tpu.memory_space<vmem>> -> memref<48x128xf32, #tpu.memory_space<vmem>>
    tpu.wait_dma2 semaphore(%dma_wait3A_289 : memref<!tpu.dma_semaphore, #tpu.memory_space<semaphore_mem>>) src(%dma_wait3A_295 : memref<48x128xf32, #tpu.memory_space<vmem>>) dst(%dma_wait3A_291 : memref<48x128xf32, #tpu.memory_space<vmem_shared>>)
    %add3A_296 = arith.constant 144 : i32
    %add3A_297 = arith.addi %mul3A_7, %add3A_296 : i32
    %dma_wait3A_298 = arith.constant 0 : i32
    %dma_wait3A_299 = arith.constant 0 : i32
    %dma_wait3A_300 = arith.constant 0 : i32
    %dma_wait3A_301 = arith.constant 0 : i32
    %dma_wait3A_302 = tpu.memref_slice %arg8[%dma_wait3A_298, %dma_wait3A_300, %dma_wait3A_301] : memref<4x64x128xf32, #tpu.memory_space<vmem>> -> memref<1x48x128xf32, #tpu.memory_space<vmem>>
    %dma_wait3A_303 = tpu.memref_squeeze %dma_wait3A_302 : memref<1x48x128xf32, #tpu.memory_space<vmem>> -> memref<48x128xf32, #tpu.memory_space<vmem>>
    %dma_wait3A_304 = arith.constant 0 : i32
    %dma_wait3A_305 = tpu.memref_slice %arg9[%add3A_297, %dma_wait3A_304] : memref<10000x128xf32, #tpu.memory_space<vmem_shared>> -> memref<48x128xf32, #tpu.memory_space<vmem_shared>>
    %dma_wait3A_306 = tpu.memref_slice %arg11[%dma_wait3A_299] : memref<4x!tpu.dma_semaphore, #tpu.memory_space<semaphore_mem>> -> memref<1x!tpu.dma_semaphore, #tpu.memory_space<semaphore_mem>>
    %dma_wait3A_307 = tpu.memref_squeeze %dma_wait3A_306 : memref<1x!tpu.dma_semaphore, #tpu.memory_space<semaphore_mem>> -> memref<!tpu.dma_semaphore, #tpu.memory_space<semaphore_mem>>
    %dma_wait3A_308 = arith.constant 0 : i32
    %dma_wait3A_309 = tpu.memref_slice %arg9[%add3A_297, %dma_wait3A_308] : memref<10000x128xf32, #tpu.memory_space<vmem_shared>> -> memref<48x128xf32, #tpu.memory_space<vmem_shared>>
    %dma_wait3A_310 = arith.constant 0 : i32
    %dma_wait3A_311 = arith.constant 0 : i32
    %dma_wait3A_312 = tpu.memref_slice %arg8[%dma_wait3A_298, %dma_wait3A_310, %dma_wait3A_311] : memref<4x64x128xf32, #tpu.memory_space<vmem>> -> memref<1x48x128xf32, #tpu.memory_space<vmem>>
    %dma_wait3A_313 = tpu.memref_squeeze %dma_wait3A_312 : memref<1x48x128xf32, #tpu.memory_space<vmem>> -> memref<48x128xf32, #tpu.memory_space<vmem>>
    tpu.wait_dma2 semaphore(%dma_wait3A_307 : memref<!tpu.dma_semaphore, #tpu.memory_space<semaphore_mem>>) src(%dma_wait3A_313 : memref<48x128xf32, #tpu.memory_space<vmem>>) dst(%dma_wait3A_309 : memref<48x128xf32, #tpu.memory_space<vmem_shared>>)
    %add3A_314 = arith.constant 192 : i32
    %add3A_315 = arith.addi %mul3A_7, %add3A_314 : i32
    %dma_wait3A_316 = arith.constant 0 : i32
    %dma_wait3A_317 = arith.constant 0 : i32
    %dma_wait3A_318 = arith.constant 0 : i32
    %dma_wait3A_319 = arith.constant 0 : i32
    %dma_wait3A_320 = tpu.memref_slice %arg8[%dma_wait3A_316, %dma_wait3A_318, %dma_wait3A_319] : memref<4x64x128xf32, #tpu.memory_space<vmem>> -> memref<1x48x128xf32, #tpu.memory_space<vmem>>
    %dma_wait3A_321 = tpu.memref_squeeze %dma_wait3A_320 : memref<1x48x128xf32, #tpu.memory_space<vmem>> -> memref<48x128xf32, #tpu.memory_space<vmem>>
    %dma_wait3A_322 = arith.constant 0 : i32
    %dma_wait3A_323 = tpu.memref_slice %arg9[%add3A_315, %dma_wait3A_322] : memref<10000x128xf32, #tpu.memory_space<vmem_shared>> -> memref<48x128xf32, #tpu.memory_space<vmem_shared>>
    %dma_wait3A_324 = tpu.memref_slice %arg11[%dma_wait3A_317] : memref<4x!tpu.dma_semaphore, #tpu.memory_space<semaphore_mem>> -> memref<1x!tpu.dma_semaphore, #tpu.memory_space<semaphore_mem>>
    %dma_wait3A_325 = tpu.memref_squeeze %dma_wait3A_324 : memref<1x!tpu.dma_semaphore, #tpu.memory_space<semaphore_mem>> -> memref<!tpu.dma_semaphore, #tpu.memory_space<semaphore_mem>>
    %dma_wait3A_326 = arith.constant 0 : i32
    %dma_wait3A_327 = tpu.memref_slice %arg9[%add3A_315, %dma_wait3A_326] : memref<10000x128xf32, #tpu.memory_space<vmem_shared>> -> memref<48x128xf32, #tpu.memory_space<vmem_shared>>
    %dma_wait3A_328 = arith.constant 0 : i32
    %dma_wait3A_329 = arith.constant 0 : i32
    %dma_wait3A_330 = tpu.memref_slice %arg8[%dma_wait3A_316, %dma_wait3A_328, %dma_wait3A_329] : memref<4x64x128xf32, #tpu.memory_space<vmem>> -> memref<1x48x128xf32, #tpu.memory_space<vmem>>
    %dma_wait3A_331 = tpu.memref_squeeze %dma_wait3A_330 : memref<1x48x128xf32, #tpu.memory_space<vmem>> -> memref<48x128xf32, #tpu.memory_space<vmem>>
    tpu.wait_dma2 semaphore(%dma_wait3A_325 : memref<!tpu.dma_semaphore, #tpu.memory_space<semaphore_mem>>) src(%dma_wait3A_331 : memref<48x128xf32, #tpu.memory_space<vmem>>) dst(%dma_wait3A_327 : memref<48x128xf32, #tpu.memory_space<vmem_shared>>)
    %add3A_332 = arith.constant 240 : i32
    %add3A_333 = arith.addi %mul3A_7, %add3A_332 : i32
    %dma_wait3A_334 = arith.constant 0 : i32
    %dma_wait3A_335 = arith.constant 0 : i32
    %dma_wait3A_336 = arith.constant 0 : i32
    %dma_wait3A_337 = arith.constant 0 : i32
    %dma_wait3A_338 = tpu.memref_slice %arg8[%dma_wait3A_334, %dma_wait3A_336, %dma_wait3A_337] : memref<4x64x128xf32, #tpu.memory_space<vmem>> -> memref<1x48x128xf32, #tpu.memory_space<vmem>>
    %dma_wait3A_339 = tpu.memref_squeeze %dma_wait3A_338 : memref<1x48x128xf32, #tpu.memory_space<vmem>> -> memref<48x128xf32, #tpu.memory_space<vmem>>
    %dma_wait3A_340 = arith.constant 0 : i32
    %dma_wait3A_341 = tpu.memref_slice %arg9[%add3A_333, %dma_wait3A_340] : memref<10000x128xf32, #tpu.memory_space<vmem_shared>> -> memref<48x128xf32, #tpu.memory_space<vmem_shared>>
    %dma_wait3A_342 = tpu.memref_slice %arg11[%dma_wait3A_335] : memref<4x!tpu.dma_semaphore, #tpu.memory_space<semaphore_mem>> -> memref<1x!tpu.dma_semaphore, #tpu.memory_space<semaphore_mem>>
    %dma_wait3A_343 = tpu.memref_squeeze %dma_wait3A_342 : memref<1x!tpu.dma_semaphore, #tpu.memory_space<semaphore_mem>> -> memref<!tpu.dma_semaphore, #tpu.memory_space<semaphore_mem>>
    %dma_wait3A_344 = arith.constant 0 : i32
    %dma_wait3A_345 = tpu.memref_slice %arg9[%add3A_333, %dma_wait3A_344] : memref<10000x128xf32, #tpu.memory_space<vmem_shared>> -> memref<48x128xf32, #tpu.memory_space<vmem_shared>>
    %dma_wait3A_346 = arith.constant 0 : i32
    %dma_wait3A_347 = arith.constant 0 : i32
    %dma_wait3A_348 = tpu.memref_slice %arg8[%dma_wait3A_334, %dma_wait3A_346, %dma_wait3A_347] : memref<4x64x128xf32, #tpu.memory_space<vmem>> -> memref<1x48x128xf32, #tpu.memory_space<vmem>>
    %dma_wait3A_349 = tpu.memref_squeeze %dma_wait3A_348 : memref<1x48x128xf32, #tpu.memory_space<vmem>> -> memref<48x128xf32, #tpu.memory_space<vmem>>
    tpu.wait_dma2 semaphore(%dma_wait3A_343 : memref<!tpu.dma_semaphore, #tpu.memory_space<semaphore_mem>>) src(%dma_wait3A_349 : memref<48x128xf32, #tpu.memory_space<vmem>>) dst(%dma_wait3A_345 : memref<48x128xf32, #tpu.memory_space<vmem_shared>>)
    %add3A_350 = arith.constant 288 : i32
    %add3A_351 = arith.addi %mul3A_7, %add3A_350 : i32
    %dma_wait3A_352 = arith.constant 0 : i32
    %dma_wait3A_353 = arith.constant 0 : i32
    %dma_wait3A_354 = arith.constant 0 : i32
    %dma_wait3A_355 = arith.constant 0 : i32
    %dma_wait3A_356 = tpu.memref_slice %arg8[%dma_wait3A_352, %dma_wait3A_354, %dma_wait3A_355] : memref<4x64x128xf32, #tpu.memory_space<vmem>> -> memref<1x48x128xf32, #tpu.memory_space<vmem>>
    %dma_wait3A_357 = tpu.memref_squeeze %dma_wait3A_356 : memref<1x48x128xf32, #tpu.memory_space<vmem>> -> memref<48x128xf32, #tpu.memory_space<vmem>>
    %dma_wait3A_358 = arith.constant 0 : i32
    %dma_wait3A_359 = tpu.memref_slice %arg9[%add3A_351, %dma_wait3A_358] : memref<10000x128xf32, #tpu.memory_space<vmem_shared>> -> memref<48x128xf32, #tpu.memory_space<vmem_shared>>
    %dma_wait3A_360 = tpu.memref_slice %arg11[%dma_wait3A_353] : memref<4x!tpu.dma_semaphore, #tpu.memory_space<semaphore_mem>> -> memref<1x!tpu.dma_semaphore, #tpu.memory_space<semaphore_mem>>
    %dma_wait3A_361 = tpu.memref_squeeze %dma_wait3A_360 : memref<1x!tpu.dma_semaphore, #tpu.memory_space<semaphore_mem>> -> memref<!tpu.dma_semaphore, #tpu.memory_space<semaphore_mem>>
    %dma_wait3A_362 = arith.constant 0 : i32
    %dma_wait3A_363 = tpu.memref_slice %arg9[%add3A_351, %dma_wait3A_362] : memref<10000x128xf32, #tpu.memory_space<vmem_shared>> -> memref<48x128xf32, #tpu.memory_space<vmem_shared>>
    %dma_wait3A_364 = arith.constant 0 : i32
    %dma_wait3A_365 = arith.constant 0 : i32
    %dma_wait3A_366 = tpu.memref_slice %arg8[%dma_wait3A_352, %dma_wait3A_364, %dma_wait3A_365] : memref<4x64x128xf32, #tpu.memory_space<vmem>> -> memref<1x48x128xf32, #tpu.memory_space<vmem>>
    %dma_wait3A_367 = tpu.memref_squeeze %dma_wait3A_366 : memref<1x48x128xf32, #tpu.memory_space<vmem>> -> memref<48x128xf32, #tpu.memory_space<vmem>>
    tpu.wait_dma2 semaphore(%dma_wait3A_361 : memref<!tpu.dma_semaphore, #tpu.memory_space<semaphore_mem>>) src(%dma_wait3A_367 : memref<48x128xf32, #tpu.memory_space<vmem>>) dst(%dma_wait3A_363 : memref<48x128xf32, #tpu.memory_space<vmem_shared>>)
    %add3A_368 = arith.constant 336 : i32
    %add3A_369 = arith.addi %mul3A_7, %add3A_368 : i32
    %dma_wait3A_370 = arith.constant 0 : i32
    %dma_wait3A_371 = arith.constant 0 : i32
    %dma_wait3A_372 = arith.constant 0 : i32
    %dma_wait3A_373 = arith.constant 0 : i32
    %dma_wait3A_374 = tpu.memref_slice %arg8[%dma_wait3A_370, %dma_wait3A_372, %dma_wait3A_373] : memref<4x64x128xf32, #tpu.memory_space<vmem>> -> memref<1x48x128xf32, #tpu.memory_space<vmem>>
    %dma_wait3A_375 = tpu.memref_squeeze %dma_wait3A_374 : memref<1x48x128xf32, #tpu.memory_space<vmem>> -> memref<48x128xf32, #tpu.memory_space<vmem>>
    %dma_wait3A_376 = arith.constant 0 : i32
    %dma_wait3A_377 = tpu.memref_slice %arg9[%add3A_369, %dma_wait3A_376] : memref<10000x128xf32, #tpu.memory_space<vmem_shared>> -> memref<48x128xf32, #tpu.memory_space<vmem_shared>>
    %dma_wait3A_378 = tpu.memref_slice %arg11[%dma_wait3A_371] : memref<4x!tpu.dma_semaphore, #tpu.memory_space<semaphore_mem>> -> memref<1x!tpu.dma_semaphore, #tpu.memory_space<semaphore_mem>>
    %dma_wait3A_379 = tpu.memref_squeeze %dma_wait3A_378 : memref<1x!tpu.dma_semaphore, #tpu.memory_space<semaphore_mem>> -> memref<!tpu.dma_semaphore, #tpu.memory_space<semaphore_mem>>
    %dma_wait3A_380 = arith.constant 0 : i32
    %dma_wait3A_381 = tpu.memref_slice %arg9[%add3A_369, %dma_wait3A_380] : memref<10000x128xf32, #tpu.memory_space<vmem_shared>> -> memref<48x128xf32, #tpu.memory_space<vmem_shared>>
    %dma_wait3A_382 = arith.constant 0 : i32
    %dma_wait3A_383 = arith.constant 0 : i32
    %dma_wait3A_384 = tpu.memref_slice %arg8[%dma_wait3A_370, %dma_wait3A_382, %dma_wait3A_383] : memref<4x64x128xf32, #tpu.memory_space<vmem>> -> memref<1x48x128xf32, #tpu.memory_space<vmem>>
    %dma_wait3A_385 = tpu.memref_squeeze %dma_wait3A_384 : memref<1x48x128xf32, #tpu.memory_space<vmem>> -> memref<48x128xf32, #tpu.memory_space<vmem>>
    tpu.wait_dma2 semaphore(%dma_wait3A_379 : memref<!tpu.dma_semaphore, #tpu.memory_space<semaphore_mem>>) src(%dma_wait3A_385 : memref<48x128xf32, #tpu.memory_space<vmem>>) dst(%dma_wait3A_381 : memref<48x128xf32, #tpu.memory_space<vmem_shared>>)
    %add3A_386 = arith.constant 384 : i32
    %add3A_387 = arith.addi %mul3A_7, %add3A_386 : i32
    %dma_wait3A_388 = arith.constant 0 : i32
    %dma_wait3A_389 = arith.constant 0 : i32
    %dma_wait3A_390 = arith.constant 0 : i32
    %dma_wait3A_391 = arith.constant 0 : i32
    %dma_wait3A_392 = tpu.memref_slice %arg8[%dma_wait3A_388, %dma_wait3A_390, %dma_wait3A_391] : memref<4x64x128xf32, #tpu.memory_space<vmem>> -> memref<1x48x128xf32, #tpu.memory_space<vmem>>
    %dma_wait3A_393 = tpu.memref_squeeze %dma_wait3A_392 : memref<1x48x128xf32, #tpu.memory_space<vmem>> -> memref<48x128xf32, #tpu.memory_space<vmem>>
    %dma_wait3A_394 = arith.constant 0 : i32
    %dma_wait3A_395 = tpu.memref_slice %arg9[%add3A_387, %dma_wait3A_394] : memref<10000x128xf32, #tpu.memory_space<vmem_shared>> -> memref<48x128xf32, #tpu.memory_space<vmem_shared>>
    %dma_wait3A_396 = tpu.memref_slice %arg11[%dma_wait3A_389] : memref<4x!tpu.dma_semaphore, #tpu.memory_space<semaphore_mem>> -> memref<1x!tpu.dma_semaphore, #tpu.memory_space<semaphore_mem>>
    %dma_wait3A_397 = tpu.memref_squeeze %dma_wait3A_396 : memref<1x!tpu.dma_semaphore, #tpu.memory_space<semaphore_mem>> -> memref<!tpu.dma_semaphore, #tpu.memory_space<semaphore_mem>>
    %dma_wait3A_398 = arith.constant 0 : i32
    %dma_wait3A_399 = tpu.memref_slice %arg9[%add3A_387, %dma_wait3A_398] : memref<10000x128xf32, #tpu.memory_space<vmem_shared>> -> memref<48x128xf32, #tpu.memory_space<vmem_shared>>
    %dma_wait3A_400 = arith.constant 0 : i32
    %dma_wait3A_401 = arith.constant 0 : i32
    %dma_wait3A_402 = tpu.memref_slice %arg8[%dma_wait3A_388, %dma_wait3A_400, %dma_wait3A_401] : memref<4x64x128xf32, #tpu.memory_space<vmem>> -> memref<1x48x128xf32, #tpu.memory_space<vmem>>
    %dma_wait3A_403 = tpu.memref_squeeze %dma_wait3A_402 : memref<1x48x128xf32, #tpu.memory_space<vmem>> -> memref<48x128xf32, #tpu.memory_space<vmem>>
    tpu.wait_dma2 semaphore(%dma_wait3A_397 : memref<!tpu.dma_semaphore, #tpu.memory_space<semaphore_mem>>) src(%dma_wait3A_403 : memref<48x128xf32, #tpu.memory_space<vmem>>) dst(%dma_wait3A_399 : memref<48x128xf32, #tpu.memory_space<vmem_shared>>)
    %add3A_404 = arith.constant 432 : i32
    %add3A_405 = arith.addi %mul3A_7, %add3A_404 : i32
    %dma_wait3A_406 = arith.constant 0 : i32
    %dma_wait3A_407 = arith.constant 0 : i32
    %dma_wait3A_408 = arith.constant 0 : i32
    %dma_wait3A_409 = arith.constant 0 : i32
    %dma_wait3A_410 = tpu.memref_slice %arg8[%dma_wait3A_406, %dma_wait3A_408, %dma_wait3A_409] : memref<4x64x128xf32, #tpu.memory_space<vmem>> -> memref<1x48x128xf32, #tpu.memory_space<vmem>>
    %dma_wait3A_411 = tpu.memref_squeeze %dma_wait3A_410 : memref<1x48x128xf32, #tpu.memory_space<vmem>> -> memref<48x128xf32, #tpu.memory_space<vmem>>
    %dma_wait3A_412 = arith.constant 0 : i32
    %dma_wait3A_413 = tpu.memref_slice %arg9[%add3A_405, %dma_wait3A_412] : memref<10000x128xf32, #tpu.memory_space<vmem_shared>> -> memref<48x128xf32, #tpu.memory_space<vmem_shared>>
    %dma_wait3A_414 = tpu.memref_slice %arg11[%dma_wait3A_407] : memref<4x!tpu.dma_semaphore, #tpu.memory_space<semaphore_mem>> -> memref<1x!tpu.dma_semaphore, #tpu.memory_space<semaphore_mem>>
    %dma_wait3A_415 = tpu.memref_squeeze %dma_wait3A_414 : memref<1x!tpu.dma_semaphore, #tpu.memory_space<semaphore_mem>> -> memref<!tpu.dma_semaphore, #tpu.memory_space<semaphore_mem>>
    %dma_wait3A_416 = arith.constant 0 : i32
    %dma_wait3A_417 = tpu.memref_slice %arg9[%add3A_405, %dma_wait3A_416] : memref<10000x128xf32, #tpu.memory_space<vmem_shared>> -> memref<48x128xf32, #tpu.memory_space<vmem_shared>>
    %dma_wait3A_418 = arith.constant 0 : i32
    %dma_wait3A_419 = arith.constant 0 : i32
    %dma_wait3A_420 = tpu.memref_slice %arg8[%dma_wait3A_406, %dma_wait3A_418, %dma_wait3A_419] : memref<4x64x128xf32, #tpu.memory_space<vmem>> -> memref<1x48x128xf32, #tpu.memory_space<vmem>>
    %dma_wait3A_421 = tpu.memref_squeeze %dma_wait3A_420 : memref<1x48x128xf32, #tpu.memory_space<vmem>> -> memref<48x128xf32, #tpu.memory_space<vmem>>
    tpu.wait_dma2 semaphore(%dma_wait3A_415 : memref<!tpu.dma_semaphore, #tpu.memory_space<semaphore_mem>>) src(%dma_wait3A_421 : memref<48x128xf32, #tpu.memory_space<vmem>>) dst(%dma_wait3A_417 : memref<48x128xf32, #tpu.memory_space<vmem_shared>>)
    %add3A_422 = arith.constant 480 : i32
    %add3A_423 = arith.addi %mul3A_7, %add3A_422 : i32
    %dma_wait3A_424 = arith.constant 0 : i32
    %dma_wait3A_425 = arith.constant 0 : i32
    %dma_wait3A_426 = arith.constant 0 : i32
    %dma_wait3A_427 = arith.constant 0 : i32
    %dma_wait3A_428 = tpu.memref_slice %arg8[%dma_wait3A_424, %dma_wait3A_426, %dma_wait3A_427] : memref<4x64x128xf32, #tpu.memory_space<vmem>> -> memref<1x48x128xf32, #tpu.memory_space<vmem>>
    %dma_wait3A_429 = tpu.memref_squeeze %dma_wait3A_428 : memref<1x48x128xf32, #tpu.memory_space<vmem>> -> memref<48x128xf32, #tpu.memory_space<vmem>>
    %dma_wait3A_430 = arith.constant 0 : i32
    %dma_wait3A_431 = tpu.memref_slice %arg9[%add3A_423, %dma_wait3A_430] : memref<10000x128xf32, #tpu.memory_space<vmem_shared>> -> memref<48x128xf32, #tpu.memory_space<vmem_shared>>
    %dma_wait3A_432 = tpu.memref_slice %arg11[%dma_wait3A_425] : memref<4x!tpu.dma_semaphore, #tpu.memory_space<semaphore_mem>> -> memref<1x!tpu.dma_semaphore, #tpu.memory_space<semaphore_mem>>
    %dma_wait3A_433 = tpu.memref_squeeze %dma_wait3A_432 : memref<1x!tpu.dma_semaphore, #tpu.memory_space<semaphore_mem>> -> memref<!tpu.dma_semaphore, #tpu.memory_space<semaphore_mem>>
    %dma_wait3A_434 = arith.constant 0 : i32
    %dma_wait3A_435 = tpu.memref_slice %arg9[%add3A_423, %dma_wait3A_434] : memref<10000x128xf32, #tpu.memory_space<vmem_shared>> -> memref<48x128xf32, #tpu.memory_space<vmem_shared>>
    %dma_wait3A_436 = arith.constant 0 : i32
    %dma_wait3A_437 = arith.constant 0 : i32
    %dma_wait3A_438 = tpu.memref_slice %arg8[%dma_wait3A_424, %dma_wait3A_436, %dma_wait3A_437] : memref<4x64x128xf32, #tpu.memory_space<vmem>> -> memref<1x48x128xf32, #tpu.memory_space<vmem>>
    %dma_wait3A_439 = tpu.memref_squeeze %dma_wait3A_438 : memref<1x48x128xf32, #tpu.memory_space<vmem>> -> memref<48x128xf32, #tpu.memory_space<vmem>>
    tpu.wait_dma2 semaphore(%dma_wait3A_433 : memref<!tpu.dma_semaphore, #tpu.memory_space<semaphore_mem>>) src(%dma_wait3A_439 : memref<48x128xf32, #tpu.memory_space<vmem>>) dst(%dma_wait3A_435 : memref<48x128xf32, #tpu.memory_space<vmem_shared>>)
    %add3A_440 = arith.constant 528 : i32
    %add3A_441 = arith.addi %mul3A_7, %add3A_440 : i32
    %dma_wait3A_442 = arith.constant 0 : i32
    %dma_wait3A_443 = arith.constant 0 : i32
    %dma_wait3A_444 = arith.constant 0 : i32
    %dma_wait3A_445 = arith.constant 0 : i32
    %dma_wait3A_446 = tpu.memref_slice %arg8[%dma_wait3A_442, %dma_wait3A_444, %dma_wait3A_445] : memref<4x64x128xf32, #tpu.memory_space<vmem>> -> memref<1x48x128xf32, #tpu.memory_space<vmem>>
    %dma_wait3A_447 = tpu.memref_squeeze %dma_wait3A_446 : memref<1x48x128xf32, #tpu.memory_space<vmem>> -> memref<48x128xf32, #tpu.memory_space<vmem>>
    %dma_wait3A_448 = arith.constant 0 : i32
    %dma_wait3A_449 = tpu.memref_slice %arg9[%add3A_441, %dma_wait3A_448] : memref<10000x128xf32, #tpu.memory_space<vmem_shared>> -> memref<48x128xf32, #tpu.memory_space<vmem_shared>>
    %dma_wait3A_450 = tpu.memref_slice %arg11[%dma_wait3A_443] : memref<4x!tpu.dma_semaphore, #tpu.memory_space<semaphore_mem>> -> memref<1x!tpu.dma_semaphore, #tpu.memory_space<semaphore_mem>>
    %dma_wait3A_451 = tpu.memref_squeeze %dma_wait3A_450 : memref<1x!tpu.dma_semaphore, #tpu.memory_space<semaphore_mem>> -> memref<!tpu.dma_semaphore, #tpu.memory_space<semaphore_mem>>
    %dma_wait3A_452 = arith.constant 0 : i32
    %dma_wait3A_453 = tpu.memref_slice %arg9[%add3A_441, %dma_wait3A_452] : memref<10000x128xf32, #tpu.memory_space<vmem_shared>> -> memref<48x128xf32, #tpu.memory_space<vmem_shared>>
    %dma_wait3A_454 = arith.constant 0 : i32
    %dma_wait3A_455 = arith.constant 0 : i32
    %dma_wait3A_456 = tpu.memref_slice %arg8[%dma_wait3A_442, %dma_wait3A_454, %dma_wait3A_455] : memref<4x64x128xf32, #tpu.memory_space<vmem>> -> memref<1x48x128xf32, #tpu.memory_space<vmem>>
    %dma_wait3A_457 = tpu.memref_squeeze %dma_wait3A_456 : memref<1x48x128xf32, #tpu.memory_space<vmem>> -> memref<48x128xf32, #tpu.memory_space<vmem>>
    tpu.wait_dma2 semaphore(%dma_wait3A_451 : memref<!tpu.dma_semaphore, #tpu.memory_space<semaphore_mem>>) src(%dma_wait3A_457 : memref<48x128xf32, #tpu.memory_space<vmem>>) dst(%dma_wait3A_453 : memref<48x128xf32, #tpu.memory_space<vmem_shared>>)
    %add3A_458 = arith.constant 576 : i32
    %add3A_459 = arith.addi %mul3A_7, %add3A_458 : i32
    %dma_wait3A_460 = arith.constant 0 : i32
    %dma_wait3A_461 = arith.constant 0 : i32
    %dma_wait3A_462 = arith.constant 0 : i32
    %dma_wait3A_463 = arith.constant 0 : i32
    %dma_wait3A_464 = tpu.memref_slice %arg8[%dma_wait3A_460, %dma_wait3A_462, %dma_wait3A_463] : memref<4x64x128xf32, #tpu.memory_space<vmem>> -> memref<1x48x128xf32, #tpu.memory_space<vmem>>
    %dma_wait3A_465 = tpu.memref_squeeze %dma_wait3A_464 : memref<1x48x128xf32, #tpu.memory_space<vmem>> -> memref<48x128xf32, #tpu.memory_space<vmem>>
    %dma_wait3A_466 = arith.constant 0 : i32
    %dma_wait3A_467 = tpu.memref_slice %arg9[%add3A_459, %dma_wait3A_466] : memref<10000x128xf32, #tpu.memory_space<vmem_shared>> -> memref<48x128xf32, #tpu.memory_space<vmem_shared>>
    %dma_wait3A_468 = tpu.memref_slice %arg11[%dma_wait3A_461] : memref<4x!tpu.dma_semaphore, #tpu.memory_space<semaphore_mem>> -> memref<1x!tpu.dma_semaphore, #tpu.memory_space<semaphore_mem>>
    %dma_wait3A_469 = tpu.memref_squeeze %dma_wait3A_468 : memref<1x!tpu.dma_semaphore, #tpu.memory_space<semaphore_mem>> -> memref<!tpu.dma_semaphore, #tpu.memory_space<semaphore_mem>>
    %dma_wait3A_470 = arith.constant 0 : i32
    %dma_wait3A_471 = tpu.memref_slice %arg9[%add3A_459, %dma_wait3A_470] : memref<10000x128xf32, #tpu.memory_space<vmem_shared>> -> memref<48x128xf32, #tpu.memory_space<vmem_shared>>
    %dma_wait3A_472 = arith.constant 0 : i32
    %dma_wait3A_473 = arith.constant 0 : i32
    %dma_wait3A_474 = tpu.memref_slice %arg8[%dma_wait3A_460, %dma_wait3A_472, %dma_wait3A_473] : memref<4x64x128xf32, #tpu.memory_space<vmem>> -> memref<1x48x128xf32, #tpu.memory_space<vmem>>
    %dma_wait3A_475 = tpu.memref_squeeze %dma_wait3A_474 : memref<1x48x128xf32, #tpu.memory_space<vmem>> -> memref<48x128xf32, #tpu.memory_space<vmem>>
    tpu.wait_dma2 semaphore(%dma_wait3A_469 : memref<!tpu.dma_semaphore, #tpu.memory_space<semaphore_mem>>) src(%dma_wait3A_475 : memref<48x128xf32, #tpu.memory_space<vmem>>) dst(%dma_wait3A_471 : memref<48x128xf32, #tpu.memory_space<vmem_shared>>)
    %barrier3A = arith.constant 0 : index
    tpu.barrier barrier_id(%barrier3A)
    %mul3A_476 = arith.constant 160 : i32
    %mul3A_477 = arith.muli %add3A, %mul3A_476 : i32
    %add3A_478 = arith.constant 0 : i32
    %add3A_479 = arith.addi %mul3A_477, %add3A_478 : i32
    "tpu.region"() ({
      %run_scoped3A = tpu.sem_alloc : memref<!tpu.dma_semaphore, #tpu.memory_space<semaphore_mem>>
      %dma_start3A_758 = arith.constant 0 : i32
      %dma_start3A_759 = tpu.memref_slice %arg3[%add3A_479, %dma_start3A_758] : memref<5120x64xi32, #tpu.memory_space<hbm>> -> memref<40x64xi32, #tpu.memory_space<hbm>>
      %dma_start3A_760 = arith.constant 0 : i32
      %dma_start3A_761 = tpu.memref_slice %arg3[%add3A_479, %dma_start3A_760] : memref<5120x64xi32, #tpu.memory_space<hbm>> -> memref<40x64xi32, #tpu.memory_space<hbm>>
      tpu.enqueue_dma source(%dma_start3A_761 : memref<40x64xi32, #tpu.memory_space<hbm>>) target(%arg6 : memref<40x64xi32, #tpu.memory_space<vmem>>) target_semaphore(%run_scoped3A : memref<!tpu.dma_semaphore, #tpu.memory_space<semaphore_mem>>)
      %dma_wait3A_762 = arith.constant 0 : i32
      %dma_wait3A_763 = tpu.memref_slice %arg3[%add3A_479, %dma_wait3A_762] : memref<5120x64xi32, #tpu.memory_space<hbm>> -> memref<40x64xi32, #tpu.memory_space<hbm>>
      %dma_wait3A_764 = arith.constant 0 : i32
      %dma_wait3A_765 = tpu.memref_slice %arg3[%add3A_479, %dma_wait3A_764] : memref<5120x64xi32, #tpu.memory_space<hbm>> -> memref<40x64xi32, #tpu.memory_space<hbm>>
      tpu.wait_dma2 semaphore(%run_scoped3A : memref<!tpu.dma_semaphore, #tpu.memory_space<semaphore_mem>>) src(%dma_wait3A_765 : memref<40x64xi32, #tpu.memory_space<hbm>>) dst(%arg6 : memref<40x64xi32, #tpu.memory_space<vmem>>)
      tpu.yield
    }) : () -> ()
    "tpu.region"() ({
      %run_scoped3A = tpu.sem_alloc : memref<!tpu.dma_semaphore, #tpu.memory_space<semaphore_mem>>
      %dma_start3A_758 = arith.constant 0 : i32
      %dma_start3A_759 = tpu.memref_slice %arg4[%add3A_479, %dma_start3A_758] : memref<5120x64xi32, #tpu.memory_space<hbm>> -> memref<40x64xi32, #tpu.memory_space<hbm>>
      %dma_start3A_760 = arith.constant 0 : i32
      %dma_start3A_761 = tpu.memref_slice %arg4[%add3A_479, %dma_start3A_760] : memref<5120x64xi32, #tpu.memory_space<hbm>> -> memref<40x64xi32, #tpu.memory_space<hbm>>
      tpu.enqueue_dma source(%dma_start3A_761 : memref<40x64xi32, #tpu.memory_space<hbm>>) target(%arg7 : memref<40x64xi32, #tpu.memory_space<vmem>>) target_semaphore(%run_scoped3A : memref<!tpu.dma_semaphore, #tpu.memory_space<semaphore_mem>>)
      %dma_wait3A_762 = arith.constant 0 : i32
      %dma_wait3A_763 = tpu.memref_slice %arg4[%add3A_479, %dma_wait3A_762] : memref<5120x64xi32, #tpu.memory_space<hbm>> -> memref<40x64xi32, #tpu.memory_space<hbm>>
      %dma_wait3A_764 = arith.constant 0 : i32
      %dma_wait3A_765 = tpu.memref_slice %arg4[%add3A_479, %dma_wait3A_764] : memref<5120x64xi32, #tpu.memory_space<hbm>> -> memref<40x64xi32, #tpu.memory_space<hbm>>
      tpu.wait_dma2 semaphore(%run_scoped3A : memref<!tpu.dma_semaphore, #tpu.memory_space<semaphore_mem>>) src(%dma_wait3A_765 : memref<40x64xi32, #tpu.memory_space<hbm>>) dst(%arg7 : memref<40x64xi32, #tpu.memory_space<vmem>>)
      tpu.yield
    }) : () -> ()
    %dma_start3A_480 = arith.constant 0 : i32
    %dma_start3A_481 = arith.constant 0 : i32
    %dma_start3A_482 = arith.constant 0 : i32
    %dma_start3A_483 = arith.constant 0 : i32
    %dma_start3A_484 = arith.constant 0 : i32
    %dma_start3A_485 = tpu.memref_slice %arg8[%dma_start3A_481, %dma_start3A_483, %dma_start3A_484] : memref<4x64x128xf32, #tpu.memory_space<vmem>> -> memref<1x64x128xf32, #tpu.memory_space<vmem>>
    %dma_start3A_486 = tpu.memref_squeeze %dma_start3A_485 : memref<1x64x128xf32, #tpu.memory_space<vmem>> -> memref<64x128xf32, #tpu.memory_space<vmem>>
    %dma_start3A_487 = arith.constant 0 : i32
    %dma_start3A_488 = tpu.memref_slice %arg6[%dma_start3A_480, %dma_start3A_487] : memref<40x64xi32, #tpu.memory_space<vmem>> -> memref<1x64xi32, #tpu.memory_space<vmem>>
    %dma_start3A_489 = tpu.memref_squeeze %dma_start3A_488 : memref<1x64xi32, #tpu.memory_space<vmem>> -> memref<64xi32, #tpu.memory_space<vmem>>
    %dma_start3A_490 = arith.constant 0 : i32
    %dma_start3A_491 = arith.constant 0 : i32
    %dma_start3A_492 = tpu.memref_slice %arg2[%dma_start3A_490, %dma_start3A_491] : memref<20096x128xf32, #tpu.memory_space<hbm>> -> memref<20096x128xf32, #tpu.memory_space<hbm>>
    %dma_start3A_493 = tpu.memref_slice %arg10[%dma_start3A_482] : memref<4x!tpu.dma_semaphore, #tpu.memory_space<semaphore_mem>> -> memref<1x!tpu.dma_semaphore, #tpu.memory_space<semaphore_mem>>
    %dma_start3A_494 = tpu.memref_squeeze %dma_start3A_493 : memref<1x!tpu.dma_semaphore, #tpu.memory_space<semaphore_mem>> -> memref<!tpu.dma_semaphore, #tpu.memory_space<semaphore_mem>>
    tpu.enqueue_indirect_dma source(%dma_start3A_492 : memref<20096x128xf32, #tpu.memory_space<hbm>>) target(%dma_start3A_486 : memref<64x128xf32, #tpu.memory_space<vmem>>) offsets(%dma_start3A_489 : memref<64xi32, #tpu.memory_space<vmem>>) semaphore(%dma_start3A_494 : memref<!tpu.dma_semaphore, #tpu.memory_space<semaphore_mem>>)
    %dma_start3A_495 = arith.constant 1 : i32
    %dma_start3A_496 = arith.constant 1 : i32
    %dma_start3A_497 = arith.constant 1 : i32
    %dma_start3A_498 = arith.constant 0 : i32
    %dma_start3A_499 = arith.constant 0 : i32
    %dma_start3A_500 = tpu.memref_slice %arg8[%dma_start3A_496, %dma_start3A_498, %dma_start3A_499] : memref<4x64x128xf32, #tpu.memory_space<vmem>> -> memref<1x64x128xf32, #tpu.memory_space<vmem>>
    %dma_start3A_501 = tpu.memref_squeeze %dma_start3A_500 : memref<1x64x128xf32, #tpu.memory_space<vmem>> -> memref<64x128xf32, #tpu.memory_space<vmem>>
    %dma_start3A_502 = arith.constant 0 : i32
    %dma_start3A_503 = tpu.memref_slice %arg6[%dma_start3A_495, %dma_start3A_502] : memref<40x64xi32, #tpu.memory_space<vmem>> -> memref<1x64xi32, #tpu.memory_space<vmem>>
    %dma_start3A_504 = tpu.memref_squeeze %dma_start3A_503 : memref<1x64xi32, #tpu.memory_space<vmem>> -> memref<64xi32, #tpu.memory_space<vmem>>
    %dma_start3A_505 = arith.constant 0 : i32
    %dma_start3A_506 = arith.constant 0 : i32
    %dma_start3A_507 = tpu.memref_slice %arg2[%dma_start3A_505, %dma_start3A_506] : memref<20096x128xf32, #tpu.memory_space<hbm>> -> memref<20096x128xf32, #tpu.memory_space<hbm>>
    %dma_start3A_508 = tpu.memref_slice %arg10[%dma_start3A_497] : memref<4x!tpu.dma_semaphore, #tpu.memory_space<semaphore_mem>> -> memref<1x!tpu.dma_semaphore, #tpu.memory_space<semaphore_mem>>
    %dma_start3A_509 = tpu.memref_squeeze %dma_start3A_508 : memref<1x!tpu.dma_semaphore, #tpu.memory_space<semaphore_mem>> -> memref<!tpu.dma_semaphore, #tpu.memory_space<semaphore_mem>>
    tpu.enqueue_indirect_dma source(%dma_start3A_507 : memref<20096x128xf32, #tpu.memory_space<hbm>>) target(%dma_start3A_501 : memref<64x128xf32, #tpu.memory_space<vmem>>) offsets(%dma_start3A_504 : memref<64xi32, #tpu.memory_space<vmem>>) semaphore(%dma_start3A_509 : memref<!tpu.dma_semaphore, #tpu.memory_space<semaphore_mem>>)
    %dma_start3A_510 = arith.constant 2 : i32
    %dma_start3A_511 = arith.constant 2 : i32
    %dma_start3A_512 = arith.constant 2 : i32
    %dma_start3A_513 = arith.constant 0 : i32
    %dma_start3A_514 = arith.constant 0 : i32
    %dma_start3A_515 = tpu.memref_slice %arg8[%dma_start3A_511, %dma_start3A_513, %dma_start3A_514] : memref<4x64x128xf32, #tpu.memory_space<vmem>> -> memref<1x64x128xf32, #tpu.memory_space<vmem>>
    %dma_start3A_516 = tpu.memref_squeeze %dma_start3A_515 : memref<1x64x128xf32, #tpu.memory_space<vmem>> -> memref<64x128xf32, #tpu.memory_space<vmem>>
    %dma_start3A_517 = arith.constant 0 : i32
    %dma_start3A_518 = tpu.memref_slice %arg6[%dma_start3A_510, %dma_start3A_517] : memref<40x64xi32, #tpu.memory_space<vmem>> -> memref<1x64xi32, #tpu.memory_space<vmem>>
    %dma_start3A_519 = tpu.memref_squeeze %dma_start3A_518 : memref<1x64xi32, #tpu.memory_space<vmem>> -> memref<64xi32, #tpu.memory_space<vmem>>
    %dma_start3A_520 = arith.constant 0 : i32
    %dma_start3A_521 = arith.constant 0 : i32
    %dma_start3A_522 = tpu.memref_slice %arg2[%dma_start3A_520, %dma_start3A_521] : memref<20096x128xf32, #tpu.memory_space<hbm>> -> memref<20096x128xf32, #tpu.memory_space<hbm>>
    %dma_start3A_523 = tpu.memref_slice %arg10[%dma_start3A_512] : memref<4x!tpu.dma_semaphore, #tpu.memory_space<semaphore_mem>> -> memref<1x!tpu.dma_semaphore, #tpu.memory_space<semaphore_mem>>
    %dma_start3A_524 = tpu.memref_squeeze %dma_start3A_523 : memref<1x!tpu.dma_semaphore, #tpu.memory_space<semaphore_mem>> -> memref<!tpu.dma_semaphore, #tpu.memory_space<semaphore_mem>>
    tpu.enqueue_indirect_dma source(%dma_start3A_522 : memref<20096x128xf32, #tpu.memory_space<hbm>>) target(%dma_start3A_516 : memref<64x128xf32, #tpu.memory_space<vmem>>) offsets(%dma_start3A_519 : memref<64xi32, #tpu.memory_space<vmem>>) semaphore(%dma_start3A_524 : memref<!tpu.dma_semaphore, #tpu.memory_space<semaphore_mem>>)
    %dma_start3A_525 = arith.constant 3 : i32
    %dma_start3A_526 = arith.constant 3 : i32
    %dma_start3A_527 = arith.constant 3 : i32
    %dma_start3A_528 = arith.constant 0 : i32
    %dma_start3A_529 = arith.constant 0 : i32
    %dma_start3A_530 = tpu.memref_slice %arg8[%dma_start3A_526, %dma_start3A_528, %dma_start3A_529] : memref<4x64x128xf32, #tpu.memory_space<vmem>> -> memref<1x64x128xf32, #tpu.memory_space<vmem>>
    %dma_start3A_531 = tpu.memref_squeeze %dma_start3A_530 : memref<1x64x128xf32, #tpu.memory_space<vmem>> -> memref<64x128xf32, #tpu.memory_space<vmem>>
    %dma_start3A_532 = arith.constant 0 : i32
    %dma_start3A_533 = tpu.memref_slice %arg6[%dma_start3A_525, %dma_start3A_532] : memref<40x64xi32, #tpu.memory_space<vmem>> -> memref<1x64xi32, #tpu.memory_space<vmem>>
    %dma_start3A_534 = tpu.memref_squeeze %dma_start3A_533 : memref<1x64xi32, #tpu.memory_space<vmem>> -> memref<64xi32, #tpu.memory_space<vmem>>
    %dma_start3A_535 = arith.constant 0 : i32
    %dma_start3A_536 = arith.constant 0 : i32
    %dma_start3A_537 = tpu.memref_slice %arg2[%dma_start3A_535, %dma_start3A_536] : memref<20096x128xf32, #tpu.memory_space<hbm>> -> memref<20096x128xf32, #tpu.memory_space<hbm>>
    %dma_start3A_538 = tpu.memref_slice %arg10[%dma_start3A_527] : memref<4x!tpu.dma_semaphore, #tpu.memory_space<semaphore_mem>> -> memref<1x!tpu.dma_semaphore, #tpu.memory_space<semaphore_mem>>
    %dma_start3A_539 = tpu.memref_squeeze %dma_start3A_538 : memref<1x!tpu.dma_semaphore, #tpu.memory_space<semaphore_mem>> -> memref<!tpu.dma_semaphore, #tpu.memory_space<semaphore_mem>>
    tpu.enqueue_indirect_dma source(%dma_start3A_537 : memref<20096x128xf32, #tpu.memory_space<hbm>>) target(%dma_start3A_531 : memref<64x128xf32, #tpu.memory_space<vmem>>) offsets(%dma_start3A_534 : memref<64xi32, #tpu.memory_space<vmem>>) semaphore(%dma_start3A_539 : memref<!tpu.dma_semaphore, #tpu.memory_space<semaphore_mem>>)
    %scan3A_540 = arith.constant 0 : i32
    %scan3A_541 = arith.constant 10 : i32
    %scan3A_542 = arith.addi %scan3A_540, %scan3A_541 : i32
    %scan3A_543 = arith.constant 1 : i32
    scf.for %scan3A_758 = %scan3A_540 to %scan3A_542 step %scan3A_543  : i32 {
      %mul3A_759 = arith.constant 4 : i32
      %mul3A_760 = arith.muli %scan3A_758, %mul3A_759 : i32
      %add3A_761 = arith.constant 0 : i32
      %add3A_762 = arith.addi %mul3A_760, %add3A_761 : i32
      %dma_wait3A_763 = arith.constant 0 : i32
      %dma_wait3A_764 = arith.constant 0 : i32
      %dma_wait3A_765 = arith.constant 0 : i32
      %dma_wait3A_766 = arith.constant 0 : i32
      %dma_wait3A_767 = tpu.memref_slice %arg8[%dma_wait3A_763, %dma_wait3A_765, %dma_wait3A_766] : memref<4x64x128xf32, #tpu.memory_space<vmem>> -> memref<1x64x128xf32, #tpu.memory_space<vmem>>
      %dma_wait3A_768 = tpu.memref_squeeze %dma_wait3A_767 : memref<1x64x128xf32, #tpu.memory_space<vmem>> -> memref<64x128xf32, #tpu.memory_space<vmem>>
      %dma_wait3A_769 = arith.constant 0 : i32
      %dma_wait3A_770 = tpu.memref_slice %arg6[%add3A_762, %dma_wait3A_769] : memref<40x64xi32, #tpu.memory_space<vmem>> -> memref<1x64xi32, #tpu.memory_space<vmem>>
      %dma_wait3A_771 = tpu.memref_squeeze %dma_wait3A_770 : memref<1x64xi32, #tpu.memory_space<vmem>> -> memref<64xi32, #tpu.memory_space<vmem>>
      %dma_wait3A_772 = arith.constant 0 : i32
      %dma_wait3A_773 = arith.constant 0 : i32
      %dma_wait3A_774 = tpu.memref_slice %arg2[%dma_wait3A_772, %dma_wait3A_773] : memref<20096x128xf32, #tpu.memory_space<hbm>> -> memref<20096x128xf32, #tpu.memory_space<hbm>>
      %dma_wait3A_775 = tpu.memref_slice %arg10[%dma_wait3A_764] : memref<4x!tpu.dma_semaphore, #tpu.memory_space<semaphore_mem>> -> memref<1x!tpu.dma_semaphore, #tpu.memory_space<semaphore_mem>>
      %dma_wait3A_776 = tpu.memref_squeeze %dma_wait3A_775 : memref<1x!tpu.dma_semaphore, #tpu.memory_space<semaphore_mem>> -> memref<!tpu.dma_semaphore, #tpu.memory_space<semaphore_mem>>
      tpu.wait_indirect_dma semaphore(%dma_wait3A_776 : memref<!tpu.dma_semaphore, #tpu.memory_space<semaphore_mem>>) src(%dma_wait3A_774 : memref<20096x128xf32, #tpu.memory_space<hbm>>) dst(%dma_wait3A_768 : memref<64x128xf32, #tpu.memory_space<vmem>>)
      %dma_start3A_777 = arith.constant 0 : i32
      %dma_start3A_778 = arith.constant 0 : i32
      %dma_start3A_779 = arith.constant 0 : i32
      %dma_start3A_780 = arith.constant 0 : i32
      %dma_start3A_781 = tpu.memref_slice %arg8[%dma_start3A_777, %dma_start3A_779, %dma_start3A_780] : memref<4x64x128xf32, #tpu.memory_space<vmem>> -> memref<1x64x128xf32, #tpu.memory_space<vmem>>
      %dma_start3A_782 = tpu.memref_squeeze %dma_start3A_781 : memref<1x64x128xf32, #tpu.memory_space<vmem>> -> memref<64x128xf32, #tpu.memory_space<vmem>>
      %dma_start3A_783 = arith.constant 0 : i32
      %dma_start3A_784 = tpu.memref_slice %arg7[%add3A_762, %dma_start3A_783] : memref<40x64xi32, #tpu.memory_space<vmem>> -> memref<1x64xi32, #tpu.memory_space<vmem>>
      %dma_start3A_785 = tpu.memref_squeeze %dma_start3A_784 : memref<1x64xi32, #tpu.memory_space<vmem>> -> memref<64xi32, #tpu.memory_space<vmem>>
      %dma_start3A_786 = arith.constant 0 : i32
      %dma_start3A_787 = arith.constant 0 : i32
      %dma_start3A_788 = tpu.memref_slice %arg9[%dma_start3A_786, %dma_start3A_787] : memref<10000x128xf32, #tpu.memory_space<vmem_shared>> -> memref<10000x128xf32, #tpu.memory_space<vmem_shared>>
      %dma_start3A_789 = tpu.memref_slice %arg11[%dma_start3A_778] : memref<4x!tpu.dma_semaphore, #tpu.memory_space<semaphore_mem>> -> memref<1x!tpu.dma_semaphore, #tpu.memory_space<semaphore_mem>>
      %dma_start3A_790 = tpu.memref_squeeze %dma_start3A_789 : memref<1x!tpu.dma_semaphore, #tpu.memory_space<semaphore_mem>> -> memref<!tpu.dma_semaphore, #tpu.memory_space<semaphore_mem>>
      tpu.enqueue_indirect_dma source(%dma_start3A_782 : memref<64x128xf32, #tpu.memory_space<vmem>>) target(%dma_start3A_788 : memref<10000x128xf32, #tpu.memory_space<vmem_shared>>) offsets(%dma_start3A_785 : memref<64xi32, #tpu.memory_space<vmem>>) semaphore(%dma_start3A_790 : memref<!tpu.dma_semaphore, #tpu.memory_space<semaphore_mem>>) {add = true}
      %add3A_791 = arith.constant 1 : i32
      %add3A_792 = arith.addi %mul3A_760, %add3A_791 : i32
      %dma_wait3A_793 = arith.constant 1 : i32
      %dma_wait3A_794 = arith.constant 1 : i32
      %dma_wait3A_795 = arith.constant 0 : i32
      %dma_wait3A_796 = arith.constant 0 : i32
      %dma_wait3A_797 = tpu.memref_slice %arg8[%dma_wait3A_793, %dma_wait3A_795, %dma_wait3A_796] : memref<4x64x128xf32, #tpu.memory_space<vmem>> -> memref<1x64x128xf32, #tpu.memory_space<vmem>>
      %dma_wait3A_798 = tpu.memref_squeeze %dma_wait3A_797 : memref<1x64x128xf32, #tpu.memory_space<vmem>> -> memref<64x128xf32, #tpu.memory_space<vmem>>
      %dma_wait3A_799 = arith.constant 0 : i32
      %dma_wait3A_800 = tpu.memref_slice %arg6[%add3A_792, %dma_wait3A_799] : memref<40x64xi32, #tpu.memory_space<vmem>> -> memref<1x64xi32, #tpu.memory_space<vmem>>
      %dma_wait3A_801 = tpu.memref_squeeze %dma_wait3A_800 : memref<1x64xi32, #tpu.memory_space<vmem>> -> memref<64xi32, #tpu.memory_space<vmem>>
      %dma_wait3A_802 = arith.constant 0 : i32
      %dma_wait3A_803 = arith.constant 0 : i32
      %dma_wait3A_804 = tpu.memref_slice %arg2[%dma_wait3A_802, %dma_wait3A_803] : memref<20096x128xf32, #tpu.memory_space<hbm>> -> memref<20096x128xf32, #tpu.memory_space<hbm>>
      %dma_wait3A_805 = tpu.memref_slice %arg10[%dma_wait3A_794] : memref<4x!tpu.dma_semaphore, #tpu.memory_space<semaphore_mem>> -> memref<1x!tpu.dma_semaphore, #tpu.memory_space<semaphore_mem>>
      %dma_wait3A_806 = tpu.memref_squeeze %dma_wait3A_805 : memref<1x!tpu.dma_semaphore, #tpu.memory_space<semaphore_mem>> -> memref<!tpu.dma_semaphore, #tpu.memory_space<semaphore_mem>>
      tpu.wait_indirect_dma semaphore(%dma_wait3A_806 : memref<!tpu.dma_semaphore, #tpu.memory_space<semaphore_mem>>) src(%dma_wait3A_804 : memref<20096x128xf32, #tpu.memory_space<hbm>>) dst(%dma_wait3A_798 : memref<64x128xf32, #tpu.memory_space<vmem>>)
      %dma_start3A_807 = arith.constant 1 : i32
      %dma_start3A_808 = arith.constant 1 : i32
      %dma_start3A_809 = arith.constant 0 : i32
      %dma_start3A_810 = arith.constant 0 : i32
      %dma_start3A_811 = tpu.memref_slice %arg8[%dma_start3A_807, %dma_start3A_809, %dma_start3A_810] : memref<4x64x128xf32, #tpu.memory_space<vmem>> -> memref<1x64x128xf32, #tpu.memory_space<vmem>>
      %dma_start3A_812 = tpu.memref_squeeze %dma_start3A_811 : memref<1x64x128xf32, #tpu.memory_space<vmem>> -> memref<64x128xf32, #tpu.memory_space<vmem>>
      %dma_start3A_813 = arith.constant 0 : i32
      %dma_start3A_814 = tpu.memref_slice %arg7[%add3A_792, %dma_start3A_813] : memref<40x64xi32, #tpu.memory_space<vmem>> -> memref<1x64xi32, #tpu.memory_space<vmem>>
      %dma_start3A_815 = tpu.memref_squeeze %dma_start3A_814 : memref<1x64xi32, #tpu.memory_space<vmem>> -> memref<64xi32, #tpu.memory_space<vmem>>
      %dma_start3A_816 = arith.constant 0 : i32
      %dma_start3A_817 = arith.constant 0 : i32
      %dma_start3A_818 = tpu.memref_slice %arg9[%dma_start3A_816, %dma_start3A_817] : memref<10000x128xf32, #tpu.memory_space<vmem_shared>> -> memref<10000x128xf32, #tpu.memory_space<vmem_shared>>
      %dma_start3A_819 = tpu.memref_slice %arg11[%dma_start3A_808] : memref<4x!tpu.dma_semaphore, #tpu.memory_space<semaphore_mem>> -> memref<1x!tpu.dma_semaphore, #tpu.memory_space<semaphore_mem>>
      %dma_start3A_820 = tpu.memref_squeeze %dma_start3A_819 : memref<1x!tpu.dma_semaphore, #tpu.memory_space<semaphore_mem>> -> memref<!tpu.dma_semaphore, #tpu.memory_space<semaphore_mem>>
      tpu.enqueue_indirect_dma source(%dma_start3A_812 : memref<64x128xf32, #tpu.memory_space<vmem>>) target(%dma_start3A_818 : memref<10000x128xf32, #tpu.memory_space<vmem_shared>>) offsets(%dma_start3A_815 : memref<64xi32, #tpu.memory_space<vmem>>) semaphore(%dma_start3A_820 : memref<!tpu.dma_semaphore, #tpu.memory_space<semaphore_mem>>) {add = true}
      %add3A_821 = arith.constant 2 : i32
      %add3A_822 = arith.addi %mul3A_760, %add3A_821 : i32
      %dma_wait3A_823 = arith.constant 2 : i32
      %dma_wait3A_824 = arith.constant 2 : i32
      %dma_wait3A_825 = arith.constant 0 : i32
      %dma_wait3A_826 = arith.constant 0 : i32
      %dma_wait3A_827 = tpu.memref_slice %arg8[%dma_wait3A_823, %dma_wait3A_825, %dma_wait3A_826] : memref<4x64x128xf32, #tpu.memory_space<vmem>> -> memref<1x64x128xf32, #tpu.memory_space<vmem>>
      %dma_wait3A_828 = tpu.memref_squeeze %dma_wait3A_827 : memref<1x64x128xf32, #tpu.memory_space<vmem>> -> memref<64x128xf32, #tpu.memory_space<vmem>>
      %dma_wait3A_829 = arith.constant 0 : i32
      %dma_wait3A_830 = tpu.memref_slice %arg6[%add3A_822, %dma_wait3A_829] : memref<40x64xi32, #tpu.memory_space<vmem>> -> memref<1x64xi32, #tpu.memory_space<vmem>>
      %dma_wait3A_831 = tpu.memref_squeeze %dma_wait3A_830 : memref<1x64xi32, #tpu.memory_space<vmem>> -> memref<64xi32, #tpu.memory_space<vmem>>
      %dma_wait3A_832 = arith.constant 0 : i32
      %dma_wait3A_833 = arith.constant 0 : i32
      %dma_wait3A_834 = tpu.memref_slice %arg2[%dma_wait3A_832, %dma_wait3A_833] : memref<20096x128xf32, #tpu.memory_space<hbm>> -> memref<20096x128xf32, #tpu.memory_space<hbm>>
      %dma_wait3A_835 = tpu.memref_slice %arg10[%dma_wait3A_824] : memref<4x!tpu.dma_semaphore, #tpu.memory_space<semaphore_mem>> -> memref<1x!tpu.dma_semaphore, #tpu.memory_space<semaphore_mem>>
      %dma_wait3A_836 = tpu.memref_squeeze %dma_wait3A_835 : memref<1x!tpu.dma_semaphore, #tpu.memory_space<semaphore_mem>> -> memref<!tpu.dma_semaphore, #tpu.memory_space<semaphore_mem>>
      tpu.wait_indirect_dma semaphore(%dma_wait3A_836 : memref<!tpu.dma_semaphore, #tpu.memory_space<semaphore_mem>>) src(%dma_wait3A_834 : memref<20096x128xf32, #tpu.memory_space<hbm>>) dst(%dma_wait3A_828 : memref<64x128xf32, #tpu.memory_space<vmem>>)
      %dma_start3A_837 = arith.constant 2 : i32
      %dma_start3A_838 = arith.constant 2 : i32
      %dma_start3A_839 = arith.constant 0 : i32
      %dma_start3A_840 = arith.constant 0 : i32
      %dma_start3A_841 = tpu.memref_slice %arg8[%dma_start3A_837, %dma_start3A_839, %dma_start3A_840] : memref<4x64x128xf32, #tpu.memory_space<vmem>> -> memref<1x64x128xf32, #tpu.memory_space<vmem>>
      %dma_start3A_842 = tpu.memref_squeeze %dma_start3A_841 : memref<1x64x128xf32, #tpu.memory_space<vmem>> -> memref<64x128xf32, #tpu.memory_space<vmem>>
      %dma_start3A_843 = arith.constant 0 : i32
      %dma_start3A_844 = tpu.memref_slice %arg7[%add3A_822, %dma_start3A_843] : memref<40x64xi32, #tpu.memory_space<vmem>> -> memref<1x64xi32, #tpu.memory_space<vmem>>
      %dma_start3A_845 = tpu.memref_squeeze %dma_start3A_844 : memref<1x64xi32, #tpu.memory_space<vmem>> -> memref<64xi32, #tpu.memory_space<vmem>>
      %dma_start3A_846 = arith.constant 0 : i32
      %dma_start3A_847 = arith.constant 0 : i32
      %dma_start3A_848 = tpu.memref_slice %arg9[%dma_start3A_846, %dma_start3A_847] : memref<10000x128xf32, #tpu.memory_space<vmem_shared>> -> memref<10000x128xf32, #tpu.memory_space<vmem_shared>>
      %dma_start3A_849 = tpu.memref_slice %arg11[%dma_start3A_838] : memref<4x!tpu.dma_semaphore, #tpu.memory_space<semaphore_mem>> -> memref<1x!tpu.dma_semaphore, #tpu.memory_space<semaphore_mem>>
      %dma_start3A_850 = tpu.memref_squeeze %dma_start3A_849 : memref<1x!tpu.dma_semaphore, #tpu.memory_space<semaphore_mem>> -> memref<!tpu.dma_semaphore, #tpu.memory_space<semaphore_mem>>
      tpu.enqueue_indirect_dma source(%dma_start3A_842 : memref<64x128xf32, #tpu.memory_space<vmem>>) target(%dma_start3A_848 : memref<10000x128xf32, #tpu.memory_space<vmem_shared>>) offsets(%dma_start3A_845 : memref<64xi32, #tpu.memory_space<vmem>>) semaphore(%dma_start3A_850 : memref<!tpu.dma_semaphore, #tpu.memory_space<semaphore_mem>>) {add = true}
      %add3A_851 = arith.constant 3 : i32
      %add3A_852 = arith.addi %mul3A_760, %add3A_851 : i32
      %dma_wait3A_853 = arith.constant 3 : i32
      %dma_wait3A_854 = arith.constant 3 : i32
      %dma_wait3A_855 = arith.constant 0 : i32
      %dma_wait3A_856 = arith.constant 0 : i32
      %dma_wait3A_857 = tpu.memref_slice %arg8[%dma_wait3A_853, %dma_wait3A_855, %dma_wait3A_856] : memref<4x64x128xf32, #tpu.memory_space<vmem>> -> memref<1x64x128xf32, #tpu.memory_space<vmem>>
      %dma_wait3A_858 = tpu.memref_squeeze %dma_wait3A_857 : memref<1x64x128xf32, #tpu.memory_space<vmem>> -> memref<64x128xf32, #tpu.memory_space<vmem>>
      %dma_wait3A_859 = arith.constant 0 : i32
      %dma_wait3A_860 = tpu.memref_slice %arg6[%add3A_852, %dma_wait3A_859] : memref<40x64xi32, #tpu.memory_space<vmem>> -> memref<1x64xi32, #tpu.memory_space<vmem>>
      %dma_wait3A_861 = tpu.memref_squeeze %dma_wait3A_860 : memref<1x64xi32, #tpu.memory_space<vmem>> -> memref<64xi32, #tpu.memory_space<vmem>>
      %dma_wait3A_862 = arith.constant 0 : i32
      %dma_wait3A_863 = arith.constant 0 : i32
      %dma_wait3A_864 = tpu.memref_slice %arg2[%dma_wait3A_862, %dma_wait3A_863] : memref<20096x128xf32, #tpu.memory_space<hbm>> -> memref<20096x128xf32, #tpu.memory_space<hbm>>
      %dma_wait3A_865 = tpu.memref_slice %arg10[%dma_wait3A_854] : memref<4x!tpu.dma_semaphore, #tpu.memory_space<semaphore_mem>> -> memref<1x!tpu.dma_semaphore, #tpu.memory_space<semaphore_mem>>
      %dma_wait3A_866 = tpu.memref_squeeze %dma_wait3A_865 : memref<1x!tpu.dma_semaphore, #tpu.memory_space<semaphore_mem>> -> memref<!tpu.dma_semaphore, #tpu.memory_space<semaphore_mem>>
      tpu.wait_indirect_dma semaphore(%dma_wait3A_866 : memref<!tpu.dma_semaphore, #tpu.memory_space<semaphore_mem>>) src(%dma_wait3A_864 : memref<20096x128xf32, #tpu.memory_space<hbm>>) dst(%dma_wait3A_858 : memref<64x128xf32, #tpu.memory_space<vmem>>)
      %dma_start3A_867 = arith.constant 3 : i32
      %dma_start3A_868 = arith.constant 3 : i32
      %dma_start3A_869 = arith.constant 0 : i32
      %dma_start3A_870 = arith.constant 0 : i32
      %dma_start3A_871 = tpu.memref_slice %arg8[%dma_start3A_867, %dma_start3A_869, %dma_start3A_870] : memref<4x64x128xf32, #tpu.memory_space<vmem>> -> memref<1x64x128xf32, #tpu.memory_space<vmem>>
      %dma_start3A_872 = tpu.memref_squeeze %dma_start3A_871 : memref<1x64x128xf32, #tpu.memory_space<vmem>> -> memref<64x128xf32, #tpu.memory_space<vmem>>
      %dma_start3A_873 = arith.constant 0 : i32
      %dma_start3A_874 = tpu.memref_slice %arg7[%add3A_852, %dma_start3A_873] : memref<40x64xi32, #tpu.memory_space<vmem>> -> memref<1x64xi32, #tpu.memory_space<vmem>>
      %dma_start3A_875 = tpu.memref_squeeze %dma_start3A_874 : memref<1x64xi32, #tpu.memory_space<vmem>> -> memref<64xi32, #tpu.memory_space<vmem>>
      %dma_start3A_876 = arith.constant 0 : i32
      %dma_start3A_877 = arith.constant 0 : i32
      %dma_start3A_878 = tpu.memref_slice %arg9[%dma_start3A_876, %dma_start3A_877] : memref<10000x128xf32, #tpu.memory_space<vmem_shared>> -> memref<10000x128xf32, #tpu.memory_space<vmem_shared>>
      %dma_start3A_879 = tpu.memref_slice %arg11[%dma_start3A_868] : memref<4x!tpu.dma_semaphore, #tpu.memory_space<semaphore_mem>> -> memref<1x!tpu.dma_semaphore, #tpu.memory_space<semaphore_mem>>
      %dma_start3A_880 = tpu.memref_squeeze %dma_start3A_879 : memref<1x!tpu.dma_semaphore, #tpu.memory_space<semaphore_mem>> -> memref<!tpu.dma_semaphore, #tpu.memory_space<semaphore_mem>>
      tpu.enqueue_indirect_dma source(%dma_start3A_872 : memref<64x128xf32, #tpu.memory_space<vmem>>) target(%dma_start3A_878 : memref<10000x128xf32, #tpu.memory_space<vmem_shared>>) offsets(%dma_start3A_875 : memref<64xi32, #tpu.memory_space<vmem>>) semaphore(%dma_start3A_880 : memref<!tpu.dma_semaphore, #tpu.memory_space<semaphore_mem>>) {add = true}
      %add3A_881 = arith.constant 0 : i32
      %add3A_882 = arith.addi %mul3A_760, %add3A_881 : i32
      %dma_wait3A_883 = arith.constant 0 : i32
      %dma_wait3A_884 = arith.constant 0 : i32
      %dma_wait3A_885 = arith.constant 0 : i32
      %dma_wait3A_886 = arith.constant 0 : i32
      %dma_wait3A_887 = tpu.memref_slice %arg8[%dma_wait3A_883, %dma_wait3A_885, %dma_wait3A_886] : memref<4x64x128xf32, #tpu.memory_space<vmem>> -> memref<1x64x128xf32, #tpu.memory_space<vmem>>
      %dma_wait3A_888 = tpu.memref_squeeze %dma_wait3A_887 : memref<1x64x128xf32, #tpu.memory_space<vmem>> -> memref<64x128xf32, #tpu.memory_space<vmem>>
      %dma_wait3A_889 = arith.constant 0 : i32
      %dma_wait3A_890 = tpu.memref_slice %arg7[%add3A_882, %dma_wait3A_889] : memref<40x64xi32, #tpu.memory_space<vmem>> -> memref<1x64xi32, #tpu.memory_space<vmem>>
      %dma_wait3A_891 = tpu.memref_squeeze %dma_wait3A_890 : memref<1x64xi32, #tpu.memory_space<vmem>> -> memref<64xi32, #tpu.memory_space<vmem>>
      %dma_wait3A_892 = arith.constant 0 : i32
      %dma_wait3A_893 = arith.constant 0 : i32
      %dma_wait3A_894 = tpu.memref_slice %arg9[%dma_wait3A_892, %dma_wait3A_893] : memref<10000x128xf32, #tpu.memory_space<vmem_shared>> -> memref<10000x128xf32, #tpu.memory_space<vmem_shared>>
      %dma_wait3A_895 = tpu.memref_slice %arg11[%dma_wait3A_884] : memref<4x!tpu.dma_semaphore, #tpu.memory_space<semaphore_mem>> -> memref<1x!tpu.dma_semaphore, #tpu.memory_space<semaphore_mem>>
      %dma_wait3A_896 = tpu.memref_squeeze %dma_wait3A_895 : memref<1x!tpu.dma_semaphore, #tpu.memory_space<semaphore_mem>> -> memref<!tpu.dma_semaphore, #tpu.memory_space<semaphore_mem>>
      tpu.wait_indirect_dma semaphore(%dma_wait3A_896 : memref<!tpu.dma_semaphore, #tpu.memory_space<semaphore_mem>>) src(%dma_wait3A_888 : memref<64x128xf32, #tpu.memory_space<vmem>>) dst(%dma_wait3A_894 : memref<10000x128xf32, #tpu.memory_space<vmem_shared>>)
      %lt3A = arith.constant 9 : i32
      %lt3A_897 = arith.cmpi slt, %scan3A_758, %lt3A : i32
      %convert_element_type3A_898 = arith.extui %lt3A_897 : i1 to i32
      %cond3A_899 = arith.constant 0 : i32
      %cond3A_900 = arith.cmpi ne, %convert_element_type3A_898, %cond3A_899 : i32
      scf.if %cond3A_900 {
        %add3A_964 = arith.constant 4 : i32
        %add3A_965 = arith.addi %add3A_882, %add3A_964 : i32
        %dma_start3A_966 = arith.constant 0 : i32
        %dma_start3A_967 = arith.constant 0 : i32
        %dma_start3A_968 = arith.constant 0 : i32
        %dma_start3A_969 = arith.constant 0 : i32
        %dma_start3A_970 = tpu.memref_slice %arg8[%dma_start3A_966, %dma_start3A_968, %dma_start3A_969] : memref<4x64x128xf32, #tpu.memory_space<vmem>> -> memref<1x64x128xf32, #tpu.memory_space<vmem>>
        %dma_start3A_971 = tpu.memref_squeeze %dma_start3A_970 : memref<1x64x128xf32, #tpu.memory_space<vmem>> -> memref<64x128xf32, #tpu.memory_space<vmem>>
        %dma_start3A_972 = arith.constant 0 : i32
        %dma_start3A_973 = tpu.memref_slice %arg6[%add3A_965, %dma_start3A_972] : memref<40x64xi32, #tpu.memory_space<vmem>> -> memref<1x64xi32, #tpu.memory_space<vmem>>
        %dma_start3A_974 = tpu.memref_squeeze %dma_start3A_973 : memref<1x64xi32, #tpu.memory_space<vmem>> -> memref<64xi32, #tpu.memory_space<vmem>>
        %dma_start3A_975 = arith.constant 0 : i32
        %dma_start3A_976 = arith.constant 0 : i32
        %dma_start3A_977 = tpu.memref_slice %arg2[%dma_start3A_975, %dma_start3A_976] : memref<20096x128xf32, #tpu.memory_space<hbm>> -> memref<20096x128xf32, #tpu.memory_space<hbm>>
        %dma_start3A_978 = tpu.memref_slice %arg10[%dma_start3A_967] : memref<4x!tpu.dma_semaphore, #tpu.memory_space<semaphore_mem>> -> memref<1x!tpu.dma_semaphore, #tpu.memory_space<semaphore_mem>>
        %dma_start3A_979 = tpu.memref_squeeze %dma_start3A_978 : memref<1x!tpu.dma_semaphore, #tpu.memory_space<semaphore_mem>> -> memref<!tpu.dma_semaphore, #tpu.memory_space<semaphore_mem>>
        tpu.enqueue_indirect_dma source(%dma_start3A_977 : memref<20096x128xf32, #tpu.memory_space<hbm>>) target(%dma_start3A_971 : memref<64x128xf32, #tpu.memory_space<vmem>>) offsets(%dma_start3A_974 : memref<64xi32, #tpu.memory_space<vmem>>) semaphore(%dma_start3A_979 : memref<!tpu.dma_semaphore, #tpu.memory_space<semaphore_mem>>)
      } else {
      }
      %add3A_901 = arith.constant 1 : i32
      %add3A_902 = arith.addi %mul3A_760, %add3A_901 : i32
      %dma_wait3A_903 = arith.constant 1 : i32
      %dma_wait3A_904 = arith.constant 1 : i32
      %dma_wait3A_905 = arith.constant 0 : i32
      %dma_wait3A_906 = arith.constant 0 : i32
      %dma_wait3A_907 = tpu.memref_slice %arg8[%dma_wait3A_903, %dma_wait3A_905, %dma_wait3A_906] : memref<4x64x128xf32, #tpu.memory_space<vmem>> -> memref<1x64x128xf32, #tpu.memory_space<vmem>>
      %dma_wait3A_908 = tpu.memref_squeeze %dma_wait3A_907 : memref<1x64x128xf32, #tpu.memory_space<vmem>> -> memref<64x128xf32, #tpu.memory_space<vmem>>
      %dma_wait3A_909 = arith.constant 0 : i32
      %dma_wait3A_910 = tpu.memref_slice %arg7[%add3A_902, %dma_wait3A_909] : memref<40x64xi32, #tpu.memory_space<vmem>> -> memref<1x64xi32, #tpu.memory_space<vmem>>
      %dma_wait3A_911 = tpu.memref_squeeze %dma_wait3A_910 : memref<1x64xi32, #tpu.memory_space<vmem>> -> memref<64xi32, #tpu.memory_space<vmem>>
      %dma_wait3A_912 = arith.constant 0 : i32
      %dma_wait3A_913 = arith.constant 0 : i32
      %dma_wait3A_914 = tpu.memref_slice %arg9[%dma_wait3A_912, %dma_wait3A_913] : memref<10000x128xf32, #tpu.memory_space<vmem_shared>> -> memref<10000x128xf32, #tpu.memory_space<vmem_shared>>
      %dma_wait3A_915 = tpu.memref_slice %arg11[%dma_wait3A_904] : memref<4x!tpu.dma_semaphore, #tpu.memory_space<semaphore_mem>> -> memref<1x!tpu.dma_semaphore, #tpu.memory_space<semaphore_mem>>
      %dma_wait3A_916 = tpu.memref_squeeze %dma_wait3A_915 : memref<1x!tpu.dma_semaphore, #tpu.memory_space<semaphore_mem>> -> memref<!tpu.dma_semaphore, #tpu.memory_space<semaphore_mem>>
      tpu.wait_indirect_dma semaphore(%dma_wait3A_916 : memref<!tpu.dma_semaphore, #tpu.memory_space<semaphore_mem>>) src(%dma_wait3A_908 : memref<64x128xf32, #tpu.memory_space<vmem>>) dst(%dma_wait3A_914 : memref<10000x128xf32, #tpu.memory_space<vmem_shared>>)
      %lt3A_917 = arith.constant 9 : i32
      %lt3A_918 = arith.cmpi slt, %scan3A_758, %lt3A_917 : i32
      %convert_element_type3A_919 = arith.extui %lt3A_918 : i1 to i32
      %cond3A_920 = arith.constant 0 : i32
      %cond3A_921 = arith.cmpi ne, %convert_element_type3A_919, %cond3A_920 : i32
      scf.if %cond3A_921 {
        %add3A_964 = arith.constant 4 : i32
        %add3A_965 = arith.addi %add3A_902, %add3A_964 : i32
        %dma_start3A_966 = arith.constant 1 : i32
        %dma_start3A_967 = arith.constant 1 : i32
        %dma_start3A_968 = arith.constant 0 : i32
        %dma_start3A_969 = arith.constant 0 : i32
        %dma_start3A_970 = tpu.memref_slice %arg8[%dma_start3A_966, %dma_start3A_968, %dma_start3A_969] : memref<4x64x128xf32, #tpu.memory_space<vmem>> -> memref<1x64x128xf32, #tpu.memory_space<vmem>>
        %dma_start3A_971 = tpu.memref_squeeze %dma_start3A_970 : memref<1x64x128xf32, #tpu.memory_space<vmem>> -> memref<64x128xf32, #tpu.memory_space<vmem>>
        %dma_start3A_972 = arith.constant 0 : i32
        %dma_start3A_973 = tpu.memref_slice %arg6[%add3A_965, %dma_start3A_972] : memref<40x64xi32, #tpu.memory_space<vmem>> -> memref<1x64xi32, #tpu.memory_space<vmem>>
        %dma_start3A_974 = tpu.memref_squeeze %dma_start3A_973 : memref<1x64xi32, #tpu.memory_space<vmem>> -> memref<64xi32, #tpu.memory_space<vmem>>
        %dma_start3A_975 = arith.constant 0 : i32
        %dma_start3A_976 = arith.constant 0 : i32
        %dma_start3A_977 = tpu.memref_slice %arg2[%dma_start3A_975, %dma_start3A_976] : memref<20096x128xf32, #tpu.memory_space<hbm>> -> memref<20096x128xf32, #tpu.memory_space<hbm>>
        %dma_start3A_978 = tpu.memref_slice %arg10[%dma_start3A_967] : memref<4x!tpu.dma_semaphore, #tpu.memory_space<semaphore_mem>> -> memref<1x!tpu.dma_semaphore, #tpu.memory_space<semaphore_mem>>
        %dma_start3A_979 = tpu.memref_squeeze %dma_start3A_978 : memref<1x!tpu.dma_semaphore, #tpu.memory_space<semaphore_mem>> -> memref<!tpu.dma_semaphore, #tpu.memory_space<semaphore_mem>>
        tpu.enqueue_indirect_dma source(%dma_start3A_977 : memref<20096x128xf32, #tpu.memory_space<hbm>>) target(%dma_start3A_971 : memref<64x128xf32, #tpu.memory_space<vmem>>) offsets(%dma_start3A_974 : memref<64xi32, #tpu.memory_space<vmem>>) semaphore(%dma_start3A_979 : memref<!tpu.dma_semaphore, #tpu.memory_space<semaphore_mem>>)
      } else {
      }
      %add3A_922 = arith.constant 2 : i32
      %add3A_923 = arith.addi %mul3A_760, %add3A_922 : i32
      %dma_wait3A_924 = arith.constant 2 : i32
      %dma_wait3A_925 = arith.constant 2 : i32
      %dma_wait3A_926 = arith.constant 0 : i32
      %dma_wait3A_927 = arith.constant 0 : i32
      %dma_wait3A_928 = tpu.memref_slice %arg8[%dma_wait3A_924, %dma_wait3A_926, %dma_wait3A_927] : memref<4x64x128xf32, #tpu.memory_space<vmem>> -> memref<1x64x128xf32, #tpu.memory_space<vmem>>
      %dma_wait3A_929 = tpu.memref_squeeze %dma_wait3A_928 : memref<1x64x128xf32, #tpu.memory_space<vmem>> -> memref<64x128xf32, #tpu.memory_space<vmem>>
      %dma_wait3A_930 = arith.constant 0 : i32
      %dma_wait3A_931 = tpu.memref_slice %arg7[%add3A_923, %dma_wait3A_930] : memref<40x64xi32, #tpu.memory_space<vmem>> -> memref<1x64xi32, #tpu.memory_space<vmem>>
      %dma_wait3A_932 = tpu.memref_squeeze %dma_wait3A_931 : memref<1x64xi32, #tpu.memory_space<vmem>> -> memref<64xi32, #tpu.memory_space<vmem>>
      %dma_wait3A_933 = arith.constant 0 : i32
      %dma_wait3A_934 = arith.constant 0 : i32
      %dma_wait3A_935 = tpu.memref_slice %arg9[%dma_wait3A_933, %dma_wait3A_934] : memref<10000x128xf32, #tpu.memory_space<vmem_shared>> -> memref<10000x128xf32, #tpu.memory_space<vmem_shared>>
      %dma_wait3A_936 = tpu.memref_slice %arg11[%dma_wait3A_925] : memref<4x!tpu.dma_semaphore, #tpu.memory_space<semaphore_mem>> -> memref<1x!tpu.dma_semaphore, #tpu.memory_space<semaphore_mem>>
      %dma_wait3A_937 = tpu.memref_squeeze %dma_wait3A_936 : memref<1x!tpu.dma_semaphore, #tpu.memory_space<semaphore_mem>> -> memref<!tpu.dma_semaphore, #tpu.memory_space<semaphore_mem>>
      tpu.wait_indirect_dma semaphore(%dma_wait3A_937 : memref<!tpu.dma_semaphore, #tpu.memory_space<semaphore_mem>>) src(%dma_wait3A_929 : memref<64x128xf32, #tpu.memory_space<vmem>>) dst(%dma_wait3A_935 : memref<10000x128xf32, #tpu.memory_space<vmem_shared>>)
      %lt3A_938 = arith.constant 9 : i32
      %lt3A_939 = arith.cmpi slt, %scan3A_758, %lt3A_938 : i32
      %convert_element_type3A_940 = arith.extui %lt3A_939 : i1 to i32
      %cond3A_941 = arith.constant 0 : i32
      %cond3A_942 = arith.cmpi ne, %convert_element_type3A_940, %cond3A_941 : i32
      scf.if %cond3A_942 {
        %add3A_964 = arith.constant 4 : i32
        %add3A_965 = arith.addi %add3A_923, %add3A_964 : i32
        %dma_start3A_966 = arith.constant 2 : i32
        %dma_start3A_967 = arith.constant 2 : i32
        %dma_start3A_968 = arith.constant 0 : i32
        %dma_start3A_969 = arith.constant 0 : i32
        %dma_start3A_970 = tpu.memref_slice %arg8[%dma_start3A_966, %dma_start3A_968, %dma_start3A_969] : memref<4x64x128xf32, #tpu.memory_space<vmem>> -> memref<1x64x128xf32, #tpu.memory_space<vmem>>
        %dma_start3A_971 = tpu.memref_squeeze %dma_start3A_970 : memref<1x64x128xf32, #tpu.memory_space<vmem>> -> memref<64x128xf32, #tpu.memory_space<vmem>>
        %dma_start3A_972 = arith.constant 0 : i32
        %dma_start3A_973 = tpu.memref_slice %arg6[%add3A_965, %dma_start3A_972] : memref<40x64xi32, #tpu.memory_space<vmem>> -> memref<1x64xi32, #tpu.memory_space<vmem>>
        %dma_start3A_974 = tpu.memref_squeeze %dma_start3A_973 : memref<1x64xi32, #tpu.memory_space<vmem>> -> memref<64xi32, #tpu.memory_space<vmem>>
        %dma_start3A_975 = arith.constant 0 : i32
        %dma_start3A_976 = arith.constant 0 : i32
        %dma_start3A_977 = tpu.memref_slice %arg2[%dma_start3A_975, %dma_start3A_976] : memref<20096x128xf32, #tpu.memory_space<hbm>> -> memref<20096x128xf32, #tpu.memory_space<hbm>>
        %dma_start3A_978 = tpu.memref_slice %arg10[%dma_start3A_967] : memref<4x!tpu.dma_semaphore, #tpu.memory_space<semaphore_mem>> -> memref<1x!tpu.dma_semaphore, #tpu.memory_space<semaphore_mem>>
        %dma_start3A_979 = tpu.memref_squeeze %dma_start3A_978 : memref<1x!tpu.dma_semaphore, #tpu.memory_space<semaphore_mem>> -> memref<!tpu.dma_semaphore, #tpu.memory_space<semaphore_mem>>
        tpu.enqueue_indirect_dma source(%dma_start3A_977 : memref<20096x128xf32, #tpu.memory_space<hbm>>) target(%dma_start3A_971 : memref<64x128xf32, #tpu.memory_space<vmem>>) offsets(%dma_start3A_974 : memref<64xi32, #tpu.memory_space<vmem>>) semaphore(%dma_start3A_979 : memref<!tpu.dma_semaphore, #tpu.memory_space<semaphore_mem>>)
      } else {
      }
      %add3A_943 = arith.constant 3 : i32
      %add3A_944 = arith.addi %mul3A_760, %add3A_943 : i32
      %dma_wait3A_945 = arith.constant 3 : i32
      %dma_wait3A_946 = arith.constant 3 : i32
      %dma_wait3A_947 = arith.constant 0 : i32
      %dma_wait3A_948 = arith.constant 0 : i32
      %dma_wait3A_949 = tpu.memref_slice %arg8[%dma_wait3A_945, %dma_wait3A_947, %dma_wait3A_948] : memref<4x64x128xf32, #tpu.memory_space<vmem>> -> memref<1x64x128xf32, #tpu.memory_space<vmem>>
      %dma_wait3A_950 = tpu.memref_squeeze %dma_wait3A_949 : memref<1x64x128xf32, #tpu.memory_space<vmem>> -> memref<64x128xf32, #tpu.memory_space<vmem>>
      %dma_wait3A_951 = arith.constant 0 : i32
      %dma_wait3A_952 = tpu.memref_slice %arg7[%add3A_944, %dma_wait3A_951] : memref<40x64xi32, #tpu.memory_space<vmem>> -> memref<1x64xi32, #tpu.memory_space<vmem>>
      %dma_wait3A_953 = tpu.memref_squeeze %dma_wait3A_952 : memref<1x64xi32, #tpu.memory_space<vmem>> -> memref<64xi32, #tpu.memory_space<vmem>>
      %dma_wait3A_954 = arith.constant 0 : i32
      %dma_wait3A_955 = arith.constant 0 : i32
      %dma_wait3A_956 = tpu.memref_slice %arg9[%dma_wait3A_954, %dma_wait3A_955] : memref<10000x128xf32, #tpu.memory_space<vmem_shared>> -> memref<10000x128xf32, #tpu.memory_space<vmem_shared>>
      %dma_wait3A_957 = tpu.memref_slice %arg11[%dma_wait3A_946] : memref<4x!tpu.dma_semaphore, #tpu.memory_space<semaphore_mem>> -> memref<1x!tpu.dma_semaphore, #tpu.memory_space<semaphore_mem>>
      %dma_wait3A_958 = tpu.memref_squeeze %dma_wait3A_957 : memref<1x!tpu.dma_semaphore, #tpu.memory_space<semaphore_mem>> -> memref<!tpu.dma_semaphore, #tpu.memory_space<semaphore_mem>>
      tpu.wait_indirect_dma semaphore(%dma_wait3A_958 : memref<!tpu.dma_semaphore, #tpu.memory_space<semaphore_mem>>) src(%dma_wait3A_950 : memref<64x128xf32, #tpu.memory_space<vmem>>) dst(%dma_wait3A_956 : memref<10000x128xf32, #tpu.memory_space<vmem_shared>>)
      %lt3A_959 = arith.constant 9 : i32
      %lt3A_960 = arith.cmpi slt, %scan3A_758, %lt3A_959 : i32
      %convert_element_type3A_961 = arith.extui %lt3A_960 : i1 to i32
      %cond3A_962 = arith.constant 0 : i32
      %cond3A_963 = arith.cmpi ne, %convert_element_type3A_961, %cond3A_962 : i32
      scf.if %cond3A_963 {
        %add3A_964 = arith.constant 4 : i32
        %add3A_965 = arith.addi %add3A_944, %add3A_964 : i32
        %dma_start3A_966 = arith.constant 3 : i32
        %dma_start3A_967 = arith.constant 3 : i32
        %dma_start3A_968 = arith.constant 0 : i32
        %dma_start3A_969 = arith.constant 0 : i32
        %dma_start3A_970 = tpu.memref_slice %arg8[%dma_start3A_966, %dma_start3A_968, %dma_start3A_969] : memref<4x64x128xf32, #tpu.memory_space<vmem>> -> memref<1x64x128xf32, #tpu.memory_space<vmem>>
        %dma_start3A_971 = tpu.memref_squeeze %dma_start3A_970 : memref<1x64x128xf32, #tpu.memory_space<vmem>> -> memref<64x128xf32, #tpu.memory_space<vmem>>
        %dma_start3A_972 = arith.constant 0 : i32
        %dma_start3A_973 = tpu.memref_slice %arg6[%add3A_965, %dma_start3A_972] : memref<40x64xi32, #tpu.memory_space<vmem>> -> memref<1x64xi32, #tpu.memory_space<vmem>>
        %dma_start3A_974 = tpu.memref_squeeze %dma_start3A_973 : memref<1x64xi32, #tpu.memory_space<vmem>> -> memref<64xi32, #tpu.memory_space<vmem>>
        %dma_start3A_975 = arith.constant 0 : i32
        %dma_start3A_976 = arith.constant 0 : i32
        %dma_start3A_977 = tpu.memref_slice %arg2[%dma_start3A_975, %dma_start3A_976] : memref<20096x128xf32, #tpu.memory_space<hbm>> -> memref<20096x128xf32, #tpu.memory_space<hbm>>
        %dma_start3A_978 = tpu.memref_slice %arg10[%dma_start3A_967] : memref<4x!tpu.dma_semaphore, #tpu.memory_space<semaphore_mem>> -> memref<1x!tpu.dma_semaphore, #tpu.memory_space<semaphore_mem>>
        %dma_start3A_979 = tpu.memref_squeeze %dma_start3A_978 : memref<1x!tpu.dma_semaphore, #tpu.memory_space<semaphore_mem>> -> memref<!tpu.dma_semaphore, #tpu.memory_space<semaphore_mem>>
        tpu.enqueue_indirect_dma source(%dma_start3A_977 : memref<20096x128xf32, #tpu.memory_space<hbm>>) target(%dma_start3A_971 : memref<64x128xf32, #tpu.memory_space<vmem>>) offsets(%dma_start3A_974 : memref<64xi32, #tpu.memory_space<vmem>>) semaphore(%dma_start3A_979 : memref<!tpu.dma_semaphore, #tpu.memory_space<semaphore_mem>>)
      } else {
      }
    }
    %scan3A_544 = arith.constant 10 : i32
    %mul3A_545 = arith.constant 160 : i32
    %mul3A_546 = arith.muli %add3A, %mul3A_545 : i32
    %add3A_547 = arith.constant 40 : i32
    %add3A_548 = arith.addi %mul3A_546, %add3A_547 : i32
    "tpu.region"() ({
      %run_scoped3A = tpu.sem_alloc : memref<!tpu.dma_semaphore, #tpu.memory_space<semaphore_mem>>
      %dma_start3A_758 = arith.constant 0 : i32
      %dma_start3A_759 = tpu.memref_slice %arg3[%add3A_548, %dma_start3A_758] : memref<5120x64xi32, #tpu.memory_space<hbm>> -> memref<40x64xi32, #tpu.memory_space<hbm>>
      %dma_start3A_760 = arith.constant 0 : i32
      %dma_start3A_761 = tpu.memref_slice %arg3[%add3A_548, %dma_start3A_760] : memref<5120x64xi32, #tpu.memory_space<hbm>> -> memref<40x64xi32, #tpu.memory_space<hbm>>
      tpu.enqueue_dma source(%dma_start3A_761 : memref<40x64xi32, #tpu.memory_space<hbm>>) target(%arg6 : memref<40x64xi32, #tpu.memory_space<vmem>>) target_semaphore(%run_scoped3A : memref<!tpu.dma_semaphore, #tpu.memory_space<semaphore_mem>>)
      %dma_wait3A_762 = arith.constant 0 : i32
      %dma_wait3A_763 = tpu.memref_slice %arg3[%add3A_548, %dma_wait3A_762] : memref<5120x64xi32, #tpu.memory_space<hbm>> -> memref<40x64xi32, #tpu.memory_space<hbm>>
      %dma_wait3A_764 = arith.constant 0 : i32
      %dma_wait3A_765 = tpu.memref_slice %arg3[%add3A_548, %dma_wait3A_764] : memref<5120x64xi32, #tpu.memory_space<hbm>> -> memref<40x64xi32, #tpu.memory_space<hbm>>
      tpu.wait_dma2 semaphore(%run_scoped3A : memref<!tpu.dma_semaphore, #tpu.memory_space<semaphore_mem>>) src(%dma_wait3A_765 : memref<40x64xi32, #tpu.memory_space<hbm>>) dst(%arg6 : memref<40x64xi32, #tpu.memory_space<vmem>>)
      tpu.yield
    }) : () -> ()
    "tpu.region"() ({
      %run_scoped3A = tpu.sem_alloc : memref<!tpu.dma_semaphore, #tpu.memory_space<semaphore_mem>>
      %dma_start3A_758 = arith.constant 0 : i32
      %dma_start3A_759 = tpu.memref_slice %arg4[%add3A_548, %dma_start3A_758] : memref<5120x64xi32, #tpu.memory_space<hbm>> -> memref<40x64xi32, #tpu.memory_space<hbm>>
      %dma_start3A_760 = arith.constant 0 : i32
      %dma_start3A_761 = tpu.memref_slice %arg4[%add3A_548, %dma_start3A_760] : memref<5120x64xi32, #tpu.memory_space<hbm>> -> memref<40x64xi32, #tpu.memory_space<hbm>>
      tpu.enqueue_dma source(%dma_start3A_761 : memref<40x64xi32, #tpu.memory_space<hbm>>) target(%arg7 : memref<40x64xi32, #tpu.memory_space<vmem>>) target_semaphore(%run_scoped3A : memref<!tpu.dma_semaphore, #tpu.memory_space<semaphore_mem>>)
      %dma_wait3A_762 = arith.constant 0 : i32
      %dma_wait3A_763 = tpu.memref_slice %arg4[%add3A_548, %dma_wait3A_762] : memref<5120x64xi32, #tpu.memory_space<hbm>> -> memref<40x64xi32, #tpu.memory_space<hbm>>
      %dma_wait3A_764 = arith.constant 0 : i32
      %dma_wait3A_765 = tpu.memref_slice %arg4[%add3A_548, %dma_wait3A_764] : memref<5120x64xi32, #tpu.memory_space<hbm>> -> memref<40x64xi32, #tpu.memory_space<hbm>>
      tpu.wait_dma2 semaphore(%run_scoped3A : memref<!tpu.dma_semaphore, #tpu.memory_space<semaphore_mem>>) src(%dma_wait3A_765 : memref<40x64xi32, #tpu.memory_space<hbm>>) dst(%arg7 : memref<40x64xi32, #tpu.memory_space<vmem>>)
      tpu.yield
    }) : () -> ()
    %dma_start3A_549 = arith.constant 0 : i32
    %dma_start3A_550 = arith.constant 0 : i32
    %dma_start3A_551 = arith.constant 0 : i32
    %dma_start3A_552 = arith.constant 0 : i32
    %dma_start3A_553 = arith.constant 0 : i32
    %dma_start3A_554 = tpu.memref_slice %arg8[%dma_start3A_550, %dma_start3A_552, %dma_start3A_553] : memref<4x64x128xf32, #tpu.memory_space<vmem>> -> memref<1x64x128xf32, #tpu.memory_space<vmem>>
    %dma_start3A_555 = tpu.memref_squeeze %dma_start3A_554 : memref<1x64x128xf32, #tpu.memory_space<vmem>> -> memref<64x128xf32, #tpu.memory_space<vmem>>
    %dma_start3A_556 = arith.constant 0 : i32
    %dma_start3A_557 = tpu.memref_slice %arg6[%dma_start3A_549, %dma_start3A_556] : memref<40x64xi32, #tpu.memory_space<vmem>> -> memref<1x64xi32, #tpu.memory_space<vmem>>
    %dma_start3A_558 = tpu.memref_squeeze %dma_start3A_557 : memref<1x64xi32, #tpu.memory_space<vmem>> -> memref<64xi32, #tpu.memory_space<vmem>>
    %dma_start3A_559 = arith.constant 0 : i32
    %dma_start3A_560 = arith.constant 0 : i32
    %dma_start3A_561 = tpu.memref_slice %arg2[%dma_start3A_559, %dma_start3A_560] : memref<20096x128xf32, #tpu.memory_space<hbm>> -> memref<20096x128xf32, #tpu.memory_space<hbm>>
    %dma_start3A_562 = tpu.memref_slice %arg10[%dma_start3A_551] : memref<4x!tpu.dma_semaphore, #tpu.memory_space<semaphore_mem>> -> memref<1x!tpu.dma_semaphore, #tpu.memory_space<semaphore_mem>>
    %dma_start3A_563 = tpu.memref_squeeze %dma_start3A_562 : memref<1x!tpu.dma_semaphore, #tpu.memory_space<semaphore_mem>> -> memref<!tpu.dma_semaphore, #tpu.memory_space<semaphore_mem>>
    tpu.enqueue_indirect_dma source(%dma_start3A_561 : memref<20096x128xf32, #tpu.memory_space<hbm>>) target(%dma_start3A_555 : memref<64x128xf32, #tpu.memory_space<vmem>>) offsets(%dma_start3A_558 : memref<64xi32, #tpu.memory_space<vmem>>) semaphore(%dma_start3A_563 : memref<!tpu.dma_semaphore, #tpu.memory_space<semaphore_mem>>)
    %dma_start3A_564 = arith.constant 1 : i32
    %dma_start3A_565 = arith.constant 1 : i32
    %dma_start3A_566 = arith.constant 1 : i32
    %dma_start3A_567 = arith.constant 0 : i32
    %dma_start3A_568 = arith.constant 0 : i32
    %dma_start3A_569 = tpu.memref_slice %arg8[%dma_start3A_565, %dma_start3A_567, %dma_start3A_568] : memref<4x64x128xf32, #tpu.memory_space<vmem>> -> memref<1x64x128xf32, #tpu.memory_space<vmem>>
    %dma_start3A_570 = tpu.memref_squeeze %dma_start3A_569 : memref<1x64x128xf32, #tpu.memory_space<vmem>> -> memref<64x128xf32, #tpu.memory_space<vmem>>
    %dma_start3A_571 = arith.constant 0 : i32
    %dma_start3A_572 = tpu.memref_slice %arg6[%dma_start3A_564, %dma_start3A_571] : memref<40x64xi32, #tpu.memory_space<vmem>> -> memref<1x64xi32, #tpu.memory_space<vmem>>
    %dma_start3A_573 = tpu.memref_squeeze %dma_start3A_572 : memref<1x64xi32, #tpu.memory_space<vmem>> -> memref<64xi32, #tpu.memory_space<vmem>>
    %dma_start3A_574 = arith.constant 0 : i32
    %dma_start3A_575 = arith.constant 0 : i32
    %dma_start3A_576 = tpu.memref_slice %arg2[%dma_start3A_574, %dma_start3A_575] : memref<20096x128xf32, #tpu.memory_space<hbm>> -> memref<20096x128xf32, #tpu.memory_space<hbm>>
    %dma_start3A_577 = tpu.memref_slice %arg10[%dma_start3A_566] : memref<4x!tpu.dma_semaphore, #tpu.memory_space<semaphore_mem>> -> memref<1x!tpu.dma_semaphore, #tpu.memory_space<semaphore_mem>>
    %dma_start3A_578 = tpu.memref_squeeze %dma_start3A_577 : memref<1x!tpu.dma_semaphore, #tpu.memory_space<semaphore_mem>> -> memref<!tpu.dma_semaphore, #tpu.memory_space<semaphore_mem>>
    tpu.enqueue_indirect_dma source(%dma_start3A_576 : memref<20096x128xf32, #tpu.memory_space<hbm>>) target(%dma_start3A_570 : memref<64x128xf32, #tpu.memory_space<vmem>>) offsets(%dma_start3A_573 : memref<64xi32, #tpu.memory_space<vmem>>) semaphore(%dma_start3A_578 : memref<!tpu.dma_semaphore, #tpu.memory_space<semaphore_mem>>)
    %dma_start3A_579 = arith.constant 2 : i32
    %dma_start3A_580 = arith.constant 2 : i32
    %dma_start3A_581 = arith.constant 2 : i32
    %dma_start3A_582 = arith.constant 0 : i32
    %dma_start3A_583 = arith.constant 0 : i32
    %dma_start3A_584 = tpu.memref_slice %arg8[%dma_start3A_580, %dma_start3A_582, %dma_start3A_583] : memref<4x64x128xf32, #tpu.memory_space<vmem>> -> memref<1x64x128xf32, #tpu.memory_space<vmem>>
    %dma_start3A_585 = tpu.memref_squeeze %dma_start3A_584 : memref<1x64x128xf32, #tpu.memory_space<vmem>> -> memref<64x128xf32, #tpu.memory_space<vmem>>
    %dma_start3A_586 = arith.constant 0 : i32
    %dma_start3A_587 = tpu.memref_slice %arg6[%dma_start3A_579, %dma_start3A_586] : memref<40x64xi32, #tpu.memory_space<vmem>> -> memref<1x64xi32, #tpu.memory_space<vmem>>
    %dma_start3A_588 = tpu.memref_squeeze %dma_start3A_587 : memref<1x64xi32, #tpu.memory_space<vmem>> -> memref<64xi32, #tpu.memory_space<vmem>>
    %dma_start3A_589 = arith.constant 0 : i32
    %dma_start3A_590 = arith.constant 0 : i32
    %dma_start3A_591 = tpu.memref_slice %arg2[%dma_start3A_589, %dma_start3A_590] : memref<20096x128xf32, #tpu.memory_space<hbm>> -> memref<20096x128xf32, #tpu.memory_space<hbm>>
    %dma_start3A_592 = tpu.memref_slice %arg10[%dma_start3A_581] : memref<4x!tpu.dma_semaphore, #tpu.memory_space<semaphore_mem>> -> memref<1x!tpu.dma_semaphore, #tpu.memory_space<semaphore_mem>>
    %dma_start3A_593 = tpu.memref_squeeze %dma_start3A_592 : memref<1x!tpu.dma_semaphore, #tpu.memory_space<semaphore_mem>> -> memref<!tpu.dma_semaphore, #tpu.memory_space<semaphore_mem>>
    tpu.enqueue_indirect_dma source(%dma_start3A_591 : memref<20096x128xf32, #tpu.memory_space<hbm>>) target(%dma_start3A_585 : memref<64x128xf32, #tpu.memory_space<vmem>>) offsets(%dma_start3A_588 : memref<64xi32, #tpu.memory_space<vmem>>) semaphore(%dma_start3A_593 : memref<!tpu.dma_semaphore, #tpu.memory_space<semaphore_mem>>)
    %dma_start3A_594 = arith.constant 3 : i32
    %dma_start3A_595 = arith.constant 3 : i32
    %dma_start3A_596 = arith.constant 3 : i32
    %dma_start3A_597 = arith.constant 0 : i32
    %dma_start3A_598 = arith.constant 0 : i32
    %dma_start3A_599 = tpu.memref_slice %arg8[%dma_start3A_595, %dma_start3A_597, %dma_start3A_598] : memref<4x64x128xf32, #tpu.memory_space<vmem>> -> memref<1x64x128xf32, #tpu.memory_space<vmem>>
    %dma_start3A_600 = tpu.memref_squeeze %dma_start3A_599 : memref<1x64x128xf32, #tpu.memory_space<vmem>> -> memref<64x128xf32, #tpu.memory_space<vmem>>
    %dma_start3A_601 = arith.constant 0 : i32
    %dma_start3A_602 = tpu.memref_slice %arg6[%dma_start3A_594, %dma_start3A_601] : memref<40x64xi32, #tpu.memory_space<vmem>> -> memref<1x64xi32, #tpu.memory_space<vmem>>
    %dma_start3A_603 = tpu.memref_squeeze %dma_start3A_602 : memref<1x64xi32, #tpu.memory_space<vmem>> -> memref<64xi32, #tpu.memory_space<vmem>>
    %dma_start3A_604 = arith.constant 0 : i32
    %dma_start3A_605 = arith.constant 0 : i32
    %dma_start3A_606 = tpu.memref_slice %arg2[%dma_start3A_604, %dma_start3A_605] : memref<20096x128xf32, #tpu.memory_space<hbm>> -> memref<20096x128xf32, #tpu.memory_space<hbm>>
    %dma_start3A_607 = tpu.memref_slice %arg10[%dma_start3A_596] : memref<4x!tpu.dma_semaphore, #tpu.memory_space<semaphore_mem>> -> memref<1x!tpu.dma_semaphore, #tpu.memory_space<semaphore_mem>>
    %dma_start3A_608 = tpu.memref_squeeze %dma_start3A_607 : memref<1x!tpu.dma_semaphore, #tpu.memory_space<semaphore_mem>> -> memref<!tpu.dma_semaphore, #tpu.memory_space<semaphore_mem>>
    tpu.enqueue_indirect_dma source(%dma_start3A_606 : memref<20096x128xf32, #tpu.memory_space<hbm>>) target(%dma_start3A_600 : memref<64x128xf32, #tpu.memory_space<vmem>>) offsets(%dma_start3A_603 : memref<64xi32, #tpu.memory_space<vmem>>) semaphore(%dma_start3A_608 : memref<!tpu.dma_semaphore, #tpu.memory_space<semaphore_mem>>)
    %scan3A_609 = arith.constant 0 : i32
    %scan3A_610 = arith.constant 10 : i32
    %scan3A_611 = arith.addi %scan3A_609, %scan3A_610 : i32
    %scan3A_612 = arith.constant 1 : i32
    scf.for %scan3A_758 = %scan3A_609 to %scan3A_611 step %scan3A_612  : i32 {
      %mul3A_759 = arith.constant 4 : i32
      %mul3A_760 = arith.muli %scan3A_758, %mul3A_759 : i32
      %add3A_761 = arith.constant 0 : i32
      %add3A_762 = arith.addi %mul3A_760, %add3A_761 : i32
      %dma_wait3A_763 = arith.constant 0 : i32
      %dma_wait3A_764 = arith.constant 0 : i32
      %dma_wait3A_765 = arith.constant 0 : i32
      %dma_wait3A_766 = arith.constant 0 : i32
      %dma_wait3A_767 = tpu.memref_slice %arg8[%dma_wait3A_763, %dma_wait3A_765, %dma_wait3A_766] : memref<4x64x128xf32, #tpu.memory_space<vmem>> -> memref<1x64x128xf32, #tpu.memory_space<vmem>>
      %dma_wait3A_768 = tpu.memref_squeeze %dma_wait3A_767 : memref<1x64x128xf32, #tpu.memory_space<vmem>> -> memref<64x128xf32, #tpu.memory_space<vmem>>
      %dma_wait3A_769 = arith.constant 0 : i32
      %dma_wait3A_770 = tpu.memref_slice %arg6[%add3A_762, %dma_wait3A_769] : memref<40x64xi32, #tpu.memory_space<vmem>> -> memref<1x64xi32, #tpu.memory_space<vmem>>
      %dma_wait3A_771 = tpu.memref_squeeze %dma_wait3A_770 : memref<1x64xi32, #tpu.memory_space<vmem>> -> memref<64xi32, #tpu.memory_space<vmem>>
      %dma_wait3A_772 = arith.constant 0 : i32
      %dma_wait3A_773 = arith.constant 0 : i32
      %dma_wait3A_774 = tpu.memref_slice %arg2[%dma_wait3A_772, %dma_wait3A_773] : memref<20096x128xf32, #tpu.memory_space<hbm>> -> memref<20096x128xf32, #tpu.memory_space<hbm>>
      %dma_wait3A_775 = tpu.memref_slice %arg10[%dma_wait3A_764] : memref<4x!tpu.dma_semaphore, #tpu.memory_space<semaphore_mem>> -> memref<1x!tpu.dma_semaphore, #tpu.memory_space<semaphore_mem>>
      %dma_wait3A_776 = tpu.memref_squeeze %dma_wait3A_775 : memref<1x!tpu.dma_semaphore, #tpu.memory_space<semaphore_mem>> -> memref<!tpu.dma_semaphore, #tpu.memory_space<semaphore_mem>>
      tpu.wait_indirect_dma semaphore(%dma_wait3A_776 : memref<!tpu.dma_semaphore, #tpu.memory_space<semaphore_mem>>) src(%dma_wait3A_774 : memref<20096x128xf32, #tpu.memory_space<hbm>>) dst(%dma_wait3A_768 : memref<64x128xf32, #tpu.memory_space<vmem>>)
      %dma_start3A_777 = arith.constant 0 : i32
      %dma_start3A_778 = arith.constant 0 : i32
      %dma_start3A_779 = arith.constant 0 : i32
      %dma_start3A_780 = arith.constant 0 : i32
      %dma_start3A_781 = tpu.memref_slice %arg8[%dma_start3A_777, %dma_start3A_779, %dma_start3A_780] : memref<4x64x128xf32, #tpu.memory_space<vmem>> -> memref<1x64x128xf32, #tpu.memory_space<vmem>>
      %dma_start3A_782 = tpu.memref_squeeze %dma_start3A_781 : memref<1x64x128xf32, #tpu.memory_space<vmem>> -> memref<64x128xf32, #tpu.memory_space<vmem>>
      %dma_start3A_783 = arith.constant 0 : i32
      %dma_start3A_784 = tpu.memref_slice %arg7[%add3A_762, %dma_start3A_783] : memref<40x64xi32, #tpu.memory_space<vmem>> -> memref<1x64xi32, #tpu.memory_space<vmem>>
      %dma_start3A_785 = tpu.memref_squeeze %dma_start3A_784 : memref<1x64xi32, #tpu.memory_space<vmem>> -> memref<64xi32, #tpu.memory_space<vmem>>
      %dma_start3A_786 = arith.constant 0 : i32
      %dma_start3A_787 = arith.constant 0 : i32
      %dma_start3A_788 = tpu.memref_slice %arg9[%dma_start3A_786, %dma_start3A_787] : memref<10000x128xf32, #tpu.memory_space<vmem_shared>> -> memref<10000x128xf32, #tpu.memory_space<vmem_shared>>
      %dma_start3A_789 = tpu.memref_slice %arg11[%dma_start3A_778] : memref<4x!tpu.dma_semaphore, #tpu.memory_space<semaphore_mem>> -> memref<1x!tpu.dma_semaphore, #tpu.memory_space<semaphore_mem>>
      %dma_start3A_790 = tpu.memref_squeeze %dma_start3A_789 : memref<1x!tpu.dma_semaphore, #tpu.memory_space<semaphore_mem>> -> memref<!tpu.dma_semaphore, #tpu.memory_space<semaphore_mem>>
      tpu.enqueue_indirect_dma source(%dma_start3A_782 : memref<64x128xf32, #tpu.memory_space<vmem>>) target(%dma_start3A_788 : memref<10000x128xf32, #tpu.memory_space<vmem_shared>>) offsets(%dma_start3A_785 : memref<64xi32, #tpu.memory_space<vmem>>) semaphore(%dma_start3A_790 : memref<!tpu.dma_semaphore, #tpu.memory_space<semaphore_mem>>) {add = true}
      %add3A_791 = arith.constant 1 : i32
      %add3A_792 = arith.addi %mul3A_760, %add3A_791 : i32
      %dma_wait3A_793 = arith.constant 1 : i32
      %dma_wait3A_794 = arith.constant 1 : i32
      %dma_wait3A_795 = arith.constant 0 : i32
      %dma_wait3A_796 = arith.constant 0 : i32
      %dma_wait3A_797 = tpu.memref_slice %arg8[%dma_wait3A_793, %dma_wait3A_795, %dma_wait3A_796] : memref<4x64x128xf32, #tpu.memory_space<vmem>> -> memref<1x64x128xf32, #tpu.memory_space<vmem>>
      %dma_wait3A_798 = tpu.memref_squeeze %dma_wait3A_797 : memref<1x64x128xf32, #tpu.memory_space<vmem>> -> memref<64x128xf32, #tpu.memory_space<vmem>>
      %dma_wait3A_799 = arith.constant 0 : i32
      %dma_wait3A_800 = tpu.memref_slice %arg6[%add3A_792, %dma_wait3A_799] : memref<40x64xi32, #tpu.memory_space<vmem>> -> memref<1x64xi32, #tpu.memory_space<vmem>>
      %dma_wait3A_801 = tpu.memref_squeeze %dma_wait3A_800 : memref<1x64xi32, #tpu.memory_space<vmem>> -> memref<64xi32, #tpu.memory_space<vmem>>
      %dma_wait3A_802 = arith.constant 0 : i32
      %dma_wait3A_803 = arith.constant 0 : i32
      %dma_wait3A_804 = tpu.memref_slice %arg2[%dma_wait3A_802, %dma_wait3A_803] : memref<20096x128xf32, #tpu.memory_space<hbm>> -> memref<20096x128xf32, #tpu.memory_space<hbm>>
      %dma_wait3A_805 = tpu.memref_slice %arg10[%dma_wait3A_794] : memref<4x!tpu.dma_semaphore, #tpu.memory_space<semaphore_mem>> -> memref<1x!tpu.dma_semaphore, #tpu.memory_space<semaphore_mem>>
      %dma_wait3A_806 = tpu.memref_squeeze %dma_wait3A_805 : memref<1x!tpu.dma_semaphore, #tpu.memory_space<semaphore_mem>> -> memref<!tpu.dma_semaphore, #tpu.memory_space<semaphore_mem>>
      tpu.wait_indirect_dma semaphore(%dma_wait3A_806 : memref<!tpu.dma_semaphore, #tpu.memory_space<semaphore_mem>>) src(%dma_wait3A_804 : memref<20096x128xf32, #tpu.memory_space<hbm>>) dst(%dma_wait3A_798 : memref<64x128xf32, #tpu.memory_space<vmem>>)
      %dma_start3A_807 = arith.constant 1 : i32
      %dma_start3A_808 = arith.constant 1 : i32
      %dma_start3A_809 = arith.constant 0 : i32
      %dma_start3A_810 = arith.constant 0 : i32
      %dma_start3A_811 = tpu.memref_slice %arg8[%dma_start3A_807, %dma_start3A_809, %dma_start3A_810] : memref<4x64x128xf32, #tpu.memory_space<vmem>> -> memref<1x64x128xf32, #tpu.memory_space<vmem>>
      %dma_start3A_812 = tpu.memref_squeeze %dma_start3A_811 : memref<1x64x128xf32, #tpu.memory_space<vmem>> -> memref<64x128xf32, #tpu.memory_space<vmem>>
      %dma_start3A_813 = arith.constant 0 : i32
      %dma_start3A_814 = tpu.memref_slice %arg7[%add3A_792, %dma_start3A_813] : memref<40x64xi32, #tpu.memory_space<vmem>> -> memref<1x64xi32, #tpu.memory_space<vmem>>
      %dma_start3A_815 = tpu.memref_squeeze %dma_start3A_814 : memref<1x64xi32, #tpu.memory_space<vmem>> -> memref<64xi32, #tpu.memory_space<vmem>>
      %dma_start3A_816 = arith.constant 0 : i32
      %dma_start3A_817 = arith.constant 0 : i32
      %dma_start3A_818 = tpu.memref_slice %arg9[%dma_start3A_816, %dma_start3A_817] : memref<10000x128xf32, #tpu.memory_space<vmem_shared>> -> memref<10000x128xf32, #tpu.memory_space<vmem_shared>>
      %dma_start3A_819 = tpu.memref_slice %arg11[%dma_start3A_808] : memref<4x!tpu.dma_semaphore, #tpu.memory_space<semaphore_mem>> -> memref<1x!tpu.dma_semaphore, #tpu.memory_space<semaphore_mem>>
      %dma_start3A_820 = tpu.memref_squeeze %dma_start3A_819 : memref<1x!tpu.dma_semaphore, #tpu.memory_space<semaphore_mem>> -> memref<!tpu.dma_semaphore, #tpu.memory_space<semaphore_mem>>
      tpu.enqueue_indirect_dma source(%dma_start3A_812 : memref<64x128xf32, #tpu.memory_space<vmem>>) target(%dma_start3A_818 : memref<10000x128xf32, #tpu.memory_space<vmem_shared>>) offsets(%dma_start3A_815 : memref<64xi32, #tpu.memory_space<vmem>>) semaphore(%dma_start3A_820 : memref<!tpu.dma_semaphore, #tpu.memory_space<semaphore_mem>>) {add = true}
      %add3A_821 = arith.constant 2 : i32
      %add3A_822 = arith.addi %mul3A_760, %add3A_821 : i32
      %dma_wait3A_823 = arith.constant 2 : i32
      %dma_wait3A_824 = arith.constant 2 : i32
      %dma_wait3A_825 = arith.constant 0 : i32
      %dma_wait3A_826 = arith.constant 0 : i32
      %dma_wait3A_827 = tpu.memref_slice %arg8[%dma_wait3A_823, %dma_wait3A_825, %dma_wait3A_826] : memref<4x64x128xf32, #tpu.memory_space<vmem>> -> memref<1x64x128xf32, #tpu.memory_space<vmem>>
      %dma_wait3A_828 = tpu.memref_squeeze %dma_wait3A_827 : memref<1x64x128xf32, #tpu.memory_space<vmem>> -> memref<64x128xf32, #tpu.memory_space<vmem>>
      %dma_wait3A_829 = arith.constant 0 : i32
      %dma_wait3A_830 = tpu.memref_slice %arg6[%add3A_822, %dma_wait3A_829] : memref<40x64xi32, #tpu.memory_space<vmem>> -> memref<1x64xi32, #tpu.memory_space<vmem>>
      %dma_wait3A_831 = tpu.memref_squeeze %dma_wait3A_830 : memref<1x64xi32, #tpu.memory_space<vmem>> -> memref<64xi32, #tpu.memory_space<vmem>>
      %dma_wait3A_832 = arith.constant 0 : i32
      %dma_wait3A_833 = arith.constant 0 : i32
      %dma_wait3A_834 = tpu.memref_slice %arg2[%dma_wait3A_832, %dma_wait3A_833] : memref<20096x128xf32, #tpu.memory_space<hbm>> -> memref<20096x128xf32, #tpu.memory_space<hbm>>
      %dma_wait3A_835 = tpu.memref_slice %arg10[%dma_wait3A_824] : memref<4x!tpu.dma_semaphore, #tpu.memory_space<semaphore_mem>> -> memref<1x!tpu.dma_semaphore, #tpu.memory_space<semaphore_mem>>
      %dma_wait3A_836 = tpu.memref_squeeze %dma_wait3A_835 : memref<1x!tpu.dma_semaphore, #tpu.memory_space<semaphore_mem>> -> memref<!tpu.dma_semaphore, #tpu.memory_space<semaphore_mem>>
      tpu.wait_indirect_dma semaphore(%dma_wait3A_836 : memref<!tpu.dma_semaphore, #tpu.memory_space<semaphore_mem>>) src(%dma_wait3A_834 : memref<20096x128xf32, #tpu.memory_space<hbm>>) dst(%dma_wait3A_828 : memref<64x128xf32, #tpu.memory_space<vmem>>)
      %dma_start3A_837 = arith.constant 2 : i32
      %dma_start3A_838 = arith.constant 2 : i32
      %dma_start3A_839 = arith.constant 0 : i32
      %dma_start3A_840 = arith.constant 0 : i32
      %dma_start3A_841 = tpu.memref_slice %arg8[%dma_start3A_837, %dma_start3A_839, %dma_start3A_840] : memref<4x64x128xf32, #tpu.memory_space<vmem>> -> memref<1x64x128xf32, #tpu.memory_space<vmem>>
      %dma_start3A_842 = tpu.memref_squeeze %dma_start3A_841 : memref<1x64x128xf32, #tpu.memory_space<vmem>> -> memref<64x128xf32, #tpu.memory_space<vmem>>
      %dma_start3A_843 = arith.constant 0 : i32
      %dma_start3A_844 = tpu.memref_slice %arg7[%add3A_822, %dma_start3A_843] : memref<40x64xi32, #tpu.memory_space<vmem>> -> memref<1x64xi32, #tpu.memory_space<vmem>>
      %dma_start3A_845 = tpu.memref_squeeze %dma_start3A_844 : memref<1x64xi32, #tpu.memory_space<vmem>> -> memref<64xi32, #tpu.memory_space<vmem>>
      %dma_start3A_846 = arith.constant 0 : i32
      %dma_start3A_847 = arith.constant 0 : i32
      %dma_start3A_848 = tpu.memref_slice %arg9[%dma_start3A_846, %dma_start3A_847] : memref<10000x128xf32, #tpu.memory_space<vmem_shared>> -> memref<10000x128xf32, #tpu.memory_space<vmem_shared>>
      %dma_start3A_849 = tpu.memref_slice %arg11[%dma_start3A_838] : memref<4x!tpu.dma_semaphore, #tpu.memory_space<semaphore_mem>> -> memref<1x!tpu.dma_semaphore, #tpu.memory_space<semaphore_mem>>
      %dma_start3A_850 = tpu.memref_squeeze %dma_start3A_849 : memref<1x!tpu.dma_semaphore, #tpu.memory_space<semaphore_mem>> -> memref<!tpu.dma_semaphore, #tpu.memory_space<semaphore_mem>>
      tpu.enqueue_indirect_dma source(%dma_start3A_842 : memref<64x128xf32, #tpu.memory_space<vmem>>) target(%dma_start3A_848 : memref<10000x128xf32, #tpu.memory_space<vmem_shared>>) offsets(%dma_start3A_845 : memref<64xi32, #tpu.memory_space<vmem>>) semaphore(%dma_start3A_850 : memref<!tpu.dma_semaphore, #tpu.memory_space<semaphore_mem>>) {add = true}
      %add3A_851 = arith.constant 3 : i32
      %add3A_852 = arith.addi %mul3A_760, %add3A_851 : i32
      %dma_wait3A_853 = arith.constant 3 : i32
      %dma_wait3A_854 = arith.constant 3 : i32
      %dma_wait3A_855 = arith.constant 0 : i32
      %dma_wait3A_856 = arith.constant 0 : i32
      %dma_wait3A_857 = tpu.memref_slice %arg8[%dma_wait3A_853, %dma_wait3A_855, %dma_wait3A_856] : memref<4x64x128xf32, #tpu.memory_space<vmem>> -> memref<1x64x128xf32, #tpu.memory_space<vmem>>
      %dma_wait3A_858 = tpu.memref_squeeze %dma_wait3A_857 : memref<1x64x128xf32, #tpu.memory_space<vmem>> -> memref<64x128xf32, #tpu.memory_space<vmem>>
      %dma_wait3A_859 = arith.constant 0 : i32
      %dma_wait3A_860 = tpu.memref_slice %arg6[%add3A_852, %dma_wait3A_859] : memref<40x64xi32, #tpu.memory_space<vmem>> -> memref<1x64xi32, #tpu.memory_space<vmem>>
      %dma_wait3A_861 = tpu.memref_squeeze %dma_wait3A_860 : memref<1x64xi32, #tpu.memory_space<vmem>> -> memref<64xi32, #tpu.memory_space<vmem>>
      %dma_wait3A_862 = arith.constant 0 : i32
      %dma_wait3A_863 = arith.constant 0 : i32
      %dma_wait3A_864 = tpu.memref_slice %arg2[%dma_wait3A_862, %dma_wait3A_863] : memref<20096x128xf32, #tpu.memory_space<hbm>> -> memref<20096x128xf32, #tpu.memory_space<hbm>>
      %dma_wait3A_865 = tpu.memref_slice %arg10[%dma_wait3A_854] : memref<4x!tpu.dma_semaphore, #tpu.memory_space<semaphore_mem>> -> memref<1x!tpu.dma_semaphore, #tpu.memory_space<semaphore_mem>>
      %dma_wait3A_866 = tpu.memref_squeeze %dma_wait3A_865 : memref<1x!tpu.dma_semaphore, #tpu.memory_space<semaphore_mem>> -> memref<!tpu.dma_semaphore, #tpu.memory_space<semaphore_mem>>
      tpu.wait_indirect_dma semaphore(%dma_wait3A_866 : memref<!tpu.dma_semaphore, #tpu.memory_space<semaphore_mem>>) src(%dma_wait3A_864 : memref<20096x128xf32, #tpu.memory_space<hbm>>) dst(%dma_wait3A_858 : memref<64x128xf32, #tpu.memory_space<vmem>>)
      %dma_start3A_867 = arith.constant 3 : i32
      %dma_start3A_868 = arith.constant 3 : i32
      %dma_start3A_869 = arith.constant 0 : i32
      %dma_start3A_870 = arith.constant 0 : i32
      %dma_start3A_871 = tpu.memref_slice %arg8[%dma_start3A_867, %dma_start3A_869, %dma_start3A_870] : memref<4x64x128xf32, #tpu.memory_space<vmem>> -> memref<1x64x128xf32, #tpu.memory_space<vmem>>
      %dma_start3A_872 = tpu.memref_squeeze %dma_start3A_871 : memref<1x64x128xf32, #tpu.memory_space<vmem>> -> memref<64x128xf32, #tpu.memory_space<vmem>>
      %dma_start3A_873 = arith.constant 0 : i32
      %dma_start3A_874 = tpu.memref_slice %arg7[%add3A_852, %dma_start3A_873] : memref<40x64xi32, #tpu.memory_space<vmem>> -> memref<1x64xi32, #tpu.memory_space<vmem>>
      %dma_start3A_875 = tpu.memref_squeeze %dma_start3A_874 : memref<1x64xi32, #tpu.memory_space<vmem>> -> memref<64xi32, #tpu.memory_space<vmem>>
      %dma_start3A_876 = arith.constant 0 : i32
      %dma_start3A_877 = arith.constant 0 : i32
      %dma_start3A_878 = tpu.memref_slice %arg9[%dma_start3A_876, %dma_start3A_877] : memref<10000x128xf32, #tpu.memory_space<vmem_shared>> -> memref<10000x128xf32, #tpu.memory_space<vmem_shared>>
      %dma_start3A_879 = tpu.memref_slice %arg11[%dma_start3A_868] : memref<4x!tpu.dma_semaphore, #tpu.memory_space<semaphore_mem>> -> memref<1x!tpu.dma_semaphore, #tpu.memory_space<semaphore_mem>>
      %dma_start3A_880 = tpu.memref_squeeze %dma_start3A_879 : memref<1x!tpu.dma_semaphore, #tpu.memory_space<semaphore_mem>> -> memref<!tpu.dma_semaphore, #tpu.memory_space<semaphore_mem>>
      tpu.enqueue_indirect_dma source(%dma_start3A_872 : memref<64x128xf32, #tpu.memory_space<vmem>>) target(%dma_start3A_878 : memref<10000x128xf32, #tpu.memory_space<vmem_shared>>) offsets(%dma_start3A_875 : memref<64xi32, #tpu.memory_space<vmem>>) semaphore(%dma_start3A_880 : memref<!tpu.dma_semaphore, #tpu.memory_space<semaphore_mem>>) {add = true}
      %add3A_881 = arith.constant 0 : i32
      %add3A_882 = arith.addi %mul3A_760, %add3A_881 : i32
      %dma_wait3A_883 = arith.constant 0 : i32
      %dma_wait3A_884 = arith.constant 0 : i32
      %dma_wait3A_885 = arith.constant 0 : i32
      %dma_wait3A_886 = arith.constant 0 : i32
      %dma_wait3A_887 = tpu.memref_slice %arg8[%dma_wait3A_883, %dma_wait3A_885, %dma_wait3A_886] : memref<4x64x128xf32, #tpu.memory_space<vmem>> -> memref<1x64x128xf32, #tpu.memory_space<vmem>>
      %dma_wait3A_888 = tpu.memref_squeeze %dma_wait3A_887 : memref<1x64x128xf32, #tpu.memory_space<vmem>> -> memref<64x128xf32, #tpu.memory_space<vmem>>
      %dma_wait3A_889 = arith.constant 0 : i32
      %dma_wait3A_890 = tpu.memref_slice %arg7[%add3A_882, %dma_wait3A_889] : memref<40x64xi32, #tpu.memory_space<vmem>> -> memref<1x64xi32, #tpu.memory_space<vmem>>
      %dma_wait3A_891 = tpu.memref_squeeze %dma_wait3A_890 : memref<1x64xi32, #tpu.memory_space<vmem>> -> memref<64xi32, #tpu.memory_space<vmem>>
      %dma_wait3A_892 = arith.constant 0 : i32
      %dma_wait3A_893 = arith.constant 0 : i32
      %dma_wait3A_894 = tpu.memref_slice %arg9[%dma_wait3A_892, %dma_wait3A_893] : memref<10000x128xf32, #tpu.memory_space<vmem_shared>> -> memref<10000x128xf32, #tpu.memory_space<vmem_shared>>
      %dma_wait3A_895 = tpu.memref_slice %arg11[%dma_wait3A_884] : memref<4x!tpu.dma_semaphore, #tpu.memory_space<semaphore_mem>> -> memref<1x!tpu.dma_semaphore, #tpu.memory_space<semaphore_mem>>
      %dma_wait3A_896 = tpu.memref_squeeze %dma_wait3A_895 : memref<1x!tpu.dma_semaphore, #tpu.memory_space<semaphore_mem>> -> memref<!tpu.dma_semaphore, #tpu.memory_space<semaphore_mem>>
      tpu.wait_indirect_dma semaphore(%dma_wait3A_896 : memref<!tpu.dma_semaphore, #tpu.memory_space<semaphore_mem>>) src(%dma_wait3A_888 : memref<64x128xf32, #tpu.memory_space<vmem>>) dst(%dma_wait3A_894 : memref<10000x128xf32, #tpu.memory_space<vmem_shared>>)
      %lt3A = arith.constant 9 : i32
      %lt3A_897 = arith.cmpi slt, %scan3A_758, %lt3A : i32
      %convert_element_type3A_898 = arith.extui %lt3A_897 : i1 to i32
      %cond3A_899 = arith.constant 0 : i32
      %cond3A_900 = arith.cmpi ne, %convert_element_type3A_898, %cond3A_899 : i32
      scf.if %cond3A_900 {
        %add3A_964 = arith.constant 4 : i32
        %add3A_965 = arith.addi %add3A_882, %add3A_964 : i32
        %dma_start3A_966 = arith.constant 0 : i32
        %dma_start3A_967 = arith.constant 0 : i32
        %dma_start3A_968 = arith.constant 0 : i32
        %dma_start3A_969 = arith.constant 0 : i32
        %dma_start3A_970 = tpu.memref_slice %arg8[%dma_start3A_966, %dma_start3A_968, %dma_start3A_969] : memref<4x64x128xf32, #tpu.memory_space<vmem>> -> memref<1x64x128xf32, #tpu.memory_space<vmem>>
        %dma_start3A_971 = tpu.memref_squeeze %dma_start3A_970 : memref<1x64x128xf32, #tpu.memory_space<vmem>> -> memref<64x128xf32, #tpu.memory_space<vmem>>
        %dma_start3A_972 = arith.constant 0 : i32
        %dma_start3A_973 = tpu.memref_slice %arg6[%add3A_965, %dma_start3A_972] : memref<40x64xi32, #tpu.memory_space<vmem>> -> memref<1x64xi32, #tpu.memory_space<vmem>>
        %dma_start3A_974 = tpu.memref_squeeze %dma_start3A_973 : memref<1x64xi32, #tpu.memory_space<vmem>> -> memref<64xi32, #tpu.memory_space<vmem>>
        %dma_start3A_975 = arith.constant 0 : i32
        %dma_start3A_976 = arith.constant 0 : i32
        %dma_start3A_977 = tpu.memref_slice %arg2[%dma_start3A_975, %dma_start3A_976] : memref<20096x128xf32, #tpu.memory_space<hbm>> -> memref<20096x128xf32, #tpu.memory_space<hbm>>
        %dma_start3A_978 = tpu.memref_slice %arg10[%dma_start3A_967] : memref<4x!tpu.dma_semaphore, #tpu.memory_space<semaphore_mem>> -> memref<1x!tpu.dma_semaphore, #tpu.memory_space<semaphore_mem>>
        %dma_start3A_979 = tpu.memref_squeeze %dma_start3A_978 : memref<1x!tpu.dma_semaphore, #tpu.memory_space<semaphore_mem>> -> memref<!tpu.dma_semaphore, #tpu.memory_space<semaphore_mem>>
        tpu.enqueue_indirect_dma source(%dma_start3A_977 : memref<20096x128xf32, #tpu.memory_space<hbm>>) target(%dma_start3A_971 : memref<64x128xf32, #tpu.memory_space<vmem>>) offsets(%dma_start3A_974 : memref<64xi32, #tpu.memory_space<vmem>>) semaphore(%dma_start3A_979 : memref<!tpu.dma_semaphore, #tpu.memory_space<semaphore_mem>>)
      } else {
      }
      %add3A_901 = arith.constant 1 : i32
      %add3A_902 = arith.addi %mul3A_760, %add3A_901 : i32
      %dma_wait3A_903 = arith.constant 1 : i32
      %dma_wait3A_904 = arith.constant 1 : i32
      %dma_wait3A_905 = arith.constant 0 : i32
      %dma_wait3A_906 = arith.constant 0 : i32
      %dma_wait3A_907 = tpu.memref_slice %arg8[%dma_wait3A_903, %dma_wait3A_905, %dma_wait3A_906] : memref<4x64x128xf32, #tpu.memory_space<vmem>> -> memref<1x64x128xf32, #tpu.memory_space<vmem>>
      %dma_wait3A_908 = tpu.memref_squeeze %dma_wait3A_907 : memref<1x64x128xf32, #tpu.memory_space<vmem>> -> memref<64x128xf32, #tpu.memory_space<vmem>>
      %dma_wait3A_909 = arith.constant 0 : i32
      %dma_wait3A_910 = tpu.memref_slice %arg7[%add3A_902, %dma_wait3A_909] : memref<40x64xi32, #tpu.memory_space<vmem>> -> memref<1x64xi32, #tpu.memory_space<vmem>>
      %dma_wait3A_911 = tpu.memref_squeeze %dma_wait3A_910 : memref<1x64xi32, #tpu.memory_space<vmem>> -> memref<64xi32, #tpu.memory_space<vmem>>
      %dma_wait3A_912 = arith.constant 0 : i32
      %dma_wait3A_913 = arith.constant 0 : i32
      %dma_wait3A_914 = tpu.memref_slice %arg9[%dma_wait3A_912, %dma_wait3A_913] : memref<10000x128xf32, #tpu.memory_space<vmem_shared>> -> memref<10000x128xf32, #tpu.memory_space<vmem_shared>>
      %dma_wait3A_915 = tpu.memref_slice %arg11[%dma_wait3A_904] : memref<4x!tpu.dma_semaphore, #tpu.memory_space<semaphore_mem>> -> memref<1x!tpu.dma_semaphore, #tpu.memory_space<semaphore_mem>>
      %dma_wait3A_916 = tpu.memref_squeeze %dma_wait3A_915 : memref<1x!tpu.dma_semaphore, #tpu.memory_space<semaphore_mem>> -> memref<!tpu.dma_semaphore, #tpu.memory_space<semaphore_mem>>
      tpu.wait_indirect_dma semaphore(%dma_wait3A_916 : memref<!tpu.dma_semaphore, #tpu.memory_space<semaphore_mem>>) src(%dma_wait3A_908 : memref<64x128xf32, #tpu.memory_space<vmem>>) dst(%dma_wait3A_914 : memref<10000x128xf32, #tpu.memory_space<vmem_shared>>)
      %lt3A_917 = arith.constant 9 : i32
      %lt3A_918 = arith.cmpi slt, %scan3A_758, %lt3A_917 : i32
      %convert_element_type3A_919 = arith.extui %lt3A_918 : i1 to i32
      %cond3A_920 = arith.constant 0 : i32
      %cond3A_921 = arith.cmpi ne, %convert_element_type3A_919, %cond3A_920 : i32
      scf.if %cond3A_921 {
        %add3A_964 = arith.constant 4 : i32
        %add3A_965 = arith.addi %add3A_902, %add3A_964 : i32
        %dma_start3A_966 = arith.constant 1 : i32
        %dma_start3A_967 = arith.constant 1 : i32
        %dma_start3A_968 = arith.constant 0 : i32
        %dma_start3A_969 = arith.constant 0 : i32
        %dma_start3A_970 = tpu.memref_slice %arg8[%dma_start3A_966, %dma_start3A_968, %dma_start3A_969] : memref<4x64x128xf32, #tpu.memory_space<vmem>> -> memref<1x64x128xf32, #tpu.memory_space<vmem>>
        %dma_start3A_971 = tpu.memref_squeeze %dma_start3A_970 : memref<1x64x128xf32, #tpu.memory_space<vmem>> -> memref<64x128xf32, #tpu.memory_space<vmem>>
        %dma_start3A_972 = arith.constant 0 : i32
        %dma_start3A_973 = tpu.memref_slice %arg6[%add3A_965, %dma_start3A_972] : memref<40x64xi32, #tpu.memory_space<vmem>> -> memref<1x64xi32, #tpu.memory_space<vmem>>
        %dma_start3A_974 = tpu.memref_squeeze %dma_start3A_973 : memref<1x64xi32, #tpu.memory_space<vmem>> -> memref<64xi32, #tpu.memory_space<vmem>>
        %dma_start3A_975 = arith.constant 0 : i32
        %dma_start3A_976 = arith.constant 0 : i32
        %dma_start3A_977 = tpu.memref_slice %arg2[%dma_start3A_975, %dma_start3A_976] : memref<20096x128xf32, #tpu.memory_space<hbm>> -> memref<20096x128xf32, #tpu.memory_space<hbm>>
        %dma_start3A_978 = tpu.memref_slice %arg10[%dma_start3A_967] : memref<4x!tpu.dma_semaphore, #tpu.memory_space<semaphore_mem>> -> memref<1x!tpu.dma_semaphore, #tpu.memory_space<semaphore_mem>>
        %dma_start3A_979 = tpu.memref_squeeze %dma_start3A_978 : memref<1x!tpu.dma_semaphore, #tpu.memory_space<semaphore_mem>> -> memref<!tpu.dma_semaphore, #tpu.memory_space<semaphore_mem>>
        tpu.enqueue_indirect_dma source(%dma_start3A_977 : memref<20096x128xf32, #tpu.memory_space<hbm>>) target(%dma_start3A_971 : memref<64x128xf32, #tpu.memory_space<vmem>>) offsets(%dma_start3A_974 : memref<64xi32, #tpu.memory_space<vmem>>) semaphore(%dma_start3A_979 : memref<!tpu.dma_semaphore, #tpu.memory_space<semaphore_mem>>)
      } else {
      }
      %add3A_922 = arith.constant 2 : i32
      %add3A_923 = arith.addi %mul3A_760, %add3A_922 : i32
      %dma_wait3A_924 = arith.constant 2 : i32
      %dma_wait3A_925 = arith.constant 2 : i32
      %dma_wait3A_926 = arith.constant 0 : i32
      %dma_wait3A_927 = arith.constant 0 : i32
      %dma_wait3A_928 = tpu.memref_slice %arg8[%dma_wait3A_924, %dma_wait3A_926, %dma_wait3A_927] : memref<4x64x128xf32, #tpu.memory_space<vmem>> -> memref<1x64x128xf32, #tpu.memory_space<vmem>>
      %dma_wait3A_929 = tpu.memref_squeeze %dma_wait3A_928 : memref<1x64x128xf32, #tpu.memory_space<vmem>> -> memref<64x128xf32, #tpu.memory_space<vmem>>
      %dma_wait3A_930 = arith.constant 0 : i32
      %dma_wait3A_931 = tpu.memref_slice %arg7[%add3A_923, %dma_wait3A_930] : memref<40x64xi32, #tpu.memory_space<vmem>> -> memref<1x64xi32, #tpu.memory_space<vmem>>
      %dma_wait3A_932 = tpu.memref_squeeze %dma_wait3A_931 : memref<1x64xi32, #tpu.memory_space<vmem>> -> memref<64xi32, #tpu.memory_space<vmem>>
      %dma_wait3A_933 = arith.constant 0 : i32
      %dma_wait3A_934 = arith.constant 0 : i32
      %dma_wait3A_935 = tpu.memref_slice %arg9[%dma_wait3A_933, %dma_wait3A_934] : memref<10000x128xf32, #tpu.memory_space<vmem_shared>> -> memref<10000x128xf32, #tpu.memory_space<vmem_shared>>
      %dma_wait3A_936 = tpu.memref_slice %arg11[%dma_wait3A_925] : memref<4x!tpu.dma_semaphore, #tpu.memory_space<semaphore_mem>> -> memref<1x!tpu.dma_semaphore, #tpu.memory_space<semaphore_mem>>
      %dma_wait3A_937 = tpu.memref_squeeze %dma_wait3A_936 : memref<1x!tpu.dma_semaphore, #tpu.memory_space<semaphore_mem>> -> memref<!tpu.dma_semaphore, #tpu.memory_space<semaphore_mem>>
      tpu.wait_indirect_dma semaphore(%dma_wait3A_937 : memref<!tpu.dma_semaphore, #tpu.memory_space<semaphore_mem>>) src(%dma_wait3A_929 : memref<64x128xf32, #tpu.memory_space<vmem>>) dst(%dma_wait3A_935 : memref<10000x128xf32, #tpu.memory_space<vmem_shared>>)
      %lt3A_938 = arith.constant 9 : i32
      %lt3A_939 = arith.cmpi slt, %scan3A_758, %lt3A_938 : i32
      %convert_element_type3A_940 = arith.extui %lt3A_939 : i1 to i32
      %cond3A_941 = arith.constant 0 : i32
      %cond3A_942 = arith.cmpi ne, %convert_element_type3A_940, %cond3A_941 : i32
      scf.if %cond3A_942 {
        %add3A_964 = arith.constant 4 : i32
        %add3A_965 = arith.addi %add3A_923, %add3A_964 : i32
        %dma_start3A_966 = arith.constant 2 : i32
        %dma_start3A_967 = arith.constant 2 : i32
        %dma_start3A_968 = arith.constant 0 : i32
        %dma_start3A_969 = arith.constant 0 : i32
        %dma_start3A_970 = tpu.memref_slice %arg8[%dma_start3A_966, %dma_start3A_968, %dma_start3A_969] : memref<4x64x128xf32, #tpu.memory_space<vmem>> -> memref<1x64x128xf32, #tpu.memory_space<vmem>>
        %dma_start3A_971 = tpu.memref_squeeze %dma_start3A_970 : memref<1x64x128xf32, #tpu.memory_space<vmem>> -> memref<64x128xf32, #tpu.memory_space<vmem>>
        %dma_start3A_972 = arith.constant 0 : i32
        %dma_start3A_973 = tpu.memref_slice %arg6[%add3A_965, %dma_start3A_972] : memref<40x64xi32, #tpu.memory_space<vmem>> -> memref<1x64xi32, #tpu.memory_space<vmem>>
        %dma_start3A_974 = tpu.memref_squeeze %dma_start3A_973 : memref<1x64xi32, #tpu.memory_space<vmem>> -> memref<64xi32, #tpu.memory_space<vmem>>
        %dma_start3A_975 = arith.constant 0 : i32
        %dma_start3A_976 = arith.constant 0 : i32
        %dma_start3A_977 = tpu.memref_slice %arg2[%dma_start3A_975, %dma_start3A_976] : memref<20096x128xf32, #tpu.memory_space<hbm>> -> memref<20096x128xf32, #tpu.memory_space<hbm>>
        %dma_start3A_978 = tpu.memref_slice %arg10[%dma_start3A_967] : memref<4x!tpu.dma_semaphore, #tpu.memory_space<semaphore_mem>> -> memref<1x!tpu.dma_semaphore, #tpu.memory_space<semaphore_mem>>
        %dma_start3A_979 = tpu.memref_squeeze %dma_start3A_978 : memref<1x!tpu.dma_semaphore, #tpu.memory_space<semaphore_mem>> -> memref<!tpu.dma_semaphore, #tpu.memory_space<semaphore_mem>>
        tpu.enqueue_indirect_dma source(%dma_start3A_977 : memref<20096x128xf32, #tpu.memory_space<hbm>>) target(%dma_start3A_971 : memref<64x128xf32, #tpu.memory_space<vmem>>) offsets(%dma_start3A_974 : memref<64xi32, #tpu.memory_space<vmem>>) semaphore(%dma_start3A_979 : memref<!tpu.dma_semaphore, #tpu.memory_space<semaphore_mem>>)
      } else {
      }
      %add3A_943 = arith.constant 3 : i32
      %add3A_944 = arith.addi %mul3A_760, %add3A_943 : i32
      %dma_wait3A_945 = arith.constant 3 : i32
      %dma_wait3A_946 = arith.constant 3 : i32
      %dma_wait3A_947 = arith.constant 0 : i32
      %dma_wait3A_948 = arith.constant 0 : i32
      %dma_wait3A_949 = tpu.memref_slice %arg8[%dma_wait3A_945, %dma_wait3A_947, %dma_wait3A_948] : memref<4x64x128xf32, #tpu.memory_space<vmem>> -> memref<1x64x128xf32, #tpu.memory_space<vmem>>
      %dma_wait3A_950 = tpu.memref_squeeze %dma_wait3A_949 : memref<1x64x128xf32, #tpu.memory_space<vmem>> -> memref<64x128xf32, #tpu.memory_space<vmem>>
      %dma_wait3A_951 = arith.constant 0 : i32
      %dma_wait3A_952 = tpu.memref_slice %arg7[%add3A_944, %dma_wait3A_951] : memref<40x64xi32, #tpu.memory_space<vmem>> -> memref<1x64xi32, #tpu.memory_space<vmem>>
      %dma_wait3A_953 = tpu.memref_squeeze %dma_wait3A_952 : memref<1x64xi32, #tpu.memory_space<vmem>> -> memref<64xi32, #tpu.memory_space<vmem>>
      %dma_wait3A_954 = arith.constant 0 : i32
      %dma_wait3A_955 = arith.constant 0 : i32
      %dma_wait3A_956 = tpu.memref_slice %arg9[%dma_wait3A_954, %dma_wait3A_955] : memref<10000x128xf32, #tpu.memory_space<vmem_shared>> -> memref<10000x128xf32, #tpu.memory_space<vmem_shared>>
      %dma_wait3A_957 = tpu.memref_slice %arg11[%dma_wait3A_946] : memref<4x!tpu.dma_semaphore, #tpu.memory_space<semaphore_mem>> -> memref<1x!tpu.dma_semaphore, #tpu.memory_space<semaphore_mem>>
      %dma_wait3A_958 = tpu.memref_squeeze %dma_wait3A_957 : memref<1x!tpu.dma_semaphore, #tpu.memory_space<semaphore_mem>> -> memref<!tpu.dma_semaphore, #tpu.memory_space<semaphore_mem>>
      tpu.wait_indirect_dma semaphore(%dma_wait3A_958 : memref<!tpu.dma_semaphore, #tpu.memory_space<semaphore_mem>>) src(%dma_wait3A_950 : memref<64x128xf32, #tpu.memory_space<vmem>>) dst(%dma_wait3A_956 : memref<10000x128xf32, #tpu.memory_space<vmem_shared>>)
      %lt3A_959 = arith.constant 9 : i32
      %lt3A_960 = arith.cmpi slt, %scan3A_758, %lt3A_959 : i32
      %convert_element_type3A_961 = arith.extui %lt3A_960 : i1 to i32
      %cond3A_962 = arith.constant 0 : i32
      %cond3A_963 = arith.cmpi ne, %convert_element_type3A_961, %cond3A_962 : i32
      scf.if %cond3A_963 {
        %add3A_964 = arith.constant 4 : i32
        %add3A_965 = arith.addi %add3A_944, %add3A_964 : i32
        %dma_start3A_966 = arith.constant 3 : i32
        %dma_start3A_967 = arith.constant 3 : i32
        %dma_start3A_968 = arith.constant 0 : i32
        %dma_start3A_969 = arith.constant 0 : i32
        %dma_start3A_970 = tpu.memref_slice %arg8[%dma_start3A_966, %dma_start3A_968, %dma_start3A_969] : memref<4x64x128xf32, #tpu.memory_space<vmem>> -> memref<1x64x128xf32, #tpu.memory_space<vmem>>
        %dma_start3A_971 = tpu.memref_squeeze %dma_start3A_970 : memref<1x64x128xf32, #tpu.memory_space<vmem>> -> memref<64x128xf32, #tpu.memory_space<vmem>>
        %dma_start3A_972 = arith.constant 0 : i32
        %dma_start3A_973 = tpu.memref_slice %arg6[%add3A_965, %dma_start3A_972] : memref<40x64xi32, #tpu.memory_space<vmem>> -> memref<1x64xi32, #tpu.memory_space<vmem>>
        %dma_start3A_974 = tpu.memref_squeeze %dma_start3A_973 : memref<1x64xi32, #tpu.memory_space<vmem>> -> memref<64xi32, #tpu.memory_space<vmem>>
        %dma_start3A_975 = arith.constant 0 : i32
        %dma_start3A_976 = arith.constant 0 : i32
        %dma_start3A_977 = tpu.memref_slice %arg2[%dma_start3A_975, %dma_start3A_976] : memref<20096x128xf32, #tpu.memory_space<hbm>> -> memref<20096x128xf32, #tpu.memory_space<hbm>>
        %dma_start3A_978 = tpu.memref_slice %arg10[%dma_start3A_967] : memref<4x!tpu.dma_semaphore, #tpu.memory_space<semaphore_mem>> -> memref<1x!tpu.dma_semaphore, #tpu.memory_space<semaphore_mem>>
        %dma_start3A_979 = tpu.memref_squeeze %dma_start3A_978 : memref<1x!tpu.dma_semaphore, #tpu.memory_space<semaphore_mem>> -> memref<!tpu.dma_semaphore, #tpu.memory_space<semaphore_mem>>
        tpu.enqueue_indirect_dma source(%dma_start3A_977 : memref<20096x128xf32, #tpu.memory_space<hbm>>) target(%dma_start3A_971 : memref<64x128xf32, #tpu.memory_space<vmem>>) offsets(%dma_start3A_974 : memref<64xi32, #tpu.memory_space<vmem>>) semaphore(%dma_start3A_979 : memref<!tpu.dma_semaphore, #tpu.memory_space<semaphore_mem>>)
      } else {
      }
    }
    %scan3A_613 = arith.constant 10 : i32
    %mul3A_614 = arith.constant 160 : i32
    %mul3A_615 = arith.muli %add3A, %mul3A_614 : i32
    %add3A_616 = arith.constant 80 : i32
    %add3A_617 = arith.addi %mul3A_615, %add3A_616 : i32
    "tpu.region"() ({
      %run_scoped3A = tpu.sem_alloc : memref<!tpu.dma_semaphore, #tpu.memory_space<semaphore_mem>>
      %dma_start3A_758 = arith.constant 0 : i32
      %dma_start3A_759 = tpu.memref_slice %arg3[%add3A_617, %dma_start3A_758] : memref<5120x64xi32, #tpu.memory_space<hbm>> -> memref<40x64xi32, #tpu.memory_space<hbm>>
      %dma_start3A_760 = arith.constant 0 : i32
      %dma_start3A_761 = tpu.memref_slice %arg3[%add3A_617, %dma_start3A_760] : memref<5120x64xi32, #tpu.memory_space<hbm>> -> memref<40x64xi32, #tpu.memory_space<hbm>>
      tpu.enqueue_dma source(%dma_start3A_761 : memref<40x64xi32, #tpu.memory_space<hbm>>) target(%arg6 : memref<40x64xi32, #tpu.memory_space<vmem>>) target_semaphore(%run_scoped3A : memref<!tpu.dma_semaphore, #tpu.memory_space<semaphore_mem>>)
      %dma_wait3A_762 = arith.constant 0 : i32
      %dma_wait3A_763 = tpu.memref_slice %arg3[%add3A_617, %dma_wait3A_762] : memref<5120x64xi32, #tpu.memory_space<hbm>> -> memref<40x64xi32, #tpu.memory_space<hbm>>
      %dma_wait3A_764 = arith.constant 0 : i32
      %dma_wait3A_765 = tpu.memref_slice %arg3[%add3A_617, %dma_wait3A_764] : memref<5120x64xi32, #tpu.memory_space<hbm>> -> memref<40x64xi32, #tpu.memory_space<hbm>>
      tpu.wait_dma2 semaphore(%run_scoped3A : memref<!tpu.dma_semaphore, #tpu.memory_space<semaphore_mem>>) src(%dma_wait3A_765 : memref<40x64xi32, #tpu.memory_space<hbm>>) dst(%arg6 : memref<40x64xi32, #tpu.memory_space<vmem>>)
      tpu.yield
    }) : () -> ()
    "tpu.region"() ({
      %run_scoped3A = tpu.sem_alloc : memref<!tpu.dma_semaphore, #tpu.memory_space<semaphore_mem>>
      %dma_start3A_758 = arith.constant 0 : i32
      %dma_start3A_759 = tpu.memref_slice %arg4[%add3A_617, %dma_start3A_758] : memref<5120x64xi32, #tpu.memory_space<hbm>> -> memref<40x64xi32, #tpu.memory_space<hbm>>
      %dma_start3A_760 = arith.constant 0 : i32
      %dma_start3A_761 = tpu.memref_slice %arg4[%add3A_617, %dma_start3A_760] : memref<5120x64xi32, #tpu.memory_space<hbm>> -> memref<40x64xi32, #tpu.memory_space<hbm>>
      tpu.enqueue_dma source(%dma_start3A_761 : memref<40x64xi32, #tpu.memory_space<hbm>>) target(%arg7 : memref<40x64xi32, #tpu.memory_space<vmem>>) target_semaphore(%run_scoped3A : memref<!tpu.dma_semaphore, #tpu.memory_space<semaphore_mem>>)
      %dma_wait3A_762 = arith.constant 0 : i32
      %dma_wait3A_763 = tpu.memref_slice %arg4[%add3A_617, %dma_wait3A_762] : memref<5120x64xi32, #tpu.memory_space<hbm>> -> memref<40x64xi32, #tpu.memory_space<hbm>>
      %dma_wait3A_764 = arith.constant 0 : i32
      %dma_wait3A_765 = tpu.memref_slice %arg4[%add3A_617, %dma_wait3A_764] : memref<5120x64xi32, #tpu.memory_space<hbm>> -> memref<40x64xi32, #tpu.memory_space<hbm>>
      tpu.wait_dma2 semaphore(%run_scoped3A : memref<!tpu.dma_semaphore, #tpu.memory_space<semaphore_mem>>) src(%dma_wait3A_765 : memref<40x64xi32, #tpu.memory_space<hbm>>) dst(%arg7 : memref<40x64xi32, #tpu.memory_space<vmem>>)
      tpu.yield
    }) : () -> ()
    %dma_start3A_618 = arith.constant 0 : i32
    %dma_start3A_619 = arith.constant 0 : i32
    %dma_start3A_620 = arith.constant 0 : i32
    %dma_start3A_621 = arith.constant 0 : i32
    %dma_start3A_622 = arith.constant 0 : i32
    %dma_start3A_623 = tpu.memref_slice %arg8[%dma_start3A_619, %dma_start3A_621, %dma_start3A_622] : memref<4x64x128xf32, #tpu.memory_space<vmem>> -> memref<1x64x128xf32, #tpu.memory_space<vmem>>
    %dma_start3A_624 = tpu.memref_squeeze %dma_start3A_623 : memref<1x64x128xf32, #tpu.memory_space<vmem>> -> memref<64x128xf32, #tpu.memory_space<vmem>>
    %dma_start3A_625 = arith.constant 0 : i32
    %dma_start3A_626 = tpu.memref_slice %arg6[%dma_start3A_618, %dma_start3A_625] : memref<40x64xi32, #tpu.memory_space<vmem>> -> memref<1x64xi32, #tpu.memory_space<vmem>>
    %dma_start3A_627 = tpu.memref_squeeze %dma_start3A_626 : memref<1x64xi32, #tpu.memory_space<vmem>> -> memref<64xi32, #tpu.memory_space<vmem>>
    %dma_start3A_628 = arith.constant 0 : i32
    %dma_start3A_629 = arith.constant 0 : i32
    %dma_start3A_630 = tpu.memref_slice %arg2[%dma_start3A_628, %dma_start3A_629] : memref<20096x128xf32, #tpu.memory_space<hbm>> -> memref<20096x128xf32, #tpu.memory_space<hbm>>
    %dma_start3A_631 = tpu.memref_slice %arg10[%dma_start3A_620] : memref<4x!tpu.dma_semaphore, #tpu.memory_space<semaphore_mem>> -> memref<1x!tpu.dma_semaphore, #tpu.memory_space<semaphore_mem>>
    %dma_start3A_632 = tpu.memref_squeeze %dma_start3A_631 : memref<1x!tpu.dma_semaphore, #tpu.memory_space<semaphore_mem>> -> memref<!tpu.dma_semaphore, #tpu.memory_space<semaphore_mem>>
    tpu.enqueue_indirect_dma source(%dma_start3A_630 : memref<20096x128xf32, #tpu.memory_space<hbm>>) target(%dma_start3A_624 : memref<64x128xf32, #tpu.memory_space<vmem>>) offsets(%dma_start3A_627 : memref<64xi32, #tpu.memory_space<vmem>>) semaphore(%dma_start3A_632 : memref<!tpu.dma_semaphore, #tpu.memory_space<semaphore_mem>>)
    %dma_start3A_633 = arith.constant 1 : i32
    %dma_start3A_634 = arith.constant 1 : i32
    %dma_start3A_635 = arith.constant 1 : i32
    %dma_start3A_636 = arith.constant 0 : i32
    %dma_start3A_637 = arith.constant 0 : i32
    %dma_start3A_638 = tpu.memref_slice %arg8[%dma_start3A_634, %dma_start3A_636, %dma_start3A_637] : memref<4x64x128xf32, #tpu.memory_space<vmem>> -> memref<1x64x128xf32, #tpu.memory_space<vmem>>
    %dma_start3A_639 = tpu.memref_squeeze %dma_start3A_638 : memref<1x64x128xf32, #tpu.memory_space<vmem>> -> memref<64x128xf32, #tpu.memory_space<vmem>>
    %dma_start3A_640 = arith.constant 0 : i32
    %dma_start3A_641 = tpu.memref_slice %arg6[%dma_start3A_633, %dma_start3A_640] : memref<40x64xi32, #tpu.memory_space<vmem>> -> memref<1x64xi32, #tpu.memory_space<vmem>>
    %dma_start3A_642 = tpu.memref_squeeze %dma_start3A_641 : memref<1x64xi32, #tpu.memory_space<vmem>> -> memref<64xi32, #tpu.memory_space<vmem>>
    %dma_start3A_643 = arith.constant 0 : i32
    %dma_start3A_644 = arith.constant 0 : i32
    %dma_start3A_645 = tpu.memref_slice %arg2[%dma_start3A_643, %dma_start3A_644] : memref<20096x128xf32, #tpu.memory_space<hbm>> -> memref<20096x128xf32, #tpu.memory_space<hbm>>
    %dma_start3A_646 = tpu.memref_slice %arg10[%dma_start3A_635] : memref<4x!tpu.dma_semaphore, #tpu.memory_space<semaphore_mem>> -> memref<1x!tpu.dma_semaphore, #tpu.memory_space<semaphore_mem>>
    %dma_start3A_647 = tpu.memref_squeeze %dma_start3A_646 : memref<1x!tpu.dma_semaphore, #tpu.memory_space<semaphore_mem>> -> memref<!tpu.dma_semaphore, #tpu.memory_space<semaphore_mem>>
    tpu.enqueue_indirect_dma source(%dma_start3A_645 : memref<20096x128xf32, #tpu.memory_space<hbm>>) target(%dma_start3A_639 : memref<64x128xf32, #tpu.memory_space<vmem>>) offsets(%dma_start3A_642 : memref<64xi32, #tpu.memory_space<vmem>>) semaphore(%dma_start3A_647 : memref<!tpu.dma_semaphore, #tpu.memory_space<semaphore_mem>>)
    %dma_start3A_648 = arith.constant 2 : i32
    %dma_start3A_649 = arith.constant 2 : i32
    %dma_start3A_650 = arith.constant 2 : i32
    %dma_start3A_651 = arith.constant 0 : i32
    %dma_start3A_652 = arith.constant 0 : i32
    %dma_start3A_653 = tpu.memref_slice %arg8[%dma_start3A_649, %dma_start3A_651, %dma_start3A_652] : memref<4x64x128xf32, #tpu.memory_space<vmem>> -> memref<1x64x128xf32, #tpu.memory_space<vmem>>
    %dma_start3A_654 = tpu.memref_squeeze %dma_start3A_653 : memref<1x64x128xf32, #tpu.memory_space<vmem>> -> memref<64x128xf32, #tpu.memory_space<vmem>>
    %dma_start3A_655 = arith.constant 0 : i32
    %dma_start3A_656 = tpu.memref_slice %arg6[%dma_start3A_648, %dma_start3A_655] : memref<40x64xi32, #tpu.memory_space<vmem>> -> memref<1x64xi32, #tpu.memory_space<vmem>>
    %dma_start3A_657 = tpu.memref_squeeze %dma_start3A_656 : memref<1x64xi32, #tpu.memory_space<vmem>> -> memref<64xi32, #tpu.memory_space<vmem>>
    %dma_start3A_658 = arith.constant 0 : i32
    %dma_start3A_659 = arith.constant 0 : i32
    %dma_start3A_660 = tpu.memref_slice %arg2[%dma_start3A_658, %dma_start3A_659] : memref<20096x128xf32, #tpu.memory_space<hbm>> -> memref<20096x128xf32, #tpu.memory_space<hbm>>
    %dma_start3A_661 = tpu.memref_slice %arg10[%dma_start3A_650] : memref<4x!tpu.dma_semaphore, #tpu.memory_space<semaphore_mem>> -> memref<1x!tpu.dma_semaphore, #tpu.memory_space<semaphore_mem>>
    %dma_start3A_662 = tpu.memref_squeeze %dma_start3A_661 : memref<1x!tpu.dma_semaphore, #tpu.memory_space<semaphore_mem>> -> memref<!tpu.dma_semaphore, #tpu.memory_space<semaphore_mem>>
    tpu.enqueue_indirect_dma source(%dma_start3A_660 : memref<20096x128xf32, #tpu.memory_space<hbm>>) target(%dma_start3A_654 : memref<64x128xf32, #tpu.memory_space<vmem>>) offsets(%dma_start3A_657 : memref<64xi32, #tpu.memory_space<vmem>>) semaphore(%dma_start3A_662 : memref<!tpu.dma_semaphore, #tpu.memory_space<semaphore_mem>>)
    %dma_start3A_663 = arith.constant 3 : i32
    %dma_start3A_664 = arith.constant 3 : i32
    %dma_start3A_665 = arith.constant 3 : i32
    %dma_start3A_666 = arith.constant 0 : i32
    %dma_start3A_667 = arith.constant 0 : i32
    %dma_start3A_668 = tpu.memref_slice %arg8[%dma_start3A_664, %dma_start3A_666, %dma_start3A_667] : memref<4x64x128xf32, #tpu.memory_space<vmem>> -> memref<1x64x128xf32, #tpu.memory_space<vmem>>
    %dma_start3A_669 = tpu.memref_squeeze %dma_start3A_668 : memref<1x64x128xf32, #tpu.memory_space<vmem>> -> memref<64x128xf32, #tpu.memory_space<vmem>>
    %dma_start3A_670 = arith.constant 0 : i32
    %dma_start3A_671 = tpu.memref_slice %arg6[%dma_start3A_663, %dma_start3A_670] : memref<40x64xi32, #tpu.memory_space<vmem>> -> memref<1x64xi32, #tpu.memory_space<vmem>>
    %dma_start3A_672 = tpu.memref_squeeze %dma_start3A_671 : memref<1x64xi32, #tpu.memory_space<vmem>> -> memref<64xi32, #tpu.memory_space<vmem>>
    %dma_start3A_673 = arith.constant 0 : i32
    %dma_start3A_674 = arith.constant 0 : i32
    %dma_start3A_675 = tpu.memref_slice %arg2[%dma_start3A_673, %dma_start3A_674] : memref<20096x128xf32, #tpu.memory_space<hbm>> -> memref<20096x128xf32, #tpu.memory_space<hbm>>
    %dma_start3A_676 = tpu.memref_slice %arg10[%dma_start3A_665] : memref<4x!tpu.dma_semaphore, #tpu.memory_space<semaphore_mem>> -> memref<1x!tpu.dma_semaphore, #tpu.memory_space<semaphore_mem>>
    %dma_start3A_677 = tpu.memref_squeeze %dma_start3A_676 : memref<1x!tpu.dma_semaphore, #tpu.memory_space<semaphore_mem>> -> memref<!tpu.dma_semaphore, #tpu.memory_space<semaphore_mem>>
    tpu.enqueue_indirect_dma source(%dma_start3A_675 : memref<20096x128xf32, #tpu.memory_space<hbm>>) target(%dma_start3A_669 : memref<64x128xf32, #tpu.memory_space<vmem>>) offsets(%dma_start3A_672 : memref<64xi32, #tpu.memory_space<vmem>>) semaphore(%dma_start3A_677 : memref<!tpu.dma_semaphore, #tpu.memory_space<semaphore_mem>>)
    %scan3A_678 = arith.constant 0 : i32
    %scan3A_679 = arith.constant 10 : i32
    %scan3A_680 = arith.addi %scan3A_678, %scan3A_679 : i32
    %scan3A_681 = arith.constant 1 : i32
    scf.for %scan3A_758 = %scan3A_678 to %scan3A_680 step %scan3A_681  : i32 {
      %mul3A_759 = arith.constant 4 : i32
      %mul3A_760 = arith.muli %scan3A_758, %mul3A_759 : i32
      %add3A_761 = arith.constant 0 : i32
      %add3A_762 = arith.addi %mul3A_760, %add3A_761 : i32
      %dma_wait3A_763 = arith.constant 0 : i32
      %dma_wait3A_764 = arith.constant 0 : i32
      %dma_wait3A_765 = arith.constant 0 : i32
      %dma_wait3A_766 = arith.constant 0 : i32
      %dma_wait3A_767 = tpu.memref_slice %arg8[%dma_wait3A_763, %dma_wait3A_765, %dma_wait3A_766] : memref<4x64x128xf32, #tpu.memory_space<vmem>> -> memref<1x64x128xf32, #tpu.memory_space<vmem>>
      %dma_wait3A_768 = tpu.memref_squeeze %dma_wait3A_767 : memref<1x64x128xf32, #tpu.memory_space<vmem>> -> memref<64x128xf32, #tpu.memory_space<vmem>>
      %dma_wait3A_769 = arith.constant 0 : i32
      %dma_wait3A_770 = tpu.memref_slice %arg6[%add3A_762, %dma_wait3A_769] : memref<40x64xi32, #tpu.memory_space<vmem>> -> memref<1x64xi32, #tpu.memory_space<vmem>>
      %dma_wait3A_771 = tpu.memref_squeeze %dma_wait3A_770 : memref<1x64xi32, #tpu.memory_space<vmem>> -> memref<64xi32, #tpu.memory_space<vmem>>
      %dma_wait3A_772 = arith.constant 0 : i32
      %dma_wait3A_773 = arith.constant 0 : i32
      %dma_wait3A_774 = tpu.memref_slice %arg2[%dma_wait3A_772, %dma_wait3A_773] : memref<20096x128xf32, #tpu.memory_space<hbm>> -> memref<20096x128xf32, #tpu.memory_space<hbm>>
      %dma_wait3A_775 = tpu.memref_slice %arg10[%dma_wait3A_764] : memref<4x!tpu.dma_semaphore, #tpu.memory_space<semaphore_mem>> -> memref<1x!tpu.dma_semaphore, #tpu.memory_space<semaphore_mem>>
      %dma_wait3A_776 = tpu.memref_squeeze %dma_wait3A_775 : memref<1x!tpu.dma_semaphore, #tpu.memory_space<semaphore_mem>> -> memref<!tpu.dma_semaphore, #tpu.memory_space<semaphore_mem>>
      tpu.wait_indirect_dma semaphore(%dma_wait3A_776 : memref<!tpu.dma_semaphore, #tpu.memory_space<semaphore_mem>>) src(%dma_wait3A_774 : memref<20096x128xf32, #tpu.memory_space<hbm>>) dst(%dma_wait3A_768 : memref<64x128xf32, #tpu.memory_space<vmem>>)
      %dma_start3A_777 = arith.constant 0 : i32
      %dma_start3A_778 = arith.constant 0 : i32
      %dma_start3A_779 = arith.constant 0 : i32
      %dma_start3A_780 = arith.constant 0 : i32
      %dma_start3A_781 = tpu.memref_slice %arg8[%dma_start3A_777, %dma_start3A_779, %dma_start3A_780] : memref<4x64x128xf32, #tpu.memory_space<vmem>> -> memref<1x64x128xf32, #tpu.memory_space<vmem>>
      %dma_start3A_782 = tpu.memref_squeeze %dma_start3A_781 : memref<1x64x128xf32, #tpu.memory_space<vmem>> -> memref<64x128xf32, #tpu.memory_space<vmem>>
      %dma_start3A_783 = arith.constant 0 : i32
      %dma_start3A_784 = tpu.memref_slice %arg7[%add3A_762, %dma_start3A_783] : memref<40x64xi32, #tpu.memory_space<vmem>> -> memref<1x64xi32, #tpu.memory_space<vmem>>
      %dma_start3A_785 = tpu.memref_squeeze %dma_start3A_784 : memref<1x64xi32, #tpu.memory_space<vmem>> -> memref<64xi32, #tpu.memory_space<vmem>>
      %dma_start3A_786 = arith.constant 0 : i32
      %dma_start3A_787 = arith.constant 0 : i32
      %dma_start3A_788 = tpu.memref_slice %arg9[%dma_start3A_786, %dma_start3A_787] : memref<10000x128xf32, #tpu.memory_space<vmem_shared>> -> memref<10000x128xf32, #tpu.memory_space<vmem_shared>>
      %dma_start3A_789 = tpu.memref_slice %arg11[%dma_start3A_778] : memref<4x!tpu.dma_semaphore, #tpu.memory_space<semaphore_mem>> -> memref<1x!tpu.dma_semaphore, #tpu.memory_space<semaphore_mem>>
      %dma_start3A_790 = tpu.memref_squeeze %dma_start3A_789 : memref<1x!tpu.dma_semaphore, #tpu.memory_space<semaphore_mem>> -> memref<!tpu.dma_semaphore, #tpu.memory_space<semaphore_mem>>
      tpu.enqueue_indirect_dma source(%dma_start3A_782 : memref<64x128xf32, #tpu.memory_space<vmem>>) target(%dma_start3A_788 : memref<10000x128xf32, #tpu.memory_space<vmem_shared>>) offsets(%dma_start3A_785 : memref<64xi32, #tpu.memory_space<vmem>>) semaphore(%dma_start3A_790 : memref<!tpu.dma_semaphore, #tpu.memory_space<semaphore_mem>>) {add = true}
      %add3A_791 = arith.constant 1 : i32
      %add3A_792 = arith.addi %mul3A_760, %add3A_791 : i32
      %dma_wait3A_793 = arith.constant 1 : i32
      %dma_wait3A_794 = arith.constant 1 : i32
      %dma_wait3A_795 = arith.constant 0 : i32
      %dma_wait3A_796 = arith.constant 0 : i32
      %dma_wait3A_797 = tpu.memref_slice %arg8[%dma_wait3A_793, %dma_wait3A_795, %dma_wait3A_796] : memref<4x64x128xf32, #tpu.memory_space<vmem>> -> memref<1x64x128xf32, #tpu.memory_space<vmem>>
      %dma_wait3A_798 = tpu.memref_squeeze %dma_wait3A_797 : memref<1x64x128xf32, #tpu.memory_space<vmem>> -> memref<64x128xf32, #tpu.memory_space<vmem>>
      %dma_wait3A_799 = arith.constant 0 : i32
      %dma_wait3A_800 = tpu.memref_slice %arg6[%add3A_792, %dma_wait3A_799] : memref<40x64xi32, #tpu.memory_space<vmem>> -> memref<1x64xi32, #tpu.memory_space<vmem>>
      %dma_wait3A_801 = tpu.memref_squeeze %dma_wait3A_800 : memref<1x64xi32, #tpu.memory_space<vmem>> -> memref<64xi32, #tpu.memory_space<vmem>>
      %dma_wait3A_802 = arith.constant 0 : i32
      %dma_wait3A_803 = arith.constant 0 : i32
      %dma_wait3A_804 = tpu.memref_slice %arg2[%dma_wait3A_802, %dma_wait3A_803] : memref<20096x128xf32, #tpu.memory_space<hbm>> -> memref<20096x128xf32, #tpu.memory_space<hbm>>
      %dma_wait3A_805 = tpu.memref_slice %arg10[%dma_wait3A_794] : memref<4x!tpu.dma_semaphore, #tpu.memory_space<semaphore_mem>> -> memref<1x!tpu.dma_semaphore, #tpu.memory_space<semaphore_mem>>
      %dma_wait3A_806 = tpu.memref_squeeze %dma_wait3A_805 : memref<1x!tpu.dma_semaphore, #tpu.memory_space<semaphore_mem>> -> memref<!tpu.dma_semaphore, #tpu.memory_space<semaphore_mem>>
      tpu.wait_indirect_dma semaphore(%dma_wait3A_806 : memref<!tpu.dma_semaphore, #tpu.memory_space<semaphore_mem>>) src(%dma_wait3A_804 : memref<20096x128xf32, #tpu.memory_space<hbm>>) dst(%dma_wait3A_798 : memref<64x128xf32, #tpu.memory_space<vmem>>)
      %dma_start3A_807 = arith.constant 1 : i32
      %dma_start3A_808 = arith.constant 1 : i32
      %dma_start3A_809 = arith.constant 0 : i32
      %dma_start3A_810 = arith.constant 0 : i32
      %dma_start3A_811 = tpu.memref_slice %arg8[%dma_start3A_807, %dma_start3A_809, %dma_start3A_810] : memref<4x64x128xf32, #tpu.memory_space<vmem>> -> memref<1x64x128xf32, #tpu.memory_space<vmem>>
      %dma_start3A_812 = tpu.memref_squeeze %dma_start3A_811 : memref<1x64x128xf32, #tpu.memory_space<vmem>> -> memref<64x128xf32, #tpu.memory_space<vmem>>
      %dma_start3A_813 = arith.constant 0 : i32
      %dma_start3A_814 = tpu.memref_slice %arg7[%add3A_792, %dma_start3A_813] : memref<40x64xi32, #tpu.memory_space<vmem>> -> memref<1x64xi32, #tpu.memory_space<vmem>>
      %dma_start3A_815 = tpu.memref_squeeze %dma_start3A_814 : memref<1x64xi32, #tpu.memory_space<vmem>> -> memref<64xi32, #tpu.memory_space<vmem>>
      %dma_start3A_816 = arith.constant 0 : i32
      %dma_start3A_817 = arith.constant 0 : i32
      %dma_start3A_818 = tpu.memref_slice %arg9[%dma_start3A_816, %dma_start3A_817] : memref<10000x128xf32, #tpu.memory_space<vmem_shared>> -> memref<10000x128xf32, #tpu.memory_space<vmem_shared>>
      %dma_start3A_819 = tpu.memref_slice %arg11[%dma_start3A_808] : memref<4x!tpu.dma_semaphore, #tpu.memory_space<semaphore_mem>> -> memref<1x!tpu.dma_semaphore, #tpu.memory_space<semaphore_mem>>
      %dma_start3A_820 = tpu.memref_squeeze %dma_start3A_819 : memref<1x!tpu.dma_semaphore, #tpu.memory_space<semaphore_mem>> -> memref<!tpu.dma_semaphore, #tpu.memory_space<semaphore_mem>>
      tpu.enqueue_indirect_dma source(%dma_start3A_812 : memref<64x128xf32, #tpu.memory_space<vmem>>) target(%dma_start3A_818 : memref<10000x128xf32, #tpu.memory_space<vmem_shared>>) offsets(%dma_start3A_815 : memref<64xi32, #tpu.memory_space<vmem>>) semaphore(%dma_start3A_820 : memref<!tpu.dma_semaphore, #tpu.memory_space<semaphore_mem>>) {add = true}
      %add3A_821 = arith.constant 2 : i32
      %add3A_822 = arith.addi %mul3A_760, %add3A_821 : i32
      %dma_wait3A_823 = arith.constant 2 : i32
      %dma_wait3A_824 = arith.constant 2 : i32
      %dma_wait3A_825 = arith.constant 0 : i32
      %dma_wait3A_826 = arith.constant 0 : i32
      %dma_wait3A_827 = tpu.memref_slice %arg8[%dma_wait3A_823, %dma_wait3A_825, %dma_wait3A_826] : memref<4x64x128xf32, #tpu.memory_space<vmem>> -> memref<1x64x128xf32, #tpu.memory_space<vmem>>
      %dma_wait3A_828 = tpu.memref_squeeze %dma_wait3A_827 : memref<1x64x128xf32, #tpu.memory_space<vmem>> -> memref<64x128xf32, #tpu.memory_space<vmem>>
      %dma_wait3A_829 = arith.constant 0 : i32
      %dma_wait3A_830 = tpu.memref_slice %arg6[%add3A_822, %dma_wait3A_829] : memref<40x64xi32, #tpu.memory_space<vmem>> -> memref<1x64xi32, #tpu.memory_space<vmem>>
      %dma_wait3A_831 = tpu.memref_squeeze %dma_wait3A_830 : memref<1x64xi32, #tpu.memory_space<vmem>> -> memref<64xi32, #tpu.memory_space<vmem>>
      %dma_wait3A_832 = arith.constant 0 : i32
      %dma_wait3A_833 = arith.constant 0 : i32
      %dma_wait3A_834 = tpu.memref_slice %arg2[%dma_wait3A_832, %dma_wait3A_833] : memref<20096x128xf32, #tpu.memory_space<hbm>> -> memref<20096x128xf32, #tpu.memory_space<hbm>>
      %dma_wait3A_835 = tpu.memref_slice %arg10[%dma_wait3A_824] : memref<4x!tpu.dma_semaphore, #tpu.memory_space<semaphore_mem>> -> memref<1x!tpu.dma_semaphore, #tpu.memory_space<semaphore_mem>>
      %dma_wait3A_836 = tpu.memref_squeeze %dma_wait3A_835 : memref<1x!tpu.dma_semaphore, #tpu.memory_space<semaphore_mem>> -> memref<!tpu.dma_semaphore, #tpu.memory_space<semaphore_mem>>
      tpu.wait_indirect_dma semaphore(%dma_wait3A_836 : memref<!tpu.dma_semaphore, #tpu.memory_space<semaphore_mem>>) src(%dma_wait3A_834 : memref<20096x128xf32, #tpu.memory_space<hbm>>) dst(%dma_wait3A_828 : memref<64x128xf32, #tpu.memory_space<vmem>>)
      %dma_start3A_837 = arith.constant 2 : i32
      %dma_start3A_838 = arith.constant 2 : i32
      %dma_start3A_839 = arith.constant 0 : i32
      %dma_start3A_840 = arith.constant 0 : i32
      %dma_start3A_841 = tpu.memref_slice %arg8[%dma_start3A_837, %dma_start3A_839, %dma_start3A_840] : memref<4x64x128xf32, #tpu.memory_space<vmem>> -> memref<1x64x128xf32, #tpu.memory_space<vmem>>
      %dma_start3A_842 = tpu.memref_squeeze %dma_start3A_841 : memref<1x64x128xf32, #tpu.memory_space<vmem>> -> memref<64x128xf32, #tpu.memory_space<vmem>>
      %dma_start3A_843 = arith.constant 0 : i32
      %dma_start3A_844 = tpu.memref_slice %arg7[%add3A_822, %dma_start3A_843] : memref<40x64xi32, #tpu.memory_space<vmem>> -> memref<1x64xi32, #tpu.memory_space<vmem>>
      %dma_start3A_845 = tpu.memref_squeeze %dma_start3A_844 : memref<1x64xi32, #tpu.memory_space<vmem>> -> memref<64xi32, #tpu.memory_space<vmem>>
      %dma_start3A_846 = arith.constant 0 : i32
      %dma_start3A_847 = arith.constant 0 : i32
      %dma_start3A_848 = tpu.memref_slice %arg9[%dma_start3A_846, %dma_start3A_847] : memref<10000x128xf32, #tpu.memory_space<vmem_shared>> -> memref<10000x128xf32, #tpu.memory_space<vmem_shared>>
      %dma_start3A_849 = tpu.memref_slice %arg11[%dma_start3A_838] : memref<4x!tpu.dma_semaphore, #tpu.memory_space<semaphore_mem>> -> memref<1x!tpu.dma_semaphore, #tpu.memory_space<semaphore_mem>>
      %dma_start3A_850 = tpu.memref_squeeze %dma_start3A_849 : memref<1x!tpu.dma_semaphore, #tpu.memory_space<semaphore_mem>> -> memref<!tpu.dma_semaphore, #tpu.memory_space<semaphore_mem>>
      tpu.enqueue_indirect_dma source(%dma_start3A_842 : memref<64x128xf32, #tpu.memory_space<vmem>>) target(%dma_start3A_848 : memref<10000x128xf32, #tpu.memory_space<vmem_shared>>) offsets(%dma_start3A_845 : memref<64xi32, #tpu.memory_space<vmem>>) semaphore(%dma_start3A_850 : memref<!tpu.dma_semaphore, #tpu.memory_space<semaphore_mem>>) {add = true}
      %add3A_851 = arith.constant 3 : i32
      %add3A_852 = arith.addi %mul3A_760, %add3A_851 : i32
      %dma_wait3A_853 = arith.constant 3 : i32
      %dma_wait3A_854 = arith.constant 3 : i32
      %dma_wait3A_855 = arith.constant 0 : i32
      %dma_wait3A_856 = arith.constant 0 : i32
      %dma_wait3A_857 = tpu.memref_slice %arg8[%dma_wait3A_853, %dma_wait3A_855, %dma_wait3A_856] : memref<4x64x128xf32, #tpu.memory_space<vmem>> -> memref<1x64x128xf32, #tpu.memory_space<vmem>>
      %dma_wait3A_858 = tpu.memref_squeeze %dma_wait3A_857 : memref<1x64x128xf32, #tpu.memory_space<vmem>> -> memref<64x128xf32, #tpu.memory_space<vmem>>
      %dma_wait3A_859 = arith.constant 0 : i32
      %dma_wait3A_860 = tpu.memref_slice %arg6[%add3A_852, %dma_wait3A_859] : memref<40x64xi32, #tpu.memory_space<vmem>> -> memref<1x64xi32, #tpu.memory_space<vmem>>
      %dma_wait3A_861 = tpu.memref_squeeze %dma_wait3A_860 : memref<1x64xi32, #tpu.memory_space<vmem>> -> memref<64xi32, #tpu.memory_space<vmem>>
      %dma_wait3A_862 = arith.constant 0 : i32
      %dma_wait3A_863 = arith.constant 0 : i32
      %dma_wait3A_864 = tpu.memref_slice %arg2[%dma_wait3A_862, %dma_wait3A_863] : memref<20096x128xf32, #tpu.memory_space<hbm>> -> memref<20096x128xf32, #tpu.memory_space<hbm>>
      %dma_wait3A_865 = tpu.memref_slice %arg10[%dma_wait3A_854] : memref<4x!tpu.dma_semaphore, #tpu.memory_space<semaphore_mem>> -> memref<1x!tpu.dma_semaphore, #tpu.memory_space<semaphore_mem>>
      %dma_wait3A_866 = tpu.memref_squeeze %dma_wait3A_865 : memref<1x!tpu.dma_semaphore, #tpu.memory_space<semaphore_mem>> -> memref<!tpu.dma_semaphore, #tpu.memory_space<semaphore_mem>>
      tpu.wait_indirect_dma semaphore(%dma_wait3A_866 : memref<!tpu.dma_semaphore, #tpu.memory_space<semaphore_mem>>) src(%dma_wait3A_864 : memref<20096x128xf32, #tpu.memory_space<hbm>>) dst(%dma_wait3A_858 : memref<64x128xf32, #tpu.memory_space<vmem>>)
      %dma_start3A_867 = arith.constant 3 : i32
      %dma_start3A_868 = arith.constant 3 : i32
      %dma_start3A_869 = arith.constant 0 : i32
      %dma_start3A_870 = arith.constant 0 : i32
      %dma_start3A_871 = tpu.memref_slice %arg8[%dma_start3A_867, %dma_start3A_869, %dma_start3A_870] : memref<4x64x128xf32, #tpu.memory_space<vmem>> -> memref<1x64x128xf32, #tpu.memory_space<vmem>>
      %dma_start3A_872 = tpu.memref_squeeze %dma_start3A_871 : memref<1x64x128xf32, #tpu.memory_space<vmem>> -> memref<64x128xf32, #tpu.memory_space<vmem>>
      %dma_start3A_873 = arith.constant 0 : i32
      %dma_start3A_874 = tpu.memref_slice %arg7[%add3A_852, %dma_start3A_873] : memref<40x64xi32, #tpu.memory_space<vmem>> -> memref<1x64xi32, #tpu.memory_space<vmem>>
      %dma_start3A_875 = tpu.memref_squeeze %dma_start3A_874 : memref<1x64xi32, #tpu.memory_space<vmem>> -> memref<64xi32, #tpu.memory_space<vmem>>
      %dma_start3A_876 = arith.constant 0 : i32
      %dma_start3A_877 = arith.constant 0 : i32
      %dma_start3A_878 = tpu.memref_slice %arg9[%dma_start3A_876, %dma_start3A_877] : memref<10000x128xf32, #tpu.memory_space<vmem_shared>> -> memref<10000x128xf32, #tpu.memory_space<vmem_shared>>
      %dma_start3A_879 = tpu.memref_slice %arg11[%dma_start3A_868] : memref<4x!tpu.dma_semaphore, #tpu.memory_space<semaphore_mem>> -> memref<1x!tpu.dma_semaphore, #tpu.memory_space<semaphore_mem>>
      %dma_start3A_880 = tpu.memref_squeeze %dma_start3A_879 : memref<1x!tpu.dma_semaphore, #tpu.memory_space<semaphore_mem>> -> memref<!tpu.dma_semaphore, #tpu.memory_space<semaphore_mem>>
      tpu.enqueue_indirect_dma source(%dma_start3A_872 : memref<64x128xf32, #tpu.memory_space<vmem>>) target(%dma_start3A_878 : memref<10000x128xf32, #tpu.memory_space<vmem_shared>>) offsets(%dma_start3A_875 : memref<64xi32, #tpu.memory_space<vmem>>) semaphore(%dma_start3A_880 : memref<!tpu.dma_semaphore, #tpu.memory_space<semaphore_mem>>) {add = true}
      %add3A_881 = arith.constant 0 : i32
      %add3A_882 = arith.addi %mul3A_760, %add3A_881 : i32
      %dma_wait3A_883 = arith.constant 0 : i32
      %dma_wait3A_884 = arith.constant 0 : i32
      %dma_wait3A_885 = arith.constant 0 : i32
      %dma_wait3A_886 = arith.constant 0 : i32
      %dma_wait3A_887 = tpu.memref_slice %arg8[%dma_wait3A_883, %dma_wait3A_885, %dma_wait3A_886] : memref<4x64x128xf32, #tpu.memory_space<vmem>> -> memref<1x64x128xf32, #tpu.memory_space<vmem>>
      %dma_wait3A_888 = tpu.memref_squeeze %dma_wait3A_887 : memref<1x64x128xf32, #tpu.memory_space<vmem>> -> memref<64x128xf32, #tpu.memory_space<vmem>>
      %dma_wait3A_889 = arith.constant 0 : i32
      %dma_wait3A_890 = tpu.memref_slice %arg7[%add3A_882, %dma_wait3A_889] : memref<40x64xi32, #tpu.memory_space<vmem>> -> memref<1x64xi32, #tpu.memory_space<vmem>>
      %dma_wait3A_891 = tpu.memref_squeeze %dma_wait3A_890 : memref<1x64xi32, #tpu.memory_space<vmem>> -> memref<64xi32, #tpu.memory_space<vmem>>
      %dma_wait3A_892 = arith.constant 0 : i32
      %dma_wait3A_893 = arith.constant 0 : i32
      %dma_wait3A_894 = tpu.memref_slice %arg9[%dma_wait3A_892, %dma_wait3A_893] : memref<10000x128xf32, #tpu.memory_space<vmem_shared>> -> memref<10000x128xf32, #tpu.memory_space<vmem_shared>>
      %dma_wait3A_895 = tpu.memref_slice %arg11[%dma_wait3A_884] : memref<4x!tpu.dma_semaphore, #tpu.memory_space<semaphore_mem>> -> memref<1x!tpu.dma_semaphore, #tpu.memory_space<semaphore_mem>>
      %dma_wait3A_896 = tpu.memref_squeeze %dma_wait3A_895 : memref<1x!tpu.dma_semaphore, #tpu.memory_space<semaphore_mem>> -> memref<!tpu.dma_semaphore, #tpu.memory_space<semaphore_mem>>
      tpu.wait_indirect_dma semaphore(%dma_wait3A_896 : memref<!tpu.dma_semaphore, #tpu.memory_space<semaphore_mem>>) src(%dma_wait3A_888 : memref<64x128xf32, #tpu.memory_space<vmem>>) dst(%dma_wait3A_894 : memref<10000x128xf32, #tpu.memory_space<vmem_shared>>)
      %lt3A = arith.constant 9 : i32
      %lt3A_897 = arith.cmpi slt, %scan3A_758, %lt3A : i32
      %convert_element_type3A_898 = arith.extui %lt3A_897 : i1 to i32
      %cond3A_899 = arith.constant 0 : i32
      %cond3A_900 = arith.cmpi ne, %convert_element_type3A_898, %cond3A_899 : i32
      scf.if %cond3A_900 {
        %add3A_964 = arith.constant 4 : i32
        %add3A_965 = arith.addi %add3A_882, %add3A_964 : i32
        %dma_start3A_966 = arith.constant 0 : i32
        %dma_start3A_967 = arith.constant 0 : i32
        %dma_start3A_968 = arith.constant 0 : i32
        %dma_start3A_969 = arith.constant 0 : i32
        %dma_start3A_970 = tpu.memref_slice %arg8[%dma_start3A_966, %dma_start3A_968, %dma_start3A_969] : memref<4x64x128xf32, #tpu.memory_space<vmem>> -> memref<1x64x128xf32, #tpu.memory_space<vmem>>
        %dma_start3A_971 = tpu.memref_squeeze %dma_start3A_970 : memref<1x64x128xf32, #tpu.memory_space<vmem>> -> memref<64x128xf32, #tpu.memory_space<vmem>>
        %dma_start3A_972 = arith.constant 0 : i32
        %dma_start3A_973 = tpu.memref_slice %arg6[%add3A_965, %dma_start3A_972] : memref<40x64xi32, #tpu.memory_space<vmem>> -> memref<1x64xi32, #tpu.memory_space<vmem>>
        %dma_start3A_974 = tpu.memref_squeeze %dma_start3A_973 : memref<1x64xi32, #tpu.memory_space<vmem>> -> memref<64xi32, #tpu.memory_space<vmem>>
        %dma_start3A_975 = arith.constant 0 : i32
        %dma_start3A_976 = arith.constant 0 : i32
        %dma_start3A_977 = tpu.memref_slice %arg2[%dma_start3A_975, %dma_start3A_976] : memref<20096x128xf32, #tpu.memory_space<hbm>> -> memref<20096x128xf32, #tpu.memory_space<hbm>>
        %dma_start3A_978 = tpu.memref_slice %arg10[%dma_start3A_967] : memref<4x!tpu.dma_semaphore, #tpu.memory_space<semaphore_mem>> -> memref<1x!tpu.dma_semaphore, #tpu.memory_space<semaphore_mem>>
        %dma_start3A_979 = tpu.memref_squeeze %dma_start3A_978 : memref<1x!tpu.dma_semaphore, #tpu.memory_space<semaphore_mem>> -> memref<!tpu.dma_semaphore, #tpu.memory_space<semaphore_mem>>
        tpu.enqueue_indirect_dma source(%dma_start3A_977 : memref<20096x128xf32, #tpu.memory_space<hbm>>) target(%dma_start3A_971 : memref<64x128xf32, #tpu.memory_space<vmem>>) offsets(%dma_start3A_974 : memref<64xi32, #tpu.memory_space<vmem>>) semaphore(%dma_start3A_979 : memref<!tpu.dma_semaphore, #tpu.memory_space<semaphore_mem>>)
      } else {
      }
      %add3A_901 = arith.constant 1 : i32
      %add3A_902 = arith.addi %mul3A_760, %add3A_901 : i32
      %dma_wait3A_903 = arith.constant 1 : i32
      %dma_wait3A_904 = arith.constant 1 : i32
      %dma_wait3A_905 = arith.constant 0 : i32
      %dma_wait3A_906 = arith.constant 0 : i32
      %dma_wait3A_907 = tpu.memref_slice %arg8[%dma_wait3A_903, %dma_wait3A_905, %dma_wait3A_906] : memref<4x64x128xf32, #tpu.memory_space<vmem>> -> memref<1x64x128xf32, #tpu.memory_space<vmem>>
      %dma_wait3A_908 = tpu.memref_squeeze %dma_wait3A_907 : memref<1x64x128xf32, #tpu.memory_space<vmem>> -> memref<64x128xf32, #tpu.memory_space<vmem>>
      %dma_wait3A_909 = arith.constant 0 : i32
      %dma_wait3A_910 = tpu.memref_slice %arg7[%add3A_902, %dma_wait3A_909] : memref<40x64xi32, #tpu.memory_space<vmem>> -> memref<1x64xi32, #tpu.memory_space<vmem>>
      %dma_wait3A_911 = tpu.memref_squeeze %dma_wait3A_910 : memref<1x64xi32, #tpu.memory_space<vmem>> -> memref<64xi32, #tpu.memory_space<vmem>>
      %dma_wait3A_912 = arith.constant 0 : i32
      %dma_wait3A_913 = arith.constant 0 : i32
      %dma_wait3A_914 = tpu.memref_slice %arg9[%dma_wait3A_912, %dma_wait3A_913] : memref<10000x128xf32, #tpu.memory_space<vmem_shared>> -> memref<10000x128xf32, #tpu.memory_space<vmem_shared>>
      %dma_wait3A_915 = tpu.memref_slice %arg11[%dma_wait3A_904] : memref<4x!tpu.dma_semaphore, #tpu.memory_space<semaphore_mem>> -> memref<1x!tpu.dma_semaphore, #tpu.memory_space<semaphore_mem>>
      %dma_wait3A_916 = tpu.memref_squeeze %dma_wait3A_915 : memref<1x!tpu.dma_semaphore, #tpu.memory_space<semaphore_mem>> -> memref<!tpu.dma_semaphore, #tpu.memory_space<semaphore_mem>>
      tpu.wait_indirect_dma semaphore(%dma_wait3A_916 : memref<!tpu.dma_semaphore, #tpu.memory_space<semaphore_mem>>) src(%dma_wait3A_908 : memref<64x128xf32, #tpu.memory_space<vmem>>) dst(%dma_wait3A_914 : memref<10000x128xf32, #tpu.memory_space<vmem_shared>>)
      %lt3A_917 = arith.constant 9 : i32
      %lt3A_918 = arith.cmpi slt, %scan3A_758, %lt3A_917 : i32
      %convert_element_type3A_919 = arith.extui %lt3A_918 : i1 to i32
      %cond3A_920 = arith.constant 0 : i32
      %cond3A_921 = arith.cmpi ne, %convert_element_type3A_919, %cond3A_920 : i32
      scf.if %cond3A_921 {
        %add3A_964 = arith.constant 4 : i32
        %add3A_965 = arith.addi %add3A_902, %add3A_964 : i32
        %dma_start3A_966 = arith.constant 1 : i32
        %dma_start3A_967 = arith.constant 1 : i32
        %dma_start3A_968 = arith.constant 0 : i32
        %dma_start3A_969 = arith.constant 0 : i32
        %dma_start3A_970 = tpu.memref_slice %arg8[%dma_start3A_966, %dma_start3A_968, %dma_start3A_969] : memref<4x64x128xf32, #tpu.memory_space<vmem>> -> memref<1x64x128xf32, #tpu.memory_space<vmem>>
        %dma_start3A_971 = tpu.memref_squeeze %dma_start3A_970 : memref<1x64x128xf32, #tpu.memory_space<vmem>> -> memref<64x128xf32, #tpu.memory_space<vmem>>
        %dma_start3A_972 = arith.constant 0 : i32
        %dma_start3A_973 = tpu.memref_slice %arg6[%add3A_965, %dma_start3A_972] : memref<40x64xi32, #tpu.memory_space<vmem>> -> memref<1x64xi32, #tpu.memory_space<vmem>>
        %dma_start3A_974 = tpu.memref_squeeze %dma_start3A_973 : memref<1x64xi32, #tpu.memory_space<vmem>> -> memref<64xi32, #tpu.memory_space<vmem>>
        %dma_start3A_975 = arith.constant 0 : i32
        %dma_start3A_976 = arith.constant 0 : i32
        %dma_start3A_977 = tpu.memref_slice %arg2[%dma_start3A_975, %dma_start3A_976] : memref<20096x128xf32, #tpu.memory_space<hbm>> -> memref<20096x128xf32, #tpu.memory_space<hbm>>
        %dma_start3A_978 = tpu.memref_slice %arg10[%dma_start3A_967] : memref<4x!tpu.dma_semaphore, #tpu.memory_space<semaphore_mem>> -> memref<1x!tpu.dma_semaphore, #tpu.memory_space<semaphore_mem>>
        %dma_start3A_979 = tpu.memref_squeeze %dma_start3A_978 : memref<1x!tpu.dma_semaphore, #tpu.memory_space<semaphore_mem>> -> memref<!tpu.dma_semaphore, #tpu.memory_space<semaphore_mem>>
        tpu.enqueue_indirect_dma source(%dma_start3A_977 : memref<20096x128xf32, #tpu.memory_space<hbm>>) target(%dma_start3A_971 : memref<64x128xf32, #tpu.memory_space<vmem>>) offsets(%dma_start3A_974 : memref<64xi32, #tpu.memory_space<vmem>>) semaphore(%dma_start3A_979 : memref<!tpu.dma_semaphore, #tpu.memory_space<semaphore_mem>>)
      } else {
      }
      %add3A_922 = arith.constant 2 : i32
      %add3A_923 = arith.addi %mul3A_760, %add3A_922 : i32
      %dma_wait3A_924 = arith.constant 2 : i32
      %dma_wait3A_925 = arith.constant 2 : i32
      %dma_wait3A_926 = arith.constant 0 : i32
      %dma_wait3A_927 = arith.constant 0 : i32
      %dma_wait3A_928 = tpu.memref_slice %arg8[%dma_wait3A_924, %dma_wait3A_926, %dma_wait3A_927] : memref<4x64x128xf32, #tpu.memory_space<vmem>> -> memref<1x64x128xf32, #tpu.memory_space<vmem>>
      %dma_wait3A_929 = tpu.memref_squeeze %dma_wait3A_928 : memref<1x64x128xf32, #tpu.memory_space<vmem>> -> memref<64x128xf32, #tpu.memory_space<vmem>>
      %dma_wait3A_930 = arith.constant 0 : i32
      %dma_wait3A_931 = tpu.memref_slice %arg7[%add3A_923, %dma_wait3A_930] : memref<40x64xi32, #tpu.memory_space<vmem>> -> memref<1x64xi32, #tpu.memory_space<vmem>>
      %dma_wait3A_932 = tpu.memref_squeeze %dma_wait3A_931 : memref<1x64xi32, #tpu.memory_space<vmem>> -> memref<64xi32, #tpu.memory_space<vmem>>
      %dma_wait3A_933 = arith.constant 0 : i32
      %dma_wait3A_934 = arith.constant 0 : i32
      %dma_wait3A_935 = tpu.memref_slice %arg9[%dma_wait3A_933, %dma_wait3A_934] : memref<10000x128xf32, #tpu.memory_space<vmem_shared>> -> memref<10000x128xf32, #tpu.memory_space<vmem_shared>>
      %dma_wait3A_936 = tpu.memref_slice %arg11[%dma_wait3A_925] : memref<4x!tpu.dma_semaphore, #tpu.memory_space<semaphore_mem>> -> memref<1x!tpu.dma_semaphore, #tpu.memory_space<semaphore_mem>>
      %dma_wait3A_937 = tpu.memref_squeeze %dma_wait3A_936 : memref<1x!tpu.dma_semaphore, #tpu.memory_space<semaphore_mem>> -> memref<!tpu.dma_semaphore, #tpu.memory_space<semaphore_mem>>
      tpu.wait_indirect_dma semaphore(%dma_wait3A_937 : memref<!tpu.dma_semaphore, #tpu.memory_space<semaphore_mem>>) src(%dma_wait3A_929 : memref<64x128xf32, #tpu.memory_space<vmem>>) dst(%dma_wait3A_935 : memref<10000x128xf32, #tpu.memory_space<vmem_shared>>)
      %lt3A_938 = arith.constant 9 : i32
      %lt3A_939 = arith.cmpi slt, %scan3A_758, %lt3A_938 : i32
      %convert_element_type3A_940 = arith.extui %lt3A_939 : i1 to i32
      %cond3A_941 = arith.constant 0 : i32
      %cond3A_942 = arith.cmpi ne, %convert_element_type3A_940, %cond3A_941 : i32
      scf.if %cond3A_942 {
        %add3A_964 = arith.constant 4 : i32
        %add3A_965 = arith.addi %add3A_923, %add3A_964 : i32
        %dma_start3A_966 = arith.constant 2 : i32
        %dma_start3A_967 = arith.constant 2 : i32
        %dma_start3A_968 = arith.constant 0 : i32
        %dma_start3A_969 = arith.constant 0 : i32
        %dma_start3A_970 = tpu.memref_slice %arg8[%dma_start3A_966, %dma_start3A_968, %dma_start3A_969] : memref<4x64x128xf32, #tpu.memory_space<vmem>> -> memref<1x64x128xf32, #tpu.memory_space<vmem>>
        %dma_start3A_971 = tpu.memref_squeeze %dma_start3A_970 : memref<1x64x128xf32, #tpu.memory_space<vmem>> -> memref<64x128xf32, #tpu.memory_space<vmem>>
        %dma_start3A_972 = arith.constant 0 : i32
        %dma_start3A_973 = tpu.memref_slice %arg6[%add3A_965, %dma_start3A_972] : memref<40x64xi32, #tpu.memory_space<vmem>> -> memref<1x64xi32, #tpu.memory_space<vmem>>
        %dma_start3A_974 = tpu.memref_squeeze %dma_start3A_973 : memref<1x64xi32, #tpu.memory_space<vmem>> -> memref<64xi32, #tpu.memory_space<vmem>>
        %dma_start3A_975 = arith.constant 0 : i32
        %dma_start3A_976 = arith.constant 0 : i32
        %dma_start3A_977 = tpu.memref_slice %arg2[%dma_start3A_975, %dma_start3A_976] : memref<20096x128xf32, #tpu.memory_space<hbm>> -> memref<20096x128xf32, #tpu.memory_space<hbm>>
        %dma_start3A_978 = tpu.memref_slice %arg10[%dma_start3A_967] : memref<4x!tpu.dma_semaphore, #tpu.memory_space<semaphore_mem>> -> memref<1x!tpu.dma_semaphore, #tpu.memory_space<semaphore_mem>>
        %dma_start3A_979 = tpu.memref_squeeze %dma_start3A_978 : memref<1x!tpu.dma_semaphore, #tpu.memory_space<semaphore_mem>> -> memref<!tpu.dma_semaphore, #tpu.memory_space<semaphore_mem>>
        tpu.enqueue_indirect_dma source(%dma_start3A_977 : memref<20096x128xf32, #tpu.memory_space<hbm>>) target(%dma_start3A_971 : memref<64x128xf32, #tpu.memory_space<vmem>>) offsets(%dma_start3A_974 : memref<64xi32, #tpu.memory_space<vmem>>) semaphore(%dma_start3A_979 : memref<!tpu.dma_semaphore, #tpu.memory_space<semaphore_mem>>)
      } else {
      }
      %add3A_943 = arith.constant 3 : i32
      %add3A_944 = arith.addi %mul3A_760, %add3A_943 : i32
      %dma_wait3A_945 = arith.constant 3 : i32
      %dma_wait3A_946 = arith.constant 3 : i32
      %dma_wait3A_947 = arith.constant 0 : i32
      %dma_wait3A_948 = arith.constant 0 : i32
      %dma_wait3A_949 = tpu.memref_slice %arg8[%dma_wait3A_945, %dma_wait3A_947, %dma_wait3A_948] : memref<4x64x128xf32, #tpu.memory_space<vmem>> -> memref<1x64x128xf32, #tpu.memory_space<vmem>>
      %dma_wait3A_950 = tpu.memref_squeeze %dma_wait3A_949 : memref<1x64x128xf32, #tpu.memory_space<vmem>> -> memref<64x128xf32, #tpu.memory_space<vmem>>
      %dma_wait3A_951 = arith.constant 0 : i32
      %dma_wait3A_952 = tpu.memref_slice %arg7[%add3A_944, %dma_wait3A_951] : memref<40x64xi32, #tpu.memory_space<vmem>> -> memref<1x64xi32, #tpu.memory_space<vmem>>
      %dma_wait3A_953 = tpu.memref_squeeze %dma_wait3A_952 : memref<1x64xi32, #tpu.memory_space<vmem>> -> memref<64xi32, #tpu.memory_space<vmem>>
      %dma_wait3A_954 = arith.constant 0 : i32
      %dma_wait3A_955 = arith.constant 0 : i32
      %dma_wait3A_956 = tpu.memref_slice %arg9[%dma_wait3A_954, %dma_wait3A_955] : memref<10000x128xf32, #tpu.memory_space<vmem_shared>> -> memref<10000x128xf32, #tpu.memory_space<vmem_shared>>
      %dma_wait3A_957 = tpu.memref_slice %arg11[%dma_wait3A_946] : memref<4x!tpu.dma_semaphore, #tpu.memory_space<semaphore_mem>> -> memref<1x!tpu.dma_semaphore, #tpu.memory_space<semaphore_mem>>
      %dma_wait3A_958 = tpu.memref_squeeze %dma_wait3A_957 : memref<1x!tpu.dma_semaphore, #tpu.memory_space<semaphore_mem>> -> memref<!tpu.dma_semaphore, #tpu.memory_space<semaphore_mem>>
      tpu.wait_indirect_dma semaphore(%dma_wait3A_958 : memref<!tpu.dma_semaphore, #tpu.memory_space<semaphore_mem>>) src(%dma_wait3A_950 : memref<64x128xf32, #tpu.memory_space<vmem>>) dst(%dma_wait3A_956 : memref<10000x128xf32, #tpu.memory_space<vmem_shared>>)
      %lt3A_959 = arith.constant 9 : i32
      %lt3A_960 = arith.cmpi slt, %scan3A_758, %lt3A_959 : i32
      %convert_element_type3A_961 = arith.extui %lt3A_960 : i1 to i32
      %cond3A_962 = arith.constant 0 : i32
      %cond3A_963 = arith.cmpi ne, %convert_element_type3A_961, %cond3A_962 : i32
      scf.if %cond3A_963 {
        %add3A_964 = arith.constant 4 : i32
        %add3A_965 = arith.addi %add3A_944, %add3A_964 : i32
        %dma_start3A_966 = arith.constant 3 : i32
        %dma_start3A_967 = arith.constant 3 : i32
        %dma_start3A_968 = arith.constant 0 : i32
        %dma_start3A_969 = arith.constant 0 : i32
        %dma_start3A_970 = tpu.memref_slice %arg8[%dma_start3A_966, %dma_start3A_968, %dma_start3A_969] : memref<4x64x128xf32, #tpu.memory_space<vmem>> -> memref<1x64x128xf32, #tpu.memory_space<vmem>>
        %dma_start3A_971 = tpu.memref_squeeze %dma_start3A_970 : memref<1x64x128xf32, #tpu.memory_space<vmem>> -> memref<64x128xf32, #tpu.memory_space<vmem>>
        %dma_start3A_972 = arith.constant 0 : i32
        %dma_start3A_973 = tpu.memref_slice %arg6[%add3A_965, %dma_start3A_972] : memref<40x64xi32, #tpu.memory_space<vmem>> -> memref<1x64xi32, #tpu.memory_space<vmem>>
        %dma_start3A_974 = tpu.memref_squeeze %dma_start3A_973 : memref<1x64xi32, #tpu.memory_space<vmem>> -> memref<64xi32, #tpu.memory_space<vmem>>
        %dma_start3A_975 = arith.constant 0 : i32
        %dma_start3A_976 = arith.constant 0 : i32
        %dma_start3A_977 = tpu.memref_slice %arg2[%dma_start3A_975, %dma_start3A_976] : memref<20096x128xf32, #tpu.memory_space<hbm>> -> memref<20096x128xf32, #tpu.memory_space<hbm>>
        %dma_start3A_978 = tpu.memref_slice %arg10[%dma_start3A_967] : memref<4x!tpu.dma_semaphore, #tpu.memory_space<semaphore_mem>> -> memref<1x!tpu.dma_semaphore, #tpu.memory_space<semaphore_mem>>
        %dma_start3A_979 = tpu.memref_squeeze %dma_start3A_978 : memref<1x!tpu.dma_semaphore, #tpu.memory_space<semaphore_mem>> -> memref<!tpu.dma_semaphore, #tpu.memory_space<semaphore_mem>>
        tpu.enqueue_indirect_dma source(%dma_start3A_977 : memref<20096x128xf32, #tpu.memory_space<hbm>>) target(%dma_start3A_971 : memref<64x128xf32, #tpu.memory_space<vmem>>) offsets(%dma_start3A_974 : memref<64xi32, #tpu.memory_space<vmem>>) semaphore(%dma_start3A_979 : memref<!tpu.dma_semaphore, #tpu.memory_space<semaphore_mem>>)
      } else {
      }
    }
    %scan3A_682 = arith.constant 10 : i32
    %mul3A_683 = arith.constant 160 : i32
    %mul3A_684 = arith.muli %add3A, %mul3A_683 : i32
    %add3A_685 = arith.constant 120 : i32
    %add3A_686 = arith.addi %mul3A_684, %add3A_685 : i32
    "tpu.region"() ({
      %run_scoped3A = tpu.sem_alloc : memref<!tpu.dma_semaphore, #tpu.memory_space<semaphore_mem>>
      %dma_start3A_758 = arith.constant 0 : i32
      %dma_start3A_759 = tpu.memref_slice %arg3[%add3A_686, %dma_start3A_758] : memref<5120x64xi32, #tpu.memory_space<hbm>> -> memref<40x64xi32, #tpu.memory_space<hbm>>
      %dma_start3A_760 = arith.constant 0 : i32
      %dma_start3A_761 = tpu.memref_slice %arg3[%add3A_686, %dma_start3A_760] : memref<5120x64xi32, #tpu.memory_space<hbm>> -> memref<40x64xi32, #tpu.memory_space<hbm>>
      tpu.enqueue_dma source(%dma_start3A_761 : memref<40x64xi32, #tpu.memory_space<hbm>>) target(%arg6 : memref<40x64xi32, #tpu.memory_space<vmem>>) target_semaphore(%run_scoped3A : memref<!tpu.dma_semaphore, #tpu.memory_space<semaphore_mem>>)
      %dma_wait3A_762 = arith.constant 0 : i32
      %dma_wait3A_763 = tpu.memref_slice %arg3[%add3A_686, %dma_wait3A_762] : memref<5120x64xi32, #tpu.memory_space<hbm>> -> memref<40x64xi32, #tpu.memory_space<hbm>>
      %dma_wait3A_764 = arith.constant 0 : i32
      %dma_wait3A_765 = tpu.memref_slice %arg3[%add3A_686, %dma_wait3A_764] : memref<5120x64xi32, #tpu.memory_space<hbm>> -> memref<40x64xi32, #tpu.memory_space<hbm>>
      tpu.wait_dma2 semaphore(%run_scoped3A : memref<!tpu.dma_semaphore, #tpu.memory_space<semaphore_mem>>) src(%dma_wait3A_765 : memref<40x64xi32, #tpu.memory_space<hbm>>) dst(%arg6 : memref<40x64xi32, #tpu.memory_space<vmem>>)
      tpu.yield
    }) : () -> ()
    "tpu.region"() ({
      %run_scoped3A = tpu.sem_alloc : memref<!tpu.dma_semaphore, #tpu.memory_space<semaphore_mem>>
      %dma_start3A_758 = arith.constant 0 : i32
      %dma_start3A_759 = tpu.memref_slice %arg4[%add3A_686, %dma_start3A_758] : memref<5120x64xi32, #tpu.memory_space<hbm>> -> memref<40x64xi32, #tpu.memory_space<hbm>>
      %dma_start3A_760 = arith.constant 0 : i32
      %dma_start3A_761 = tpu.memref_slice %arg4[%add3A_686, %dma_start3A_760] : memref<5120x64xi32, #tpu.memory_space<hbm>> -> memref<40x64xi32, #tpu.memory_space<hbm>>
      tpu.enqueue_dma source(%dma_start3A_761 : memref<40x64xi32, #tpu.memory_space<hbm>>) target(%arg7 : memref<40x64xi32, #tpu.memory_space<vmem>>) target_semaphore(%run_scoped3A : memref<!tpu.dma_semaphore, #tpu.memory_space<semaphore_mem>>)
      %dma_wait3A_762 = arith.constant 0 : i32
      %dma_wait3A_763 = tpu.memref_slice %arg4[%add3A_686, %dma_wait3A_762] : memref<5120x64xi32, #tpu.memory_space<hbm>> -> memref<40x64xi32, #tpu.memory_space<hbm>>
      %dma_wait3A_764 = arith.constant 0 : i32
      %dma_wait3A_765 = tpu.memref_slice %arg4[%add3A_686, %dma_wait3A_764] : memref<5120x64xi32, #tpu.memory_space<hbm>> -> memref<40x64xi32, #tpu.memory_space<hbm>>
      tpu.wait_dma2 semaphore(%run_scoped3A : memref<!tpu.dma_semaphore, #tpu.memory_space<semaphore_mem>>) src(%dma_wait3A_765 : memref<40x64xi32, #tpu.memory_space<hbm>>) dst(%arg7 : memref<40x64xi32, #tpu.memory_space<vmem>>)
      tpu.yield
    }) : () -> ()
    %dma_start3A_687 = arith.constant 0 : i32
    %dma_start3A_688 = arith.constant 0 : i32
    %dma_start3A_689 = arith.constant 0 : i32
    %dma_start3A_690 = arith.constant 0 : i32
    %dma_start3A_691 = arith.constant 0 : i32
    %dma_start3A_692 = tpu.memref_slice %arg8[%dma_start3A_688, %dma_start3A_690, %dma_start3A_691] : memref<4x64x128xf32, #tpu.memory_space<vmem>> -> memref<1x64x128xf32, #tpu.memory_space<vmem>>
    %dma_start3A_693 = tpu.memref_squeeze %dma_start3A_692 : memref<1x64x128xf32, #tpu.memory_space<vmem>> -> memref<64x128xf32, #tpu.memory_space<vmem>>
    %dma_start3A_694 = arith.constant 0 : i32
    %dma_start3A_695 = tpu.memref_slice %arg6[%dma_start3A_687, %dma_start3A_694] : memref<40x64xi32, #tpu.memory_space<vmem>> -> memref<1x64xi32, #tpu.memory_space<vmem>>
    %dma_start3A_696 = tpu.memref_squeeze %dma_start3A_695 : memref<1x64xi32, #tpu.memory_space<vmem>> -> memref<64xi32, #tpu.memory_space<vmem>>
    %dma_start3A_697 = arith.constant 0 : i32
    %dma_start3A_698 = arith.constant 0 : i32
    %dma_start3A_699 = tpu.memref_slice %arg2[%dma_start3A_697, %dma_start3A_698] : memref<20096x128xf32, #tpu.memory_space<hbm>> -> memref<20096x128xf32, #tpu.memory_space<hbm>>
    %dma_start3A_700 = tpu.memref_slice %arg10[%dma_start3A_689] : memref<4x!tpu.dma_semaphore, #tpu.memory_space<semaphore_mem>> -> memref<1x!tpu.dma_semaphore, #tpu.memory_space<semaphore_mem>>
    %dma_start3A_701 = tpu.memref_squeeze %dma_start3A_700 : memref<1x!tpu.dma_semaphore, #tpu.memory_space<semaphore_mem>> -> memref<!tpu.dma_semaphore, #tpu.memory_space<semaphore_mem>>
    tpu.enqueue_indirect_dma source(%dma_start3A_699 : memref<20096x128xf32, #tpu.memory_space<hbm>>) target(%dma_start3A_693 : memref<64x128xf32, #tpu.memory_space<vmem>>) offsets(%dma_start3A_696 : memref<64xi32, #tpu.memory_space<vmem>>) semaphore(%dma_start3A_701 : memref<!tpu.dma_semaphore, #tpu.memory_space<semaphore_mem>>)
    %dma_start3A_702 = arith.constant 1 : i32
    %dma_start3A_703 = arith.constant 1 : i32
    %dma_start3A_704 = arith.constant 1 : i32
    %dma_start3A_705 = arith.constant 0 : i32
    %dma_start3A_706 = arith.constant 0 : i32
    %dma_start3A_707 = tpu.memref_slice %arg8[%dma_start3A_703, %dma_start3A_705, %dma_start3A_706] : memref<4x64x128xf32, #tpu.memory_space<vmem>> -> memref<1x64x128xf32, #tpu.memory_space<vmem>>
    %dma_start3A_708 = tpu.memref_squeeze %dma_start3A_707 : memref<1x64x128xf32, #tpu.memory_space<vmem>> -> memref<64x128xf32, #tpu.memory_space<vmem>>
    %dma_start3A_709 = arith.constant 0 : i32
    %dma_start3A_710 = tpu.memref_slice %arg6[%dma_start3A_702, %dma_start3A_709] : memref<40x64xi32, #tpu.memory_space<vmem>> -> memref<1x64xi32, #tpu.memory_space<vmem>>
    %dma_start3A_711 = tpu.memref_squeeze %dma_start3A_710 : memref<1x64xi32, #tpu.memory_space<vmem>> -> memref<64xi32, #tpu.memory_space<vmem>>
    %dma_start3A_712 = arith.constant 0 : i32
    %dma_start3A_713 = arith.constant 0 : i32
    %dma_start3A_714 = tpu.memref_slice %arg2[%dma_start3A_712, %dma_start3A_713] : memref<20096x128xf32, #tpu.memory_space<hbm>> -> memref<20096x128xf32, #tpu.memory_space<hbm>>
    %dma_start3A_715 = tpu.memref_slice %arg10[%dma_start3A_704] : memref<4x!tpu.dma_semaphore, #tpu.memory_space<semaphore_mem>> -> memref<1x!tpu.dma_semaphore, #tpu.memory_space<semaphore_mem>>
    %dma_start3A_716 = tpu.memref_squeeze %dma_start3A_715 : memref<1x!tpu.dma_semaphore, #tpu.memory_space<semaphore_mem>> -> memref<!tpu.dma_semaphore, #tpu.memory_space<semaphore_mem>>
    tpu.enqueue_indirect_dma source(%dma_start3A_714 : memref<20096x128xf32, #tpu.memory_space<hbm>>) target(%dma_start3A_708 : memref<64x128xf32, #tpu.memory_space<vmem>>) offsets(%dma_start3A_711 : memref<64xi32, #tpu.memory_space<vmem>>) semaphore(%dma_start3A_716 : memref<!tpu.dma_semaphore, #tpu.memory_space<semaphore_mem>>)
    %dma_start3A_717 = arith.constant 2 : i32
    %dma_start3A_718 = arith.constant 2 : i32
    %dma_start3A_719 = arith.constant 2 : i32
    %dma_start3A_720 = arith.constant 0 : i32
    %dma_start3A_721 = arith.constant 0 : i32
    %dma_start3A_722 = tpu.memref_slice %arg8[%dma_start3A_718, %dma_start3A_720, %dma_start3A_721] : memref<4x64x128xf32, #tpu.memory_space<vmem>> -> memref<1x64x128xf32, #tpu.memory_space<vmem>>
    %dma_start3A_723 = tpu.memref_squeeze %dma_start3A_722 : memref<1x64x128xf32, #tpu.memory_space<vmem>> -> memref<64x128xf32, #tpu.memory_space<vmem>>
    %dma_start3A_724 = arith.constant 0 : i32
    %dma_start3A_725 = tpu.memref_slice %arg6[%dma_start3A_717, %dma_start3A_724] : memref<40x64xi32, #tpu.memory_space<vmem>> -> memref<1x64xi32, #tpu.memory_space<vmem>>
    %dma_start3A_726 = tpu.memref_squeeze %dma_start3A_725 : memref<1x64xi32, #tpu.memory_space<vmem>> -> memref<64xi32, #tpu.memory_space<vmem>>
    %dma_start3A_727 = arith.constant 0 : i32
    %dma_start3A_728 = arith.constant 0 : i32
    %dma_start3A_729 = tpu.memref_slice %arg2[%dma_start3A_727, %dma_start3A_728] : memref<20096x128xf32, #tpu.memory_space<hbm>> -> memref<20096x128xf32, #tpu.memory_space<hbm>>
    %dma_start3A_730 = tpu.memref_slice %arg10[%dma_start3A_719] : memref<4x!tpu.dma_semaphore, #tpu.memory_space<semaphore_mem>> -> memref<1x!tpu.dma_semaphore, #tpu.memory_space<semaphore_mem>>
    %dma_start3A_731 = tpu.memref_squeeze %dma_start3A_730 : memref<1x!tpu.dma_semaphore, #tpu.memory_space<semaphore_mem>> -> memref<!tpu.dma_semaphore, #tpu.memory_space<semaphore_mem>>
    tpu.enqueue_indirect_dma source(%dma_start3A_729 : memref<20096x128xf32, #tpu.memory_space<hbm>>) target(%dma_start3A_723 : memref<64x128xf32, #tpu.memory_space<vmem>>) offsets(%dma_start3A_726 : memref<64xi32, #tpu.memory_space<vmem>>) semaphore(%dma_start3A_731 : memref<!tpu.dma_semaphore, #tpu.memory_space<semaphore_mem>>)
    %dma_start3A_732 = arith.constant 3 : i32
    %dma_start3A_733 = arith.constant 3 : i32
    %dma_start3A_734 = arith.constant 3 : i32
    %dma_start3A_735 = arith.constant 0 : i32
    %dma_start3A_736 = arith.constant 0 : i32
    %dma_start3A_737 = tpu.memref_slice %arg8[%dma_start3A_733, %dma_start3A_735, %dma_start3A_736] : memref<4x64x128xf32, #tpu.memory_space<vmem>> -> memref<1x64x128xf32, #tpu.memory_space<vmem>>
    %dma_start3A_738 = tpu.memref_squeeze %dma_start3A_737 : memref<1x64x128xf32, #tpu.memory_space<vmem>> -> memref<64x128xf32, #tpu.memory_space<vmem>>
    %dma_start3A_739 = arith.constant 0 : i32
    %dma_start3A_740 = tpu.memref_slice %arg6[%dma_start3A_732, %dma_start3A_739] : memref<40x64xi32, #tpu.memory_space<vmem>> -> memref<1x64xi32, #tpu.memory_space<vmem>>
    %dma_start3A_741 = tpu.memref_squeeze %dma_start3A_740 : memref<1x64xi32, #tpu.memory_space<vmem>> -> memref<64xi32, #tpu.memory_space<vmem>>
    %dma_start3A_742 = arith.constant 0 : i32
    %dma_start3A_743 = arith.constant 0 : i32
    %dma_start3A_744 = tpu.memref_slice %arg2[%dma_start3A_742, %dma_start3A_743] : memref<20096x128xf32, #tpu.memory_space<hbm>> -> memref<20096x128xf32, #tpu.memory_space<hbm>>
    %dma_start3A_745 = tpu.memref_slice %arg10[%dma_start3A_734] : memref<4x!tpu.dma_semaphore, #tpu.memory_space<semaphore_mem>> -> memref<1x!tpu.dma_semaphore, #tpu.memory_space<semaphore_mem>>
    %dma_start3A_746 = tpu.memref_squeeze %dma_start3A_745 : memref<1x!tpu.dma_semaphore, #tpu.memory_space<semaphore_mem>> -> memref<!tpu.dma_semaphore, #tpu.memory_space<semaphore_mem>>
    tpu.enqueue_indirect_dma source(%dma_start3A_744 : memref<20096x128xf32, #tpu.memory_space<hbm>>) target(%dma_start3A_738 : memref<64x128xf32, #tpu.memory_space<vmem>>) offsets(%dma_start3A_741 : memref<64xi32, #tpu.memory_space<vmem>>) semaphore(%dma_start3A_746 : memref<!tpu.dma_semaphore, #tpu.memory_space<semaphore_mem>>)
    %scan3A_747 = arith.constant 0 : i32
    %scan3A_748 = arith.constant 10 : i32
    %scan3A_749 = arith.addi %scan3A_747, %scan3A_748 : i32
    %scan3A_750 = arith.constant 1 : i32
    scf.for %scan3A_758 = %scan3A_747 to %scan3A_749 step %scan3A_750  : i32 {
      %mul3A_759 = arith.constant 4 : i32
      %mul3A_760 = arith.muli %scan3A_758, %mul3A_759 : i32
      %add3A_761 = arith.constant 0 : i32
      %add3A_762 = arith.addi %mul3A_760, %add3A_761 : i32
      %dma_wait3A_763 = arith.constant 0 : i32
      %dma_wait3A_764 = arith.constant 0 : i32
      %dma_wait3A_765 = arith.constant 0 : i32
      %dma_wait3A_766 = arith.constant 0 : i32
      %dma_wait3A_767 = tpu.memref_slice %arg8[%dma_wait3A_763, %dma_wait3A_765, %dma_wait3A_766] : memref<4x64x128xf32, #tpu.memory_space<vmem>> -> memref<1x64x128xf32, #tpu.memory_space<vmem>>
      %dma_wait3A_768 = tpu.memref_squeeze %dma_wait3A_767 : memref<1x64x128xf32, #tpu.memory_space<vmem>> -> memref<64x128xf32, #tpu.memory_space<vmem>>
      %dma_wait3A_769 = arith.constant 0 : i32
      %dma_wait3A_770 = tpu.memref_slice %arg6[%add3A_762, %dma_wait3A_769] : memref<40x64xi32, #tpu.memory_space<vmem>> -> memref<1x64xi32, #tpu.memory_space<vmem>>
      %dma_wait3A_771 = tpu.memref_squeeze %dma_wait3A_770 : memref<1x64xi32, #tpu.memory_space<vmem>> -> memref<64xi32, #tpu.memory_space<vmem>>
      %dma_wait3A_772 = arith.constant 0 : i32
      %dma_wait3A_773 = arith.constant 0 : i32
      %dma_wait3A_774 = tpu.memref_slice %arg2[%dma_wait3A_772, %dma_wait3A_773] : memref<20096x128xf32, #tpu.memory_space<hbm>> -> memref<20096x128xf32, #tpu.memory_space<hbm>>
      %dma_wait3A_775 = tpu.memref_slice %arg10[%dma_wait3A_764] : memref<4x!tpu.dma_semaphore, #tpu.memory_space<semaphore_mem>> -> memref<1x!tpu.dma_semaphore, #tpu.memory_space<semaphore_mem>>
      %dma_wait3A_776 = tpu.memref_squeeze %dma_wait3A_775 : memref<1x!tpu.dma_semaphore, #tpu.memory_space<semaphore_mem>> -> memref<!tpu.dma_semaphore, #tpu.memory_space<semaphore_mem>>
      tpu.wait_indirect_dma semaphore(%dma_wait3A_776 : memref<!tpu.dma_semaphore, #tpu.memory_space<semaphore_mem>>) src(%dma_wait3A_774 : memref<20096x128xf32, #tpu.memory_space<hbm>>) dst(%dma_wait3A_768 : memref<64x128xf32, #tpu.memory_space<vmem>>)
      %dma_start3A_777 = arith.constant 0 : i32
      %dma_start3A_778 = arith.constant 0 : i32
      %dma_start3A_779 = arith.constant 0 : i32
      %dma_start3A_780 = arith.constant 0 : i32
      %dma_start3A_781 = tpu.memref_slice %arg8[%dma_start3A_777, %dma_start3A_779, %dma_start3A_780] : memref<4x64x128xf32, #tpu.memory_space<vmem>> -> memref<1x64x128xf32, #tpu.memory_space<vmem>>
      %dma_start3A_782 = tpu.memref_squeeze %dma_start3A_781 : memref<1x64x128xf32, #tpu.memory_space<vmem>> -> memref<64x128xf32, #tpu.memory_space<vmem>>
      %dma_start3A_783 = arith.constant 0 : i32
      %dma_start3A_784 = tpu.memref_slice %arg7[%add3A_762, %dma_start3A_783] : memref<40x64xi32, #tpu.memory_space<vmem>> -> memref<1x64xi32, #tpu.memory_space<vmem>>
      %dma_start3A_785 = tpu.memref_squeeze %dma_start3A_784 : memref<1x64xi32, #tpu.memory_space<vmem>> -> memref<64xi32, #tpu.memory_space<vmem>>
      %dma_start3A_786 = arith.constant 0 : i32
      %dma_start3A_787 = arith.constant 0 : i32
      %dma_start3A_788 = tpu.memref_slice %arg9[%dma_start3A_786, %dma_start3A_787] : memref<10000x128xf32, #tpu.memory_space<vmem_shared>> -> memref<10000x128xf32, #tpu.memory_space<vmem_shared>>
      %dma_start3A_789 = tpu.memref_slice %arg11[%dma_start3A_778] : memref<4x!tpu.dma_semaphore, #tpu.memory_space<semaphore_mem>> -> memref<1x!tpu.dma_semaphore, #tpu.memory_space<semaphore_mem>>
      %dma_start3A_790 = tpu.memref_squeeze %dma_start3A_789 : memref<1x!tpu.dma_semaphore, #tpu.memory_space<semaphore_mem>> -> memref<!tpu.dma_semaphore, #tpu.memory_space<semaphore_mem>>
      tpu.enqueue_indirect_dma source(%dma_start3A_782 : memref<64x128xf32, #tpu.memory_space<vmem>>) target(%dma_start3A_788 : memref<10000x128xf32, #tpu.memory_space<vmem_shared>>) offsets(%dma_start3A_785 : memref<64xi32, #tpu.memory_space<vmem>>) semaphore(%dma_start3A_790 : memref<!tpu.dma_semaphore, #tpu.memory_space<semaphore_mem>>) {add = true}
      %add3A_791 = arith.constant 1 : i32
      %add3A_792 = arith.addi %mul3A_760, %add3A_791 : i32
      %dma_wait3A_793 = arith.constant 1 : i32
      %dma_wait3A_794 = arith.constant 1 : i32
      %dma_wait3A_795 = arith.constant 0 : i32
      %dma_wait3A_796 = arith.constant 0 : i32
      %dma_wait3A_797 = tpu.memref_slice %arg8[%dma_wait3A_793, %dma_wait3A_795, %dma_wait3A_796] : memref<4x64x128xf32, #tpu.memory_space<vmem>> -> memref<1x64x128xf32, #tpu.memory_space<vmem>>
      %dma_wait3A_798 = tpu.memref_squeeze %dma_wait3A_797 : memref<1x64x128xf32, #tpu.memory_space<vmem>> -> memref<64x128xf32, #tpu.memory_space<vmem>>
      %dma_wait3A_799 = arith.constant 0 : i32
      %dma_wait3A_800 = tpu.memref_slice %arg6[%add3A_792, %dma_wait3A_799] : memref<40x64xi32, #tpu.memory_space<vmem>> -> memref<1x64xi32, #tpu.memory_space<vmem>>
      %dma_wait3A_801 = tpu.memref_squeeze %dma_wait3A_800 : memref<1x64xi32, #tpu.memory_space<vmem>> -> memref<64xi32, #tpu.memory_space<vmem>>
      %dma_wait3A_802 = arith.constant 0 : i32
      %dma_wait3A_803 = arith.constant 0 : i32
      %dma_wait3A_804 = tpu.memref_slice %arg2[%dma_wait3A_802, %dma_wait3A_803] : memref<20096x128xf32, #tpu.memory_space<hbm>> -> memref<20096x128xf32, #tpu.memory_space<hbm>>
      %dma_wait3A_805 = tpu.memref_slice %arg10[%dma_wait3A_794] : memref<4x!tpu.dma_semaphore, #tpu.memory_space<semaphore_mem>> -> memref<1x!tpu.dma_semaphore, #tpu.memory_space<semaphore_mem>>
      %dma_wait3A_806 = tpu.memref_squeeze %dma_wait3A_805 : memref<1x!tpu.dma_semaphore, #tpu.memory_space<semaphore_mem>> -> memref<!tpu.dma_semaphore, #tpu.memory_space<semaphore_mem>>
      tpu.wait_indirect_dma semaphore(%dma_wait3A_806 : memref<!tpu.dma_semaphore, #tpu.memory_space<semaphore_mem>>) src(%dma_wait3A_804 : memref<20096x128xf32, #tpu.memory_space<hbm>>) dst(%dma_wait3A_798 : memref<64x128xf32, #tpu.memory_space<vmem>>)
      %dma_start3A_807 = arith.constant 1 : i32
      %dma_start3A_808 = arith.constant 1 : i32
      %dma_start3A_809 = arith.constant 0 : i32
      %dma_start3A_810 = arith.constant 0 : i32
      %dma_start3A_811 = tpu.memref_slice %arg8[%dma_start3A_807, %dma_start3A_809, %dma_start3A_810] : memref<4x64x128xf32, #tpu.memory_space<vmem>> -> memref<1x64x128xf32, #tpu.memory_space<vmem>>
      %dma_start3A_812 = tpu.memref_squeeze %dma_start3A_811 : memref<1x64x128xf32, #tpu.memory_space<vmem>> -> memref<64x128xf32, #tpu.memory_space<vmem>>
      %dma_start3A_813 = arith.constant 0 : i32
      %dma_start3A_814 = tpu.memref_slice %arg7[%add3A_792, %dma_start3A_813] : memref<40x64xi32, #tpu.memory_space<vmem>> -> memref<1x64xi32, #tpu.memory_space<vmem>>
      %dma_start3A_815 = tpu.memref_squeeze %dma_start3A_814 : memref<1x64xi32, #tpu.memory_space<vmem>> -> memref<64xi32, #tpu.memory_space<vmem>>
      %dma_start3A_816 = arith.constant 0 : i32
      %dma_start3A_817 = arith.constant 0 : i32
      %dma_start3A_818 = tpu.memref_slice %arg9[%dma_start3A_816, %dma_start3A_817] : memref<10000x128xf32, #tpu.memory_space<vmem_shared>> -> memref<10000x128xf32, #tpu.memory_space<vmem_shared>>
      %dma_start3A_819 = tpu.memref_slice %arg11[%dma_start3A_808] : memref<4x!tpu.dma_semaphore, #tpu.memory_space<semaphore_mem>> -> memref<1x!tpu.dma_semaphore, #tpu.memory_space<semaphore_mem>>
      %dma_start3A_820 = tpu.memref_squeeze %dma_start3A_819 : memref<1x!tpu.dma_semaphore, #tpu.memory_space<semaphore_mem>> -> memref<!tpu.dma_semaphore, #tpu.memory_space<semaphore_mem>>
      tpu.enqueue_indirect_dma source(%dma_start3A_812 : memref<64x128xf32, #tpu.memory_space<vmem>>) target(%dma_start3A_818 : memref<10000x128xf32, #tpu.memory_space<vmem_shared>>) offsets(%dma_start3A_815 : memref<64xi32, #tpu.memory_space<vmem>>) semaphore(%dma_start3A_820 : memref<!tpu.dma_semaphore, #tpu.memory_space<semaphore_mem>>) {add = true}
      %add3A_821 = arith.constant 2 : i32
      %add3A_822 = arith.addi %mul3A_760, %add3A_821 : i32
      %dma_wait3A_823 = arith.constant 2 : i32
      %dma_wait3A_824 = arith.constant 2 : i32
      %dma_wait3A_825 = arith.constant 0 : i32
      %dma_wait3A_826 = arith.constant 0 : i32
      %dma_wait3A_827 = tpu.memref_slice %arg8[%dma_wait3A_823, %dma_wait3A_825, %dma_wait3A_826] : memref<4x64x128xf32, #tpu.memory_space<vmem>> -> memref<1x64x128xf32, #tpu.memory_space<vmem>>
      %dma_wait3A_828 = tpu.memref_squeeze %dma_wait3A_827 : memref<1x64x128xf32, #tpu.memory_space<vmem>> -> memref<64x128xf32, #tpu.memory_space<vmem>>
      %dma_wait3A_829 = arith.constant 0 : i32
      %dma_wait3A_830 = tpu.memref_slice %arg6[%add3A_822, %dma_wait3A_829] : memref<40x64xi32, #tpu.memory_space<vmem>> -> memref<1x64xi32, #tpu.memory_space<vmem>>
      %dma_wait3A_831 = tpu.memref_squeeze %dma_wait3A_830 : memref<1x64xi32, #tpu.memory_space<vmem>> -> memref<64xi32, #tpu.memory_space<vmem>>
      %dma_wait3A_832 = arith.constant 0 : i32
      %dma_wait3A_833 = arith.constant 0 : i32
      %dma_wait3A_834 = tpu.memref_slice %arg2[%dma_wait3A_832, %dma_wait3A_833] : memref<20096x128xf32, #tpu.memory_space<hbm>> -> memref<20096x128xf32, #tpu.memory_space<hbm>>
      %dma_wait3A_835 = tpu.memref_slice %arg10[%dma_wait3A_824] : memref<4x!tpu.dma_semaphore, #tpu.memory_space<semaphore_mem>> -> memref<1x!tpu.dma_semaphore, #tpu.memory_space<semaphore_mem>>
      %dma_wait3A_836 = tpu.memref_squeeze %dma_wait3A_835 : memref<1x!tpu.dma_semaphore, #tpu.memory_space<semaphore_mem>> -> memref<!tpu.dma_semaphore, #tpu.memory_space<semaphore_mem>>
      tpu.wait_indirect_dma semaphore(%dma_wait3A_836 : memref<!tpu.dma_semaphore, #tpu.memory_space<semaphore_mem>>) src(%dma_wait3A_834 : memref<20096x128xf32, #tpu.memory_space<hbm>>) dst(%dma_wait3A_828 : memref<64x128xf32, #tpu.memory_space<vmem>>)
      %dma_start3A_837 = arith.constant 2 : i32
      %dma_start3A_838 = arith.constant 2 : i32
      %dma_start3A_839 = arith.constant 0 : i32
      %dma_start3A_840 = arith.constant 0 : i32
      %dma_start3A_841 = tpu.memref_slice %arg8[%dma_start3A_837, %dma_start3A_839, %dma_start3A_840] : memref<4x64x128xf32, #tpu.memory_space<vmem>> -> memref<1x64x128xf32, #tpu.memory_space<vmem>>
      %dma_start3A_842 = tpu.memref_squeeze %dma_start3A_841 : memref<1x64x128xf32, #tpu.memory_space<vmem>> -> memref<64x128xf32, #tpu.memory_space<vmem>>
      %dma_start3A_843 = arith.constant 0 : i32
      %dma_start3A_844 = tpu.memref_slice %arg7[%add3A_822, %dma_start3A_843] : memref<40x64xi32, #tpu.memory_space<vmem>> -> memref<1x64xi32, #tpu.memory_space<vmem>>
      %dma_start3A_845 = tpu.memref_squeeze %dma_start3A_844 : memref<1x64xi32, #tpu.memory_space<vmem>> -> memref<64xi32, #tpu.memory_space<vmem>>
      %dma_start3A_846 = arith.constant 0 : i32
      %dma_start3A_847 = arith.constant 0 : i32
      %dma_start3A_848 = tpu.memref_slice %arg9[%dma_start3A_846, %dma_start3A_847] : memref<10000x128xf32, #tpu.memory_space<vmem_shared>> -> memref<10000x128xf32, #tpu.memory_space<vmem_shared>>
      %dma_start3A_849 = tpu.memref_slice %arg11[%dma_start3A_838] : memref<4x!tpu.dma_semaphore, #tpu.memory_space<semaphore_mem>> -> memref<1x!tpu.dma_semaphore, #tpu.memory_space<semaphore_mem>>
      %dma_start3A_850 = tpu.memref_squeeze %dma_start3A_849 : memref<1x!tpu.dma_semaphore, #tpu.memory_space<semaphore_mem>> -> memref<!tpu.dma_semaphore, #tpu.memory_space<semaphore_mem>>
      tpu.enqueue_indirect_dma source(%dma_start3A_842 : memref<64x128xf32, #tpu.memory_space<vmem>>) target(%dma_start3A_848 : memref<10000x128xf32, #tpu.memory_space<vmem_shared>>) offsets(%dma_start3A_845 : memref<64xi32, #tpu.memory_space<vmem>>) semaphore(%dma_start3A_850 : memref<!tpu.dma_semaphore, #tpu.memory_space<semaphore_mem>>) {add = true}
      %add3A_851 = arith.constant 3 : i32
      %add3A_852 = arith.addi %mul3A_760, %add3A_851 : i32
      %dma_wait3A_853 = arith.constant 3 : i32
      %dma_wait3A_854 = arith.constant 3 : i32
      %dma_wait3A_855 = arith.constant 0 : i32
      %dma_wait3A_856 = arith.constant 0 : i32
      %dma_wait3A_857 = tpu.memref_slice %arg8[%dma_wait3A_853, %dma_wait3A_855, %dma_wait3A_856] : memref<4x64x128xf32, #tpu.memory_space<vmem>> -> memref<1x64x128xf32, #tpu.memory_space<vmem>>
      %dma_wait3A_858 = tpu.memref_squeeze %dma_wait3A_857 : memref<1x64x128xf32, #tpu.memory_space<vmem>> -> memref<64x128xf32, #tpu.memory_space<vmem>>
      %dma_wait3A_859 = arith.constant 0 : i32
      %dma_wait3A_860 = tpu.memref_slice %arg6[%add3A_852, %dma_wait3A_859] : memref<40x64xi32, #tpu.memory_space<vmem>> -> memref<1x64xi32, #tpu.memory_space<vmem>>
      %dma_wait3A_861 = tpu.memref_squeeze %dma_wait3A_860 : memref<1x64xi32, #tpu.memory_space<vmem>> -> memref<64xi32, #tpu.memory_space<vmem>>
      %dma_wait3A_862 = arith.constant 0 : i32
      %dma_wait3A_863 = arith.constant 0 : i32
      %dma_wait3A_864 = tpu.memref_slice %arg2[%dma_wait3A_862, %dma_wait3A_863] : memref<20096x128xf32, #tpu.memory_space<hbm>> -> memref<20096x128xf32, #tpu.memory_space<hbm>>
      %dma_wait3A_865 = tpu.memref_slice %arg10[%dma_wait3A_854] : memref<4x!tpu.dma_semaphore, #tpu.memory_space<semaphore_mem>> -> memref<1x!tpu.dma_semaphore, #tpu.memory_space<semaphore_mem>>
      %dma_wait3A_866 = tpu.memref_squeeze %dma_wait3A_865 : memref<1x!tpu.dma_semaphore, #tpu.memory_space<semaphore_mem>> -> memref<!tpu.dma_semaphore, #tpu.memory_space<semaphore_mem>>
      tpu.wait_indirect_dma semaphore(%dma_wait3A_866 : memref<!tpu.dma_semaphore, #tpu.memory_space<semaphore_mem>>) src(%dma_wait3A_864 : memref<20096x128xf32, #tpu.memory_space<hbm>>) dst(%dma_wait3A_858 : memref<64x128xf32, #tpu.memory_space<vmem>>)
      %dma_start3A_867 = arith.constant 3 : i32
      %dma_start3A_868 = arith.constant 3 : i32
      %dma_start3A_869 = arith.constant 0 : i32
      %dma_start3A_870 = arith.constant 0 : i32
      %dma_start3A_871 = tpu.memref_slice %arg8[%dma_start3A_867, %dma_start3A_869, %dma_start3A_870] : memref<4x64x128xf32, #tpu.memory_space<vmem>> -> memref<1x64x128xf32, #tpu.memory_space<vmem>>
      %dma_start3A_872 = tpu.memref_squeeze %dma_start3A_871 : memref<1x64x128xf32, #tpu.memory_space<vmem>> -> memref<64x128xf32, #tpu.memory_space<vmem>>
      %dma_start3A_873 = arith.constant 0 : i32
      %dma_start3A_874 = tpu.memref_slice %arg7[%add3A_852, %dma_start3A_873] : memref<40x64xi32, #tpu.memory_space<vmem>> -> memref<1x64xi32, #tpu.memory_space<vmem>>
      %dma_start3A_875 = tpu.memref_squeeze %dma_start3A_874 : memref<1x64xi32, #tpu.memory_space<vmem>> -> memref<64xi32, #tpu.memory_space<vmem>>
      %dma_start3A_876 = arith.constant 0 : i32
      %dma_start3A_877 = arith.constant 0 : i32
      %dma_start3A_878 = tpu.memref_slice %arg9[%dma_start3A_876, %dma_start3A_877] : memref<10000x128xf32, #tpu.memory_space<vmem_shared>> -> memref<10000x128xf32, #tpu.memory_space<vmem_shared>>
      %dma_start3A_879 = tpu.memref_slice %arg11[%dma_start3A_868] : memref<4x!tpu.dma_semaphore, #tpu.memory_space<semaphore_mem>> -> memref<1x!tpu.dma_semaphore, #tpu.memory_space<semaphore_mem>>
      %dma_start3A_880 = tpu.memref_squeeze %dma_start3A_879 : memref<1x!tpu.dma_semaphore, #tpu.memory_space<semaphore_mem>> -> memref<!tpu.dma_semaphore, #tpu.memory_space<semaphore_mem>>
      tpu.enqueue_indirect_dma source(%dma_start3A_872 : memref<64x128xf32, #tpu.memory_space<vmem>>) target(%dma_start3A_878 : memref<10000x128xf32, #tpu.memory_space<vmem_shared>>) offsets(%dma_start3A_875 : memref<64xi32, #tpu.memory_space<vmem>>) semaphore(%dma_start3A_880 : memref<!tpu.dma_semaphore, #tpu.memory_space<semaphore_mem>>) {add = true}
      %add3A_881 = arith.constant 0 : i32
      %add3A_882 = arith.addi %mul3A_760, %add3A_881 : i32
      %dma_wait3A_883 = arith.constant 0 : i32
      %dma_wait3A_884 = arith.constant 0 : i32
      %dma_wait3A_885 = arith.constant 0 : i32
      %dma_wait3A_886 = arith.constant 0 : i32
      %dma_wait3A_887 = tpu.memref_slice %arg8[%dma_wait3A_883, %dma_wait3A_885, %dma_wait3A_886] : memref<4x64x128xf32, #tpu.memory_space<vmem>> -> memref<1x64x128xf32, #tpu.memory_space<vmem>>
      %dma_wait3A_888 = tpu.memref_squeeze %dma_wait3A_887 : memref<1x64x128xf32, #tpu.memory_space<vmem>> -> memref<64x128xf32, #tpu.memory_space<vmem>>
      %dma_wait3A_889 = arith.constant 0 : i32
      %dma_wait3A_890 = tpu.memref_slice %arg7[%add3A_882, %dma_wait3A_889] : memref<40x64xi32, #tpu.memory_space<vmem>> -> memref<1x64xi32, #tpu.memory_space<vmem>>
      %dma_wait3A_891 = tpu.memref_squeeze %dma_wait3A_890 : memref<1x64xi32, #tpu.memory_space<vmem>> -> memref<64xi32, #tpu.memory_space<vmem>>
      %dma_wait3A_892 = arith.constant 0 : i32
      %dma_wait3A_893 = arith.constant 0 : i32
      %dma_wait3A_894 = tpu.memref_slice %arg9[%dma_wait3A_892, %dma_wait3A_893] : memref<10000x128xf32, #tpu.memory_space<vmem_shared>> -> memref<10000x128xf32, #tpu.memory_space<vmem_shared>>
      %dma_wait3A_895 = tpu.memref_slice %arg11[%dma_wait3A_884] : memref<4x!tpu.dma_semaphore, #tpu.memory_space<semaphore_mem>> -> memref<1x!tpu.dma_semaphore, #tpu.memory_space<semaphore_mem>>
      %dma_wait3A_896 = tpu.memref_squeeze %dma_wait3A_895 : memref<1x!tpu.dma_semaphore, #tpu.memory_space<semaphore_mem>> -> memref<!tpu.dma_semaphore, #tpu.memory_space<semaphore_mem>>
      tpu.wait_indirect_dma semaphore(%dma_wait3A_896 : memref<!tpu.dma_semaphore, #tpu.memory_space<semaphore_mem>>) src(%dma_wait3A_888 : memref<64x128xf32, #tpu.memory_space<vmem>>) dst(%dma_wait3A_894 : memref<10000x128xf32, #tpu.memory_space<vmem_shared>>)
      %lt3A = arith.constant 9 : i32
      %lt3A_897 = arith.cmpi slt, %scan3A_758, %lt3A : i32
      %convert_element_type3A_898 = arith.extui %lt3A_897 : i1 to i32
      %cond3A_899 = arith.constant 0 : i32
      %cond3A_900 = arith.cmpi ne, %convert_element_type3A_898, %cond3A_899 : i32
      scf.if %cond3A_900 {
        %add3A_964 = arith.constant 4 : i32
        %add3A_965 = arith.addi %add3A_882, %add3A_964 : i32
        %dma_start3A_966 = arith.constant 0 : i32
        %dma_start3A_967 = arith.constant 0 : i32
        %dma_start3A_968 = arith.constant 0 : i32
        %dma_start3A_969 = arith.constant 0 : i32
        %dma_start3A_970 = tpu.memref_slice %arg8[%dma_start3A_966, %dma_start3A_968, %dma_start3A_969] : memref<4x64x128xf32, #tpu.memory_space<vmem>> -> memref<1x64x128xf32, #tpu.memory_space<vmem>>
        %dma_start3A_971 = tpu.memref_squeeze %dma_start3A_970 : memref<1x64x128xf32, #tpu.memory_space<vmem>> -> memref<64x128xf32, #tpu.memory_space<vmem>>
        %dma_start3A_972 = arith.constant 0 : i32
        %dma_start3A_973 = tpu.memref_slice %arg6[%add3A_965, %dma_start3A_972] : memref<40x64xi32, #tpu.memory_space<vmem>> -> memref<1x64xi32, #tpu.memory_space<vmem>>
        %dma_start3A_974 = tpu.memref_squeeze %dma_start3A_973 : memref<1x64xi32, #tpu.memory_space<vmem>> -> memref<64xi32, #tpu.memory_space<vmem>>
        %dma_start3A_975 = arith.constant 0 : i32
        %dma_start3A_976 = arith.constant 0 : i32
        %dma_start3A_977 = tpu.memref_slice %arg2[%dma_start3A_975, %dma_start3A_976] : memref<20096x128xf32, #tpu.memory_space<hbm>> -> memref<20096x128xf32, #tpu.memory_space<hbm>>
        %dma_start3A_978 = tpu.memref_slice %arg10[%dma_start3A_967] : memref<4x!tpu.dma_semaphore, #tpu.memory_space<semaphore_mem>> -> memref<1x!tpu.dma_semaphore, #tpu.memory_space<semaphore_mem>>
        %dma_start3A_979 = tpu.memref_squeeze %dma_start3A_978 : memref<1x!tpu.dma_semaphore, #tpu.memory_space<semaphore_mem>> -> memref<!tpu.dma_semaphore, #tpu.memory_space<semaphore_mem>>
        tpu.enqueue_indirect_dma source(%dma_start3A_977 : memref<20096x128xf32, #tpu.memory_space<hbm>>) target(%dma_start3A_971 : memref<64x128xf32, #tpu.memory_space<vmem>>) offsets(%dma_start3A_974 : memref<64xi32, #tpu.memory_space<vmem>>) semaphore(%dma_start3A_979 : memref<!tpu.dma_semaphore, #tpu.memory_space<semaphore_mem>>)
      } else {
      }
      %add3A_901 = arith.constant 1 : i32
      %add3A_902 = arith.addi %mul3A_760, %add3A_901 : i32
      %dma_wait3A_903 = arith.constant 1 : i32
      %dma_wait3A_904 = arith.constant 1 : i32
      %dma_wait3A_905 = arith.constant 0 : i32
      %dma_wait3A_906 = arith.constant 0 : i32
      %dma_wait3A_907 = tpu.memref_slice %arg8[%dma_wait3A_903, %dma_wait3A_905, %dma_wait3A_906] : memref<4x64x128xf32, #tpu.memory_space<vmem>> -> memref<1x64x128xf32, #tpu.memory_space<vmem>>
      %dma_wait3A_908 = tpu.memref_squeeze %dma_wait3A_907 : memref<1x64x128xf32, #tpu.memory_space<vmem>> -> memref<64x128xf32, #tpu.memory_space<vmem>>
      %dma_wait3A_909 = arith.constant 0 : i32
      %dma_wait3A_910 = tpu.memref_slice %arg7[%add3A_902, %dma_wait3A_909] : memref<40x64xi32, #tpu.memory_space<vmem>> -> memref<1x64xi32, #tpu.memory_space<vmem>>
      %dma_wait3A_911 = tpu.memref_squeeze %dma_wait3A_910 : memref<1x64xi32, #tpu.memory_space<vmem>> -> memref<64xi32, #tpu.memory_space<vmem>>
      %dma_wait3A_912 = arith.constant 0 : i32
      %dma_wait3A_913 = arith.constant 0 : i32
      %dma_wait3A_914 = tpu.memref_slice %arg9[%dma_wait3A_912, %dma_wait3A_913] : memref<10000x128xf32, #tpu.memory_space<vmem_shared>> -> memref<10000x128xf32, #tpu.memory_space<vmem_shared>>
      %dma_wait3A_915 = tpu.memref_slice %arg11[%dma_wait3A_904] : memref<4x!tpu.dma_semaphore, #tpu.memory_space<semaphore_mem>> -> memref<1x!tpu.dma_semaphore, #tpu.memory_space<semaphore_mem>>
      %dma_wait3A_916 = tpu.memref_squeeze %dma_wait3A_915 : memref<1x!tpu.dma_semaphore, #tpu.memory_space<semaphore_mem>> -> memref<!tpu.dma_semaphore, #tpu.memory_space<semaphore_mem>>
      tpu.wait_indirect_dma semaphore(%dma_wait3A_916 : memref<!tpu.dma_semaphore, #tpu.memory_space<semaphore_mem>>) src(%dma_wait3A_908 : memref<64x128xf32, #tpu.memory_space<vmem>>) dst(%dma_wait3A_914 : memref<10000x128xf32, #tpu.memory_space<vmem_shared>>)
      %lt3A_917 = arith.constant 9 : i32
      %lt3A_918 = arith.cmpi slt, %scan3A_758, %lt3A_917 : i32
      %convert_element_type3A_919 = arith.extui %lt3A_918 : i1 to i32
      %cond3A_920 = arith.constant 0 : i32
      %cond3A_921 = arith.cmpi ne, %convert_element_type3A_919, %cond3A_920 : i32
      scf.if %cond3A_921 {
        %add3A_964 = arith.constant 4 : i32
        %add3A_965 = arith.addi %add3A_902, %add3A_964 : i32
        %dma_start3A_966 = arith.constant 1 : i32
        %dma_start3A_967 = arith.constant 1 : i32
        %dma_start3A_968 = arith.constant 0 : i32
        %dma_start3A_969 = arith.constant 0 : i32
        %dma_start3A_970 = tpu.memref_slice %arg8[%dma_start3A_966, %dma_start3A_968, %dma_start3A_969] : memref<4x64x128xf32, #tpu.memory_space<vmem>> -> memref<1x64x128xf32, #tpu.memory_space<vmem>>
        %dma_start3A_971 = tpu.memref_squeeze %dma_start3A_970 : memref<1x64x128xf32, #tpu.memory_space<vmem>> -> memref<64x128xf32, #tpu.memory_space<vmem>>
        %dma_start3A_972 = arith.constant 0 : i32
        %dma_start3A_973 = tpu.memref_slice %arg6[%add3A_965, %dma_start3A_972] : memref<40x64xi32, #tpu.memory_space<vmem>> -> memref<1x64xi32, #tpu.memory_space<vmem>>
        %dma_start3A_974 = tpu.memref_squeeze %dma_start3A_973 : memref<1x64xi32, #tpu.memory_space<vmem>> -> memref<64xi32, #tpu.memory_space<vmem>>
        %dma_start3A_975 = arith.constant 0 : i32
        %dma_start3A_976 = arith.constant 0 : i32
        %dma_start3A_977 = tpu.memref_slice %arg2[%dma_start3A_975, %dma_start3A_976] : memref<20096x128xf32, #tpu.memory_space<hbm>> -> memref<20096x128xf32, #tpu.memory_space<hbm>>
        %dma_start3A_978 = tpu.memref_slice %arg10[%dma_start3A_967] : memref<4x!tpu.dma_semaphore, #tpu.memory_space<semaphore_mem>> -> memref<1x!tpu.dma_semaphore, #tpu.memory_space<semaphore_mem>>
        %dma_start3A_979 = tpu.memref_squeeze %dma_start3A_978 : memref<1x!tpu.dma_semaphore, #tpu.memory_space<semaphore_mem>> -> memref<!tpu.dma_semaphore, #tpu.memory_space<semaphore_mem>>
        tpu.enqueue_indirect_dma source(%dma_start3A_977 : memref<20096x128xf32, #tpu.memory_space<hbm>>) target(%dma_start3A_971 : memref<64x128xf32, #tpu.memory_space<vmem>>) offsets(%dma_start3A_974 : memref<64xi32, #tpu.memory_space<vmem>>) semaphore(%dma_start3A_979 : memref<!tpu.dma_semaphore, #tpu.memory_space<semaphore_mem>>)
      } else {
      }
      %add3A_922 = arith.constant 2 : i32
      %add3A_923 = arith.addi %mul3A_760, %add3A_922 : i32
      %dma_wait3A_924 = arith.constant 2 : i32
      %dma_wait3A_925 = arith.constant 2 : i32
      %dma_wait3A_926 = arith.constant 0 : i32
      %dma_wait3A_927 = arith.constant 0 : i32
      %dma_wait3A_928 = tpu.memref_slice %arg8[%dma_wait3A_924, %dma_wait3A_926, %dma_wait3A_927] : memref<4x64x128xf32, #tpu.memory_space<vmem>> -> memref<1x64x128xf32, #tpu.memory_space<vmem>>
      %dma_wait3A_929 = tpu.memref_squeeze %dma_wait3A_928 : memref<1x64x128xf32, #tpu.memory_space<vmem>> -> memref<64x128xf32, #tpu.memory_space<vmem>>
      %dma_wait3A_930 = arith.constant 0 : i32
      %dma_wait3A_931 = tpu.memref_slice %arg7[%add3A_923, %dma_wait3A_930] : memref<40x64xi32, #tpu.memory_space<vmem>> -> memref<1x64xi32, #tpu.memory_space<vmem>>
      %dma_wait3A_932 = tpu.memref_squeeze %dma_wait3A_931 : memref<1x64xi32, #tpu.memory_space<vmem>> -> memref<64xi32, #tpu.memory_space<vmem>>
      %dma_wait3A_933 = arith.constant 0 : i32
      %dma_wait3A_934 = arith.constant 0 : i32
      %dma_wait3A_935 = tpu.memref_slice %arg9[%dma_wait3A_933, %dma_wait3A_934] : memref<10000x128xf32, #tpu.memory_space<vmem_shared>> -> memref<10000x128xf32, #tpu.memory_space<vmem_shared>>
      %dma_wait3A_936 = tpu.memref_slice %arg11[%dma_wait3A_925] : memref<4x!tpu.dma_semaphore, #tpu.memory_space<semaphore_mem>> -> memref<1x!tpu.dma_semaphore, #tpu.memory_space<semaphore_mem>>
      %dma_wait3A_937 = tpu.memref_squeeze %dma_wait3A_936 : memref<1x!tpu.dma_semaphore, #tpu.memory_space<semaphore_mem>> -> memref<!tpu.dma_semaphore, #tpu.memory_space<semaphore_mem>>
      tpu.wait_indirect_dma semaphore(%dma_wait3A_937 : memref<!tpu.dma_semaphore, #tpu.memory_space<semaphore_mem>>) src(%dma_wait3A_929 : memref<64x128xf32, #tpu.memory_space<vmem>>) dst(%dma_wait3A_935 : memref<10000x128xf32, #tpu.memory_space<vmem_shared>>)
      %lt3A_938 = arith.constant 9 : i32
      %lt3A_939 = arith.cmpi slt, %scan3A_758, %lt3A_938 : i32
      %convert_element_type3A_940 = arith.extui %lt3A_939 : i1 to i32
      %cond3A_941 = arith.constant 0 : i32
      %cond3A_942 = arith.cmpi ne, %convert_element_type3A_940, %cond3A_941 : i32
      scf.if %cond3A_942 {
        %add3A_964 = arith.constant 4 : i32
        %add3A_965 = arith.addi %add3A_923, %add3A_964 : i32
        %dma_start3A_966 = arith.constant 2 : i32
        %dma_start3A_967 = arith.constant 2 : i32
        %dma_start3A_968 = arith.constant 0 : i32
        %dma_start3A_969 = arith.constant 0 : i32
        %dma_start3A_970 = tpu.memref_slice %arg8[%dma_start3A_966, %dma_start3A_968, %dma_start3A_969] : memref<4x64x128xf32, #tpu.memory_space<vmem>> -> memref<1x64x128xf32, #tpu.memory_space<vmem>>
        %dma_start3A_971 = tpu.memref_squeeze %dma_start3A_970 : memref<1x64x128xf32, #tpu.memory_space<vmem>> -> memref<64x128xf32, #tpu.memory_space<vmem>>
        %dma_start3A_972 = arith.constant 0 : i32
        %dma_start3A_973 = tpu.memref_slice %arg6[%add3A_965, %dma_start3A_972] : memref<40x64xi32, #tpu.memory_space<vmem>> -> memref<1x64xi32, #tpu.memory_space<vmem>>
        %dma_start3A_974 = tpu.memref_squeeze %dma_start3A_973 : memref<1x64xi32, #tpu.memory_space<vmem>> -> memref<64xi32, #tpu.memory_space<vmem>>
        %dma_start3A_975 = arith.constant 0 : i32
        %dma_start3A_976 = arith.constant 0 : i32
        %dma_start3A_977 = tpu.memref_slice %arg2[%dma_start3A_975, %dma_start3A_976] : memref<20096x128xf32, #tpu.memory_space<hbm>> -> memref<20096x128xf32, #tpu.memory_space<hbm>>
        %dma_start3A_978 = tpu.memref_slice %arg10[%dma_start3A_967] : memref<4x!tpu.dma_semaphore, #tpu.memory_space<semaphore_mem>> -> memref<1x!tpu.dma_semaphore, #tpu.memory_space<semaphore_mem>>
        %dma_start3A_979 = tpu.memref_squeeze %dma_start3A_978 : memref<1x!tpu.dma_semaphore, #tpu.memory_space<semaphore_mem>> -> memref<!tpu.dma_semaphore, #tpu.memory_space<semaphore_mem>>
        tpu.enqueue_indirect_dma source(%dma_start3A_977 : memref<20096x128xf32, #tpu.memory_space<hbm>>) target(%dma_start3A_971 : memref<64x128xf32, #tpu.memory_space<vmem>>) offsets(%dma_start3A_974 : memref<64xi32, #tpu.memory_space<vmem>>) semaphore(%dma_start3A_979 : memref<!tpu.dma_semaphore, #tpu.memory_space<semaphore_mem>>)
      } else {
      }
      %add3A_943 = arith.constant 3 : i32
      %add3A_944 = arith.addi %mul3A_760, %add3A_943 : i32
      %dma_wait3A_945 = arith.constant 3 : i32
      %dma_wait3A_946 = arith.constant 3 : i32
      %dma_wait3A_947 = arith.constant 0 : i32
      %dma_wait3A_948 = arith.constant 0 : i32
      %dma_wait3A_949 = tpu.memref_slice %arg8[%dma_wait3A_945, %dma_wait3A_947, %dma_wait3A_948] : memref<4x64x128xf32, #tpu.memory_space<vmem>> -> memref<1x64x128xf32, #tpu.memory_space<vmem>>
      %dma_wait3A_950 = tpu.memref_squeeze %dma_wait3A_949 : memref<1x64x128xf32, #tpu.memory_space<vmem>> -> memref<64x128xf32, #tpu.memory_space<vmem>>
      %dma_wait3A_951 = arith.constant 0 : i32
      %dma_wait3A_952 = tpu.memref_slice %arg7[%add3A_944, %dma_wait3A_951] : memref<40x64xi32, #tpu.memory_space<vmem>> -> memref<1x64xi32, #tpu.memory_space<vmem>>
      %dma_wait3A_953 = tpu.memref_squeeze %dma_wait3A_952 : memref<1x64xi32, #tpu.memory_space<vmem>> -> memref<64xi32, #tpu.memory_space<vmem>>
      %dma_wait3A_954 = arith.constant 0 : i32
      %dma_wait3A_955 = arith.constant 0 : i32
      %dma_wait3A_956 = tpu.memref_slice %arg9[%dma_wait3A_954, %dma_wait3A_955] : memref<10000x128xf32, #tpu.memory_space<vmem_shared>> -> memref<10000x128xf32, #tpu.memory_space<vmem_shared>>
      %dma_wait3A_957 = tpu.memref_slice %arg11[%dma_wait3A_946] : memref<4x!tpu.dma_semaphore, #tpu.memory_space<semaphore_mem>> -> memref<1x!tpu.dma_semaphore, #tpu.memory_space<semaphore_mem>>
      %dma_wait3A_958 = tpu.memref_squeeze %dma_wait3A_957 : memref<1x!tpu.dma_semaphore, #tpu.memory_space<semaphore_mem>> -> memref<!tpu.dma_semaphore, #tpu.memory_space<semaphore_mem>>
      tpu.wait_indirect_dma semaphore(%dma_wait3A_958 : memref<!tpu.dma_semaphore, #tpu.memory_space<semaphore_mem>>) src(%dma_wait3A_950 : memref<64x128xf32, #tpu.memory_space<vmem>>) dst(%dma_wait3A_956 : memref<10000x128xf32, #tpu.memory_space<vmem_shared>>)
      %lt3A_959 = arith.constant 9 : i32
      %lt3A_960 = arith.cmpi slt, %scan3A_758, %lt3A_959 : i32
      %convert_element_type3A_961 = arith.extui %lt3A_960 : i1 to i32
      %cond3A_962 = arith.constant 0 : i32
      %cond3A_963 = arith.cmpi ne, %convert_element_type3A_961, %cond3A_962 : i32
      scf.if %cond3A_963 {
        %add3A_964 = arith.constant 4 : i32
        %add3A_965 = arith.addi %add3A_944, %add3A_964 : i32
        %dma_start3A_966 = arith.constant 3 : i32
        %dma_start3A_967 = arith.constant 3 : i32
        %dma_start3A_968 = arith.constant 0 : i32
        %dma_start3A_969 = arith.constant 0 : i32
        %dma_start3A_970 = tpu.memref_slice %arg8[%dma_start3A_966, %dma_start3A_968, %dma_start3A_969] : memref<4x64x128xf32, #tpu.memory_space<vmem>> -> memref<1x64x128xf32, #tpu.memory_space<vmem>>
        %dma_start3A_971 = tpu.memref_squeeze %dma_start3A_970 : memref<1x64x128xf32, #tpu.memory_space<vmem>> -> memref<64x128xf32, #tpu.memory_space<vmem>>
        %dma_start3A_972 = arith.constant 0 : i32
        %dma_start3A_973 = tpu.memref_slice %arg6[%add3A_965, %dma_start3A_972] : memref<40x64xi32, #tpu.memory_space<vmem>> -> memref<1x64xi32, #tpu.memory_space<vmem>>
        %dma_start3A_974 = tpu.memref_squeeze %dma_start3A_973 : memref<1x64xi32, #tpu.memory_space<vmem>> -> memref<64xi32, #tpu.memory_space<vmem>>
        %dma_start3A_975 = arith.constant 0 : i32
        %dma_start3A_976 = arith.constant 0 : i32
        %dma_start3A_977 = tpu.memref_slice %arg2[%dma_start3A_975, %dma_start3A_976] : memref<20096x128xf32, #tpu.memory_space<hbm>> -> memref<20096x128xf32, #tpu.memory_space<hbm>>
        %dma_start3A_978 = tpu.memref_slice %arg10[%dma_start3A_967] : memref<4x!tpu.dma_semaphore, #tpu.memory_space<semaphore_mem>> -> memref<1x!tpu.dma_semaphore, #tpu.memory_space<semaphore_mem>>
        %dma_start3A_979 = tpu.memref_squeeze %dma_start3A_978 : memref<1x!tpu.dma_semaphore, #tpu.memory_space<semaphore_mem>> -> memref<!tpu.dma_semaphore, #tpu.memory_space<semaphore_mem>>
        tpu.enqueue_indirect_dma source(%dma_start3A_977 : memref<20096x128xf32, #tpu.memory_space<hbm>>) target(%dma_start3A_971 : memref<64x128xf32, #tpu.memory_space<vmem>>) offsets(%dma_start3A_974 : memref<64xi32, #tpu.memory_space<vmem>>) semaphore(%dma_start3A_979 : memref<!tpu.dma_semaphore, #tpu.memory_space<semaphore_mem>>)
      } else {
      }
    }
    %scan3A_751 = arith.constant 10 : i32
    %barrier3A_752 = arith.constant 0 : index
    tpu.barrier barrier_id(%barrier3A_752)
    "tpu.region"() ({
      %run_scoped3A = tpu.sem_alloc : memref<!tpu.dma_semaphore, #tpu.memory_space<semaphore_mem>>
      %dma_start3A_758 = arith.constant 0 : i32
      %dma_start3A_759 = tpu.memref_slice %arg5[%arg0, %mul3A_7, %dma_start3A_758] : memref<2x10000x128xf32, #tpu.memory_space<hbm>> -> memref<1x624x128xf32, #tpu.memory_space<hbm>>
      %dma_start3A_760 = tpu.memref_squeeze %dma_start3A_759 : memref<1x624x128xf32, #tpu.memory_space<hbm>> -> memref<624x128xf32, #tpu.memory_space<hbm>>
      %dma_start3A_761 = arith.constant 0 : i32
      %dma_start3A_762 = tpu.memref_slice %arg9[%mul3A_7, %dma_start3A_761] : memref<10000x128xf32, #tpu.memory_space<vmem_shared>> -> memref<624x128xf32, #tpu.memory_space<vmem_shared>>
      tpu.enqueue_dma source(%dma_start3A_762 : memref<624x128xf32, #tpu.memory_space<vmem_shared>>) target(%dma_start3A_760 : memref<624x128xf32, #tpu.memory_space<hbm>>) target_semaphore(%run_scoped3A : memref<!tpu.dma_semaphore, #tpu.memory_space<semaphore_mem>>)
      %dma_wait3A_763 = arith.constant 0 : i32
      %dma_wait3A_764 = tpu.memref_slice %arg5[%arg0, %mul3A_7, %dma_wait3A_763] : memref<2x10000x128xf32, #tpu.memory_space<hbm>> -> memref<1x624x128xf32, #tpu.memory_space<hbm>>
      %dma_wait3A_765 = tpu.memref_squeeze %dma_wait3A_764 : memref<1x624x128xf32, #tpu.memory_space<hbm>> -> memref<624x128xf32, #tpu.memory_space<hbm>>
      %dma_wait3A_766 = arith.constant 0 : i32
      %dma_wait3A_767 = tpu.memref_slice %arg9[%mul3A_7, %dma_wait3A_766] : memref<10000x128xf32, #tpu.memory_space<vmem_shared>> -> memref<624x128xf32, #tpu.memory_space<vmem_shared>>
      tpu.wait_dma2 semaphore(%run_scoped3A : memref<!tpu.dma_semaphore, #tpu.memory_space<semaphore_mem>>) src(%dma_wait3A_767 : memref<624x128xf32, #tpu.memory_space<vmem_shared>>) dst(%dma_wait3A_765 : memref<624x128xf32, #tpu.memory_space<hbm>>)
      tpu.yield
    }) : () -> ()
    %eq3A_753 = arith.constant 15 : i32
    %eq3A_754 = arith.cmpi eq, %arg1, %eq3A_753 : i32
    %convert_element_type3A_755 = arith.extui %eq3A_754 : i1 to i32
    %cond3A_756 = arith.constant 0 : i32
    %cond3A_757 = arith.cmpi ne, %convert_element_type3A_755, %cond3A_756 : i32
    scf.if %cond3A_757 {
      "tpu.region"() ({
        %run_scoped3A = tpu.sem_alloc : memref<!tpu.dma_semaphore, #tpu.memory_space<semaphore_mem>>
        %dma_start3A_758 = arith.constant 9984 : i32
        %dma_start3A_759 = arith.constant 0 : i32
        %dma_start3A_760 = tpu.memref_slice %arg5[%arg0, %dma_start3A_758, %dma_start3A_759] : memref<2x10000x128xf32, #tpu.memory_space<hbm>> -> memref<1x16x128xf32, #tpu.memory_space<hbm>>
        %dma_start3A_761 = tpu.memref_squeeze %dma_start3A_760 : memref<1x16x128xf32, #tpu.memory_space<hbm>> -> memref<16x128xf32, #tpu.memory_space<hbm>>
        %dma_start3A_762 = arith.constant 9984 : i32
        %dma_start3A_763 = arith.constant 0 : i32
        %dma_start3A_764 = tpu.memref_slice %arg9[%dma_start3A_762, %dma_start3A_763] : memref<10000x128xf32, #tpu.memory_space<vmem_shared>> -> memref<16x128xf32, #tpu.memory_space<vmem_shared>>
        tpu.enqueue_dma source(%dma_start3A_764 : memref<16x128xf32, #tpu.memory_space<vmem_shared>>) target(%dma_start3A_761 : memref<16x128xf32, #tpu.memory_space<hbm>>) target_semaphore(%run_scoped3A : memref<!tpu.dma_semaphore, #tpu.memory_space<semaphore_mem>>)
        %dma_wait3A_765 = arith.constant 9984 : i32
        %dma_wait3A_766 = arith.constant 0 : i32
        %dma_wait3A_767 = tpu.memref_slice %arg5[%arg0, %dma_wait3A_765, %dma_wait3A_766] : memref<2x10000x128xf32, #tpu.memory_space<hbm>> -> memref<1x16x128xf32, #tpu.memory_space<hbm>>
        %dma_wait3A_768 = tpu.memref_squeeze %dma_wait3A_767 : memref<1x16x128xf32, #tpu.memory_space<hbm>> -> memref<16x128xf32, #tpu.memory_space<hbm>>
        %dma_wait3A_769 = arith.constant 9984 : i32
        %dma_wait3A_770 = arith.constant 0 : i32
        %dma_wait3A_771 = tpu.memref_slice %arg9[%dma_wait3A_769, %dma_wait3A_770] : memref<10000x128xf32, #tpu.memory_space<vmem_shared>> -> memref<16x128xf32, #tpu.memory_space<vmem_shared>>
        tpu.wait_dma2 semaphore(%run_scoped3A : memref<!tpu.dma_semaphore, #tpu.memory_space<semaphore_mem>>) src(%dma_wait3A_771 : memref<16x128xf32, #tpu.memory_space<vmem_shared>>) dst(%dma_wait3A_768 : memref<16x128xf32, #tpu.memory_space<hbm>>)
        tpu.yield
      }) : () -> ()
    } else {
    }
    return
  }
}

module attributes {stable_mosaic.version = 14 : i64} {
  func.func @_gidx_body(%arg0: memref<5000x64xi32, #tpu.memory_space<vmem>>, %arg1: memref<5000x64xi32, #tpu.memory_space<vmem>>, %arg2: memref<5000x64xi32, #tpu.memory_space<vmem>>) attributes {dimension_semantics = [], scalar_prefetch = 0 : i64, scratch_operands = 0 : i64, tpu.core_type = #tpu.core_type<tc>} {
    %get3A = arith.constant 0 : index
    %get3A_0 = arith.constant 0 : index
    %get3A_1 = vector.load %arg0[%get3A, %get3A_0] : memref<5000x64xi32, #tpu.memory_space<vmem>>, vector<5000x64xi32>
    %mul3A = arith.constant 10048 : i32
    %mul3A_2 = vector.broadcast %mul3A : i32 to vector<5000x64xi32>
    %mul3A_3 = arith.muli %get3A_1, %mul3A_2 : vector<5000x64xi32>
    %get3A_4 = arith.constant 0 : index
    %get3A_5 = arith.constant 0 : index
    %get3A_6 = vector.load %arg1[%get3A_4, %get3A_5] : memref<5000x64xi32, #tpu.memory_space<vmem>>, vector<5000x64xi32>
    %add3A = arith.addi %mul3A_3, %get3A_6 : vector<5000x64xi32>
    %swap3A = arith.constant 0 : index
    %swap3A_7 = arith.constant 0 : index
    %swap3A_8 = vector.load %arg2[%swap3A, %swap3A_7] : memref<5000x64xi32, #tpu.memory_space<vmem>>, vector<5000x64xi32>
    tpu.vector_store %arg2[%swap3A, %swap3A_7], %add3A {strides = array<i32>} : memref<5000x64xi32, #tpu.memory_space<vmem>>, vector<5000x64xi32>,
    return
  }
}

module attributes {stable_mosaic.version = 14 : i64} {
  func.func @_ytab_body(%arg0: i32, %arg1: memref<1256x128xf32, #tpu.memory_space<vmem>>, %arg2: memref<2x128x128xf32, #tpu.memory_space<vmem>>, %arg3: memref<2x1256x128xf32, #tpu.memory_space<vmem>>) attributes {dimension_semantics = [#tpu.dimension_semantics<arbitrary>], iteration_bounds = array<i64: 8>, scalar_prefetch = 0 : i64, scratch_operands = 0 : i64, tpu.core_type = #tpu.core_type<tc>, window_params = [{transform_indices = @transform_0, window_bounds = array<i64: 1256, 128>}, {pipeline_mode = #tpu.pipeline_mode<synchronous>, transform_indices = @transform_1, window_bounds = array<i64: 2, 128, 128>}, {transform_indices = @transform_2, window_bounds = array<i64: 2, 1256, 128>}]} {
    %get3A = arith.constant 0 : index
    %get3A_0 = arith.constant 0 : index
    %get3A_1 = vector.load %arg1[%get3A, %get3A_0] : memref<1256x128xf32, #tpu.memory_space<vmem>>, vector<1256x128xf32>
    %get3A_2 = arith.constant 0 : index
    %get3A_3 = arith.constant 0 : index
    %get3A_4 = arith.constant 0 : index
    %get3A_5 = vector.load %arg2[%get3A_2, %get3A_3, %get3A_4] : memref<2x128x128xf32, #tpu.memory_space<vmem>>, vector<1x128x128xf32>
    %get3A_6 = vector.shape_cast %get3A_5 : vector<1x128x128xf32> to vector<128x128xf32>
    %dot_general3A = arith.constant dense<0.000000e+00> : vector<1256x128xf32>
    %dot_general3A_7 = tpu.matmul %get3A_1, %get3A_6, %dot_general3A {dimension_numbers = #tpu.dot_dimension_numbers<[1], [0], [0], [1], [0, 0, 1, 1], [], []>, transpose_lhs_hint = false} : vector<1256x128xf32>, vector<128x128xf32>, vector<1256x128xf32> -> vector<1256x128xf32>
    %swap3A = arith.constant 0 : index
    %swap3A_8 = arith.constant 0 : index
    %swap3A_9 = arith.constant 0 : index
    %swap3A_10 = vector.load %arg3[%swap3A, %swap3A_8, %swap3A_9] : memref<2x1256x128xf32, #tpu.memory_space<vmem>>, vector<1x1256x128xf32>
    %swap3A_11 = vector.shape_cast %swap3A_10 : vector<1x1256x128xf32> to vector<1256x128xf32>
    %swap3A_12 = vector.shape_cast %dot_general3A_7 : vector<1256x128xf32> to vector<1x1256x128xf32>
    tpu.vector_store %arg3[%swap3A, %swap3A_8, %swap3A_9], %swap3A_12 {strides = array<i32>} : memref<2x1256x128xf32, #tpu.memory_space<vmem>>, vector<1x1256x128xf32>,
    %get3A_13 = arith.constant 1 : index
    %get3A_14 = arith.constant 0 : index
    %get3A_15 = arith.constant 0 : index
    %get3A_16 = vector.load %arg2[%get3A_13, %get3A_14, %get3A_15] : memref<2x128x128xf32, #tpu.memory_space<vmem>>, vector<1x128x128xf32>
    %get3A_17 = vector.shape_cast %get3A_16 : vector<1x128x128xf32> to vector<128x128xf32>
    %dot_general3A_18 = arith.constant dense<0.000000e+00> : vector<1256x128xf32>
    %dot_general3A_19 = tpu.matmul %get3A_1, %get3A_17, %dot_general3A_18 {dimension_numbers = #tpu.dot_dimension_numbers<[1], [0], [0], [1], [0, 0, 1, 1], [], []>, transpose_lhs_hint = false} : vector<1256x128xf32>, vector<128x128xf32>, vector<1256x128xf32> -> vector<1256x128xf32>
    %swap3A_20 = arith.constant 1 : index
    %swap3A_21 = arith.constant 0 : index
    %swap3A_22 = arith.constant 0 : index
    %swap3A_23 = vector.load %arg3[%swap3A_20, %swap3A_21, %swap3A_22] : memref<2x1256x128xf32, #tpu.memory_space<vmem>>, vector<1x1256x128xf32>
    %swap3A_24 = vector.shape_cast %swap3A_23 : vector<1x1256x128xf32> to vector<1256x128xf32>
    %swap3A_25 = vector.shape_cast %dot_general3A_19 : vector<1256x128xf32> to vector<1x1256x128xf32>
    tpu.vector_store %arg3[%swap3A_20, %swap3A_21, %swap3A_22], %swap3A_25 {strides = array<i32>} : memref<2x1256x128xf32, #tpu.memory_space<vmem>>, vector<1x1256x128xf32>,
    return
  }
  func.func @transform_0(%arg0: i32) -> (i32, i32) {
    %c0_i32 = arith.constant 0 : i32
    %c0_i32_0 = arith.constant 0 : i32
    return %arg0, %c0_i32 : i32, i32
  }
  func.func @transform_1(%arg0: i32) -> (i32, i32, i32) {
    %c0_i32 = arith.constant 0 : i32
    %c0_i32_0 = arith.constant 0 : i32
    %c0_i32_1 = arith.constant 0 : i32
    %c0_i32_2 = arith.constant 0 : i32
    return %c0_i32, %c0_i32_0, %c0_i32_1 : i32, i32, i32
  }
  func.func @transform_2(%arg0: i32) -> (i32, i32, i32) {
    %c0_i32 = arith.constant 0 : i32
    %c0_i32_0 = arith.constant 0 : i32
    %c0_i32_1 = arith.constant 0 : i32
    return %c0_i32, %arg0, %c0_i32_0 : i32, i32, i32
  }
}

module attributes {stable_mosaic.version = 14 : i64} {
  func.func @_stage3_body(%arg0: i32, %arg1: memref<8xi32, #tpu.memory_space<smem>>, %arg2: memref<2x1x1250x128xf32, #tpu.memory_space<vmem>>, %arg3: memref<1x1250x1xi32, #tpu.memory_space<vmem>>, %arg4: memref<1x1250x1xi32, #tpu.memory_space<vmem>>, %arg5: memref<1x128x128xf32, #tpu.memory_space<vmem>>, %arg6: memref<1x128x128xf32, #tpu.memory_space<vmem>>, %arg7: memref<1x1x128xf32, #tpu.memory_space<vmem>>, %arg8: memref<1x1x128xf32, #tpu.memory_space<vmem>>) attributes {dimension_semantics = [#tpu.dimension_semantics<arbitrary>], iteration_bounds = array<i64: 8>, scalar_prefetch = 0 : i64, scratch_operands = 0 : i64, tpu.core_type = #tpu.core_type<tc>, window_params = [{transform_indices = @transform_0, window_bounds = array<i64: 8>}, {transform_indices = @transform_1, window_bounds = array<i64: 2, 1, 1250, 128>}, {transform_indices = @transform_2, window_bounds = array<i64: 1, 1250, 1>}, {transform_indices = @transform_3, window_bounds = array<i64: 1, 1250, 1>}, {transform_indices = @transform_4, window_bounds = array<i64: 1, 128, 128>}, {transform_indices = @transform_5, window_bounds = array<i64: 1, 128, 128>}, {transform_indices = @transform_6, window_bounds = array<i64: 1, 1, 128>}, {transform_indices = @transform_7, window_bounds = array<i64: 1, 1, 128>}]} {
    %get3A = arith.constant 0 : index
    %get3A_0 = arith.constant 0 : index
    %get3A_1 = arith.constant 0 : index
    %get3A_2 = arith.constant 0 : index
    %get3A_3 = vector.load %arg2[%get3A, %get3A_0, %get3A_1, %get3A_2] : memref<2x1x1250x128xf32, #tpu.memory_space<vmem>>, vector<1x1x1250x128xf32>
    %get3A_4 = vector.shape_cast %get3A_3 : vector<1x1x1250x128xf32> to vector<1250x128xf32>
    %get3A_5 = arith.constant 1 : index
    %get3A_6 = arith.constant 0 : index
    %get3A_7 = arith.constant 0 : index
    %get3A_8 = arith.constant 0 : index
    %get3A_9 = vector.load %arg2[%get3A_5, %get3A_6, %get3A_7, %get3A_8] : memref<2x1x1250x128xf32, #tpu.memory_space<vmem>>, vector<1x1x1250x128xf32>
    %get3A_10 = vector.shape_cast %get3A_9 : vector<1x1x1250x128xf32> to vector<1250x128xf32>
    %add3A = arith.addf %get3A_4, %get3A_10 : vector<1250x128xf32>
    %get3A_11 = arith.constant 0 : index
    %get3A_12 = arith.constant 0 : index
    %get3A_13 = arith.constant 0 : index
    %get3A_14 = vector.load %arg3[%get3A_11, %get3A_12, %get3A_13] : memref<1x1250x1xi32, #tpu.memory_space<vmem>>, vector<1x1250x1xi32>
    %get3A_15 = vector.shape_cast %get3A_14 : vector<1x1250x1xi32> to vector<1250x1xi32>
    %add3A_16 = arith.constant 1 : i32
    %add3A_17 = vector.broadcast %add3A_16 : i32 to vector<1250x1xi32>
    %add3A_18 = arith.addi %get3A_15, %add3A_17 : vector<1250x1xi32>
    %iota3A = tpu.iota {dimensions = array<i32: 1>} : vector<1250x128xi32>
    %iota3A_19 = tpu.iota {dimensions = array<i32: 0>} : vector<1250x128xi32>
    %eq3A = vector.broadcast %add3A_18 : vector<1250x1xi32> to vector<1250x128xi32>
    %eq3A_20 = arith.cmpi eq, %eq3A, %iota3A : vector<1250x128xi32>
    %jit3A = arith.constant -1 : i32
    %broadcast_in_dim3A = vector.broadcast %jit3A : i32 to vector<1250x128xi32>
    %select_n3A = arith.select %eq3A_20, %iota3A_19, %broadcast_in_dim3A : vector<1250x128xi1>, vector<1250x128xi32>
    %reduce_max3A = arith.constant dense<-2147483648> : vector<128xi32>
    %reduce_max3A_21 = vector.multi_reduction <maxsi>, %select_n3A, %reduce_max3A [0] : vector<1250x128xi32> to vector<128xi32>
    %broadcast_in_dim3A_22 = vector.shape_cast %reduce_max3A_21 : vector<128xi32> to vector<1x128xi32>
    %eq3A_23 = vector.broadcast %broadcast_in_dim3A_22 : vector<1x128xi32> to vector<1250x128xi32>
    %eq3A_24 = arith.cmpi eq, %iota3A_19, %eq3A_23 : vector<1250x128xi32>
    %and3A = arith.andi %eq3A_20, %eq3A_24 : vector<1250x128xi1>
    %convert_element_type3A = arith.extui %and3A : vector<1250x128xi1> to vector<1250x128xi32>
    %convert_element_type3A_25 = arith.sitofp %convert_element_type3A : vector<1250x128xi32> to vector<1250x128xf32>
    %dot_general3A = arith.constant dense<0.000000e+00> : vector<128x128xf32>
    %dot_general3A_26 = tpu.matmul %convert_element_type3A_25, %add3A, %dot_general3A {dimension_numbers = #tpu.dot_dimension_numbers<[0], [0], [1], [1], [0, 1, 1, 1], [], []>, transpose_lhs_hint = false} : vector<1250x128xf32>, vector<1250x128xf32>, vector<128x128xf32> -> vector<128x128xf32>
    %get3A_27 = arith.constant 0 : index
    %get3A_28 = arith.constant 0 : index
    %get3A_29 = arith.constant 0 : index
    %get3A_30 = vector.load %arg5[%get3A_27, %get3A_28, %get3A_29] : memref<1x128x128xf32, #tpu.memory_space<vmem>>, vector<1x128x128xf32>
    %get3A_31 = vector.shape_cast %get3A_30 : vector<1x128x128xf32> to vector<128x128xf32>
    %add3A_32 = arith.addf %get3A_31, %dot_general3A_26 : vector<128x128xf32>
    %swap3A = arith.constant 0 : index
    %swap3A_33 = arith.constant 0 : index
    %swap3A_34 = arith.constant 0 : index
    %swap3A_35 = vector.load %arg6[%swap3A, %swap3A_33, %swap3A_34] : memref<1x128x128xf32, #tpu.memory_space<vmem>>, vector<1x128x128xf32>
    %swap3A_36 = vector.shape_cast %swap3A_35 : vector<1x128x128xf32> to vector<128x128xf32>
    %swap3A_37 = vector.shape_cast %add3A_32 : vector<128x128xf32> to vector<1x128x128xf32>
    tpu.vector_store %arg6[%swap3A, %swap3A_33, %swap3A_34], %swap3A_37 {strides = array<i32>} : memref<1x128x128xf32, #tpu.memory_space<vmem>>, vector<1x128x128xf32>,
    %get3A_38 = arith.index_cast %arg0 : i32 to index
    %get3A_39 = memref.load %arg1[%get3A_38] : memref<8xi32, #tpu.memory_space<smem>>
    %add3A_40 = arith.constant 1 : i32
    %add3A_41 = arith.addi %get3A_39, %add3A_40 : i32
    %iota3A_42 = tpu.iota {dimensions = array<i32: 1>} : vector<1x128xi32>
    %eq3A_43 = vector.broadcast %add3A_41 : i32 to vector<1x128xi32>
    %eq3A_44 = arith.cmpi eq, %iota3A_42, %eq3A_43 : vector<1x128xi32>
    %convert_element_type3A_45 = arith.extui %eq3A_44 : vector<1x128xi1> to vector<1x128xi32>
    %convert_element_type3A_46 = arith.sitofp %convert_element_type3A_45 : vector<1x128xi32> to vector<1x128xf32>
    %dot_general3A_47 = arith.constant dense<0.000000e+00> : vector<1x128xf32>
    %dot_general3A_48 = tpu.matmul %convert_element_type3A_46, %add3A_32, %dot_general3A_47 {dimension_numbers = #tpu.dot_dimension_numbers<[1], [0], [0], [1], [0, 0, 1, 1], [], []>, transpose_lhs_hint = false} : vector<1x128xf32>, vector<128x128xf32>, vector<1x128xf32> -> vector<1x128xf32>
    %swap3A_49 = arith.constant 0 : index
    %swap3A_50 = arith.constant 0 : index
    %swap3A_51 = arith.constant 0 : index
    %swap3A_52 = vector.load %arg7[%swap3A_49, %swap3A_50, %swap3A_51] : memref<1x1x128xf32, #tpu.memory_space<vmem>>, vector<1x1x128xf32>
    %swap3A_53 = vector.shape_cast %swap3A_52 : vector<1x1x128xf32> to vector<1x128xf32>
    %swap3A_54 = vector.shape_cast %dot_general3A_48 : vector<1x128xf32> to vector<1x1x128xf32>
    tpu.vector_store %arg7[%swap3A_49, %swap3A_50, %swap3A_51], %swap3A_54 {strides = array<i32>} : memref<1x1x128xf32, #tpu.memory_space<vmem>>, vector<1x1x128xf32>,
    %dot_general3A_55 = arith.constant dense<0.000000e+00> : vector<1250x1xf32>
    %dot_general3A_56 = tpu.matmul %add3A, %dot_general3A_48, %dot_general3A_55 {dimension_numbers = #tpu.dot_dimension_numbers<[1], [1], [0], [0], [0, 0, 1, 0], [], []>, transpose_lhs_hint = false} : vector<1250x128xf32>, vector<1x128xf32>, vector<1250x1xf32> -> vector<1250x1xf32>
    %get3A_57 = arith.constant 0 : index
    %get3A_58 = arith.constant 0 : index
    %get3A_59 = arith.constant 0 : index
    %get3A_60 = vector.load %arg4[%get3A_57, %get3A_58, %get3A_59] : memref<1x1250x1xi32, #tpu.memory_space<vmem>>, vector<1x1250x1xi32>
    %get3A_61 = vector.shape_cast %get3A_60 : vector<1x1250x1xi32> to vector<1250x1xi32>
    %ne3A = arith.constant 0 : i32
    %ne3A_62 = vector.broadcast %ne3A : i32 to vector<1250x1xi32>
    %ne3A_63 = arith.cmpi ne, %get3A_61, %ne3A_62 : vector<1250x1xi32>
    %convert_element_type3A_64 = arith.extui %ne3A_63 : vector<1250x1xi1> to vector<1250x1xi32>
    %convert_element_type3A_65 = arith.sitofp %convert_element_type3A_64 : vector<1250x1xi32> to vector<1250x1xf32>
    %reduce_sum3A = vector.shape_cast %convert_element_type3A_65 : vector<1250x1xf32> to vector<1x1250x1xf32>
    %reduce_sum3A_66 = arith.constant dense<0.000000e+00> : vector<1xf32>
    %reduce_sum3A_67 = vector.multi_reduction <add>, %reduce_sum3A, %reduce_sum3A_66 [1, 2] : vector<1x1250x1xf32> to vector<1xf32>
    %reduce_sum3A_68 = vector.shape_cast %reduce_sum3A_67 : vector<1xf32> to vector<1x1x1xf32>
    %reduce_sum3A_69 = vector.extract %reduce_sum3A_68[0, 0, 0] : f32 from vector<1x1x1xf32>
    %mul3A = arith.mulf %dot_general3A_56, %convert_element_type3A_65 : vector<1250x1xf32>
    %dot_general3A_70 = arith.constant dense<0.000000e+00> : vector<1x128xf32>
    %dot_general3A_71 = tpu.matmul %mul3A, %add3A, %dot_general3A_70 {dimension_numbers = #tpu.dot_dimension_numbers<[0], [0], [1], [1], [0, 1, 1, 1], [], []>, transpose_lhs_hint = false} : vector<1250x1xf32>, vector<1250x128xf32>, vector<1x128xf32> -> vector<1x128xf32>
    %gt3A = arith.constant 0.000000e+00 : f32
    %gt3A_72 = arith.cmpf ogt, %reduce_sum3A_69, %gt3A : f32
    %max3A = arith.constant 1.000000e+00 : f32
    %max3A_73 = arith.maximumf %reduce_sum3A_69, %max3A : f32
    %div3A = vector.broadcast %max3A_73 : f32 to vector<1x128xf32>
    %div3A_74 = arith.divf %dot_general3A_71, %div3A : vector<1x128xf32>
    %broadcast_in_dim3A_75 = arith.constant 0.000000e+00 : f32
    %broadcast_in_dim3A_76 = vector.broadcast %broadcast_in_dim3A_75 : f32 to vector<1x128xf32>
    %select_n3A_77 = arith.select %gt3A_72, %div3A_74, %broadcast_in_dim3A_76 : vector<1x128xf32>
    %swap3A_78 = arith.constant 0 : index
    %swap3A_79 = arith.constant 0 : index
    %swap3A_80 = arith.constant 0 : index
    %swap3A_81 = vector.load %arg8[%swap3A_78, %swap3A_79, %swap3A_80] : memref<1x1x128xf32, #tpu.memory_space<vmem>>, vector<1x1x128xf32>
    %swap3A_82 = vector.shape_cast %swap3A_81 : vector<1x1x128xf32> to vector<1x128xf32>
    %swap3A_83 = vector.shape_cast %select_n3A_77 : vector<1x128xf32> to vector<1x1x128xf32>
    tpu.vector_store %arg8[%swap3A_78, %swap3A_79, %swap3A_80], %swap3A_83 {strides = array<i32>} : memref<1x1x128xf32, #tpu.memory_space<vmem>>, vector<1x1x128xf32>,
    return
  }
  func.func @transform_0(%arg0: i32) -> i32 {
    %c0_i32 = arith.constant 0 : i32
    %c0_i32_0 = arith.constant 0 : i32
    return %c0_i32 : i32
  }
  func.func @transform_1(%arg0: i32) -> (i32, i32, i32, i32) {
    %c0_i32 = arith.constant 0 : i32
    %c0_i32_0 = arith.constant 0 : i32
    %c0_i32_1 = arith.constant 0 : i32
    %c0_i32_2 = arith.constant 0 : i32
    return %c0_i32, %arg0, %c0_i32_0, %c0_i32_1 : i32, i32, i32, i32
  }
  func.func @transform_2(%arg0: i32) -> (i32, i32, i32) {
    %c0_i32 = arith.constant 0 : i32
    %c0_i32_0 = arith.constant 0 : i32
    %c0_i32_1 = arith.constant 0 : i32
    return %arg0, %c0_i32, %c0_i32_0 : i32, i32, i32
  }
  func.func @transform_3(%arg0: i32) -> (i32, i32, i32) {
    %c0_i32 = arith.constant 0 : i32
    %c0_i32_0 = arith.constant 0 : i32
    %c0_i32_1 = arith.constant 0 : i32
    return %arg0, %c0_i32, %c0_i32_0 : i32, i32, i32
  }
  func.func @transform_4(%arg0: i32) -> (i32, i32, i32) {
    %c0_i32 = arith.constant 0 : i32
    %c0_i32_0 = arith.constant 0 : i32
    %c0_i32_1 = arith.constant 0 : i32
    return %arg0, %c0_i32, %c0_i32_0 : i32, i32, i32
  }
  func.func @transform_5(%arg0: i32) -> (i32, i32, i32) {
    %c0_i32 = arith.constant 0 : i32
    %c0_i32_0 = arith.constant 0 : i32
    %c0_i32_1 = arith.constant 0 : i32
    return %arg0, %c0_i32, %c0_i32_0 : i32, i32, i32
  }
  func.func @transform_6(%arg0: i32) -> (i32, i32, i32) {
    %c0_i32 = arith.constant 0 : i32
    %c0_i32_0 = arith.constant 0 : i32
    %c0_i32_1 = arith.constant 0 : i32
    return %arg0, %c0_i32, %c0_i32_0 : i32, i32, i32
  }
  func.func @transform_7(%arg0: i32) -> (i32, i32, i32) {
    %c0_i32 = arith.constant 0 : i32
    %c0_i32_0 = arith.constant 0 : i32
    %c0_i32_1 = arith.constant 0 : i32
    return %arg0, %c0_i32, %c0_i32_0 : i32, i32, i32
  }
}

</mosaic_0001>

<sc_bundles>
// kernel: gather_offload_async_start.1
scs
__scs_entry_jumppad:
0x0: {  	(pc) =	sbr.rel $0x88, $3  }
0x1: {  	(tag) =	ssettag $0x0;
	lr =	simm.s32 $0x1  }
0x2: {  	[smem:$0x3F99] =	sst lr;
	_ =	strace $0xD0000000  }
0x3: {  	_ = 	snop  }
0x4: {  	_ = 	snop  }
0x5: {  	_ = 	snop  }
0x6: {  	_ = 	snop  }
0x7: {  	_ = 	snop  }
__scs_overlays_trampoline_lowered:
0x8: {  	[smem:$0x3FA8] =	sst s0  }
0x9: {  	[smem:$0x3FA9] =	sst s1  }
0xa: {  	[smem:$0x3FAA] =	sst s2  }
0xb: {  	[smem:$0x3FAB] =	sst s3  }
0xc: {  	[smem:$0x3FAC] =	sst s4  }
0xd: {  	[smem:$0x3FAD] =	sst s5  }
0xe: {  	[smem:$0x3FAE] =	sst s6  }
0xf: {  	[smem:$0x3FAF] =	sst s7  }
0x10: {  	[smem:$0x3FB0] =	sst s8  }
0x11: {  	[smem:$0x3FB1] =	sst s9;
	s0 =	simm.s32 @!p0 $0x0  }
0x12: {  	s1 =	sld [smem:$0x3F97];
	s0 =	simm.s32 @p0 $0x1  }
0x13: {  	[smem:$0x3FB2] =	sst s0;
	s0 =	simm.s32 @!p1 $0x0  }
0x14: {  	s2 =	sld [smem:$0x3F96];
	s0 =	simm.s32 @p1 $0x1  }
0x15: {  	[smem:$0x3FB3] =	sst s0;
	s0 =	simm.s32 @!p2 $0x0  }
0x16: {  	s3 =	sld [smem:$0x3FDB];
	s0 =	simm.s32 @p2 $0x1  }
0x17: {  	s4 =	simm.s32 $0x1BF5;
	[smem:$0x3FB5] =	sst s0  }
0x18: {  	s0 =	sld [smem:$0x3F98];
	_ =	swait.ge [sflag:s4], $0x0  }
0x19: {  	s7 =	sld [smem:$0x3F99]  }
0x1a: {  	s8 =	sadd.s32 $0xFFFFE003, lr  }
0x1b: {  	s9 =	sadd.s32 $0xFFFFFEF7, lr;
	s5 =	simm.s32 $0xFFFFFFFF;
	p2 =	slt.u32 s8, $0xFFFFF086  }
0x1c: {  	p1 =	slt.u32 s9, $0xF7A;
	s5 =	simm.s32 @!p2 $0x0  }
0x1d: {  	s5 =	simm.s32 @p1 $0x1;
	p0 =	seq.s32 s7, s2  }
0x1e: {  	s7 =	smul.u32 @!p0 $0xF7A, s2;
	p2 =	seq.s32 @!p0 s5, $0x0  }
0x1f: {  	s9 =	smul.u32 $0xF7A, s1;
	s8 =	simm.s32 @!p0 $0x1BF5;
	p2 =	por !p2, p0  }
0x20: {  	[sflag:s8] =	ssyncset.s32 @!p0 $0xFFFFF086;
	s6 =	sadd.s32 @!p0 s3, s7;
	s7 =	simm.s32 @!p0 $0x108  }
0x21: {  	s3 =	sadd.s32 s3, s9;
	s6 =	sadd.s32 @!p0 $0x88, s6;
	s7 =	simm.s32 @p2 $0x1082  }
0x22: {  	[simem:s7], [sflag:s8] =	dma.local @!p0 [hbm:s6], $0xF7A  }
0x23: {  	s9 =	sor.u32 $0xD0000000, s2;
	s6 =	simm.s32 $0x108;
	_ =	swait.ge @!p0 [sflag:s8], $0x0  }
0x24: {  	s3 =	sadd.s32 $0x88, s3;
	s6 =	simm.s32 @!p1 $0x1082;
	[sflag:s4] =	ssyncset.s32 $0xFFFFF086  }
0x25: {  	[simem:s6], [sflag:s4] =	dma.local [hbm:s3], $0xF7A  }
0x26: {  	[smem:$0x3F99] =	sst s1;
	(tag) =	ssettag s2;
	_ =	strace s9  }
0x27: {  	s1 =	sld [smem:$0x3FA9]  }
0x28: {  	s2 =	sld [smem:$0x3FAA]  }
0x29: {  	s4 =	sld [smem:$0x3FAC]  }
0x2a: {  	p0 =	seq.s32 s5, $0x0;
	s5 =	sld [smem:$0x3FAD]  }
0x2b: {  	s6 =	sld [smem:$0x3FAE]  }
0x2c: {  	s7 =	sld [smem:$0x3FAF]  }
0x2d: {  	s3 =	simm.s32 $0x108;
	s8 =	sld [smem:$0x3FB0]  }
0x2e: {  	s3 =	simm.s32 @!p0 $0x1082;
	s9 =	sld [smem:$0x3FB1]  }
0x2f: {  	lr =	sadd.s32 s0, s3;
	s0 =	sld [smem:$0x3FA8]  }
0x30: {  	s3 =	sld [smem:$0x3FAB]  }
0x31: {  	[smem:$0x3FB4] =	sst s10  }
0x32: {  	s10 =	sld [smem:$0x3FB2];
	_ =	sdelay $0x3  }
0x33: {  	p0 =	seq.s32 s10, $0x1;
	s10 =	sld [smem:$0x3FB4];
	_ =	sdelay $0x3  }
0x34: {  	[smem:$0x3FB4] =	sst s10  }
0x35: {  	s10 =	sld [smem:$0x3FB3];
	_ =	sdelay $0x3  }
0x36: {  	p1 =	seq.s32 s10, $0x1;
	s10 =	sld [smem:$0x3FB4];
	_ =	sdelay $0x3  }
0x37: {  	[smem:$0x3FB4] =	sst s10  }
0x38: {  	s10 =	sld [smem:$0x3FB5]  }
0x39: {  	_ = 	snop;
	(pc) =	sbr.ind lr, $3  }
0x3a: {  	_ = 	snop  }
0x3b: {  	_ = 	snop  }
0x3c: {  	p2 =	seq.s32 s10, $0x1;
	s10 =	sld [smem:$0x3FB4]  }
0x3d: {  	_ =	shalt  }
0x3e: {  	_ =	shalt  }
0x3f: {  	_ =	shalt  }
0x40: {  	_ =	shalt  }
0x41: {  	_ =	shalt  }
0x42: {  	_ =	shalt  }
0x43: {  	_ =	shalt  }
0x44: {  	_ =	shalt  }
0x45: {  	_ =	shalt  }
0x46: {  	_ =	shalt  }
0x47: {  	_ =	shalt  }
0x48: {  	_ =	shalt  }
0x49: {  	_ =	shalt  }
0x4a: {  	_ =	shalt  }
0x4b: {  	_ =	shalt  }
0x4c: {  	_ =	shalt  }
0x4d: {  	_ =	shalt  }
0x4e: {  	_ =	shalt  }
0x4f: {  	_ =	shalt  }
0x50: {  	_ =	shalt  }
0x51: {  	_ =	shalt  }
0x52: {  	_ =	shalt  }
0x53: {  	_ =	shalt  }
0x54: {  	_ =	shalt  }
0x55: {  	_ =	shalt  }
0x56: {  	_ =	shalt  }
0x57: {  	_ =	shalt  }
0x58: {  	_ =	shalt  }
0x59: {  	_ =	shalt  }
0x5a: {  	_ =	shalt  }
0x5b: {  	_ =	shalt  }
0x5c: {  	_ =	shalt  }
0x5d: {  	_ =	shalt  }
0x5e: {  	_ =	shalt  }
0x5f: {  	_ =	shalt  }
0x60: {  	_ =	shalt  }
0x61: {  	_ =	shalt  }
0x62: {  	_ =	shalt  }
0x63: {  	_ =	shalt  }
0x64: {  	_ =	shalt  }
0x65: {  	_ =	shalt  }
0x66: {  	_ =	shalt  }
0x67: {  	_ =	shalt  }
0x68: {  	_ =	shalt  }
0x69: {  	_ =	shalt  }
0x6a: {  	_ =	shalt  }
0x6b: {  	_ =	shalt  }
0x6c: {  	_ =	shalt  }
0x6d: {  	_ =	shalt  }
0x6e: {  	_ =	shalt  }
0x6f: {  	_ =	shalt  }
0x70: {  	_ =	shalt  }
0x71: {  	_ =	shalt  }
0x72: {  	_ =	shalt  }
0x73: {  	_ =	shalt  }
0x74: {  	_ =	shalt  }
0x75: {  	_ =	shalt  }
0x76: {  	_ =	shalt  }
0x77: {  	_ =	shalt  }
0x78: {  	_ =	shalt  }
0x79: {  	_ =	shalt  }
0x7a: {  	_ =	shalt  }
0x7b: {  	_ =	shalt  }
0x7c: {  	_ =	shalt  }
0x7d: {  	_ =	shalt  }
0x7e: {  	_ =	shalt  }
0x7f: {  	_ =	shalt  }
0x80: {  	_ =	shalt  }
0x81: {  	_ =	shalt  }
0x82: {  	_ =	shalt  }
0x83: {  	_ =	shalt  }
0x84: {  	_ =	shalt  }
0x85: {  	_ =	shalt  }
0x86: {  	_ =	shalt  }
0x87: {  	_ =	shalt  }
.Lfunc_end0:
.L_simem_size_0:
called_computation.1_lowered:
.L_overlay_start_0:
0x88: {  	s2 =	sld [smem:$0x3FD9]  }
0x89: {  	s3 =	sld [smem:$0x3FFE];
	_ =	sdelay $0x1  }
0x8a: {  	s1 =	srdreg.scid  }
0x8b: {  	s0 =	sand.u32 $0x1, s1  }
0x8c: {  	s15 =	sshll.u32 s0, $0xA;
	s2 =	sadd.s32 s3, s2  }
0x8d: {  	s2 =	sadd.s32 s2, s15  }
0x8e: {  	[smem:$0x3FC0] =	sst s2  }
0x8f: {  	_ = 	snop  }
0x90: {  	s2 =	sld [smem:$0x3FD0];
	_ =	sdelay $0x2  }
0x91: {  	s16 =	simm.s32 $0xB;
	s4 =	simm.s32 $0x10  }
0x92: {  	[smem:s4], [sflag:s16] =	dma.local [hbm:s2], $0x1  }
0x93: {  	_ =	swait.eq [sflag:s16], $0x1  }
0x94: {  	[sflag:s16] =	ssyncset.done $0x0  }
0x95: {  	[sflag:s16] =	ssyncadd.s32 $0xFFFFFFFF  }
0x96: {  	s17 =	sld [smem:$0x10];
	(tm) =	ssettm $0x1  }
0x97: {  	s18 =	sld [smem:$0x3FFB];
	_ =	sdelay $0x3  }
0x98: {  	_ =	strace s18  }
0x99: {  	s2 =	sld [smem:$0x3FFC];
	_ =	sdelay $0x3  }
0x9a: {  	_ =	strace s2  }
0x9b: {  	s2 =	sld [smem:$0x3FFD];
	_ =	sdelay $0x3  }
0x9c: {  	_ =	strace s2  }
0x9d: {  	_ =	strace $0x8FFFFFFF  }
0x9e: {  	s19 =	sld [smem:$0x3FDB];
	_ =	sdelay $0x1  }
0x9f: {  	s20 =	simm.s32 $_scs_section_size  }
0xa0: {  	s5 =	simm.s32 $_size__tile_overlayer_lowered;
	s6 =	simm.s32 $_tile_overlayer_lowered  }
0xa1: {  	s7 =	simm.s32 $0x1BFF;
	s21 =	sshll.u32 s6, $0x1;
	s4 =	sadd.s32 s20, s19  }
0xa2: {  	s22 =	simm.s32 $0x0;
	s5 =	sshll.u32 s5, $0x1;
	s6 =	sadd.s32 s21, s4  }
0xa3: {  	[timem:s22], [sflag:s7] =	dma.local [hbm:s6], s5  }
0xa4: {  	_ =	swait.ge [sflag:s7], s5  }
0xa5: {  	s5 =	ssub.s32 $0x0, s5;
	[sflag:s7] =	ssyncset.done $0x0  }
0xa6: {  	[sflag:s7] =	ssyncadd.s32 s5;
	_ =	sdelay $0x1  }
0xa7: {  	s23 =	simm.s32 $0x1B8B  }
0xa8: {  	_ =	swait.ge [sflag:s23], $0x1  }
0xa9: {  	[sflag:s23] =	ssyncset.done $0x0  }
0xaa: {  	[sflag:s23] =	ssyncadd.s32 $0xFFFFFFFF  }
0xab: {  	s5 =	sld [smem:$0x0]  }
0xac: {  	s6 =	sand.u32 $0xFFFFFFFE, s1  }
0xad: {  	p0 =	sne.s32 s1, s6  }
0xae: {  	s6 =	sshll.u32 @p0 s6, $0xE  }
0xaf: {  	s6 =	sadd.s32 @p0 $0x11B8D, s6;
	s7 =	sshll.u32 @p0 s5, $0x11  }
0xb0: {  	s6 =	sor.u32 @p0 s7, s6  }
0xb1: {  	[sflag:s6] =	ssyncadd.remote.s32 @p0 $0x1;
	_ =	sdelay $0x1  }
0xb2: {  	s6 =	simm.s32 @p0 $0x1B8D  }
0xb3: {  	_ =	swait.eq @p0 [sflag:s6], $0x1  }
0xb4: {  	[sflag:s6] =	ssyncadd.s32 @p0 $0xFFFFFFFF  }
0xb5: {  	s7 =	sshll.u32 @!p0 s1, $0xE  }
0xb6: {  	s7 =	sor.u32 @!p0 $0x4000, s7;
	s6 =	simm.s32 @!p0 $0x1B8D  }
0xb7: {  	s5 =	sshll.u32 @!p0 s5, $0x11;
	s7 =	sadd.s32 @!p0 $0x11B8D, s7;
	_ =	swait.eq @!p0 [sflag:s6], $0x1  }
0xb8: {  	s5 =	sor.u32 @!p0 s5, s7;
	[sflag:s6] =	ssyncadd.s32 @!p0 $0xFFFFFFFF  }
0xb9: {  	s25 =	simm.s32 $0x1B8E;
	s24 =	sld [smem:$0x3FFE];
	[sflag:s5] =	ssyncadd.remote.s32 @!p0 $0x1  }
0xba: {  	s26 =	simm.s32 $execute0_lowered;
	[smem:$0x3FD2] =	sst s25  }
0xbb: {  	s6 =	sshll.u32 s26, $0x1;
	_ =	strace $0x80000049;
	[dreg:$0x1] =	wrdreg $0xFFFFFFFF  }
0xbc: {  	s28 =	simm.s32 $_size_execute0_lowered;
	s4 =	sadd.s32 s4, s6;
	[dreg:$0x0] =	wrdreg $0x0  }
0xbd: {  	s6 =	sshll.u32 s28, $0x1;
	[dreg:$0x2] =	wrdreg s4  }
0xbe: {  	[dreg:$0x3] =	wrdreg s6  }
0xbf: {  	[dreg:$0x4] =	wrdreg $0xC0  }
0xc0: {  	_ =	task [dreg:s22], $0x5FFFF  }
0xc1: {  	[dreg:$0x1] =	wrdreg $0xFFFFFFFF  }
0xc2: {  	[dreg:$0x0] =	wrdreg $0x60  }
0xc3: {  	[dreg:$0x2] =	wrdreg s24  }
0xc4: {  	[dreg:$0x3] =	wrdreg s17  }
0xc5: {  	[dreg:$0x4] =	wrdreg $0xA  }
0xc6: {  	_ =	task.clear_ibuf [dreg:s22], $0x5FFFF;
	_ =	strace $0x90000049  }
0xc7: {  	s29 =	simm.s32 $0xA;
	_ =	strace $0x8000004B  }
0xc8: {  	_ =	swait.ge [sflag:s29], $0x1  }
0xc9: {  	[sflag:s29] =	ssyncadd.s32 $0xFFFFFFFF  }
0xca: {  	_ =	strace $0x9000004B  }
0xcb: {  	_ =	sfence  }
0xcc: {  	s30 =	sld [smem:$0x0];
	_ =	sdelay $0x2  }
0xcd: {  	s31 =	sshll.u32 s1, $0xD;
	s1 =	sshrl.u32 s1, $0x2  }
0xce: {  	s4 =	sand.u32 $0x4000, s31;
	s1 =	sadd.s32 s1, s30  }
0xcf: {  	s0 =	sor.u32 s4, s0;
	s1 =	sshll.u32 s1, $0x11  }
0xd0: {  	s0 =	sor.u32 s1, s0  }
0xd1: {  	s0 =	sadd.s32 $0x8F2B, s0  }
0xd2: {  	[sflag:s0] =	ssyncadd.remote.s32 $0x1  }
0xd3: {  	_ =	sfence.sel $0xFFFF  }
0xd4: {  	[dreg:$0x0] =	wrdreg $0xFFFFFFFF;
	(pc) =	sbr.abs _section_cstart, $3  }
0xd5: {  	[dreg:$0x1] =	wrdreg $0xFFFFFFFF  }
0xd6: {  	_ =	task.clear_ibuf [dreg:s22], $0x2FFFF;
	_ =	strace $0x9FFFFFFF  }
0xd7: {  	(tm) =	ssettm $0x7FFFFFFF  }
tec
execute0_lowered:
.L_overlay_start_1:
0x0: {  	(tag) =	ssettag $0x1  }
0x1: {  	s0 =	srdreg.scid  }
0x2: {  	s1 =	sshll.u32 s0, $0x4  }
0x3: {  	s0 =	stileid.u32;
	s1 =	sand.u32 $0x10, s1  }
0x4: {  	s9 =	rddreg [dreg:$0x0];
	s1 =	sor.u32 s0, s1  }
0x5: {  	s3 =	rddreg [dreg:$0x1];
	s2 =	smin.u32 s1, $0x8  }
0x6: {  	p0 =	slt.u32 s1, $0x8;
	s2 =	sadd.s32 s1, s2;
	s1 =	simm.s32 $0x100  }
0x7: {  	s6 =	simm.s32 $0x1;
	s2 =	sshll.u32 s2, $0x7;
	s1 =	simm.s32 @!p0 $0x80  }
0x8: {  	s7 =	simm.s32 $0x2;
	s10 =	simm.s32 $0x3;
	s4 =	sadd.s32 s1, s2  }
0x9: {  	s13 =	simm.s32 $0x0;
	s12 =	simm.s32 $0x0;
	s4 =	smin.u32 s4, $0x1400  }
.Ltmp0:
0xa: {  	s5 =	sadd.s32 $0x29600, s9;
	s8 =	ssub.s32 s4, s2;
	(pc) =	sbr.rel .LBB2_1-.Ltmp0, $4  }
0xb: {  	s1 =	rddreg [dreg:$0x2];
	_ =	strace $0x8000004A;
	p0 =	sgt.s32 s8, $0x0  }
0xc: {  	s9 =	sadd.s32 $0x3D600, s9;
	[sflag:s6] =	ssyncpa.u1 $0x0;
	s8 =	simm.s32 @!p0 $0x0  }
0xd: {  	s11 =	smov.u32 s2;
	[sflag:s7] =	ssyncpa.u1 $0x0;
	s8 =	sshrl.u32 s8, $0x7  }
0xe: {  	vm0 =	vmmov $0xff;
	vm1 =	vcmask $0x3F20;
	[sflag:s10] =	ssyncpa.u1 $0x0;
	p0 =	por $0x0, $0x0;
	s10 =	sadd.s32 $0x1, s8  }
.LBB2_6:
0xf: {  	[hbm:s17] =	stream.linear.scatter [tilespmem:s14], [sflag:$0x3], $0x400, $0x38;
	[tilespmem:$0x8100] =	vst v63  }
.LBB2_7:
0x10: {  	s13 =	sadd.s32 $0x80, s11  }
0x11: {  	s15 =	smov.u32 s2;
	p2 =	slt.s32 s13, s4  }
0x12: {  	s15 =	smov.u32 @p2 s13;
	p2 =	sne.s32 s12, s10  }
.Ltmp1:
0x13: {  	p1 =	slt.u32 s12, $0x2;
	(pc) =	sbr.rel @!p2 .LBB2_8-.Ltmp1, $4  }
0x14: {  	s14 =	simm.s32 @!p1 $0x3  }
0x15: {  	s16 =	sadd.s32 $0x1, s12;
	_ =	swait.ge @!p1 [sflag:s14], $0x4000  }
0x16: {  	p0 =	por !p0, !p0;
	s13 =	smov.u32 s11;
	[sflag:s14] =	ssyncset.done @!p1 $0x0  }
0x17: {  	s12 =	smov.u32 s16;
	s11 =	smov.u32 s15;
	[sflag:s14] =	ssyncadd.s32 @!p1 $0xFFFFC000  }
.LBB2_1:
0x18: {  	p1 =	sge.u32 s12, s8  }
0x19: {  	s14 =	sxor.u32 @!p1 $0xFFFFFFFF, s12  }
0x1a: {  	s31 =	sadd.s32 $0xFFFFFFFF, s12;
	s15 =	sshrl.u32 @!p1 s11, $0x3;
	s14 =	sshll.u32 @!p1 s14, $0x7  }
0x1b: {  	s16 =	sand.u32 @!p1 $0x7, s11;
	s15 =	sadd.s32 @!p1 s3, s15;
	s14 =	sand.u32 @!p1 $0x80, s14  }
0x1c: {  	[tilespmem:s14], [sflag:$0x2] =	stream.linear.gather @!p1 [hbm4b:s15+s16], $0x80, $0x38;
	[tilespmem:$0x8100] =	vst v63  }
0x1d: {  	p1 =	sge.u32 s31, s8  }
.Ltmp2:
0x1e: {  	_ = 	snop;
	(pc) =	sbr.rel @p1 .LBB2_7-.Ltmp2, $1  }
0x1f: {  	_ =	sdelay $0x3  }
0x20: {  	s14 =	simm.s32 $0x1  }
0x21: {  	_ =	swait.ge [sflag:s7], $0x80;
	s14 =	simm.s32 @!p0 $0x0  }
0x22: {  	[sflag:s7] =	ssyncset.done $0x0;
	s16 =	sshll.u32 s14, $0x7  }
0x23: {  	[sflag:s7] =	ssyncadd.s32 $0xFFFFFF80;
	s15 =	sadd.s32 $0x0, s16  }
0x24: {  	v0 =	vld.msk [tilespmem:s15+$0x0 ss:$0x1], $0xffff;
	_ =	sdelay $0x4  }
0x25: {  	vm2 =	vgt.s32 v0, $0x0  }
0x26: {  	v0 =	vnsel vm2, $0x0, v0  }
0x27: {  	v0 =	vmin.u32 v0, $0x13FF  }
0x28: {  	v0 =	vshll.u32 v0, $0x4;
	_ =	sdelay $0x2  }
0x29: {  	s14 =	sshll.u32 s14, $0xE  }
0x2a: {  	s14 =	sor.u32 $0x100, s14  }
0x2b: {  	[tilespmem:s14], [sflag:$0x1] =	stream.indirect_vreg.gather [hbm:s5], $0x80, v0, vm0, $0x38;
	[tilespmem:$0x8100] =	vst v63  }
0x2c: {  	s17 =	sadd.s32 $0x10, s16;
	s15 =	sadd.s32 $0x400, s14  }
0x2d: {  	[tilespmem:s15], [sflag:$0x1] =	stream.indirect_vreg.gather [hbm:s5], $0x80, v0, vm1, $0x38;
	[tilespmem:$0x8100] =	vst v63  }
0x2e: {  	s18 =	simm.s32 $0x80;
	v0 =	vld.msk [tilespmem:s17+$0x0 ss:$0x1], $0xffff;
	s17 =	smov.u32 s14  }
.LBB2_3:
0x2f: {  	p1 =	sne.s32 s18, $0x1C0;
	_ =	sdelay $0x4  }
0x30: {  	vm2 =	vgt.s32 v0, $0x0  }
0x31: {  	v0 =	vnsel vm2, $0x0, v0  }
0x32: {  	v0 =	vmin.u32 v0, $0x13FF  }
0x33: {  	v0 =	vshll.u32 v0, $0x4;
	_ =	sdelay $0x3  }
.Ltmp3:
0x34: {  	s19 =	sshra.s32 s18, $0x2;
	s17 =	sadd.s32 $0x800, s17;
	(pc) =	sbr.rel @p1 .LBB2_3-.Ltmp3, $4  }
0x35: {  	[tilespmem:s17], [sflag:$0x1] =	stream.indirect_vreg.gather [hbm:s5], $0x80, v0, vm0, $0x38;
	[tilespmem:$0x8100] =	vst v63  }
0x36: {  	s19 =	sadd.s32 s19, s16;
	s20 =	sadd.s32 $0x400, s17  }
0x37: {  	[tilespmem:s20], [sflag:$0x1] =	stream.indirect_vreg.gather [hbm:s5], $0x80, v0, vm1, $0x38;
	[tilespmem:$0x8100] =	vst v63  }
0x38: {  	s18 =	sadd.s32 $0x40, s18;
	v0 =	vld.msk [tilespmem:s19+$0x0 ss:$0x1], $0xffff  }
0x39: {  	_ =	sdelay $0x3  }
0x3a: {  	vm2 =	vgt.s32 v0, $0x0  }
0x3b: {  	v0 =	vnsel vm2, $0x0, v0  }
0x3c: {  	v0 =	vmin.u32 v0, $0x13FF  }
0x3d: {  	v0 =	vshll.u32 v0, $0x4;
	_ =	sdelay $0x3  }
0x3e: {  	s16 =	sadd.s32 $0x800, s17  }
0x3f: {  	[tilespmem:s16], [sflag:$0x1] =	stream.indirect_vreg.gather [hbm:s5], $0x80, v0, vm0, $0x38;
	[tilespmem:$0x8100] =	vst v63  }
0x40: {  	s16 =	sadd.s32 $0x400, s16  }
0x41: {  	[tilespmem:s16], [sflag:$0x1] =	stream.indirect_vreg.gather [hbm:s5], $0x80, v0, vm1, $0x38;
	[tilespmem:$0x8100] =	vst v63  }
0x42: {  	s13 =	sshll.u32 s13, $0x4;
	_ =	swait.ge [sflag:s6], $0x4000  }
0x43: {  	s13 =	sadd.s32 s13, s9;
	[sflag:s6] =	ssyncset.done $0x0  }
0x44: {  	s17 =	sadd.s32 $0x0, s13;
	s16 =	simm.s32 $0x80;
	[sflag:s6] =	ssyncadd.s32 $0xFFFFC000  }
.LBB2_5:
0x45: {  	[hbm:s17] =	stream.linear.scatter [tilespmem:s14], [sflag:$0x3], $0x400, $0x38;
	[tilespmem:$0x8100] =	vst v63  }
0x46: {  	s17 =	smov.u32 s16;
	s14 =	smov.u32 s15;
	p1 =	sne.s32 s16, $0x780  }
.Ltmp4:
0x47: {  	s16 =	sadd.s32 $0x80, s16;
	(pc) =	sbr.rel @p1 .LBB2_5-.Ltmp4, $2  }
0x48: {  	_ =	sdelay $0x2  }
0x49: {  	s15 =	sadd.s32 $0x400, s15;
	s17 =	sadd.s32 s17, s13  }
.Ltmp5:
0x4a: {  	_ = 	snop;
	(pc) =	sbr.rel .LBB2_6-.Ltmp5, $1  }
0x4b: {  	_ =	sdelay $0x3  }
.LBB2_8:
0x4c: {  	_ =	sfence.sel $0x180000  }
0x4d: {  	s2 =	simm.s32 $0x2;
	[bflag:$0x0] =	sbarrier.arrive $0xFFFF  }
0x4e: {  	s30 =	simm.s32 $0x3;
	[sflag:s2] =	ssyncpa.u1 $0x1  }
0x4f: {  	s31 =	simm.s32 $0x1;
	[sflag:s30] =	ssyncpa.u1 $0x1  }
0x50: {  	[sflag:s31] =	ssyncpa.u1 $0x1  }
0x51: {  	p0 =	sne.s32 s0, $0x0;
	_ =	strace $0x9000004A  }
0x52: {  	s0 =	sadd.s32 @!p0 $0x100000, s1;
	[bflag:$0x2] =	sbarrier.arrive $0xFFFF  }
0x53: {  	[sflag:s0] =	ssyncadd.tile.s32 @!p0 $0x1;
	_ =	shalt  }
.Lfunc_end2:
_tile_overlayer_lowered:
.L_overlay_start_2:
0x54: {  	(tag) =	ssettag $0x2  }
0x55: {  	s0 =	rddreg [dreg:$0x0];
	s2 =	stileid.u32  }
0x56: {  	s1 =	rddreg [dreg:$0x1];
	p0 =	sne.s32 s2, $0x0  }
0x57: {  	s3 =	rddreg [dreg:$0x2];
	[bflag:$0x3] =	sbarrier.arrive $0xFFFF;
	s2 =	simm.s32 @!p0 $0x1C01  }
0x58: {  	[timem:s3], [sflag:s2] =	dma.local @!p0 [hbm:s0], s1  }
0x59: {  	s0 =	simm.s32 @!p0 $0x1  }
0x5a: {  	_ =	swait.ge @!p0 [sflag:s0], s1  }
0x5b: {  	s1 =	ssub.s32 @!p0 $0x0, s1;
	[sflag:s0] =	ssyncset.done @!p0 $0x0  }
0x5c: {  	[sflag:s0] =	ssyncadd.s32 @!p0 s1  }
0x5d: {  	[bflag:$0x3] =	sbarrier.arrive $0xFFFF  }
0x5e: {  	_ =	shalt  }

// kernel: gather_offload_async_start
scs
__scs_entry_jumppad:
0x0: {  	(pc) =	sbr.rel $0x88, $3  }
0x1: {  	(tag) =	ssettag $0x0;
	lr =	simm.s32 $0x1  }
0x2: {  	[smem:$0x3F99] =	sst lr;
	_ =	strace $0xD0000000  }
0x3: {  	_ = 	snop  }
0x4: {  	_ = 	snop  }
0x5: {  	_ = 	snop  }
0x6: {  	_ = 	snop  }
0x7: {  	_ = 	snop  }
__scs_overlays_trampoline_lowered:
0x8: {  	[smem:$0x3FA8] =	sst s0  }
0x9: {  	[smem:$0x3FA9] =	sst s1  }
0xa: {  	[smem:$0x3FAA] =	sst s2  }
0xb: {  	[smem:$0x3FAB] =	sst s3  }
0xc: {  	[smem:$0x3FAC] =	sst s4  }
0xd: {  	[smem:$0x3FAD] =	sst s5  }
0xe: {  	[smem:$0x3FAE] =	sst s6  }
0xf: {  	[smem:$0x3FAF] =	sst s7  }
0x10: {  	[smem:$0x3FB0] =	sst s8  }
0x11: {  	[smem:$0x3FB1] =	sst s9;
	s0 =	simm.s32 @!p0 $0x0  }
0x12: {  	s1 =	sld [smem:$0x3F97];
	s0 =	simm.s32 @p0 $0x1  }
0x13: {  	[smem:$0x3FB2] =	sst s0;
	s0 =	simm.s32 @!p1 $0x0  }
0x14: {  	s2 =	sld [smem:$0x3F96];
	s0 =	simm.s32 @p1 $0x1  }
0x15: {  	[smem:$0x3FB3] =	sst s0;
	s0 =	simm.s32 @!p2 $0x0  }
0x16: {  	s3 =	sld [smem:$0x3FDB];
	s0 =	simm.s32 @p2 $0x1  }
0x17: {  	s4 =	simm.s32 $0x1BF5;
	[smem:$0x3FB5] =	sst s0  }
0x18: {  	s0 =	sld [smem:$0x3F98];
	_ =	swait.ge [sflag:s4], $0x0  }
0x19: {  	s7 =	sld [smem:$0x3F99]  }
0x1a: {  	s8 =	sadd.s32 $0xFFFFE003, lr  }
0x1b: {  	s9 =	sadd.s32 $0xFFFFFEF7, lr;
	s5 =	simm.s32 $0xFFFFFFFF;
	p2 =	slt.u32 s8, $0xFFFFF086  }
0x1c: {  	p1 =	slt.u32 s9, $0xF7A;
	s5 =	simm.s32 @!p2 $0x0  }
0x1d: {  	s5 =	simm.s32 @p1 $0x1;
	p0 =	seq.s32 s7, s2  }
0x1e: {  	s7 =	smul.u32 @!p0 $0xF7A, s2;
	p2 =	seq.s32 @!p0 s5, $0x0  }
0x1f: {  	s9 =	smul.u32 $0xF7A, s1;
	s8 =	simm.s32 @!p0 $0x1BF5;
	p2 =	por !p2, p0  }
0x20: {  	[sflag:s8] =	ssyncset.s32 @!p0 $0xFFFFF086;
	s6 =	sadd.s32 @!p0 s3, s7;
	s7 =	simm.s32 @!p0 $0x108  }
0x21: {  	s3 =	sadd.s32 s3, s9;
	s6 =	sadd.s32 @!p0 $0x88, s6;
	s7 =	simm.s32 @p2 $0x1082  }
0x22: {  	[simem:s7], [sflag:s8] =	dma.local @!p0 [hbm:s6], $0xF7A  }
0x23: {  	s9 =	sor.u32 $0xD0000000, s2;
	s6 =	simm.s32 $0x108;
	_ =	swait.ge @!p0 [sflag:s8], $0x0  }
0x24: {  	s3 =	sadd.s32 $0x88, s3;
	s6 =	simm.s32 @!p1 $0x1082;
	[sflag:s4] =	ssyncset.s32 $0xFFFFF086  }
0x25: {  	[simem:s6], [sflag:s4] =	dma.local [hbm:s3], $0xF7A  }
0x26: {  	[smem:$0x3F99] =	sst s1;
	(tag) =	ssettag s2;
	_ =	strace s9  }
0x27: {  	s1 =	sld [smem:$0x3FA9]  }
0x28: {  	s2 =	sld [smem:$0x3FAA]  }
0x29: {  	s4 =	sld [smem:$0x3FAC]  }
0x2a: {  	p0 =	seq.s32 s5, $0x0;
	s5 =	sld [smem:$0x3FAD]  }
0x2b: {  	s6 =	sld [smem:$0x3FAE]  }
0x2c: {  	s7 =	sld [smem:$0x3FAF]  }
0x2d: {  	s3 =	simm.s32 $0x108;
	s8 =	sld [smem:$0x3FB0]  }
0x2e: {  	s3 =	simm.s32 @!p0 $0x1082;
	s9 =	sld [smem:$0x3FB1]  }
0x2f: {  	lr =	sadd.s32 s0, s3;
	s0 =	sld [smem:$0x3FA8]  }
0x30: {  	s3 =	sld [smem:$0x3FAB]  }
0x31: {  	[smem:$0x3FB4] =	sst s10  }
0x32: {  	s10 =	sld [smem:$0x3FB2];
	_ =	sdelay $0x3  }
0x33: {  	p0 =	seq.s32 s10, $0x1;
	s10 =	sld [smem:$0x3FB4];
	_ =	sdelay $0x3  }
0x34: {  	[smem:$0x3FB4] =	sst s10  }
0x35: {  	s10 =	sld [smem:$0x3FB3];
	_ =	sdelay $0x3  }
0x36: {  	p1 =	seq.s32 s10, $0x1;
	s10 =	sld [smem:$0x3FB4];
	_ =	sdelay $0x3  }
0x37: {  	[smem:$0x3FB4] =	sst s10  }
0x38: {  	s10 =	sld [smem:$0x3FB5]  }
0x39: {  	_ = 	snop;
	(pc) =	sbr.ind lr, $3  }
0x3a: {  	_ = 	snop  }
0x3b: {  	_ = 	snop  }
0x3c: {  	p2 =	seq.s32 s10, $0x1;
	s10 =	sld [smem:$0x3FB4]  }
0x3d: {  	_ =	shalt  }
0x3e: {  	_ =	shalt  }
0x3f: {  	_ =	shalt  }
0x40: {  	_ =	shalt  }
0x41: {  	_ =	shalt  }
0x42: {  	_ =	shalt  }
0x43: {  	_ =	shalt  }
0x44: {  	_ =	shalt  }
0x45: {  	_ =	shalt  }
0x46: {  	_ =	shalt  }
0x47: {  	_ =	shalt  }
0x48: {  	_ =	shalt  }
0x49: {  	_ =	shalt  }
0x4a: {  	_ =	shalt  }
0x4b: {  	_ =	shalt  }
0x4c: {  	_ =	shalt  }
0x4d: {  	_ =	shalt  }
0x4e: {  	_ =	shalt  }
0x4f: {  	_ =	shalt  }
0x50: {  	_ =	shalt  }
0x51: {  	_ =	shalt  }
0x52: {  	_ =	shalt  }
0x53: {  	_ =	shalt  }
0x54: {  	_ =	shalt  }
0x55: {  	_ =	shalt  }
0x56: {  	_ =	shalt  }
0x57: {  	_ =	shalt  }
0x58: {  	_ =	shalt  }
0x59: {  	_ =	shalt  }
0x5a: {  	_ =	shalt  }
0x5b: {  	_ =	shalt  }
0x5c: {  	_ =	shalt  }
0x5d: {  	_ =	shalt  }
0x5e: {  	_ =	shalt  }
0x5f: {  	_ =	shalt  }
0x60: {  	_ =	shalt  }
0x61: {  	_ =	shalt  }
0x62: {  	_ =	shalt  }
0x63: {  	_ =	shalt  }
0x64: {  	_ =	shalt  }
0x65: {  	_ =	shalt  }
0x66: {  	_ =	shalt  }
0x67: {  	_ =	shalt  }
0x68: {  	_ =	shalt  }
0x69: {  	_ =	shalt  }
0x6a: {  	_ =	shalt  }
0x6b: {  	_ =	shalt  }
0x6c: {  	_ =	shalt  }
0x6d: {  	_ =	shalt  }
0x6e: {  	_ =	shalt  }
0x6f: {  	_ =	shalt  }
0x70: {  	_ =	shalt  }
0x71: {  	_ =	shalt  }
0x72: {  	_ =	shalt  }
0x73: {  	_ =	shalt  }
0x74: {  	_ =	shalt  }
0x75: {  	_ =	shalt  }
0x76: {  	_ =	shalt  }
0x77: {  	_ =	shalt  }
0x78: {  	_ =	shalt  }
0x79: {  	_ =	shalt  }
0x7a: {  	_ =	shalt  }
0x7b: {  	_ =	shalt  }
0x7c: {  	_ =	shalt  }
0x7d: {  	_ =	shalt  }
0x7e: {  	_ =	shalt  }
0x7f: {  	_ =	shalt  }
0x80: {  	_ =	shalt  }
0x81: {  	_ =	shalt  }
0x82: {  	_ =	shalt  }
0x83: {  	_ =	shalt  }
0x84: {  	_ =	shalt  }
0x85: {  	_ =	shalt  }
0x86: {  	_ =	shalt  }
0x87: {  	_ =	shalt  }
.Lfunc_end0:
.L_simem_size_0:
called_computation_lowered:
.L_overlay_start_0:
0x88: {  	s2 =	sld [smem:$0x3FD9]  }
0x89: {  	s3 =	sld [smem:$0x3FFE];
	_ =	sdelay $0x1  }
0x8a: {  	s1 =	srdreg.scid  }
0x8b: {  	s0 =	sand.u32 $0x1, s1  }
0x8c: {  	s14 =	sshll.u32 s0, $0xA;
	s2 =	sadd.s32 s3, s2  }
0x8d: {  	s2 =	sadd.s32 s2, s14  }
0x8e: {  	[smem:$0x3FC0] =	sst s2  }
0x8f: {  	_ = 	snop  }
0x90: {  	s2 =	sld [smem:$0x3FD0];
	_ =	sdelay $0x2  }
0x91: {  	s15 =	simm.s32 $0xB;
	s4 =	simm.s32 $0x10  }
0x92: {  	[smem:s4], [sflag:s15] =	dma.local [hbm:s2], $0x1  }
0x93: {  	_ =	swait.eq [sflag:s15], $0x1  }
0x94: {  	[sflag:s15] =	ssyncset.done $0x0  }
0x95: {  	[sflag:s15] =	ssyncadd.s32 $0xFFFFFFFF  }
0x96: {  	s16 =	sld [smem:$0x10];
	(tm) =	ssettm $0x1  }
0x97: {  	s17 =	sld [smem:$0x3FFB];
	_ =	sdelay $0x3  }
0x98: {  	_ =	strace s17  }
0x99: {  	s3 =	sld [smem:$0x3FFC];
	_ =	sdelay $0x3  }
0x9a: {  	_ =	strace s3  }
0x9b: {  	s3 =	sld [smem:$0x3FFD];
	_ =	sdelay $0x3  }
0x9c: {  	_ =	strace s3  }
0x9d: {  	_ =	strace $0x8FFFFFFF  }
0x9e: {  	s18 =	sld [smem:$0x3FDB];
	_ =	sdelay $0x1  }
0x9f: {  	s19 =	simm.s32 $_scs_section_size  }
0xa0: {  	s5 =	simm.s32 $_size__tile_overlayer_lowered;
	s6 =	simm.s32 $_tile_overlayer_lowered  }
0xa1: {  	s22 =	simm.s32 $0x1BFF;
	s21 =	sshll.u32 s6, $0x1;
	s3 =	sadd.s32 s19, s18  }
0xa2: {  	s7 =	simm.s32 $0x0;
	s20 =	sshll.u32 s5, $0x1;
	s5 =	sadd.s32 s21, s3  }
0xa3: {  	[timem:s7], [sflag:s22] =	dma.local [hbm:s5], s20  }
0xa4: {  	_ =	swait.ge [sflag:s22], s20  }
0xa5: {  	s4 =	ssub.s32 $0x0, s20;
	[sflag:s22] =	ssyncset.done $0x0  }
0xa6: {  	[sflag:s22] =	ssyncadd.s32 s4;
	_ =	sdelay $0x1  }
0xa7: {  	s23 =	simm.s32 $0x1B8B  }
0xa8: {  	_ =	swait.ge [sflag:s23], $0x1  }
0xa9: {  	[sflag:s23] =	ssyncset.done $0x0  }
0xaa: {  	s25 =	simm.s32 $0x1B8E;
	s24 =	sld [smem:$0x3FFE];
	[sflag:s23] =	ssyncadd.s32 $0xFFFFFFFF  }
0xab: {  	s26 =	simm.s32 $execute0_lowered;
	[smem:$0x3FD2] =	sst s25  }
0xac: {  	s5 =	sshll.u32 s26, $0x1;
	_ =	strace $0x80000046;
	[dreg:$0x1] =	wrdreg $0xFFFFFFFF  }
0xad: {  	s28 =	simm.s32 $_size_execute0_lowered;
	s3 =	sadd.s32 s3, s5;
	[dreg:$0x0] =	wrdreg $0x0  }
0xae: {  	s5 =	sshll.u32 s28, $0x1;
	[dreg:$0x2] =	wrdreg s3  }
0xaf: {  	[dreg:$0x3] =	wrdreg s5  }
0xb0: {  	[dreg:$0x4] =	wrdreg $0xC0  }
0xb1: {  	_ =	task [dreg:s7], $0x5FFFF  }
0xb2: {  	[dreg:$0x1] =	wrdreg $0xFFFFFFFF  }
0xb3: {  	[dreg:$0x0] =	wrdreg $0x60  }
0xb4: {  	[dreg:$0x2] =	wrdreg s24  }
0xb5: {  	[dreg:$0x3] =	wrdreg s16  }
0xb6: {  	[dreg:$0x4] =	wrdreg $0x9  }
0xb7: {  	_ =	task.clear_ibuf [dreg:s7], $0x5FFFF;
	_ =	strace $0x90000046  }
0xb8: {  	s29 =	simm.s32 $0x9;
	_ =	strace $0x80000048  }
0xb9: {  	_ =	swait.ge [sflag:s29], $0x1  }
0xba: {  	[sflag:s29] =	ssyncadd.s32 $0xFFFFFFFF  }
0xbb: {  	_ =	strace $0x90000048  }
0xbc: {  	_ =	sfence  }
0xbd: {  	s30 =	sld [smem:$0x0];
	_ =	sdelay $0x2  }
0xbe: {  	s31 =	sshll.u32 s1, $0xD;
	s1 =	sshrl.u32 s1, $0x2  }
0xbf: {  	s3 =	sand.u32 $0x4000, s31;
	s1 =	sadd.s32 s1, s30  }
0xc0: {  	s0 =	sor.u32 s3, s0;
	s1 =	sshll.u32 s1, $0x11  }
0xc1: {  	s0 =	sor.u32 s1, s0  }
0xc2: {  	s0 =	sadd.s32 $0x8F2B, s0  }
0xc3: {  	[sflag:s0] =	ssyncadd.remote.s32 $0x1  }
0xc4: {  	_ =	sfence.sel $0xFFFF  }
0xc5: {  	[dreg:$0x0] =	wrdreg $0xFFFFFFFF;
	(pc) =	sbr.abs _section_cstart, $3  }
0xc6: {  	[dreg:$0x1] =	wrdreg $0xFFFFFFFF  }
0xc7: {  	_ =	task.clear_ibuf [dreg:s7], $0x2FFFF;
	_ =	strace $0x9FFFFFFF  }
0xc8: {  	(tm) =	ssettm $0x7FFFFFFF  }
0xc9: {  	_ =	shalt  }
tec
execute0_lowered:
.L_overlay_start_1:
0x0: {  	(tag) =	ssettag $0x1  }
0x1: {  	s0 =	srdreg.scid  }
0x2: {  	s1 =	sshll.u32 s0, $0x4  }
0x3: {  	s0 =	stileid.u32;
	s1 =	sand.u32 $0x10, s1  }
0x4: {  	s9 =	rddreg [dreg:$0x0];
	s1 =	sor.u32 s0, s1  }
0x5: {  	s3 =	rddreg [dreg:$0x1];
	s2 =	smin.u32 s1, $0x8  }
0x6: {  	p0 =	slt.u32 s1, $0x8;
	s2 =	sadd.s32 s1, s2;
	s1 =	simm.s32 $0x100  }
0x7: {  	s6 =	simm.s32 $0x1;
	s2 =	sshll.u32 s2, $0x7;
	s1 =	simm.s32 @!p0 $0x80  }
0x8: {  	s7 =	simm.s32 $0x2;
	s10 =	simm.s32 $0x3;
	s4 =	sadd.s32 s1, s2  }
0x9: {  	s13 =	simm.s32 $0x0;
	s12 =	simm.s32 $0x0;
	s4 =	smin.u32 s4, $0x1400  }
.Ltmp0:
0xa: {  	s5 =	sadd.s32 $0x1600, s9;
	s8 =	ssub.s32 s4, s2;
	(pc) =	sbr.rel .LBB2_1-.Ltmp0, $4  }
0xb: {  	s1 =	rddreg [dreg:$0x2];
	_ =	strace $0x80000047;
	p0 =	sgt.s32 s8, $0x0  }
0xc: {  	s9 =	sadd.s32 $0x15600, s9;
	[sflag:s6] =	ssyncpa.u1 $0x0;
	s8 =	simm.s32 @!p0 $0x0  }
0xd: {  	s11 =	smov.u32 s2;
	[sflag:s7] =	ssyncpa.u1 $0x0;
	s8 =	sshrl.u32 s8, $0x7  }
0xe: {  	vm0 =	vmmov $0xff;
	vm1 =	vcmask $0x3F20;
	[sflag:s10] =	ssyncpa.u1 $0x0;
	p0 =	por $0x0, $0x0;
	s10 =	sadd.s32 $0x1, s8  }
.LBB2_6:
0xf: {  	[hbm:s17] =	stream.linear.scatter [tilespmem:s14], [sflag:$0x3], $0x400, $0x38;
	[tilespmem:$0x8100] =	vst v63  }
.LBB2_7:
0x10: {  	s13 =	sadd.s32 $0x80, s11  }
0x11: {  	s15 =	smov.u32 s2;
	p2 =	slt.s32 s13, s4  }
0x12: {  	s15 =	smov.u32 @p2 s13;
	p2 =	sne.s32 s12, s10  }
.Ltmp1:
0x13: {  	p1 =	slt.u32 s12, $0x2;
	(pc) =	sbr.rel @!p2 .LBB2_8-.Ltmp1, $4  }
0x14: {  	s14 =	simm.s32 @!p1 $0x3  }
0x15: {  	s16 =	sadd.s32 $0x1, s12;
	_ =	swait.ge @!p1 [sflag:s14], $0x4000  }
0x16: {  	p0 =	por !p0, !p0;
	s13 =	smov.u32 s11;
	[sflag:s14] =	ssyncset.done @!p1 $0x0  }
0x17: {  	s12 =	smov.u32 s16;
	s11 =	smov.u32 s15;
	[sflag:s14] =	ssyncadd.s32 @!p1 $0xFFFFC000  }
.LBB2_1:
0x18: {  	p1 =	sge.u32 s12, s8  }
0x19: {  	s14 =	sxor.u32 @!p1 $0xFFFFFFFF, s12  }
0x1a: {  	s31 =	sadd.s32 $0xFFFFFFFF, s12;
	s15 =	sshrl.u32 @!p1 s11, $0x3;
	s14 =	sshll.u32 @!p1 s14, $0x7  }
0x1b: {  	s16 =	sand.u32 @!p1 $0x7, s11;
	s15 =	sadd.s32 @!p1 s3, s15;
	s14 =	sand.u32 @!p1 $0x80, s14  }
0x1c: {  	[tilespmem:s14], [sflag:$0x2] =	stream.linear.gather @!p1 [hbm4b:s15+s16], $0x80, $0x38;
	[tilespmem:$0x8100] =	vst v63  }
0x1d: {  	p1 =	sge.u32 s31, s8  }
.Ltmp2:
0x1e: {  	_ = 	snop;
	(pc) =	sbr.rel @p1 .LBB2_7-.Ltmp2, $1  }
0x1f: {  	_ =	sdelay $0x3  }
0x20: {  	s14 =	simm.s32 $0x1  }
0x21: {  	_ =	swait.ge [sflag:s7], $0x80;
	s14 =	simm.s32 @!p0 $0x0  }
0x22: {  	[sflag:s7] =	ssyncset.done $0x0;
	s16 =	sshll.u32 s14, $0x7  }
0x23: {  	[sflag:s7] =	ssyncadd.s32 $0xFFFFFF80;
	s15 =	sadd.s32 $0x0, s16  }
0x24: {  	v0 =	vld.msk [tilespmem:s15+$0x0 ss:$0x1], $0xffff;
	_ =	sdelay $0x4  }
0x25: {  	vm2 =	vgt.s32 v0, $0x0  }
0x26: {  	v0 =	vnsel vm2, $0x0, v0  }
0x27: {  	v0 =	vmin.u32 v0, $0x13FF  }
0x28: {  	v0 =	vshll.u32 v0, $0x4;
	_ =	sdelay $0x2  }
0x29: {  	s14 =	sshll.u32 s14, $0xE  }
0x2a: {  	s14 =	sor.u32 $0x100, s14  }
0x2b: {  	[tilespmem:s14], [sflag:$0x1] =	stream.indirect_vreg.gather [hbm:s5], $0x80, v0, vm0, $0x38;
	[tilespmem:$0x8100] =	vst v63  }
0x2c: {  	s17 =	sadd.s32 $0x10, s16;
	s15 =	sadd.s32 $0x400, s14  }
0x2d: {  	[tilespmem:s15], [sflag:$0x1] =	stream.indirect_vreg.gather [hbm:s5], $0x80, v0, vm1, $0x38;
	[tilespmem:$0x8100] =	vst v63  }
0x2e: {  	s18 =	simm.s32 $0x80;
	v0 =	vld.msk [tilespmem:s17+$0x0 ss:$0x1], $0xffff;
	s17 =	smov.u32 s14  }
.LBB2_3:
0x2f: {  	p1 =	sne.s32 s18, $0x1C0;
	_ =	sdelay $0x4  }
0x30: {  	vm2 =	vgt.s32 v0, $0x0  }
0x31: {  	v0 =	vnsel vm2, $0x0, v0  }
0x32: {  	v0 =	vmin.u32 v0, $0x13FF  }
0x33: {  	v0 =	vshll.u32 v0, $0x4;
	_ =	sdelay $0x3  }
.Ltmp3:
0x34: {  	s19 =	sshra.s32 s18, $0x2;
	s17 =	sadd.s32 $0x800, s17;
	(pc) =	sbr.rel @p1 .LBB2_3-.Ltmp3, $4  }
0x35: {  	[tilespmem:s17], [sflag:$0x1] =	stream.indirect_vreg.gather [hbm:s5], $0x80, v0, vm0, $0x38;
	[tilespmem:$0x8100] =	vst v63  }
0x36: {  	s19 =	sadd.s32 s19, s16;
	s20 =	sadd.s32 $0x400, s17  }
0x37: {  	[tilespmem:s20], [sflag:$0x1] =	stream.indirect_vreg.gather [hbm:s5], $0x80, v0, vm1, $0x38;
	[tilespmem:$0x8100] =	vst v63  }
0x38: {  	s18 =	sadd.s32 $0x40, s18;
	v0 =	vld.msk [tilespmem:s19+$0x0 ss:$0x1], $0xffff  }
0x39: {  	_ =	sdelay $0x3  }
0x3a: {  	vm2 =	vgt.s32 v0, $0x0  }
0x3b: {  	v0 =	vnsel vm2, $0x0, v0  }
0x3c: {  	v0 =	vmin.u32 v0, $0x13FF  }
0x3d: {  	v0 =	vshll.u32 v0, $0x4;
	_ =	sdelay $0x3  }
0x3e: {  	s16 =	sadd.s32 $0x800, s17  }
0x3f: {  	[tilespmem:s16], [sflag:$0x1] =	stream.indirect_vreg.gather [hbm:s5], $0x80, v0, vm0, $0x38;
	[tilespmem:$0x8100] =	vst v63  }
0x40: {  	s16 =	sadd.s32 $0x400, s16  }
0x41: {  	[tilespmem:s16], [sflag:$0x1] =	stream.indirect_vreg.gather [hbm:s5], $0x80, v0, vm1, $0x38;
	[tilespmem:$0x8100] =	vst v63  }
0x42: {  	s13 =	sshll.u32 s13, $0x4;
	_ =	swait.ge [sflag:s6], $0x4000  }
0x43: {  	s13 =	sadd.s32 s13, s9;
	[sflag:s6] =	ssyncset.done $0x0  }
0x44: {  	s17 =	sadd.s32 $0x0, s13;
	s16 =	simm.s32 $0x80;
	[sflag:s6] =	ssyncadd.s32 $0xFFFFC000  }
.LBB2_5:
0x45: {  	[hbm:s17] =	stream.linear.scatter [tilespmem:s14], [sflag:$0x3], $0x400, $0x38;
	[tilespmem:$0x8100] =	vst v63  }
0x46: {  	s17 =	smov.u32 s16;
	s14 =	smov.u32 s15;
	p1 =	sne.s32 s16, $0x780  }
.Ltmp4:
0x47: {  	s16 =	sadd.s32 $0x80, s16;
	(pc) =	sbr.rel @p1 .LBB2_5-.Ltmp4, $2  }
0x48: {  	_ =	sdelay $0x2  }
0x49: {  	s15 =	sadd.s32 $0x400, s15;
	s17 =	sadd.s32 s17, s13  }
.Ltmp5:
0x4a: {  	_ = 	snop;
	(pc) =	sbr.rel .LBB2_6-.Ltmp5, $1  }
0x4b: {  	_ =	sdelay $0x3  }
.LBB2_8:
0x4c: {  	_ =	sfence.sel $0x180000  }
0x4d: {  	s2 =	simm.s32 $0x2;
	[bflag:$0x0] =	sbarrier.arrive $0xFFFF  }
0x4e: {  	s30 =	simm.s32 $0x3;
	[sflag:s2] =	ssyncpa.u1 $0x1  }
0x4f: {  	s31 =	simm.s32 $0x1;
	[sflag:s30] =	ssyncpa.u1 $0x1  }
0x50: {  	[sflag:s31] =	ssyncpa.u1 $0x1  }
0x51: {  	p0 =	sne.s32 s0, $0x0;
	_ =	strace $0x90000047  }
0x52: {  	s0 =	sadd.s32 @!p0 $0x100000, s1;
	[bflag:$0x2] =	sbarrier.arrive $0xFFFF  }
0x53: {  	[sflag:s0] =	ssyncadd.tile.s32 @!p0 $0x1;
	_ =	shalt  }
.Lfunc_end2:
_tile_overlayer_lowered:
.L_overlay_start_2:
0x54: {  	(tag) =	ssettag $0x2  }
0x55: {  	s0 =	rddreg [dreg:$0x0];
	s2 =	stileid.u32  }
0x56: {  	s1 =	rddreg [dreg:$0x1];
	p0 =	sne.s32 s2, $0x0  }
0x57: {  	s3 =	rddreg [dreg:$0x2];
	[bflag:$0x3] =	sbarrier.arrive $0xFFFF;
	s2 =	simm.s32 @!p0 $0x1C01  }
0x58: {  	[timem:s3], [sflag:s2] =	dma.local @!p0 [hbm:s0], s1  }
0x59: {  	s0 =	simm.s32 @!p0 $0x1  }
0x5a: {  	_ =	swait.ge @!p0 [sflag:s0], s1  }
0x5b: {  	s1 =	ssub.s32 @!p0 $0x0, s1;
	[sflag:s0] =	ssyncset.done @!p0 $0x0  }
0x5c: {  	[sflag:s0] =	ssyncadd.s32 @!p0 s1  }
0x5d: {  	[bflag:$0x3] =	sbarrier.arrive $0xFFFF  }
0x5e: {  	_ =	shalt  }

// kernel: kernel.6.cloned.1.call-start
scs
__scs_entry_jumppad:
0x0: {  	(pc) =	sbr.rel $0x88, $3  }
0x1: {  	(tag) =	ssettag $0x0;
	lr =	simm.s32 $0x1  }
0x2: {  	[smem:$0x3F99] =	sst lr;
	_ =	strace $0xD0000000  }
0x3: {  	_ = 	snop  }
0x4: {  	_ = 	snop  }
0x5: {  	_ = 	snop  }
0x6: {  	_ = 	snop  }
0x7: {  	_ = 	snop  }
__scs_overlays_trampoline_lowered:
0x8: {  	[smem:$0x3FA8] =	sst s0  }
0x9: {  	[smem:$0x3FA9] =	sst s1  }
0xa: {  	[smem:$0x3FAA] =	sst s2  }
0xb: {  	[smem:$0x3FAB] =	sst s3  }
0xc: {  	[smem:$0x3FAC] =	sst s4  }
0xd: {  	[smem:$0x3FAD] =	sst s5  }
0xe: {  	[smem:$0x3FAE] =	sst s6  }
0xf: {  	[smem:$0x3FAF] =	sst s7  }
0x10: {  	[smem:$0x3FB0] =	sst s8  }
0x11: {  	[smem:$0x3FB1] =	sst s9;
	s0 =	simm.s32 @!p0 $0x0  }
0x12: {  	s1 =	sld [smem:$0x3F97];
	s0 =	simm.s32 @p0 $0x1  }
0x13: {  	[smem:$0x3FB2] =	sst s0;
	s0 =	simm.s32 @!p1 $0x0  }
0x14: {  	s2 =	sld [smem:$0x3F96];
	s0 =	simm.s32 @p1 $0x1  }
0x15: {  	[smem:$0x3FB3] =	sst s0;
	s0 =	simm.s32 @!p2 $0x0  }
0x16: {  	s3 =	sld [smem:$0x3FDB];
	s0 =	simm.s32 @p2 $0x1  }
0x17: {  	s4 =	simm.s32 $0x1BF5;
	[smem:$0x3FB5] =	sst s0  }
0x18: {  	s0 =	sld [smem:$0x3F98];
	_ =	swait.ge [sflag:s4], $0x0  }
0x19: {  	s7 =	sld [smem:$0x3F99]  }
0x1a: {  	s8 =	sadd.s32 $0xFFFFE003, lr  }
0x1b: {  	s9 =	sadd.s32 $0xFFFFFEF7, lr;
	s5 =	simm.s32 $0xFFFFFFFF;
	p2 =	slt.u32 s8, $0xFFFFF086  }
0x1c: {  	p1 =	slt.u32 s9, $0xF7A;
	s5 =	simm.s32 @!p2 $0x0  }
0x1d: {  	s5 =	simm.s32 @p1 $0x1;
	p0 =	seq.s32 s7, s2  }
0x1e: {  	s7 =	smul.u32 @!p0 $0xF7A, s2;
	p2 =	seq.s32 @!p0 s5, $0x0  }
0x1f: {  	s9 =	smul.u32 $0xF7A, s1;
	s8 =	simm.s32 @!p0 $0x1BF5;
	p2 =	por !p2, p0  }
0x20: {  	[sflag:s8] =	ssyncset.s32 @!p0 $0xFFFFF086;
	s6 =	sadd.s32 @!p0 s3, s7;
	s7 =	simm.s32 @!p0 $0x108  }
0x21: {  	s3 =	sadd.s32 s3, s9;
	s6 =	sadd.s32 @!p0 $0x88, s6;
	s7 =	simm.s32 @p2 $0x1082  }
0x22: {  	[simem:s7], [sflag:s8] =	dma.local @!p0 [hbm:s6], $0xF7A  }
0x23: {  	s9 =	sor.u32 $0xD0000000, s2;
	s6 =	simm.s32 $0x108;
	_ =	swait.ge @!p0 [sflag:s8], $0x0  }
0x24: {  	s3 =	sadd.s32 $0x88, s3;
	s6 =	simm.s32 @!p1 $0x1082;
	[sflag:s4] =	ssyncset.s32 $0xFFFFF086  }
0x25: {  	[simem:s6], [sflag:s4] =	dma.local [hbm:s3], $0xF7A  }
0x26: {  	[smem:$0x3F99] =	sst s1;
	(tag) =	ssettag s2;
	_ =	strace s9  }
0x27: {  	s1 =	sld [smem:$0x3FA9]  }
0x28: {  	s2 =	sld [smem:$0x3FAA]  }
0x29: {  	s4 =	sld [smem:$0x3FAC]  }
0x2a: {  	p0 =	seq.s32 s5, $0x0;
	s5 =	sld [smem:$0x3FAD]  }
0x2b: {  	s6 =	sld [smem:$0x3FAE]  }
0x2c: {  	s7 =	sld [smem:$0x3FAF]  }
0x2d: {  	s3 =	simm.s32 $0x108;
	s8 =	sld [smem:$0x3FB0]  }
0x2e: {  	s3 =	simm.s32 @!p0 $0x1082;
	s9 =	sld [smem:$0x3FB1]  }
0x2f: {  	lr =	sadd.s32 s0, s3;
	s0 =	sld [smem:$0x3FA8]  }
0x30: {  	s3 =	sld [smem:$0x3FAB]  }
0x31: {  	[smem:$0x3FB4] =	sst s10  }
0x32: {  	s10 =	sld [smem:$0x3FB2];
	_ =	sdelay $0x3  }
0x33: {  	p0 =	seq.s32 s10, $0x1;
	s10 =	sld [smem:$0x3FB4];
	_ =	sdelay $0x3  }
0x34: {  	[smem:$0x3FB4] =	sst s10  }
0x35: {  	s10 =	sld [smem:$0x3FB3];
	_ =	sdelay $0x3  }
0x36: {  	p1 =	seq.s32 s10, $0x1;
	s10 =	sld [smem:$0x3FB4];
	_ =	sdelay $0x3  }
0x37: {  	[smem:$0x3FB4] =	sst s10  }
0x38: {  	s10 =	sld [smem:$0x3FB5]  }
0x39: {  	_ = 	snop;
	(pc) =	sbr.ind lr, $3  }
0x3a: {  	_ = 	snop  }
0x3b: {  	_ = 	snop  }
0x3c: {  	p2 =	seq.s32 s10, $0x1;
	s10 =	sld [smem:$0x3FB4]  }
0x3d: {  	_ =	shalt  }
0x3e: {  	_ =	shalt  }
0x3f: {  	_ =	shalt  }
0x40: {  	_ =	shalt  }
0x41: {  	_ =	shalt  }
0x42: {  	_ =	shalt  }
0x43: {  	_ =	shalt  }
0x44: {  	_ =	shalt  }
0x45: {  	_ =	shalt  }
0x46: {  	_ =	shalt  }
0x47: {  	_ =	shalt  }
0x48: {  	_ =	shalt  }
0x49: {  	_ =	shalt  }
0x4a: {  	_ =	shalt  }
0x4b: {  	_ =	shalt  }
0x4c: {  	_ =	shalt  }
0x4d: {  	_ =	shalt  }
0x4e: {  	_ =	shalt  }
0x4f: {  	_ =	shalt  }
0x50: {  	_ =	shalt  }
0x51: {  	_ =	shalt  }
0x52: {  	_ =	shalt  }
0x53: {  	_ =	shalt  }
0x54: {  	_ =	shalt  }
0x55: {  	_ =	shalt  }
0x56: {  	_ =	shalt  }
0x57: {  	_ =	shalt  }
0x58: {  	_ =	shalt  }
0x59: {  	_ =	shalt  }
0x5a: {  	_ =	shalt  }
0x5b: {  	_ =	shalt  }
0x5c: {  	_ =	shalt  }
0x5d: {  	_ =	shalt  }
0x5e: {  	_ =	shalt  }
0x5f: {  	_ =	shalt  }
0x60: {  	_ =	shalt  }
0x61: {  	_ =	shalt  }
0x62: {  	_ =	shalt  }
0x63: {  	_ =	shalt  }
0x64: {  	_ =	shalt  }
0x65: {  	_ =	shalt  }
0x66: {  	_ =	shalt  }
0x67: {  	_ =	shalt  }
0x68: {  	_ =	shalt  }
0x69: {  	_ =	shalt  }
0x6a: {  	_ =	shalt  }
0x6b: {  	_ =	shalt  }
0x6c: {  	_ =	shalt  }
0x6d: {  	_ =	shalt  }
0x6e: {  	_ =	shalt  }
0x6f: {  	_ =	shalt  }
0x70: {  	_ =	shalt  }
0x71: {  	_ =	shalt  }
0x72: {  	_ =	shalt  }
0x73: {  	_ =	shalt  }
0x74: {  	_ =	shalt  }
0x75: {  	_ =	shalt  }
0x76: {  	_ =	shalt  }
0x77: {  	_ =	shalt  }
0x78: {  	_ =	shalt  }
0x79: {  	_ =	shalt  }
0x7a: {  	_ =	shalt  }
0x7b: {  	_ =	shalt  }
0x7c: {  	_ =	shalt  }
0x7d: {  	_ =	shalt  }
0x7e: {  	_ =	shalt  }
0x7f: {  	_ =	shalt  }
0x80: {  	_ =	shalt  }
0x81: {  	_ =	shalt  }
0x82: {  	_ =	shalt  }
0x83: {  	_ =	shalt  }
0x84: {  	_ =	shalt  }
0x85: {  	_ =	shalt  }
0x86: {  	_ =	shalt  }
0x87: {  	_ =	shalt  }
.Lfunc_end0:
.L_simem_size_0:
called_computation.2_lowered:
.L_overlay_start_0:
0x88: {  	s2 =	sld [smem:$0x3FD9]  }
0x89: {  	s3 =	sld [smem:$0x3FFE];
	_ =	sdelay $0x1  }
0x8a: {  	s1 =	srdreg.scid  }
0x8b: {  	s0 =	sand.u32 $0x1, s1  }
0x8c: {  	s16 =	sshll.u32 s0, $0xA;
	s2 =	sadd.s32 s3, s2  }
0x8d: {  	s2 =	sadd.s32 s2, s16  }
0x8e: {  	[smem:$0x3FC0] =	sst s2  }
0x8f: {  	_ = 	snop  }
0x90: {  	(tm) =	ssettm $0x1  }
0x91: {  	s17 =	sld [smem:$0x3FFB];
	_ =	sdelay $0x3  }
0x92: {  	_ =	strace s17  }
0x93: {  	s2 =	sld [smem:$0x3FFC];
	_ =	sdelay $0x3  }
0x94: {  	_ =	strace s2  }
0x95: {  	s2 =	sld [smem:$0x3FFD];
	_ =	sdelay $0x3  }
0x96: {  	_ =	strace s2  }
0x97: {  	_ =	strace $0x8FFFFFFF  }
0x98: {  	s18 =	sld [smem:$0x3FDB];
	_ =	sdelay $0x1  }
0x99: {  	s19 =	simm.s32 $_scs_section_size  }
0x9a: {  	s4 =	simm.s32 $_size__tile_overlayer_lowered;
	s5 =	simm.s32 $_tile_overlayer_lowered  }
0x9b: {  	s22 =	simm.s32 $0x1BFF;
	s21 =	sshll.u32 s5, $0x1;
	s2 =	sadd.s32 s19, s18  }
0x9c: {  	s6 =	simm.s32 $0x0;
	s20 =	sshll.u32 s4, $0x1;
	s4 =	sadd.s32 s21, s2  }
0x9d: {  	[timem:s6], [sflag:s22] =	dma.local [hbm:s4], s20  }
0x9e: {  	_ =	swait.ge [sflag:s22], s20  }
0x9f: {  	s3 =	ssub.s32 $0x0, s20;
	[sflag:s22] =	ssyncset.done $0x0  }
0xa0: {  	[sflag:s22] =	ssyncadd.s32 s3;
	_ =	sdelay $0x1  }
0xa1: {  	s23 =	simm.s32 $0x1B8B  }
0xa2: {  	_ =	swait.ge [sflag:s23], $0x1  }
0xa3: {  	[sflag:s23] =	ssyncset.done $0x0  }
0xa4: {  	s25 =	simm.s32 $0x1B8E;
	s24 =	sld [smem:$0x3FFE];
	[sflag:s23] =	ssyncadd.s32 $0xFFFFFFFF  }
0xa5: {  	s26 =	simm.s32 $execute0_lowered;
	[smem:$0x3FD2] =	sst s25  }
0xa6: {  	s4 =	sshll.u32 s26, $0x1;
	_ =	strace $0x8000004C;
	[dreg:$0x1] =	wrdreg $0xFFFFFFFF  }
0xa7: {  	s28 =	simm.s32 $_size_execute0_lowered;
	s2 =	sadd.s32 s2, s4;
	[dreg:$0x0] =	wrdreg $0x0  }
0xa8: {  	s4 =	sshll.u32 s28, $0x1;
	[dreg:$0x2] =	wrdreg s2  }
0xa9: {  	[dreg:$0x3] =	wrdreg s4  }
0xaa: {  	[dreg:$0x4] =	wrdreg $0xC0  }
0xab: {  	_ =	task [dreg:s6], $0x5FFFF  }
0xac: {  	[dreg:$0x1] =	wrdreg $0xFFFFFFFF  }
0xad: {  	[dreg:$0x0] =	wrdreg $0x60  }
0xae: {  	[dreg:$0x2] =	wrdreg s24  }
0xaf: {  	[dreg:$0x3] =	wrdreg $0xA8000  }
0xb0: {  	[dreg:$0x4] =	wrdreg $0x9  }
0xb1: {  	_ =	task.clear_ibuf [dreg:s6], $0x5FFFF;
	_ =	strace $0x9000004C  }
0xb2: {  	s29 =	simm.s32 $0x9;
	_ =	strace $0x8000004E  }
0xb3: {  	_ =	swait.ge [sflag:s29], $0x1  }
0xb4: {  	[sflag:s29] =	ssyncadd.s32 $0xFFFFFFFF  }
0xb5: {  	_ =	strace $0x9000004E  }
0xb6: {  	_ =	sfence  }
0xb7: {  	s30 =	sld [smem:$0x0];
	_ =	sdelay $0x2  }
0xb8: {  	s31 =	sshll.u32 s1, $0xD;
	s1 =	sshrl.u32 s1, $0x2  }
0xb9: {  	s3 =	sand.u32 $0x4000, s31;
	s1 =	sadd.s32 s1, s30  }
0xba: {  	s0 =	sor.u32 s3, s0;
	s1 =	sshll.u32 s1, $0x11  }
0xbb: {  	s0 =	sor.u32 s1, s0  }
0xbc: {  	s0 =	sadd.s32 $0x8F2B, s0  }
0xbd: {  	[sflag:s0] =	ssyncadd.remote.s32 $0x1  }
0xbe: {  	_ =	sfence.sel $0xFFFF  }
0xbf: {  	[dreg:$0x0] =	wrdreg $0xFFFFFFFF;
	(pc) =	sbr.abs _section_cstart, $3  }
0xc0: {  	[dreg:$0x1] =	wrdreg $0xFFFFFFFF  }
0xc1: {  	_ =	task.clear_ibuf [dreg:s6], $0x2FFFF;
	_ =	strace $0x9FFFFFFF  }
0xc2: {  	(tm) =	ssettm $0x7FFFFFFF  }
0xc3: {  	_ =	shalt  }
tec
execute0_lowered:
.L_overlay_start_1:
0x0: {  	(tag) =	ssettag $0x1  }
0x1: {  	s0 =	rddreg [dreg:$0x0]  }
0x2: {  	s1 =	rddreg [dreg:$0x1]  }
0x3: {  	s3 =	simm.s32 $0x0;
	s13 =	stileid.u32;
	s5 =	srdreg.scid  }
0x4: {  	s31 =	simm.s32 $0x2800;
	[smem:$0x7FF] =	sst s3;
	s4 =	sadd.s32 $0x51600, s0  }
0x5: {  	s2 =	sadd.s32 $0x15600, s0;
	s6 =	smul.u32 $0x4E000, s13;
	s7 =	sadd.s32 $0x3D600, s0  }
0x6: {  	s0 =	sadd.s32 $0x9FE00, s0;
	s8 =	sand.u32 $0x1, s5;
	s19 =	sshll.u32 s13, $0x1  }
0x7: {  	p0 =	sne.s32 s13, $0xF;
	s30 =	sadd.s32 $0x138000, s1;
	s6 =	sshrl.u32 s6, $0x2  }
0x8: {  	_ =	strace $0x8000004D;
	s9 =	ssub.s32 $0x2, s8;
	s5 =	sadd.s32 s6, s1  }
0x9: {  	s11 =	sor.u32 s8, s19;
	s8 =	smul.u32 $0x138800, s8;
	s20 =	sadd.s32 $0x1800, s5  }
0xa: {  	s10 =	sshrl.u32 s9, $0x1;
	s22 =	sadd.s32 $0x3000, s5;
	[dreg:$0x3] =	wrdreg s20  }
0xb: {  	s21 =	smul.u32 $0xA00, s11;
	s23 =	sadd.s32 $0x4800, s5;
	[dreg:$0x4] =	wrdreg s22  }
0xc: {  	s24 =	smul.u32 $0x5000, s11;
	s25 =	sadd.s32 $0x6000, s5;
	[dreg:$0x5] =	wrdreg s23  }
0xd: {  	s11 =	simm.s32 $0x6800;
	s26 =	sadd.s32 $0x7800, s5;
	[dreg:$0x6] =	wrdreg s25  }
0xe: {  	s6 =	ssub.s32 s9, s10;
	s28 =	sadd.s32 $0x9000, s5;
	[dreg:$0x7] =	wrdreg s26  }
0xf: {  	s12 =	sadd.s32 $0xA800, s5;
	s14 =	sadd.s32 s2, s21;
	[dreg:$0x8] =	wrdreg s28  }
0x10: {  	s10 =	sshrl.u32 s24, $0x3;
	s9 =	sadd.s32 s7, s21;
	[dreg:$0x9] =	wrdreg s12  }
0x11: {  	s24 =	sadd.s32 $0xD800, s5;
	s29 =	sadd.s32 $0x12000, s5;
	[dreg:$0xa] =	wrdreg s14  }
0x12: {  	[dreg:$0xb] =	wrdreg s9;
	s15 =	sadd.s32 $0x280, s10;
	s17 =	sadd.s32 $0x500, s10  }
0x13: {  	s12 =	smul.u32 $0x13800, s13;
	s19 =	sadd.s32 $0x780, s10;
	s22 =	sshrl.u32 s8, $0x3  }
0x14: {  	s23 =	sadd.s32 $0xC000, s5;
	[dreg:$0x14] =	wrdreg s24;
	s25 =	smax.u32 s6, $0x1  }
0x15: {  	s26 =	sadd.s32 $0xF000, s5;
	s28 =	sadd.s32 $0x10800, s5;
	[dreg:$0x12] =	wrdreg s23  }
0x16: {  	s6 =	simm.s32 $0x1400;
	s10 =	simm.s32 $0x100;
	[dreg:$0x16] =	wrdreg s25  }
0x17: {  	s13 =	simm.s32 $0x8800;
	s14 =	simm.s32 $0x1;
	[dreg:$0x17] =	wrdreg s26  }
0x18: {  	s24 =	simm.s32 $0x2780;
	s16 =	sadd.s32 s2, s15;
	[dreg:$0x18] =	wrdreg s28  }
0x19: {  	s9 =	sadd.s32 s7, s15;
	s18 =	sadd.s32 s2, s17;
	[dreg:$0xc] =	wrdreg s16  }
0x1a: {  	s20 =	sadd.s32 s7, s17;
	s2 =	sadd.s32 s2, s19;
	[dreg:$0xd] =	wrdreg s9  }
0x1b: {  	s7 =	sadd.s32 s7, s19;
	s15 =	simm.s32 $0x2;
	[dreg:$0xe] =	wrdreg s18  }
0x1c: {  	s17 =	simm.s32 $0x4;
	s19 =	simm.s32 $0x7;
	[dreg:$0xf] =	wrdreg s20  }
0x1d: {  	s23 =	simm.s32 $0x2700;
	[dreg:$0x10] =	wrdreg s2;
	s21 =	sadd.s32 s12, s8  }
0x1e: {  	[dreg:$0x11] =	wrdreg s7;
	s7 =	simm.s32 $0x40;
	s8 =	simm.s32 $0x80  }
0x1f: {  	s9 =	simm.s32 $0x4800;
	s12 =	simm.s32 $0x180;
	s16 =	simm.s32 $0x3  }
0x20: {  	s18 =	simm.s32 $0x6;
	s20 =	simm.s32 $0x8;
	s2 =	sshrl.u32 s21, $0x3  }
0x21: {  	s21 =	simm.s32 $0x2600;
	s2 =	sadd.s32 s0, s2;
	s0 =	sadd.s32 s0, s22  }
0x22: {  	s22 =	simm.s32 $0x2680;
	[dreg:$0x13] =	wrdreg s2;
	s0 =	sadd.s32 $0x27000, s0  }
0x23: {  	v0 =	vimm.f32 $0.0e+00;
	s2 =	simm.s32 $0x9;
	[dreg:$0x15] =	wrdreg s0;
	s0 =	simm.s32 $0x5  }
.LBB2_1:
0x24: {  	s25 =	simm.s32 $0x0;
	s26 =	simm.s32 $0x200  }
.LBB2_2:
0x25: {  	p1 =	sne.s32 s26, $0x5E00;
	[tilespmem:s25+$0x2870] =	vst v0  }
0x26: {  	[tilespmem:s25+$0x2800] =	vst v0  }
0x27: {  	[tilespmem:s25+$0x2810] =	vst v0  }
.Ltmp0:
0x28: {  	[tilespmem:s25+$0x2820] =	vst v0;
	(pc) =	sbr.rel @p1 .LBB2_2-.Ltmp0, $4  }
0x29: {  	[tilespmem:s25+$0x2830] =	vst v0  }
0x2a: {  	[tilespmem:s25+$0x2840] =	vst v0  }
0x2b: {  	[tilespmem:s25+$0x2850] =	vst v0  }
0x2c: {  	[tilespmem:s25+$0x2860] =	vst v0;
	s25 =	sshra.s32 s26, $0x2;
	s26 =	sadd.s32 $0x200, s26  }
0x2d: {  	[tilespmem:s25+$0x2870] =	vst v0  }
0x2e: {  	[tilespmem:s25+$0x2800] =	vst v0  }
0x2f: {  	[tilespmem:s25+$0x2810] =	vst v0  }
0x30: {  	[tilespmem:s25+$0x2820] =	vst v0  }
0x31: {  	[tilespmem:s25+$0x2830] =	vst v0  }
0x32: {  	[tilespmem:s25+$0x2840] =	vst v0  }
0x33: {  	[tilespmem:s25+$0x2850] =	vst v0  }
0x34: {  	[tilespmem:s25+$0x2860] =	vst v0  }
0x35: {  	[spmem:s5] =	stream.linear.scatter [tilespmem:s31], [sflag:$0x5], $0x1800, $0x38;
	[tilespmem:$0x1E080] =	vst v63  }
0x36: {  	s26 =	rddreg [dreg:$0x3]  }
0x37: {  	[spmem:s26] =	stream.linear.scatter [tilespmem:s31], [sflag:$0x5], $0x1800, $0x38;
	[tilespmem:$0x1E080] =	vst v63  }
0x38: {  	s28 =	rddreg [dreg:$0x4]  }
0x39: {  	[spmem:s28] =	stream.linear.scatter [tilespmem:s31], [sflag:$0x5], $0x1800, $0x38;
	[tilespmem:$0x1E080] =	vst v63  }
0x3a: {  	s26 =	rddreg [dreg:$0x5]  }
0x3b: {  	[spmem:s26] =	stream.linear.scatter [tilespmem:s31], [sflag:$0x5], $0x1800, $0x38;
	[tilespmem:$0x1E080] =	vst v63  }
0x3c: {  	s28 =	rddreg [dreg:$0x6]  }
0x3d: {  	[spmem:s28] =	stream.linear.scatter [tilespmem:s31], [sflag:$0x5], $0x1800, $0x38;
	[tilespmem:$0x1E080] =	vst v63  }
0x3e: {  	s26 =	rddreg [dreg:$0x7]  }
0x3f: {  	[spmem:s26] =	stream.linear.scatter [tilespmem:s31], [sflag:$0x5], $0x1800, $0x38;
	[tilespmem:$0x1E080] =	vst v63  }
0x40: {  	s28 =	rddreg [dreg:$0x8]  }
0x41: {  	[spmem:s28] =	stream.linear.scatter [tilespmem:s31], [sflag:$0x5], $0x1800, $0x38;
	[tilespmem:$0x1E080] =	vst v63  }
0x42: {  	s26 =	rddreg [dreg:$0x9]  }
0x43: {  	[spmem:s26] =	stream.linear.scatter [tilespmem:s31], [sflag:$0x5], $0x1800, $0x38;
	[tilespmem:$0x1E080] =	vst v63  }
0x44: {  	s28 =	rddreg [dreg:$0x12]  }
0x45: {  	[spmem:s28] =	stream.linear.scatter [tilespmem:s31], [sflag:$0x5], $0x1800, $0x38;
	[tilespmem:$0x1E080] =	vst v63  }
0x46: {  	s26 =	rddreg [dreg:$0x14]  }
0x47: {  	[spmem:s26] =	stream.linear.scatter [tilespmem:s31], [sflag:$0x5], $0x1800, $0x38;
	[tilespmem:$0x1E080] =	vst v63  }
0x48: {  	s28 =	rddreg [dreg:$0x17]  }
0x49: {  	[spmem:s28] =	stream.linear.scatter [tilespmem:s31], [sflag:$0x5], $0x1800, $0x38;
	[tilespmem:$0x1E080] =	vst v63  }
0x4a: {  	s26 =	rddreg [dreg:$0x18]  }
0x4b: {  	[spmem:s26] =	stream.linear.scatter [tilespmem:s31], [sflag:$0x5], $0x1800, $0x38;
	[tilespmem:$0x1E080] =	vst v63  }
0x4c: {  	_ = 	snop  }
0x4d: {  	[spmem:s29] =	stream.linear.scatter [tilespmem:s31], [sflag:$0x5], $0x1800, $0x38;
	[tilespmem:$0x1E080] =	vst v63  }
0x4e: {  	s25 =	simm.s32 @!p0 $0x2800  }
0x4f: {  	[spmem:s30] =	stream.linear.scatter @!p0 [tilespmem:s25], [sflag:$0x9], $0x800, $0x38;
	[tilespmem:$0x1E080] =	vst v63  }
0x50: {  	s25 =	simm.s32 @!p0 $0x9  }
0x51: {  	_ =	swait.ge @!p0 [sflag:s25], $0x800  }
0x52: {  	[sflag:s25] =	ssyncset.done @!p0 $0x0  }
0x53: {  	[sflag:s25] =	ssyncadd.s32 @!p0 $0xFFFFF800  }
0x54: {  	_ =	swait.ge [sflag:s0], $0x1800  }
0x55: {  	[sflag:s0] =	ssyncset.done $0x0  }
0x56: {  	[sflag:s0] =	ssyncadd.s32 $0xFFFFE800  }
0x57: {  	_ =	swait.ge [sflag:s0], $0x1800  }
0x58: {  	[sflag:s0] =	ssyncset.done $0x0  }
0x59: {  	[sflag:s0] =	ssyncadd.s32 $0xFFFFE800  }
0x5a: {  	_ =	swait.ge [sflag:s0], $0x1800  }
0x5b: {  	[sflag:s0] =	ssyncset.done $0x0  }
0x5c: {  	[sflag:s0] =	ssyncadd.s32 $0xFFFFE800  }
0x5d: {  	_ =	swait.ge [sflag:s0], $0x1800  }
0x5e: {  	[sflag:s0] =	ssyncset.done $0x0  }
0x5f: {  	[sflag:s0] =	ssyncadd.s32 $0xFFFFE800  }
0x60: {  	_ =	swait.ge [sflag:s0], $0x1800  }
0x61: {  	[sflag:s0] =	ssyncset.done $0x0  }
0x62: {  	[sflag:s0] =	ssyncadd.s32 $0xFFFFE800  }
0x63: {  	_ =	swait.ge [sflag:s0], $0x1800  }
0x64: {  	[sflag:s0] =	ssyncset.done $0x0  }
0x65: {  	[sflag:s0] =	ssyncadd.s32 $0xFFFFE800  }
0x66: {  	_ =	swait.ge [sflag:s0], $0x1800  }
0x67: {  	[sflag:s0] =	ssyncset.done $0x0  }
0x68: {  	[sflag:s0] =	ssyncadd.s32 $0xFFFFE800  }
0x69: {  	_ =	swait.ge [sflag:s0], $0x1800  }
0x6a: {  	[sflag:s0] =	ssyncset.done $0x0  }
0x6b: {  	[sflag:s0] =	ssyncadd.s32 $0xFFFFE800  }
0x6c: {  	_ =	swait.ge [sflag:s0], $0x1800  }
0x6d: {  	[sflag:s0] =	ssyncset.done $0x0  }
0x6e: {  	[sflag:s0] =	ssyncadd.s32 $0xFFFFE800  }
0x6f: {  	_ =	swait.ge [sflag:s0], $0x1800  }
0x70: {  	[sflag:s0] =	ssyncset.done $0x0  }
0x71: {  	[sflag:s0] =	ssyncadd.s32 $0xFFFFE800  }
0x72: {  	_ =	swait.ge [sflag:s0], $0x1800  }
0x73: {  	[sflag:s0] =	ssyncset.done $0x0  }
0x74: {  	[sflag:s0] =	ssyncadd.s32 $0xFFFFE800  }
0x75: {  	_ =	swait.ge [sflag:s0], $0x1800  }
0x76: {  	[sflag:s0] =	ssyncset.done $0x0  }
0x77: {  	[sflag:s0] =	ssyncadd.s32 $0xFFFFE800  }
0x78: {  	_ =	swait.ge [sflag:s0], $0x1800  }
0x79: {  	[sflag:s0] =	ssyncset.done $0x0  }
0x7a: {  	[sflag:s0] =	ssyncadd.s32 $0xFFFFE800  }
0x7b: {  	[bflag:$0x0] =	sbarrier.arrive $0xFFFF  }
0x7c: {  	s25 =	simm.s32 $0x0;
	s26 =	rddreg [dreg:$0xa]  }
0x7d: {  	[tilespmem:s25], [sflag:$0x9] =	stream.linear.gather [hbm4b:s26+s25], $0x1400, $0x38;
	[tilespmem:$0x1E080] =	vst v63  }
0x7e: {  	_ =	swait.ge [sflag:s2], $0x1400  }
0x7f: {  	[sflag:s2] =	ssyncset.done $0x0  }
0x80: {  	s28 =	rddreg [dreg:$0xb];
	[sflag:s2] =	ssyncadd.s32 $0xFFFFEC00  }
0x81: {  	[tilespmem:s6], [sflag:$0x9] =	stream.linear.gather [hbm4b:s28+s25], $0x1400, $0x38;
	[tilespmem:$0x1E080] =	vst v63  }
0x82: {  	_ =	swait.ge [sflag:s2], $0x1400  }
0x83: {  	[sflag:s2] =	ssyncset.done $0x0  }
0x84: {  	[sflag:s2] =	ssyncadd.s32 $0xFFFFEC00  }
0x85: {  	[tilespmem:s31], [sflag:$0x1] =	stream.indirect.gather [hbm4b:s4+s7], $0x80, s25, s7, $0xb8;
	[tilespmem:$0x1E080] =	vst v63  }
0x86: {  	_ = 	snop  }
0x87: {  	[tilespmem:s9], [sflag:$0x2] =	stream.indirect.gather [hbm4b:s4+s7], $0x80, s8, s7, $0xb8;
	[tilespmem:$0x1E080] =	vst v63  }
0x88: {  	_ = 	snop  }
0x89: {  	[tilespmem:s11], [sflag:$0x3] =	stream.indirect.gather [hbm4b:s4+s7], $0x80, s10, s7, $0xb8;
	[tilespmem:$0x1E080] =	vst v63  }
0x8a: {  	_ = 	snop  }
0x8b: {  	[tilespmem:s13], [sflag:$0x4] =	stream.indirect.gather [hbm4b:s4+s7], $0x80, s12, s7, $0xb8;
	[tilespmem:$0x1E080] =	vst v63  }
0x8c: {  	_ =	swait.ge [sflag:s14], $0x2000  }
0x8d: {  	[sflag:s14] =	ssyncset.done $0x0  }
0x8e: {  	s28 =	simm.s32 $0x1400;
	[sflag:s14] =	ssyncadd.s32 $0xFFFFE000  }
0x8f: {  	[spmem:s1] =	stream.indirect.scatter.add.f32 [tilespmem:s31], [sflag:$0x5], $0x80, s28, s7, $0xb8;
	[tilespmem:$0x1E080] =	vst v63  }
0x90: {  	_ =	swait.ge [sflag:s15], $0x2000  }
0x91: {  	[sflag:s15] =	ssyncset.done $0x0  }
0x92: {  	s26 =	simm.s32 $0x1480;
	[sflag:s15] =	ssyncadd.s32 $0xFFFFE000  }
0x93: {  	[spmem:s1] =	stream.indirect.scatter.add.f32 [tilespmem:s9], [sflag:$0x6], $0x80, s26, s7, $0xb8;
	[tilespmem:$0x1E080] =	vst v63  }
0x94: {  	_ =	swait.ge [sflag:s16], $0x2000  }
0x95: {  	[sflag:s16] =	ssyncset.done $0x0  }
0x96: {  	s28 =	simm.s32 $0x1500;
	[sflag:s16] =	ssyncadd.s32 $0xFFFFE000  }
0x97: {  	[spmem:s1] =	stream.indirect.scatter.add.f32 [tilespmem:s11], [sflag:$0x7], $0x80, s28, s7, $0xb8;
	[tilespmem:$0x1E080] =	vst v63  }
0x98: {  	_ =	swait.ge [sflag:s17], $0x2000  }
0x99: {  	[sflag:s17] =	ssyncset.done $0x0  }
0x9a: {  	s26 =	simm.s32 $0x1580;
	[sflag:s17] =	ssyncadd.s32 $0xFFFFE000  }
0x9b: {  	[spmem:s1] =	stream.indirect.scatter.add.f32 [tilespmem:s13], [sflag:$0x8], $0x80, s26, s7, $0xb8;
	[tilespmem:$0x1E080] =	vst v63  }
0x9c: {  	_ =	swait.ge [sflag:s0], $0x2000  }
0x9d: {  	[sflag:s0] =	ssyncset.done $0x0  }
0x9e: {  	s28 =	simm.s32 $0x200;
	[sflag:s0] =	ssyncadd.s32 $0xFFFFE000  }
0x9f: {  	[tilespmem:s31], [sflag:$0x1] =	stream.indirect.gather [hbm4b:s4+s7], $0x80, s28, s7, $0xb8;
	[tilespmem:$0x1E080] =	vst v63  }
0xa0: {  	_ =	swait.ge [sflag:s18], $0x2000  }
0xa1: {  	[sflag:s18] =	ssyncset.done $0x0  }
0xa2: {  	s26 =	simm.s32 $0x280;
	[sflag:s18] =	ssyncadd.s32 $0xFFFFE000  }
0xa3: {  	[tilespmem:s9], [sflag:$0x2] =	stream.indirect.gather [hbm4b:s4+s7], $0x80, s26, s7, $0xb8;
	[tilespmem:$0x1E080] =	vst v63  }
0xa4: {  	_ =	swait.ge [sflag:s19], $0x2000  }
0xa5: {  	[sflag:s19] =	ssyncset.done $0x0  }
0xa6: {  	s28 =	simm.s32 $0x300;
	[sflag:s19] =	ssyncadd.s32 $0xFFFFE000  }
0xa7: {  	[tilespmem:s11], [sflag:$0x3] =	stream.indirect.gather [hbm4b:s4+s7], $0x80, s28, s7, $0xb8;
	[tilespmem:$0x1E080] =	vst v63  }
0xa8: {  	_ =	swait.ge [sflag:s20], $0x2000  }
0xa9: {  	[sflag:s20] =	ssyncset.done $0x0  }
0xaa: {  	s25 =	simm.s32 $0x800;
	s26 =	simm.s32 $0x380;
	[sflag:s20] =	ssyncadd.s32 $0xFFFFE000  }
.LBB2_4:
0xab: {  	[tilespmem:s13], [sflag:$0x4] =	stream.indirect.gather [hbm4b:s4+s7], $0x80, s26, s7, $0xb8;
	[tilespmem:$0x1E080] =	vst v63  }
0xac: {  	s26 =	smov.u32 s25  }
0xad: {  	p1 =	sne.s32 s25, $0x4000;
	s25 =	sadd.s32 $0x800, s25;
	_ =	swait.ge [sflag:s14], $0x2000  }
0xae: {  	s26 =	sshra.s32 s26, $0x2;
	[sflag:s14] =	ssyncset.done $0x0  }
0xaf: {  	s28 =	sadd.s32 $0x1400, s26;
	[sflag:s14] =	ssyncadd.s32 $0xFFFFE000  }
0xb0: {  	[spmem:s1] =	stream.indirect.scatter.add.f32 [tilespmem:s31], [sflag:$0x5], $0x80, s28, s7, $0xb8;
	[tilespmem:$0x1E080] =	vst v63  }
0xb1: {  	_ =	swait.ge [sflag:s15], $0x2000  }
0xb2: {  	[sflag:s15] =	ssyncset.done $0x0  }
0xb3: {  	s28 =	sadd.s32 $0x1480, s26;
	[sflag:s15] =	ssyncadd.s32 $0xFFFFE000  }
0xb4: {  	[spmem:s1] =	stream.indirect.scatter.add.f32 [tilespmem:s9], [sflag:$0x6], $0x80, s28, s7, $0xb8;
	[tilespmem:$0x1E080] =	vst v63  }
0xb5: {  	_ =	swait.ge [sflag:s16], $0x2000  }
0xb6: {  	[sflag:s16] =	ssyncset.done $0x0  }
0xb7: {  	s28 =	sadd.s32 $0x1500, s26;
	[sflag:s16] =	ssyncadd.s32 $0xFFFFE000  }
0xb8: {  	[spmem:s1] =	stream.indirect.scatter.add.f32 [tilespmem:s11], [sflag:$0x7], $0x80, s28, s7, $0xb8;
	[tilespmem:$0x1E080] =	vst v63  }
0xb9: {  	_ =	swait.ge [sflag:s17], $0x2000  }
0xba: {  	[sflag:s17] =	ssyncset.done $0x0  }
0xbb: {  	s28 =	sadd.s32 $0x1580, s26;
	[sflag:s17] =	ssyncadd.s32 $0xFFFFE000  }
0xbc: {  	[spmem:s1] =	stream.indirect.scatter.add.f32 [tilespmem:s13], [sflag:$0x8], $0x80, s28, s7, $0xb8;
	[tilespmem:$0x1E080] =	vst v63  }
0xbd: {  	_ =	swait.ge [sflag:s0], $0x2000  }
0xbe: {  	[sflag:s0] =	ssyncset.done $0x0  }
0xbf: {  	s28 =	sadd.s32 $0x200, s26;
	[sflag:s0] =	ssyncadd.s32 $0xFFFFE000  }
0xc0: {  	[tilespmem:s31], [sflag:$0x1] =	stream.indirect.gather [hbm4b:s4+s7], $0x80, s28, s7, $0xb8;
	[tilespmem:$0x1E080] =	vst v63  }
0xc1: {  	_ =	swait.ge [sflag:s18], $0x2000  }
0xc2: {  	[sflag:s18] =	ssyncset.done $0x0  }
0xc3: {  	s28 =	sadd.s32 $0x280, s26;
	[sflag:s18] =	ssyncadd.s32 $0xFFFFE000  }
0xc4: {  	[tilespmem:s9], [sflag:$0x2] =	stream.indirect.gather [hbm4b:s4+s7], $0x80, s28, s7, $0xb8;
	[tilespmem:$0x1E080] =	vst v63  }
0xc5: {  	_ =	swait.ge [sflag:s19], $0x2000  }
0xc6: {  	[sflag:s19] =	ssyncset.done $0x0  }
.Ltmp1:
0xc7: {  	s28 =	sadd.s32 $0x300, s26;
	[sflag:s19] =	ssyncadd.s32 $0xFFFFE000;
	(pc) =	sbr.rel @p1 .LBB2_4-.Ltmp1, $4  }
0xc8: {  	[tilespmem:s11], [sflag:$0x3] =	stream.indirect.gather [hbm4b:s4+s7], $0x80, s28, s7, $0xb8;
	[tilespmem:$0x1E080] =	vst v63  }
0xc9: {  	_ =	swait.ge [sflag:s20], $0x2000  }
0xca: {  	[sflag:s20] =	ssyncset.done $0x0  }
0xcb: {  	s26 =	sadd.s32 $0x380, s26;
	[sflag:s20] =	ssyncadd.s32 $0xFFFFE000  }
0xcc: {  	[tilespmem:s13], [sflag:$0x4] =	stream.indirect.gather [hbm4b:s4+s7], $0x80, s26, s7, $0xb8;
	[tilespmem:$0x1E080] =	vst v63  }
0xcd: {  	_ =	swait.ge [sflag:s14], $0x2000  }
0xce: {  	[sflag:s14] =	ssyncset.done $0x0  }
0xcf: {  	[sflag:s14] =	ssyncadd.s32 $0xFFFFE000  }
0xd0: {  	[spmem:s1] =	stream.indirect.scatter.add.f32 [tilespmem:s31], [sflag:$0x5], $0x80, s21, s7, $0xb8;
	[tilespmem:$0x1E080] =	vst v63  }
0xd1: {  	_ =	swait.ge [sflag:s15], $0x2000  }
0xd2: {  	[sflag:s15] =	ssyncset.done $0x0  }
0xd3: {  	[sflag:s15] =	ssyncadd.s32 $0xFFFFE000  }
0xd4: {  	[spmem:s1] =	stream.indirect.scatter.add.f32 [tilespmem:s9], [sflag:$0x6], $0x80, s22, s7, $0xb8;
	[tilespmem:$0x1E080] =	vst v63  }
0xd5: {  	_ =	swait.ge [sflag:s16], $0x2000  }
0xd6: {  	[sflag:s16] =	ssyncset.done $0x0  }
0xd7: {  	[sflag:s16] =	ssyncadd.s32 $0xFFFFE000  }
0xd8: {  	[spmem:s1] =	stream.indirect.scatter.add.f32 [tilespmem:s11], [sflag:$0x7], $0x80, s23, s7, $0xb8;
	[tilespmem:$0x1E080] =	vst v63  }
0xd9: {  	_ =	swait.ge [sflag:s17], $0x2000  }
0xda: {  	[sflag:s17] =	ssyncset.done $0x0  }
0xdb: {  	[sflag:s17] =	ssyncadd.s32 $0xFFFFE000  }
0xdc: {  	[spmem:s1] =	stream.indirect.scatter.add.f32 [tilespmem:s13], [sflag:$0x8], $0x80, s24, s7, $0xb8;
	[tilespmem:$0x1E080] =	vst v63  }
0xdd: {  	_ =	swait.ge [sflag:s0], $0x2000  }
0xde: {  	[sflag:s0] =	ssyncset.done $0x0  }
0xdf: {  	[sflag:s0] =	ssyncadd.s32 $0xFFFFE000  }
0xe0: {  	_ =	swait.ge [sflag:s18], $0x2000  }
0xe1: {  	[sflag:s18] =	ssyncset.done $0x0  }
0xe2: {  	[sflag:s18] =	ssyncadd.s32 $0xFFFFE000  }
0xe3: {  	_ =	swait.ge [sflag:s19], $0x2000  }
0xe4: {  	[sflag:s19] =	ssyncset.done $0x0  }
0xe5: {  	[sflag:s19] =	ssyncadd.s32 $0xFFFFE000  }
0xe6: {  	_ =	swait.ge [sflag:s20], $0x2000  }
0xe7: {  	[sflag:s20] =	ssyncset.done $0x0  }
0xe8: {  	s25 =	simm.s32 $0x0;
	s28 =	rddreg [dreg:$0xc];
	[sflag:s20] =	ssyncadd.s32 $0xFFFFE000  }
0xe9: {  	[tilespmem:s25], [sflag:$0x9] =	stream.linear.gather [hbm4b:s28+s25], $0x1400, $0x38;
	[tilespmem:$0x1E080] =	vst v63  }
0xea: {  	_ =	swait.ge [sflag:s2], $0x1400  }
0xeb: {  	[sflag:s2] =	ssyncset.done $0x0  }
0xec: {  	s28 =	rddreg [dreg:$0xd];
	[sflag:s2] =	ssyncadd.s32 $0xFFFFEC00  }
0xed: {  	[tilespmem:s6], [sflag:$0x9] =	stream.linear.gather [hbm4b:s28+s25], $0x1400, $0x38;
	[tilespmem:$0x1E080] =	vst v63  }
0xee: {  	_ =	swait.ge [sflag:s2], $0x1400  }
0xef: {  	[sflag:s2] =	ssyncset.done $0x0  }
0xf0: {  	[sflag:s2] =	ssyncadd.s32 $0xFFFFEC00  }
0xf1: {  	[tilespmem:s31], [sflag:$0x1] =	stream.indirect.gather [hbm4b:s4+s7], $0x80, s25, s7, $0xb8;
	[tilespmem:$0x1E080] =	vst v63  }
0xf2: {  	_ = 	snop  }
0xf3: {  	[tilespmem:s9], [sflag:$0x2] =	stream.indirect.gather [hbm4b:s4+s7], $0x80, s8, s7, $0xb8;
	[tilespmem:$0x1E080] =	vst v63  }
0xf4: {  	_ = 	snop  }
0xf5: {  	[tilespmem:s11], [sflag:$0x3] =	stream.indirect.gather [hbm4b:s4+s7], $0x80, s10, s7, $0xb8;
	[tilespmem:$0x1E080] =	vst v63  }
0xf6: {  	_ = 	snop  }
0xf7: {  	[tilespmem:s13], [sflag:$0x4] =	stream.indirect.gather [hbm4b:s4+s7], $0x80, s12, s7, $0xb8;
	[tilespmem:$0x1E080] =	vst v63  }
0xf8: {  	_ =	swait.ge [sflag:s14], $0x2000  }
0xf9: {  	[sflag:s14] =	ssyncset.done $0x0  }
0xfa: {  	s28 =	simm.s32 $0x1400;
	[sflag:s14] =	ssyncadd.s32 $0xFFFFE000  }
0xfb: {  	[spmem:s1] =	stream.indirect.scatter.add.f32 [tilespmem:s31], [sflag:$0x5], $0x80, s28, s7, $0xb8;
	[tilespmem:$0x1E080] =	vst v63  }
0xfc: {  	_ =	swait.ge [sflag:s15], $0x2000  }
0xfd: {  	[sflag:s15] =	ssyncset.done $0x0  }
0xfe: {  	s26 =	simm.s32 $0x1480;
	[sflag:s15] =	ssyncadd.s32 $0xFFFFE000  }
0xff: {  	[spmem:s1] =	stream.indirect.scatter.add.f32 [tilespmem:s9], [sflag:$0x6], $0x80, s26, s7, $0xb8;
	[tilespmem:$0x1E080] =	vst v63  }
0x100: {  	_ =	swait.ge [sflag:s16], $0x2000  }
0x101: {  	[sflag:s16] =	ssyncset.done $0x0  }
0x102: {  	s28 =	simm.s32 $0x1500;
	[sflag:s16] =	ssyncadd.s32 $0xFFFFE000  }
0x103: {  	[spmem:s1] =	stream.indirect.scatter.add.f32 [tilespmem:s11], [sflag:$0x7], $0x80, s28, s7, $0xb8;
	[tilespmem:$0x1E080] =	vst v63  }
0x104: {  	_ =	swait.ge [sflag:s17], $0x2000  }
0x105: {  	[sflag:s17] =	ssyncset.done $0x0  }
0x106: {  	s26 =	simm.s32 $0x1580;
	[sflag:s17] =	ssyncadd.s32 $0xFFFFE000  }
0x107: {  	[spmem:s1] =	stream.indirect.scatter.add.f32 [tilespmem:s13], [sflag:$0x8], $0x80, s26, s7, $0xb8;
	[tilespmem:$0x1E080] =	vst v63  }
0x108: {  	_ =	swait.ge [sflag:s0], $0x2000  }
0x109: {  	[sflag:s0] =	ssyncset.done $0x0  }
0x10a: {  	s28 =	simm.s32 $0x200;
	[sflag:s0] =	ssyncadd.s32 $0xFFFFE000  }
0x10b: {  	[tilespmem:s31], [sflag:$0x1] =	stream.indirect.gather [hbm4b:s4+s7], $0x80, s28, s7, $0xb8;
	[tilespmem:$0x1E080] =	vst v63  }
0x10c: {  	_ =	swait.ge [sflag:s18], $0x2000  }
0x10d: {  	[sflag:s18] =	ssyncset.done $0x0  }
0x10e: {  	s26 =	simm.s32 $0x280;
	[sflag:s18] =	ssyncadd.s32 $0xFFFFE000  }
0x10f: {  	[tilespmem:s9], [sflag:$0x2] =	stream.indirect.gather [hbm4b:s4+s7], $0x80, s26, s7, $0xb8;
	[tilespmem:$0x1E080] =	vst v63  }
0x110: {  	_ =	swait.ge [sflag:s19], $0x2000  }
0x111: {  	[sflag:s19] =	ssyncset.done $0x0  }
0x112: {  	s28 =	simm.s32 $0x300;
	[sflag:s19] =	ssyncadd.s32 $0xFFFFE000  }
0x113: {  	[tilespmem:s11], [sflag:$0x3] =	stream.indirect.gather [hbm4b:s4+s7], $0x80, s28, s7, $0xb8;
	[tilespmem:$0x1E080] =	vst v63  }
0x114: {  	_ =	swait.ge [sflag:s20], $0x2000  }
0x115: {  	[sflag:s20] =	ssyncset.done $0x0  }
0x116: {  	s25 =	simm.s32 $0x800;
	s26 =	simm.s32 $0x380;
	[sflag:s20] =	ssyncadd.s32 $0xFFFFE000  }
.LBB2_6:
0x117: {  	[tilespmem:s13], [sflag:$0x4] =	stream.indirect.gather [hbm4b:s4+s7], $0x80, s26, s7, $0xb8;
	[tilespmem:$0x1E080] =	vst v63  }
0x118: {  	s26 =	smov.u32 s25  }
0x119: {  	p1 =	sne.s32 s25, $0x4000;
	s25 =	sadd.s32 $0x800, s25;
	_ =	swait.ge [sflag:s14], $0x2000  }
0x11a: {  	s26 =	sshra.s32 s26, $0x2;
	[sflag:s14] =	ssyncset.done $0x0  }
0x11b: {  	s28 =	sadd.s32 $0x1400, s26;
	[sflag:s14] =	ssyncadd.s32 $0xFFFFE000  }
0x11c: {  	[spmem:s1] =	stream.indirect.scatter.add.f32 [tilespmem:s31], [sflag:$0x5], $0x80, s28, s7, $0xb8;
	[tilespmem:$0x1E080] =	vst v63  }
0x11d: {  	_ =	swait.ge [sflag:s15], $0x2000  }
0x11e: {  	[sflag:s15] =	ssyncset.done $0x0  }
0x11f: {  	s28 =	sadd.s32 $0x1480, s26;
	[sflag:s15] =	ssyncadd.s32 $0xFFFFE000  }
0x120: {  	[spmem:s1] =	stream.indirect.scatter.add.f32 [tilespmem:s9], [sflag:$0x6], $0x80, s28, s7, $0xb8;
	[tilespmem:$0x1E080] =	vst v63  }
0x121: {  	_ =	swait.ge [sflag:s16], $0x2000  }
0x122: {  	[sflag:s16] =	ssyncset.done $0x0  }
0x123: {  	s28 =	sadd.s32 $0x1500, s26;
	[sflag:s16] =	ssyncadd.s32 $0xFFFFE000  }
0x124: {  	[spmem:s1] =	stream.indirect.scatter.add.f32 [tilespmem:s11], [sflag:$0x7], $0x80, s28, s7, $0xb8;
	[tilespmem:$0x1E080] =	vst v63  }
0x125: {  	_ =	swait.ge [sflag:s17], $0x2000  }
0x126: {  	[sflag:s17] =	ssyncset.done $0x0  }
0x127: {  	s28 =	sadd.s32 $0x1580, s26;
	[sflag:s17] =	ssyncadd.s32 $0xFFFFE000  }
0x128: {  	[spmem:s1] =	stream.indirect.scatter.add.f32 [tilespmem:s13], [sflag:$0x8], $0x80, s28, s7, $0xb8;
	[tilespmem:$0x1E080] =	vst v63  }
0x129: {  	_ =	swait.ge [sflag:s0], $0x2000  }
0x12a: {  	[sflag:s0] =	ssyncset.done $0x0  }
0x12b: {  	s28 =	sadd.s32 $0x200, s26;
	[sflag:s0] =	ssyncadd.s32 $0xFFFFE000  }
0x12c: {  	[tilespmem:s31], [sflag:$0x1] =	stream.indirect.gather [hbm4b:s4+s7], $0x80, s28, s7, $0xb8;
	[tilespmem:$0x1E080] =	vst v63  }
0x12d: {  	_ =	swait.ge [sflag:s18], $0x2000  }
0x12e: {  	[sflag:s18] =	ssyncset.done $0x0  }
0x12f: {  	s28 =	sadd.s32 $0x280, s26;
	[sflag:s18] =	ssyncadd.s32 $0xFFFFE000  }
0x130: {  	[tilespmem:s9], [sflag:$0x2] =	stream.indirect.gather [hbm4b:s4+s7], $0x80, s28, s7, $0xb8;
	[tilespmem:$0x1E080] =	vst v63  }
0x131: {  	_ =	swait.ge [sflag:s19], $0x2000  }
0x132: {  	[sflag:s19] =	ssyncset.done $0x0  }
.Ltmp2:
0x133: {  	s28 =	sadd.s32 $0x300, s26;
	[sflag:s19] =	ssyncadd.s32 $0xFFFFE000;
	(pc) =	sbr.rel @p1 .LBB2_6-.Ltmp2, $4  }
0x134: {  	[tilespmem:s11], [sflag:$0x3] =	stream.indirect.gather [hbm4b:s4+s7], $0x80, s28, s7, $0xb8;
	[tilespmem:$0x1E080] =	vst v63  }
0x135: {  	_ =	swait.ge [sflag:s20], $0x2000  }
0x136: {  	[sflag:s20] =	ssyncset.done $0x0  }
0x137: {  	s26 =	sadd.s32 $0x380, s26;
	[sflag:s20] =	ssyncadd.s32 $0xFFFFE000  }
0x138: {  	[tilespmem:s13], [sflag:$0x4] =	stream.indirect.gather [hbm4b:s4+s7], $0x80, s26, s7, $0xb8;
	[tilespmem:$0x1E080] =	vst v63  }
0x139: {  	_ =	swait.ge [sflag:s14], $0x2000  }
0x13a: {  	[sflag:s14] =	ssyncset.done $0x0  }
0x13b: {  	[sflag:s14] =	ssyncadd.s32 $0xFFFFE000  }
0x13c: {  	[spmem:s1] =	stream.indirect.scatter.add.f32 [tilespmem:s31], [sflag:$0x5], $0x80, s21, s7, $0xb8;
	[tilespmem:$0x1E080] =	vst v63  }
0x13d: {  	_ =	swait.ge [sflag:s15], $0x2000  }
0x13e: {  	[sflag:s15] =	ssyncset.done $0x0  }
0x13f: {  	[sflag:s15] =	ssyncadd.s32 $0xFFFFE000  }
0x140: {  	[spmem:s1] =	stream.indirect.scatter.add.f32 [tilespmem:s9], [sflag:$0x6], $0x80, s22, s7, $0xb8;
	[tilespmem:$0x1E080] =	vst v63  }
0x141: {  	_ =	swait.ge [sflag:s16], $0x2000  }
0x142: {  	[sflag:s16] =	ssyncset.done $0x0  }
0x143: {  	[sflag:s16] =	ssyncadd.s32 $0xFFFFE000  }
0x144: {  	[spmem:s1] =	stream.indirect.scatter.add.f32 [tilespmem:s11], [sflag:$0x7], $0x80, s23, s7, $0xb8;
	[tilespmem:$0x1E080] =	vst v63  }
0x145: {  	_ =	swait.ge [sflag:s17], $0x2000  }
0x146: {  	[sflag:s17] =	ssyncset.done $0x0  }
0x147: {  	[sflag:s17] =	ssyncadd.s32 $0xFFFFE000  }
0x148: {  	[spmem:s1] =	stream.indirect.scatter.add.f32 [tilespmem:s13], [sflag:$0x8], $0x80, s24, s7, $0xb8;
	[tilespmem:$0x1E080] =	vst v63  }
0x149: {  	_ =	swait.ge [sflag:s0], $0x2000  }
0x14a: {  	[sflag:s0] =	ssyncset.done $0x0  }
0x14b: {  	[sflag:s0] =	ssyncadd.s32 $0xFFFFE000  }
0x14c: {  	_ =	swait.ge [sflag:s18], $0x2000  }
0x14d: {  	[sflag:s18] =	ssyncset.done $0x0  }
0x14e: {  	[sflag:s18] =	ssyncadd.s32 $0xFFFFE000  }
0x14f: {  	_ =	swait.ge [sflag:s19], $0x2000  }
0x150: {  	[sflag:s19] =	ssyncset.done $0x0  }
0x151: {  	[sflag:s19] =	ssyncadd.s32 $0xFFFFE000  }
0x152: {  	_ =	swait.ge [sflag:s20], $0x2000  }
0x153: {  	[sflag:s20] =	ssyncset.done $0x0  }
0x154: {  	s25 =	simm.s32 $0x0;
	s28 =	rddreg [dreg:$0xe];
	[sflag:s20] =	ssyncadd.s32 $0xFFFFE000  }
0x155: {  	[tilespmem:s25], [sflag:$0x9] =	stream.linear.gather [hbm4b:s28+s25], $0x1400, $0x38;
	[tilespmem:$0x1E080] =	vst v63  }
0x156: {  	_ =	swait.ge [sflag:s2], $0x1400  }
0x157: {  	[sflag:s2] =	ssyncset.done $0x0  }
0x158: {  	s28 =	rddreg [dreg:$0xf];
	[sflag:s2] =	ssyncadd.s32 $0xFFFFEC00  }
0x159: {  	[tilespmem:s6], [sflag:$0x9] =	stream.linear.gather [hbm4b:s28+s25], $0x1400, $0x38;
	[tilespmem:$0x1E080] =	vst v63  }
0x15a: {  	_ =	swait.ge [sflag:s2], $0x1400  }
0x15b: {  	[sflag:s2] =	ssyncset.done $0x0  }
0x15c: {  	[sflag:s2] =	ssyncadd.s32 $0xFFFFEC00  }
0x15d: {  	[tilespmem:s31], [sflag:$0x1] =	stream.indirect.gather [hbm4b:s4+s7], $0x80, s25, s7, $0xb8;
	[tilespmem:$0x1E080] =	vst v63  }
0x15e: {  	_ = 	snop  }
0x15f: {  	[tilespmem:s9], [sflag:$0x2] =	stream.indirect.gather [hbm4b:s4+s7], $0x80, s8, s7, $0xb8;
	[tilespmem:$0x1E080] =	vst v63  }
0x160: {  	_ = 	snop  }
0x161: {  	[tilespmem:s11], [sflag:$0x3] =	stream.indirect.gather [hbm4b:s4+s7], $0x80, s10, s7, $0xb8;
	[tilespmem:$0x1E080] =	vst v63  }
0x162: {  	_ = 	snop  }
0x163: {  	[tilespmem:s13], [sflag:$0x4] =	stream.indirect.gather [hbm4b:s4+s7], $0x80, s12, s7, $0xb8;
	[tilespmem:$0x1E080] =	vst v63  }
0x164: {  	_ =	swait.ge [sflag:s14], $0x2000  }
0x165: {  	[sflag:s14] =	ssyncset.done $0x0  }
0x166: {  	s28 =	simm.s32 $0x1400;
	[sflag:s14] =	ssyncadd.s32 $0xFFFFE000  }
0x167: {  	[spmem:s1] =	stream.indirect.scatter.add.f32 [tilespmem:s31], [sflag:$0x5], $0x80, s28, s7, $0xb8;
	[tilespmem:$0x1E080] =	vst v63  }
0x168: {  	_ =	swait.ge [sflag:s15], $0x2000  }
0x169: {  	[sflag:s15] =	ssyncset.done $0x0  }
0x16a: {  	s26 =	simm.s32 $0x1480;
	[sflag:s15] =	ssyncadd.s32 $0xFFFFE000  }
0x16b: {  	[spmem:s1] =	stream.indirect.scatter.add.f32 [tilespmem:s9], [sflag:$0x6], $0x80, s26, s7, $0xb8;
	[tilespmem:$0x1E080] =	vst v63  }
0x16c: {  	_ =	swait.ge [sflag:s16], $0x2000  }
0x16d: {  	[sflag:s16] =	ssyncset.done $0x0  }
0x16e: {  	s28 =	simm.s32 $0x1500;
	[sflag:s16] =	ssyncadd.s32 $0xFFFFE000  }
0x16f: {  	[spmem:s1] =	stream.indirect.scatter.add.f32 [tilespmem:s11], [sflag:$0x7], $0x80, s28, s7, $0xb8;
	[tilespmem:$0x1E080] =	vst v63  }
0x170: {  	_ =	swait.ge [sflag:s17], $0x2000  }
0x171: {  	[sflag:s17] =	ssyncset.done $0x0  }
0x172: {  	s26 =	simm.s32 $0x1580;
	[sflag:s17] =	ssyncadd.s32 $0xFFFFE000  }
0x173: {  	[spmem:s1] =	stream.indirect.scatter.add.f32 [tilespmem:s13], [sflag:$0x8], $0x80, s26, s7, $0xb8;
	[tilespmem:$0x1E080] =	vst v63  }
0x174: {  	_ =	swait.ge [sflag:s0], $0x2000  }
0x175: {  	[sflag:s0] =	ssyncset.done $0x0  }
0x176: {  	s28 =	simm.s32 $0x200;
	[sflag:s0] =	ssyncadd.s32 $0xFFFFE000  }
0x177: {  	[tilespmem:s31], [sflag:$0x1] =	stream.indirect.gather [hbm4b:s4+s7], $0x80, s28, s7, $0xb8;
	[tilespmem:$0x1E080] =	vst v63  }
0x178: {  	_ =	swait.ge [sflag:s18], $0x2000  }
0x179: {  	[sflag:s18] =	ssyncset.done $0x0  }
0x17a: {  	s26 =	simm.s32 $0x280;
	[sflag:s18] =	ssyncadd.s32 $0xFFFFE000  }
0x17b: {  	[tilespmem:s9], [sflag:$0x2] =	stream.indirect.gather [hbm4b:s4+s7], $0x80, s26, s7, $0xb8;
	[tilespmem:$0x1E080] =	vst v63  }
0x17c: {  	_ =	swait.ge [sflag:s19], $0x2000  }
0x17d: {  	[sflag:s19] =	ssyncset.done $0x0  }
0x17e: {  	s28 =	simm.s32 $0x300;
	[sflag:s19] =	ssyncadd.s32 $0xFFFFE000  }
0x17f: {  	[tilespmem:s11], [sflag:$0x3] =	stream.indirect.gather [hbm4b:s4+s7], $0x80, s28, s7, $0xb8;
	[tilespmem:$0x1E080] =	vst v63  }
0x180: {  	_ =	swait.ge [sflag:s20], $0x2000  }
0x181: {  	[sflag:s20] =	ssyncset.done $0x0  }
0x182: {  	s25 =	simm.s32 $0x800;
	s26 =	simm.s32 $0x380;
	[sflag:s20] =	ssyncadd.s32 $0xFFFFE000  }
.LBB2_8:
0x183: {  	[tilespmem:s13], [sflag:$0x4] =	stream.indirect.gather [hbm4b:s4+s7], $0x80, s26, s7, $0xb8;
	[tilespmem:$0x1E080] =	vst v63  }
0x184: {  	s26 =	smov.u32 s25  }
0x185: {  	p1 =	sne.s32 s25, $0x4000;
	s25 =	sadd.s32 $0x800, s25;
	_ =	swait.ge [sflag:s14], $0x2000  }
0x186: {  	s26 =	sshra.s32 s26, $0x2;
	[sflag:s14] =	ssyncset.done $0x0  }
0x187: {  	s28 =	sadd.s32 $0x1400, s26;
	[sflag:s14] =	ssyncadd.s32 $0xFFFFE000  }
0x188: {  	[spmem:s1] =	stream.indirect.scatter.add.f32 [tilespmem:s31], [sflag:$0x5], $0x80, s28, s7, $0xb8;
	[tilespmem:$0x1E080] =	vst v63  }
0x189: {  	_ =	swait.ge [sflag:s15], $0x2000  }
0x18a: {  	[sflag:s15] =	ssyncset.done $0x0  }
0x18b: {  	s28 =	sadd.s32 $0x1480, s26;
	[sflag:s15] =	ssyncadd.s32 $0xFFFFE000  }
0x18c: {  	[spmem:s1] =	stream.indirect.scatter.add.f32 [tilespmem:s9], [sflag:$0x6], $0x80, s28, s7, $0xb8;
	[tilespmem:$0x1E080] =	vst v63  }
0x18d: {  	_ =	swait.ge [sflag:s16], $0x2000  }
0x18e: {  	[sflag:s16] =	ssyncset.done $0x0  }
0x18f: {  	s28 =	sadd.s32 $0x1500, s26;
	[sflag:s16] =	ssyncadd.s32 $0xFFFFE000  }
0x190: {  	[spmem:s1] =	stream.indirect.scatter.add.f32 [tilespmem:s11], [sflag:$0x7], $0x80, s28, s7, $0xb8;
	[tilespmem:$0x1E080] =	vst v63  }
0x191: {  	_ =	swait.ge [sflag:s17], $0x2000  }
0x192: {  	[sflag:s17] =	ssyncset.done $0x0  }
0x193: {  	s28 =	sadd.s32 $0x1580, s26;
	[sflag:s17] =	ssyncadd.s32 $0xFFFFE000  }
0x194: {  	[spmem:s1] =	stream.indirect.scatter.add.f32 [tilespmem:s13], [sflag:$0x8], $0x80, s28, s7, $0xb8;
	[tilespmem:$0x1E080] =	vst v63  }
0x195: {  	_ =	swait.ge [sflag:s0], $0x2000  }
0x196: {  	[sflag:s0] =	ssyncset.done $0x0  }
0x197: {  	s28 =	sadd.s32 $0x200, s26;
	[sflag:s0] =	ssyncadd.s32 $0xFFFFE000  }
0x198: {  	[tilespmem:s31], [sflag:$0x1] =	stream.indirect.gather [hbm4b:s4+s7], $0x80, s28, s7, $0xb8;
	[tilespmem:$0x1E080] =	vst v63  }
0x199: {  	_ =	swait.ge [sflag:s18], $0x2000  }
0x19a: {  	[sflag:s18] =	ssyncset.done $0x0  }
0x19b: {  	s28 =	sadd.s32 $0x280, s26;
	[sflag:s18] =	ssyncadd.s32 $0xFFFFE000  }
0x19c: {  	[tilespmem:s9], [sflag:$0x2] =	stream.indirect.gather [hbm4b:s4+s7], $0x80, s28, s7, $0xb8;
	[tilespmem:$0x1E080] =	vst v63  }
0x19d: {  	_ =	swait.ge [sflag:s19], $0x2000  }
0x19e: {  	[sflag:s19] =	ssyncset.done $0x0  }
.Ltmp3:
0x19f: {  	s28 =	sadd.s32 $0x300, s26;
	[sflag:s19] =	ssyncadd.s32 $0xFFFFE000;
	(pc) =	sbr.rel @p1 .LBB2_8-.Ltmp3, $4  }
0x1a0: {  	[tilespmem:s11], [sflag:$0x3] =	stream.indirect.gather [hbm4b:s4+s7], $0x80, s28, s7, $0xb8;
	[tilespmem:$0x1E080] =	vst v63  }
0x1a1: {  	_ =	swait.ge [sflag:s20], $0x2000  }
0x1a2: {  	[sflag:s20] =	ssyncset.done $0x0  }
0x1a3: {  	s26 =	sadd.s32 $0x380, s26;
	[sflag:s20] =	ssyncadd.s32 $0xFFFFE000  }
0x1a4: {  	[tilespmem:s13], [sflag:$0x4] =	stream.indirect.gather [hbm4b:s4+s7], $0x80, s26, s7, $0xb8;
	[tilespmem:$0x1E080] =	vst v63  }
0x1a5: {  	_ =	swait.ge [sflag:s14], $0x2000  }
0x1a6: {  	[sflag:s14] =	ssyncset.done $0x0  }
0x1a7: {  	[sflag:s14] =	ssyncadd.s32 $0xFFFFE000  }
0x1a8: {  	[spmem:s1] =	stream.indirect.scatter.add.f32 [tilespmem:s31], [sflag:$0x5], $0x80, s21, s7, $0xb8;
	[tilespmem:$0x1E080] =	vst v63  }
0x1a9: {  	_ =	swait.ge [sflag:s15], $0x2000  }
0x1aa: {  	[sflag:s15] =	ssyncset.done $0x0  }
0x1ab: {  	[sflag:s15] =	ssyncadd.s32 $0xFFFFE000  }
0x1ac: {  	[spmem:s1] =	stream.indirect.scatter.add.f32 [tilespmem:s9], [sflag:$0x6], $0x80, s22, s7, $0xb8;
	[tilespmem:$0x1E080] =	vst v63  }
0x1ad: {  	_ =	swait.ge [sflag:s16], $0x2000  }
0x1ae: {  	[sflag:s16] =	ssyncset.done $0x0  }
0x1af: {  	[sflag:s16] =	ssyncadd.s32 $0xFFFFE000  }
0x1b0: {  	[spmem:s1] =	stream.indirect.scatter.add.f32 [tilespmem:s11], [sflag:$0x7], $0x80, s23, s7, $0xb8;
	[tilespmem:$0x1E080] =	vst v63  }
0x1b1: {  	_ =	swait.ge [sflag:s17], $0x2000  }
0x1b2: {  	[sflag:s17] =	ssyncset.done $0x0  }
0x1b3: {  	[sflag:s17] =	ssyncadd.s32 $0xFFFFE000  }
0x1b4: {  	[spmem:s1] =	stream.indirect.scatter.add.f32 [tilespmem:s13], [sflag:$0x8], $0x80, s24, s7, $0xb8;
	[tilespmem:$0x1E080] =	vst v63  }
0x1b5: {  	_ =	swait.ge [sflag:s0], $0x2000  }
0x1b6: {  	[sflag:s0] =	ssyncset.done $0x0  }
0x1b7: {  	[sflag:s0] =	ssyncadd.s32 $0xFFFFE000  }
0x1b8: {  	_ =	swait.ge [sflag:s18], $0x2000  }
0x1b9: {  	[sflag:s18] =	ssyncset.done $0x0  }
0x1ba: {  	[sflag:s18] =	ssyncadd.s32 $0xFFFFE000  }
0x1bb: {  	_ =	swait.ge [sflag:s19], $0x2000  }
0x1bc: {  	[sflag:s19] =	ssyncset.done $0x0  }
0x1bd: {  	[sflag:s19] =	ssyncadd.s32 $0xFFFFE000  }
0x1be: {  	_ =	swait.ge [sflag:s20], $0x2000  }
0x1bf: {  	[sflag:s20] =	ssyncset.done $0x0  }
0x1c0: {  	s25 =	simm.s32 $0x0;
	s28 =	rddreg [dreg:$0x10];
	[sflag:s20] =	ssyncadd.s32 $0xFFFFE000  }
0x1c1: {  	[tilespmem:s25], [sflag:$0x9] =	stream.linear.gather [hbm4b:s28+s25], $0x1400, $0x38;
	[tilespmem:$0x1E080] =	vst v63  }
0x1c2: {  	_ =	swait.ge [sflag:s2], $0x1400  }
0x1c3: {  	[sflag:s2] =	ssyncset.done $0x0  }
0x1c4: {  	s28 =	rddreg [dreg:$0x11];
	[sflag:s2] =	ssyncadd.s32 $0xFFFFEC00  }
0x1c5: {  	[tilespmem:s6], [sflag:$0x9] =	stream.linear.gather [hbm4b:s28+s25], $0x1400, $0x38;
	[tilespmem:$0x1E080] =	vst v63  }
0x1c6: {  	_ =	swait.ge [sflag:s2], $0x1400  }
0x1c7: {  	[sflag:s2] =	ssyncset.done $0x0  }
0x1c8: {  	[sflag:s2] =	ssyncadd.s32 $0xFFFFEC00  }
0x1c9: {  	[tilespmem:s31], [sflag:$0x1] =	stream.indirect.gather [hbm4b:s4+s7], $0x80, s25, s7, $0xb8;
	[tilespmem:$0x1E080] =	vst v63  }
0x1ca: {  	_ = 	snop  }
0x1cb: {  	[tilespmem:s9], [sflag:$0x2] =	stream.indirect.gather [hbm4b:s4+s7], $0x80, s8, s7, $0xb8;
	[tilespmem:$0x1E080] =	vst v63  }
0x1cc: {  	_ = 	snop  }
0x1cd: {  	[tilespmem:s11], [sflag:$0x3] =	stream.indirect.gather [hbm4b:s4+s7], $0x80, s10, s7, $0xb8;
	[tilespmem:$0x1E080] =	vst v63  }
0x1ce: {  	_ = 	snop  }
0x1cf: {  	[tilespmem:s13], [sflag:$0x4] =	stream.indirect.gather [hbm4b:s4+s7], $0x80, s12, s7, $0xb8;
	[tilespmem:$0x1E080] =	vst v63  }
0x1d0: {  	_ =	swait.ge [sflag:s14], $0x2000  }
0x1d1: {  	[sflag:s14] =	ssyncset.done $0x0  }
0x1d2: {  	s28 =	simm.s32 $0x1400;
	[sflag:s14] =	ssyncadd.s32 $0xFFFFE000  }
0x1d3: {  	[spmem:s1] =	stream.indirect.scatter.add.f32 [tilespmem:s31], [sflag:$0x5], $0x80, s28, s7, $0xb8;
	[tilespmem:$0x1E080] =	vst v63  }
0x1d4: {  	_ =	swait.ge [sflag:s15], $0x2000  }
0x1d5: {  	[sflag:s15] =	ssyncset.done $0x0  }
0x1d6: {  	s26 =	simm.s32 $0x1480;
	[sflag:s15] =	ssyncadd.s32 $0xFFFFE000  }
0x1d7: {  	[spmem:s1] =	stream.indirect.scatter.add.f32 [tilespmem:s9], [sflag:$0x6], $0x80, s26, s7, $0xb8;
	[tilespmem:$0x1E080] =	vst v63  }
0x1d8: {  	_ =	swait.ge [sflag:s16], $0x2000  }
0x1d9: {  	[sflag:s16] =	ssyncset.done $0x0  }
0x1da: {  	s28 =	simm.s32 $0x1500;
	[sflag:s16] =	ssyncadd.s32 $0xFFFFE000  }
0x1db: {  	[spmem:s1] =	stream.indirect.scatter.add.f32 [tilespmem:s11], [sflag:$0x7], $0x80, s28, s7, $0xb8;
	[tilespmem:$0x1E080] =	vst v63  }
0x1dc: {  	_ =	swait.ge [sflag:s17], $0x2000  }
0x1dd: {  	[sflag:s17] =	ssyncset.done $0x0  }
0x1de: {  	s26 =	simm.s32 $0x1580;
	[sflag:s17] =	ssyncadd.s32 $0xFFFFE000  }
0x1df: {  	[spmem:s1] =	stream.indirect.scatter.add.f32 [tilespmem:s13], [sflag:$0x8], $0x80, s26, s7, $0xb8;
	[tilespmem:$0x1E080] =	vst v63  }
0x1e0: {  	_ =	swait.ge [sflag:s0], $0x2000  }
0x1e1: {  	[sflag:s0] =	ssyncset.done $0x0  }
0x1e2: {  	s28 =	simm.s32 $0x200;
	[sflag:s0] =	ssyncadd.s32 $0xFFFFE000  }
0x1e3: {  	[tilespmem:s31], [sflag:$0x1] =	stream.indirect.gather [hbm4b:s4+s7], $0x80, s28, s7, $0xb8;
	[tilespmem:$0x1E080] =	vst v63  }
0x1e4: {  	_ =	swait.ge [sflag:s18], $0x2000  }
0x1e5: {  	[sflag:s18] =	ssyncset.done $0x0  }
0x1e6: {  	s26 =	simm.s32 $0x280;
	[sflag:s18] =	ssyncadd.s32 $0xFFFFE000  }
0x1e7: {  	[tilespmem:s9], [sflag:$0x2] =	stream.indirect.gather [hbm4b:s4+s7], $0x80, s26, s7, $0xb8;
	[tilespmem:$0x1E080] =	vst v63  }
0x1e8: {  	_ =	swait.ge [sflag:s19], $0x2000  }
0x1e9: {  	[sflag:s19] =	ssyncset.done $0x0  }
0x1ea: {  	s28 =	simm.s32 $0x300;
	[sflag:s19] =	ssyncadd.s32 $0xFFFFE000  }
0x1eb: {  	[tilespmem:s11], [sflag:$0x3] =	stream.indirect.gather [hbm4b:s4+s7], $0x80, s28, s7, $0xb8;
	[tilespmem:$0x1E080] =	vst v63  }
0x1ec: {  	_ =	swait.ge [sflag:s20], $0x2000  }
0x1ed: {  	[sflag:s20] =	ssyncset.done $0x0  }
0x1ee: {  	s25 =	simm.s32 $0x800;
	s26 =	simm.s32 $0x380;
	[sflag:s20] =	ssyncadd.s32 $0xFFFFE000  }
.LBB2_10:
0x1ef: {  	[tilespmem:s13], [sflag:$0x4] =	stream.indirect.gather [hbm4b:s4+s7], $0x80, s26, s7, $0xb8;
	[tilespmem:$0x1E080] =	vst v63  }
0x1f0: {  	s26 =	smov.u32 s25  }
0x1f1: {  	p1 =	sne.s32 s25, $0x4000;
	s25 =	sadd.s32 $0x800, s25;
	_ =	swait.ge [sflag:s14], $0x2000  }
0x1f2: {  	s26 =	sshra.s32 s26, $0x2;
	[sflag:s14] =	ssyncset.done $0x0  }
0x1f3: {  	s28 =	sadd.s32 $0x1400, s26;
	[sflag:s14] =	ssyncadd.s32 $0xFFFFE000  }
0x1f4: {  	[spmem:s1] =	stream.indirect.scatter.add.f32 [tilespmem:s31], [sflag:$0x5], $0x80, s28, s7, $0xb8;
	[tilespmem:$0x1E080] =	vst v63  }
0x1f5: {  	_ =	swait.ge [sflag:s15], $0x2000  }
0x1f6: {  	[sflag:s15] =	ssyncset.done $0x0  }
0x1f7: {  	s28 =	sadd.s32 $0x1480, s26;
	[sflag:s15] =	ssyncadd.s32 $0xFFFFE000  }
0x1f8: {  	[spmem:s1] =	stream.indirect.scatter.add.f32 [tilespmem:s9], [sflag:$0x6], $0x80, s28, s7, $0xb8;
	[tilespmem:$0x1E080] =	vst v63  }
0x1f9: {  	_ =	swait.ge [sflag:s16], $0x2000  }
0x1fa: {  	[sflag:s16] =	ssyncset.done $0x0  }
0x1fb: {  	s28 =	sadd.s32 $0x1500, s26;
	[sflag:s16] =	ssyncadd.s32 $0xFFFFE000  }
0x1fc: {  	[spmem:s1] =	stream.indirect.scatter.add.f32 [tilespmem:s11], [sflag:$0x7], $0x80, s28, s7, $0xb8;
	[tilespmem:$0x1E080] =	vst v63  }
0x1fd: {  	_ =	swait.ge [sflag:s17], $0x2000  }
0x1fe: {  	[sflag:s17] =	ssyncset.done $0x0  }
0x1ff: {  	s28 =	sadd.s32 $0x1580, s26;
	[sflag:s17] =	ssyncadd.s32 $0xFFFFE000  }
0x200: {  	[spmem:s1] =	stream.indirect.scatter.add.f32 [tilespmem:s13], [sflag:$0x8], $0x80, s28, s7, $0xb8;
	[tilespmem:$0x1E080] =	vst v63  }
0x201: {  	_ =	swait.ge [sflag:s0], $0x2000  }
0x202: {  	[sflag:s0] =	ssyncset.done $0x0  }
0x203: {  	s28 =	sadd.s32 $0x200, s26;
	[sflag:s0] =	ssyncadd.s32 $0xFFFFE000  }
0x204: {  	[tilespmem:s31], [sflag:$0x1] =	stream.indirect.gather [hbm4b:s4+s7], $0x80, s28, s7, $0xb8;
	[tilespmem:$0x1E080] =	vst v63  }
0x205: {  	_ =	swait.ge [sflag:s18], $0x2000  }
0x206: {  	[sflag:s18] =	ssyncset.done $0x0  }
0x207: {  	s28 =	sadd.s32 $0x280, s26;
	[sflag:s18] =	ssyncadd.s32 $0xFFFFE000  }
0x208: {  	[tilespmem:s9], [sflag:$0x2] =	stream.indirect.gather [hbm4b:s4+s7], $0x80, s28, s7, $0xb8;
	[tilespmem:$0x1E080] =	vst v63  }
0x209: {  	_ =	swait.ge [sflag:s19], $0x2000  }
0x20a: {  	[sflag:s19] =	ssyncset.done $0x0  }
.Ltmp4:
0x20b: {  	s28 =	sadd.s32 $0x300, s26;
	[sflag:s19] =	ssyncadd.s32 $0xFFFFE000;
	(pc) =	sbr.rel @p1 .LBB2_10-.Ltmp4, $4  }
0x20c: {  	[tilespmem:s11], [sflag:$0x3] =	stream.indirect.gather [hbm4b:s4+s7], $0x80, s28, s7, $0xb8;
	[tilespmem:$0x1E080] =	vst v63  }
0x20d: {  	_ =	swait.ge [sflag:s20], $0x2000  }
0x20e: {  	[sflag:s20] =	ssyncset.done $0x0  }
0x20f: {  	s26 =	sadd.s32 $0x380, s26;
	[sflag:s20] =	ssyncadd.s32 $0xFFFFE000  }
0x210: {  	[tilespmem:s13], [sflag:$0x4] =	stream.indirect.gather [hbm4b:s4+s7], $0x80, s26, s7, $0xb8;
	[tilespmem:$0x1E080] =	vst v63  }
0x211: {  	_ =	swait.ge [sflag:s14], $0x2000  }
0x212: {  	[sflag:s14] =	ssyncset.done $0x0  }
0x213: {  	[sflag:s14] =	ssyncadd.s32 $0xFFFFE000  }
0x214: {  	[spmem:s1] =	stream.indirect.scatter.add.f32 [tilespmem:s31], [sflag:$0x5], $0x80, s21, s7, $0xb8;
	[tilespmem:$0x1E080] =	vst v63  }
0x215: {  	_ =	swait.ge [sflag:s15], $0x2000  }
0x216: {  	[sflag:s15] =	ssyncset.done $0x0  }
0x217: {  	[sflag:s15] =	ssyncadd.s32 $0xFFFFE000  }
0x218: {  	[spmem:s1] =	stream.indirect.scatter.add.f32 [tilespmem:s9], [sflag:$0x6], $0x80, s22, s7, $0xb8;
	[tilespmem:$0x1E080] =	vst v63  }
0x219: {  	_ =	swait.ge [sflag:s16], $0x2000  }
0x21a: {  	[sflag:s16] =	ssyncset.done $0x0  }
0x21b: {  	[sflag:s16] =	ssyncadd.s32 $0xFFFFE000  }
0x21c: {  	[spmem:s1] =	stream.indirect.scatter.add.f32 [tilespmem:s11], [sflag:$0x7], $0x80, s23, s7, $0xb8;
	[tilespmem:$0x1E080] =	vst v63  }
0x21d: {  	_ =	swait.ge [sflag:s17], $0x2000  }
0x21e: {  	[sflag:s17] =	ssyncset.done $0x0  }
0x21f: {  	[sflag:s17] =	ssyncadd.s32 $0xFFFFE000  }
0x220: {  	[spmem:s1] =	stream.indirect.scatter.add.f32 [tilespmem:s13], [sflag:$0x8], $0x80, s24, s7, $0xb8;
	[tilespmem:$0x1E080] =	vst v63  }
0x221: {  	_ =	swait.ge [sflag:s0], $0x2000  }
0x222: {  	[sflag:s0] =	ssyncset.done $0x0  }
0x223: {  	[sflag:s0] =	ssyncadd.s32 $0xFFFFE000  }
0x224: {  	_ =	swait.ge [sflag:s18], $0x2000  }
0x225: {  	[sflag:s18] =	ssyncset.done $0x0  }
0x226: {  	[sflag:s18] =	ssyncadd.s32 $0xFFFFE000  }
0x227: {  	_ =	swait.ge [sflag:s19], $0x2000  }
0x228: {  	[sflag:s19] =	ssyncset.done $0x0  }
0x229: {  	[sflag:s19] =	ssyncadd.s32 $0xFFFFE000  }
0x22a: {  	_ =	swait.ge [sflag:s20], $0x2000  }
0x22b: {  	[sflag:s20] =	ssyncset.done $0x0  }
0x22c: {  	s25 =	stileid.u32;
	[sflag:s20] =	ssyncadd.s32 $0xFFFFE000  }
0x22d: {  	s25 =	sshll.u32 s25, $0x6;
	[bflag:$0x0] =	sbarrier.arrive $0xFFFF  }
0x22e: {  	s26 =	sshrl.u32 s5, $0x3;
	s25 =	sor.u32 $0x1C09, s25;
	s28 =	rddreg [dreg:$0x13]  }
0x22f: {  	[hbm:s28], [sflag:s25] =	dma.local [spmem:s26], $0x2700  }
0x230: {  	_ =	swait.ge [sflag:s2], $0x2700  }
0x231: {  	[sflag:s2] =	ssyncset.done $0x0  }
0x232: {  	s26 =	sshrl.u32 @!p0 s30, $0x3;
	s28 =	rddreg [dreg:$0x15];
	[sflag:s2] =	ssyncadd.s32 $0xFFFFD900  }
0x233: {  	[hbm:s28], [sflag:s25] =	dma.local @!p0 [spmem:s26], $0x100  }
0x234: {  	s25 =	simm.s32 @!p0 $0x9  }
0x235: {  	_ =	swait.ge @!p0 [sflag:s25], $0x100  }
0x236: {  	s3 =	sadd.s32 $0x1, s3;
	s28 =	rddreg [dreg:$0x16]  }
0x237: {  	p1 =	sne.s32 s3, s28  }
.Ltmp5:
0x238: {  	_ = 	snop;
	(pc) =	sbr.rel @p1 .LBB2_1-.Ltmp5, $3  }
0x239: {  	_ =	sdelay $0x1  }
0x23a: {  	[sflag:s25] =	ssyncset.done @!p0 $0x0  }
0x23b: {  	[sflag:s25] =	ssyncadd.s32 @!p0 $0xFFFFFF00  }
0x23c: {  	_ =	sfence.sel $0x180000  }
0x23d: {  	[bflag:$0x0] =	sbarrier.arrive $0xFFFF  }
0x23e: {  	_ =	strace $0x9000004D  }
0x23f: {  	s0 =	stileid.u32;
	[bflag:$0x2] =	sbarrier.arrive $0xFFFF  }
0x240: {  	p0 =	sne.s32 s0, $0x0;
	s0 =	rddreg [dreg:$0x2]  }
0x241: {  	s0 =	sadd.s32 @!p0 $0x100000, s0  }
0x242: {  	[sflag:s0] =	ssyncadd.tile.s32 @!p0 $0x1;
	_ =	shalt  }
.Lfunc_end2:
_tile_overlayer_lowered:
.L_overlay_start_2:
0x243: {  	(tag) =	ssettag $0x2  }
0x244: {  	s0 =	rddreg [dreg:$0x0];
	s2 =	stileid.u32  }
0x245: {  	s1 =	rddreg [dreg:$0x1];
	p0 =	sne.s32 s2, $0x0  }
0x246: {  	s3 =	rddreg [dreg:$0x2];
	[bflag:$0x3] =	sbarrier.arrive $0xFFFF;
	s2 =	simm.s32 @!p0 $0x1C09  }
0x247: {  	[timem:s3], [sflag:s2] =	dma.local @!p0 [hbm:s0], s1  }
0x248: {  	s0 =	simm.s32 @!p0 $0x9  }
0x249: {  	_ =	swait.ge @!p0 [sflag:s0], s1  }
0x24a: {  	s1 =	ssub.s32 @!p0 $0x0, s1;
	[sflag:s0] =	ssyncset.done @!p0 $0x0  }
0x24b: {  	[sflag:s0] =	ssyncadd.s32 @!p0 s1  }
0x24c: {  	[bflag:$0x3] =	sbarrier.arrive $0xFFFF  }
0x24d: {  	_ =	shalt  }

</sc_bundles>
